<compile_context>
chip_gen: v7x
topology: tpu7x:2x2x1
jax: 0.10.2.dev20260603
libtpu: 0.0.44.dev20260713+nightly
codegen_flags: <defaults>
</compile_context>

<pallas_src>
import functools

import jax
import jax.numpy as jnp
from jax import lax
from jax.experimental import pallas as pl
from jax.experimental.pallas import tpu as pltpu
from jax.experimental.pallas import tpu_sc as plsc

N, P, D, CIN, COUT, K, AH = 4, 4096, 3, 64, 64, 16, 32
GW = 128

BP = 256
BG = 1024
BC = 1024
BD = 1024


_SUB = 64


def _topk_body(pts_ref, ptsT_ref, lvt_ref, f_ref, wg_ref, idx_ref, g_ref):
    g_ref[...] = jnp.dot(f_ref[...], wg_ref[...],
                         preferred_element_type=jnp.float32)
    pr = pts_ref[...]
    pt = ptsT_ref[...]
    rA = 0.25 * jnp.sum(pr * pr, axis=1, keepdims=True)
    rB1 = jnp.sum(pt * pt, axis=0, keepdims=True) + 1.0
    m2 = jnp.dot(pr, pt, preferred_element_type=jnp.float32)
    dist = (m2 + rA) + rB1
    MAXF = jnp.float32(3.0e38)
    for s in range(BP // _SUB):
        dsub = dist[s * _SUB:(s + 1) * _SUB]
        a = jnp.full((_SUB, 128), MAXF)
        b = a
        c = a
        d = a
        for v in range(P // 128):
            dc = jnp.minimum(dsub[:, v * 128:(v + 1) * 128], 124.0)
            bits = lax.bitcast_convert_type(dc, jnp.int32) - 0x3F000000
            kv = lax.bitcast_convert_type(
                ((bits << 5) & ~0xFFF) | lvt_ref[v:v + 1], jnp.float32)
            t1 = jnp.minimum(a, kv)
            h1 = jnp.maximum(a, kv)
            a = t1
            t2 = jnp.minimum(b, h1)
            h2 = jnp.maximum(b, h1)
            b = t2
            t3 = jnp.minimum(c, h2)
            h3 = jnp.maximum(c, h2)
            c = t3
            d = jnp.minimum(d, h3)
        kcols = lax.broadcasted_iota(jnp.int32, (_SUB, K), 1)
        acc = jnp.zeros((_SUB, K), dtype=jnp.int32)
        for t in range(K + 1):
            g = jnp.min(a, axis=1, keepdims=True)
            if t > 0:
                gi = lax.bitcast_convert_type(g, jnp.int32) & 0xFFF
                acc = jnp.where(kcols == (t - 1), gi, acc)
            if t < K:
                e1 = a == g
                a = jnp.where(e1, b, a)
                b = jnp.where(e1, c, b)
                c = jnp.where(e1, d, c)
                d = jnp.where(e1, MAXF, d)
        idx_ref[s * _SUB:(s + 1) * _SUB] = acc


def _run_topk(ptsA, ptsAT, lvt, feat, WgT):
    return pl.pallas_call(
        _topk_body,
        grid=(P // BP,),
        in_specs=[
            pl.BlockSpec((BP, 8), lambda j: (j, 0)),
            pl.BlockSpec((8, P), lambda j: (0, 0)),
            pl.BlockSpec((P // 128, 128), lambda j: (0, 0)),
            pl.BlockSpec((BP, CIN), lambda j: (j, 0)),
            pl.BlockSpec((CIN, GW), lambda j: (0, 0)),
        ],
        out_specs=[
            pl.BlockSpec((BP, K), lambda j: (j, 0)),
            pl.BlockSpec((BP, GW), lambda j: (j, 0)),
        ],
        out_shape=[
            jax.ShapeDtypeStruct((P, K), jnp.int32),
            jax.ShapeDtypeStruct((P, GW), jnp.float32),
        ],
    )(ptsA, ptsAT, lvt, feat, WgT)


_CHUNK = 128


def _sc_gather(table, idx_flat):
    total = idx_flat.shape[0]
    info = plsc.get_sparse_core_info()
    nw = info.num_cores * info.num_subcores
    per_w = total // nw
    n_chunks = per_w // _CHUNK
    mesh = plsc.VectorSubcoreMesh(core_axis_name="c", subcore_axis_name="s")

    @functools.partial(
        pl.kernel, mesh=mesh,
        out_type=jax.ShapeDtypeStruct((total, GW), jnp.float32),
        scratch_types=[
            pltpu.VMEM((_CHUNK,), jnp.int32),
            pltpu.VMEM((_CHUNK, GW), jnp.float32),
            pltpu.SemaphoreType.DMA,
        ],
    )
    def gather_k(table_hbm, idx_hbm, out_hbm, idx_v, rows_v, sem):
        wid = lax.axis_index("s") * info.num_cores + lax.axis_index("c")
        base = wid * per_w

        def body(c, _):
            off = base + c * _CHUNK
            pltpu.sync_copy(idx_hbm.at[pl.ds(off, _CHUNK)], idx_v)
            pltpu.async_copy(table_hbm.at[idx_v], rows_v, sem).wait()
            pltpu.sync_copy(rows_v, out_hbm.at[pl.ds(off, _CHUNK)])
            return 0

        lax.fori_loop(0, n_chunks, body, 0)

    return gather_k(table, idx_flat)


def _edge_body(g_ref, f_ref, wz_ref, bz_ref, wa_ref, w1_ref, b1_ref,
               x_ref, ps_ref):
    j = pl.program_id(1)
    f = f_ref[0]
    z = jnp.dot(f, wz_ref[...],
                preferred_element_type=jnp.float32) + bz_ref[...]
    g = g_ref[0].astype(jnp.float32)
    pre = g + z[:, None, :]
    x0 = jnp.maximum(pre[:, :, :CIN], 0.0)
    a = pre[:, :, CIN:CIN + AH]
    a = jnp.where(a > 0, a, 0.2 * a)
    logit = jnp.sum(a * wa_ref[...][None], axis=2)
    e = jnp.exp(logit)
    x0f = x0.reshape(BC * K, CIN)
    x1 = jnp.maximum(
        jnp.dot(x0f, w1_ref[...], preferred_element_type=jnp.float32)
        + b1_ref[...], 0.0).reshape(BC, K, COUT)
    pooled = jnp.sum(x1 * e[:, :, None], axis=1) \
        * (1.0 / jnp.sum(e, axis=1))[:, None]
    x_ref[0] = pooled
    colsum = jnp.sum(pooled, axis=0, keepdims=True)

    @pl.when(j == 0)
    def _():
        ps_ref[0] = colsum

    @pl.when(j > 0)
    def _():
        ps_ref[0] = ps_ref[0] + colsum


def _run_edge(gath, features, WzT, bz, wa2s, W1T, b1r):
    nb = features.shape[0]
    return pl.pallas_call(
        _edge_body,
        grid=(nb, P // BC),
        in_specs=[
            pl.BlockSpec((1, BC, K, GW), lambda n, j: (n, j, 0, 0)),
            pl.BlockSpec((1, BC, CIN), lambda n, j: (n, j, 0)),
            pl.BlockSpec((CIN, GW), lambda n, j: (0, 0)),
            pl.BlockSpec((1, GW), lambda n, j: (0, 0)),
            pl.BlockSpec((1, AH), lambda n, j: (0, 0)),
            pl.BlockSpec((CIN, COUT), lambda n, j: (0, 0)),
            pl.BlockSpec((1, COUT), lambda n, j: (0, 0)),
        ],
        out_specs=[
            pl.BlockSpec((1, BC, COUT), lambda n, j: (n, j, 0)),
            pl.BlockSpec((1, 1, COUT), lambda n, j: (n, 0, 0)),
        ],
        out_shape=[
            jax.ShapeDtypeStruct((nb, P, COUT), jnp.float32),
            jax.ShapeDtypeStruct((nb, 1, COUT), jnp.float32),
        ],
    )(gath, features, WzT, bz, wa2s, W1T, b1r)


def _final_body(x_ref, ps_ref, f_ref, ws_ref, bs_ref, w1_ref, w2_ref, o_ref):
    s = ps_ref[0] * (1.0 / P)
    h = jnp.maximum(jnp.dot(s, w1_ref[...],
                            preferred_element_type=jnp.float32), 0.0)
    t = jnp.dot(h, w2_ref[...], preferred_element_type=jnp.float32)
    se = 1.0 / (1.0 + jnp.exp(-t))
    sc = jnp.maximum(jnp.dot(f_ref[0], ws_ref[...],
                             preferred_element_type=jnp.float32)
                     + bs_ref[...], 0.0)
    o_ref[0] = x_ref[0] * se + sc


def _run_final(x, psum, features, WsT, bsr, Wse1T, Wse2T):
    nb = features.shape[0]
    return pl.pallas_call(
        _final_body,
        grid=(nb, P // BD),
        in_specs=[
            pl.BlockSpec((1, BD, COUT), lambda n, j: (n, j, 0)),
            pl.BlockSpec((1, 1, COUT), lambda n, j: (n, 0, 0)),
            pl.BlockSpec((1, BD, CIN), lambda n, j: (n, j, 0)),
            pl.BlockSpec((CIN, COUT), lambda n, j: (0, 0)),
            pl.BlockSpec((1, COUT), lambda n, j: (0, 0)),
            pl.BlockSpec((COUT, 16), lambda n, j: (0, 0)),
            pl.BlockSpec((16, COUT), lambda n, j: (0, 0)),
        ],
        out_specs=pl.BlockSpec((1, BD, COUT), lambda n, j: (n, j, 0)),
        out_shape=jax.ShapeDtypeStruct((nb, P, COUT), jnp.float32),
    )(x, psum, features, WsT, bsr, Wse1T, Wse2T)


def kernel(points, features, W0, b0, W1, b1, Wa1, ba1, Wa2, ba2, tau, Ws, bs,
           Wse1, Wse2):
    f32 = jnp.float32
    zpad8 = jnp.zeros((N, P, 8 - D), dtype=f32)
    ptsA = jnp.concatenate([-2.0 * points, zpad8], axis=2)
    ptsAT = jnp.swapaxes(jnp.concatenate([points, zpad8], axis=2), 1, 2)
    lvt = jnp.arange(P, dtype=jnp.int32).reshape(P // 128, 128)

    W0c, W0d = W0[:, :CIN], W0[:, CIN:]
    Wa1c, Wa1d = Wa1[:, :CIN], Wa1[:, CIN:]
    zpad = jnp.zeros((CIN, GW - CIN - AH), dtype=f32)
    WgT = jnp.concatenate([W0d.T, Wa1d.T, zpad], axis=1)
    WzT = jnp.concatenate([(W0c - W0d).T, (Wa1c - Wa1d).T, zpad], axis=1)
    bz = jnp.concatenate(
        [b0, ba1, jnp.zeros((GW - CIN - AH,), dtype=f32)]).reshape(1, GW)
    wa2s = (Wa2[0] / tau).reshape(1, AH)
    W1T = W1.T
    b1r = b1.reshape(1, COUT)
    WsT = Ws.T
    bsr = bs.reshape(1, COUT)
    Wse1T = Wse1.T
    Wse2T = Wse2.T

    outs = []
    for h in range(N):
        idx_h, G_h = _run_topk(ptsA[h], ptsAT[h], lvt, features[h], WgT)
        gh = _sc_gather(G_h, idx_h.reshape(P * K))
        fh = features[h:h + 1]
        x, psum = _run_edge(gh.reshape(1, P, K, GW), fh,
                            WzT, bz, wa2s, W1T, b1r)
        outs.append(_run_final(x, psum, fh, WsT, bsr, Wse1T, Wse2T))
    return jnp.concatenate(outs, axis=0)

# --- scband reference (transcript-rebuilt; emitter-appended) ---
"""Pipeline reference for scband-edge-conv-block-6219112644823 (READ-ONLY COPY).

The authoritative reference and input builder live on the scoring server;
editing this copy changes nothing except your own understanding.
"""

import jax, jax.numpy as jnp
import numpy as np

N, P, D, CIN, COUT, K, H, AH, SE_H = 4, 4096, 3, 64, 64, 16, 1, 32, 16
EDGE_IN = 2 * CIN


def setup_inputs(seed: int = 0) -> dict:
    key = jax.random.key(seed)
    ks = jax.random.split(key, 12)
    s = 0.05
    inp = {}
    inp["points"] = jax.random.normal(ks[0], (N, P, D), dtype=jnp.float32)
    inp["features"] = jax.random.normal(ks[1], (N, P, CIN), dtype=jnp.float32)
    # conv stack (1x1 convs == per-point linear layers), with_bn=False so bias=True
    inp["W0"] = jax.random.normal(ks[2], (COUT, EDGE_IN), dtype=jnp.float32) * s
    inp["b0"] = jnp.zeros((COUT,), dtype=jnp.float32)
    inp["W1"] = jax.random.normal(ks[3], (COUT, COUT), dtype=jnp.float32) * s
    inp["b1"] = jnp.zeros((COUT,), dtype=jnp.float32)
    # attention mlp: edge_in -> attn_hidden -> num_heads
    inp["Wa1"] = jax.random.normal(ks[4], (AH, EDGE_IN), dtype=jnp.float32) * s
    inp["ba1"] = jnp.zeros((AH,), dtype=jnp.float32)
    inp["Wa2"] = jax.random.normal(ks[5], (H, AH), dtype=jnp.float32) * s
    inp["ba2"] = jnp.zeros((H,), dtype=jnp.float32)
    inp["tau"] = jnp.array(1.0, dtype=jnp.float32)
    # shortcut conv1d 1x1
    inp["Ws"] = jax.random.normal(ks[6], (COUT, CIN), dtype=jnp.float32) * s
    inp["bs"] = jnp.zeros((COUT,), dtype=jnp.float32)
    # SE gating (no bias)
    inp["Wse1"] = jax.random.normal(ks[7], (SE_H, COUT), dtype=jnp.float32) * s
    inp["Wse2"] = jax.random.normal(ks[8], (COUT, SE_H), dtype=jnp.float32) * s
    return inp


def reference(points, features, W0, b0, W1, b1, Wa1, ba1, Wa2, ba2, tau, Ws, bs, Wse1, Wse2):
    n, p, cin = features.shape
    # pairwise squared distances
    rA = jnp.sum(points * points, axis=2, keepdims=True)
    m = jnp.einsum('npd,nqd->npq', points, points)
    dist = rA - 2.0 * m + jnp.swapaxes(rA, 1, 2)
    # topk of -dist (K+1 incl. self), drop self
    _, idx = jax.lax.top_k(-dist, K + 1)
    k_idx = idx[:, :, 1:]  # (N,P,K)
    # gather neighbor features
    batch = jnp.arange(n)[:, None, None]
    knn_feat = features[batch, k_idx]  # (N,P,K,Cin)
    center = jnp.broadcast_to(features[:, :, None, :], (n, p, K, cin))
    edge = jnp.concatenate([center, knn_feat - center], axis=-1)  # (N,P,K,2Cin)
    # attention weights (GAT-style)
    a = edge @ Wa1.T + ba1
    a = jnp.where(a > 0, a, 0.2 * a)  # LeakyReLU(0.2)
    w = a @ Wa2.T + ba2  # (N,P,K,H)
    w = jax.nn.softmax(w / tau, axis=2)
    # conv stack (1x1 convs), ReLU activation, no BN
    x = edge
    for W, b in ((W0, b0), (W1, b1)):
        x = jax.nn.relu(x @ W.T + b)
    # attention pooling over K, per head
    hd = COUT // H
    x = x.reshape(n, p, K, H, hd)
    x = jnp.sum(x * w[..., None], axis=2).reshape(n, p, COUT)  # (N,P,Cout)
    # SE gating
    s_ = jnp.mean(x, axis=1)  # (N,Cout)
    s_ = jax.nn.sigmoid(jax.nn.relu(s_ @ Wse1.T) @ Wse2.T)
    x = x * s_[:, None, :]
    # residual shortcut
    sc = jax.nn.relu(features @ Ws.T + bs)
    return x + sc

if __name__ == "__main__":
    import jax
    _d = setup_inputs()
    print(jax.jit(kernel)(*tuple(_d.values())))

</pallas_src>

<mosaic_0001>
#map = affine_map<(d0, d1) -> (0, 0)>
#map1 = affine_map<(d0, d1) -> (0)>
module attributes {stable_mosaic.version = 14 : i64} {
  func.func @gather_k(%arg0: i32, %arg1: i32, %arg2: memref<4096x128xf32, #tpu.memory_space<hbm>>, %arg3: memref<65536xi32, #tpu.memory_space<hbm>>, %arg4: memref<65536x128xf32, #tpu.memory_space<hbm>>, %arg5: memref<128xi32, #tpu.memory_space<vmem>>, %arg6: memref<128x128xf32, #tpu.memory_space<vmem>>, %arg7: memref<!tpu.dma_semaphore, #tpu.memory_space<semaphore_mem>>) attributes {dimension_semantics = [#tpu.dimension_semantics<core_parallel>, #tpu.dimension_semantics<subcore_parallel>], iteration_bounds = array<i64: 2, 16>, scalar_prefetch = 0 : i64, scratch_operands = 3 : i64, tpu.core_type = #tpu.core_type<sc_vector_subcore>, window_params = [{transform_indices = #map}, {transform_indices = #map1}, {transform_indices = #map}]} {
    %mul3A = arith.constant 2 : i32
    %mul3A_0 = arith.muli %arg1, %mul3A : i32
    %add3A = arith.addi %mul3A_0, %arg0 : i32
    %mul3A_1 = arith.constant 2048 : i32
    %mul3A_2 = arith.muli %add3A, %mul3A_1 : i32
    %scan3A = arith.constant 0 : i32
    %scan3A_3 = arith.constant 0 : i32
    %scan3A_4 = arith.constant 16 : i32
    %scan3A_5 = arith.addi %scan3A_3, %scan3A_4 : i32
    %scan3A_6 = arith.constant 1 : i32
    %scan3A_7 = scf.for %scan3A_9 = %scan3A_3 to %scan3A_5 step %scan3A_6 iter_args(%scan3A_10 = %scan3A) -> (i32)  : i32 {
      %mul3A_11 = arith.constant 128 : i32
      %mul3A_12 = arith.muli %scan3A_9, %mul3A_11 : i32
      %add3A_13 = arith.addi %mul3A_2, %mul3A_12 : i32
      "tpu.region"() ({
        %run_scoped3A = tpu.sem_alloc : memref<!tpu.dma_semaphore, #tpu.memory_space<semaphore_mem>>
        %dma_start3A_19 = tpu.memref_slice %arg3[%add3A_13] : memref<65536xi32, #tpu.memory_space<hbm>> -> memref<128xi32, #tpu.memory_space<hbm>>
        %dma_start3A_20 = tpu.memref_slice %arg3[%add3A_13] : memref<65536xi32, #tpu.memory_space<hbm>> -> memref<128xi32, #tpu.memory_space<hbm>>
        tpu.enqueue_dma source(%dma_start3A_20 : memref<128xi32, #tpu.memory_space<hbm>>) target(%arg5 : memref<128xi32, #tpu.memory_space<vmem>>) target_semaphore(%run_scoped3A : memref<!tpu.dma_semaphore, #tpu.memory_space<semaphore_mem>>)
        %dma_wait3A_21 = tpu.memref_slice %arg3[%add3A_13] : memref<65536xi32, #tpu.memory_space<hbm>> -> memref<128xi32, #tpu.memory_space<hbm>>
        %dma_wait3A_22 = tpu.memref_slice %arg3[%add3A_13] : memref<65536xi32, #tpu.memory_space<hbm>> -> memref<128xi32, #tpu.memory_space<hbm>>
        tpu.wait_dma2 semaphore(%run_scoped3A : memref<!tpu.dma_semaphore, #tpu.memory_space<semaphore_mem>>) src(%dma_wait3A_22 : memref<128xi32, #tpu.memory_space<hbm>>) dst(%arg5 : memref<128xi32, #tpu.memory_space<vmem>>)
        tpu.yield
      }) : () -> ()
      %dma_start3A = arith.constant 0 : i32
      %dma_start3A_14 = arith.constant 0 : i32
      %dma_start3A_15 = tpu.memref_slice %arg2[%dma_start3A, %dma_start3A_14] : memref<4096x128xf32, #tpu.memory_space<hbm>> -> memref<4096x128xf32, #tpu.memory_space<hbm>>
      tpu.enqueue_indirect_dma source(%dma_start3A_15 : memref<4096x128xf32, #tpu.memory_space<hbm>>) target(%arg6 : memref<128x128xf32, #tpu.memory_space<vmem>>) offsets(%arg5 : memref<128xi32, #tpu.memory_space<vmem>>) semaphore(%arg7 : memref<!tpu.dma_semaphore, #tpu.memory_space<semaphore_mem>>)
      %dma_wait3A = arith.constant 0 : i32
      %dma_wait3A_16 = arith.constant 0 : i32
      %dma_wait3A_17 = tpu.memref_slice %arg2[%dma_wait3A, %dma_wait3A_16] : memref<4096x128xf32, #tpu.memory_space<hbm>> -> memref<4096x128xf32, #tpu.memory_space<hbm>>
      tpu.wait_indirect_dma semaphore(%arg7 : memref<!tpu.dma_semaphore, #tpu.memory_space<semaphore_mem>>) src(%dma_wait3A_17 : memref<4096x128xf32, #tpu.memory_space<hbm>>) dst(%arg6 : memref<128x128xf32, #tpu.memory_space<vmem>>)
      "tpu.region"() ({
        %run_scoped3A = tpu.sem_alloc : memref<!tpu.dma_semaphore, #tpu.memory_space<semaphore_mem>>
        %dma_start3A_19 = arith.constant 0 : i32
        %dma_start3A_20 = tpu.memref_slice %arg4[%add3A_13, %dma_start3A_19] : memref<65536x128xf32, #tpu.memory_space<hbm>> -> memref<128x128xf32, #tpu.memory_space<hbm>>
        %dma_start3A_21 = arith.constant 0 : i32
        %dma_start3A_22 = tpu.memref_slice %arg4[%add3A_13, %dma_start3A_21] : memref<65536x128xf32, #tpu.memory_space<hbm>> -> memref<128x128xf32, #tpu.memory_space<hbm>>
        tpu.enqueue_dma source(%arg6 : memref<128x128xf32, #tpu.memory_space<vmem>>) target(%dma_start3A_22 : memref<128x128xf32, #tpu.memory_space<hbm>>) target_semaphore(%run_scoped3A : memref<!tpu.dma_semaphore, #tpu.memory_space<semaphore_mem>>)
        %dma_wait3A_23 = arith.constant 0 : i32
        %dma_wait3A_24 = tpu.memref_slice %arg4[%add3A_13, %dma_wait3A_23] : memref<65536x128xf32, #tpu.memory_space<hbm>> -> memref<128x128xf32, #tpu.memory_space<hbm>>
        %dma_wait3A_25 = arith.constant 0 : i32
        %dma_wait3A_26 = tpu.memref_slice %arg4[%add3A_13, %dma_wait3A_25] : memref<65536x128xf32, #tpu.memory_space<hbm>> -> memref<128x128xf32, #tpu.memory_space<hbm>>
        tpu.wait_dma2 semaphore(%run_scoped3A : memref<!tpu.dma_semaphore, #tpu.memory_space<semaphore_mem>>) src(%arg6 : memref<128x128xf32, #tpu.memory_space<vmem>>) dst(%dma_wait3A_26 : memref<128x128xf32, #tpu.memory_space<hbm>>)
        tpu.yield
      }) : () -> ()
      %scan3A_18 = arith.constant 0 : i32
      scf.yield %scan3A_18 : i32
    }
    %scan3A_8 = arith.constant 16 : i32
    return
  }
}

#map = affine_map<(d0, d1) -> (0, 0)>
#map1 = affine_map<(d0, d1) -> (0)>
module attributes {stable_mosaic.version = 14 : i64} {
  func.func @gather_k(%arg0: i32, %arg1: i32, %arg2: memref<4096x128xf32, #tpu.memory_space<hbm>>, %arg3: memref<65536xi32, #tpu.memory_space<hbm>>, %arg4: memref<65536x128xf32, #tpu.memory_space<hbm>>, %arg5: memref<128xi32, #tpu.memory_space<vmem>>, %arg6: memref<128x128xf32, #tpu.memory_space<vmem>>, %arg7: memref<!tpu.dma_semaphore, #tpu.memory_space<semaphore_mem>>) attributes {dimension_semantics = [#tpu.dimension_semantics<core_parallel>, #tpu.dimension_semantics<subcore_parallel>], iteration_bounds = array<i64: 2, 16>, scalar_prefetch = 0 : i64, scratch_operands = 3 : i64, tpu.core_type = #tpu.core_type<sc_vector_subcore>, window_params = [{transform_indices = #map}, {transform_indices = #map1}, {transform_indices = #map}]} {
    %mul3A = arith.constant 2 : i32
    %mul3A_0 = arith.muli %arg1, %mul3A : i32
    %add3A = arith.addi %mul3A_0, %arg0 : i32
    %mul3A_1 = arith.constant 2048 : i32
    %mul3A_2 = arith.muli %add3A, %mul3A_1 : i32
    %scan3A = arith.constant 0 : i32
    %scan3A_3 = arith.constant 0 : i32
    %scan3A_4 = arith.constant 16 : i32
    %scan3A_5 = arith.addi %scan3A_3, %scan3A_4 : i32
    %scan3A_6 = arith.constant 1 : i32
    %scan3A_7 = scf.for %scan3A_9 = %scan3A_3 to %scan3A_5 step %scan3A_6 iter_args(%scan3A_10 = %scan3A) -> (i32)  : i32 {
      %mul3A_11 = arith.constant 128 : i32
      %mul3A_12 = arith.muli %scan3A_9, %mul3A_11 : i32
      %add3A_13 = arith.addi %mul3A_2, %mul3A_12 : i32
      "tpu.region"() ({
        %run_scoped3A = tpu.sem_alloc : memref<!tpu.dma_semaphore, #tpu.memory_space<semaphore_mem>>
        %dma_start3A_19 = tpu.memref_slice %arg3[%add3A_13] : memref<65536xi32, #tpu.memory_space<hbm>> -> memref<128xi32, #tpu.memory_space<hbm>>
        %dma_start3A_20 = tpu.memref_slice %arg3[%add3A_13] : memref<65536xi32, #tpu.memory_space<hbm>> -> memref<128xi32, #tpu.memory_space<hbm>>
        tpu.enqueue_dma source(%dma_start3A_20 : memref<128xi32, #tpu.memory_space<hbm>>) target(%arg5 : memref<128xi32, #tpu.memory_space<vmem>>) target_semaphore(%run_scoped3A : memref<!tpu.dma_semaphore, #tpu.memory_space<semaphore_mem>>)
        %dma_wait3A_21 = tpu.memref_slice %arg3[%add3A_13] : memref<65536xi32, #tpu.memory_space<hbm>> -> memref<128xi32, #tpu.memory_space<hbm>>
        %dma_wait3A_22 = tpu.memref_slice %arg3[%add3A_13] : memref<65536xi32, #tpu.memory_space<hbm>> -> memref<128xi32, #tpu.memory_space<hbm>>
        tpu.wait_dma2 semaphore(%run_scoped3A : memref<!tpu.dma_semaphore, #tpu.memory_space<semaphore_mem>>) src(%dma_wait3A_22 : memref<128xi32, #tpu.memory_space<hbm>>) dst(%arg5 : memref<128xi32, #tpu.memory_space<vmem>>)
        tpu.yield
      }) : () -> ()
      %dma_start3A = arith.constant 0 : i32
      %dma_start3A_14 = arith.constant 0 : i32
      %dma_start3A_15 = tpu.memref_slice %arg2[%dma_start3A, %dma_start3A_14] : memref<4096x128xf32, #tpu.memory_space<hbm>> -> memref<4096x128xf32, #tpu.memory_space<hbm>>
      tpu.enqueue_indirect_dma source(%dma_start3A_15 : memref<4096x128xf32, #tpu.memory_space<hbm>>) target(%arg6 : memref<128x128xf32, #tpu.memory_space<vmem>>) offsets(%arg5 : memref<128xi32, #tpu.memory_space<vmem>>) semaphore(%arg7 : memref<!tpu.dma_semaphore, #tpu.memory_space<semaphore_mem>>)
      %dma_wait3A = arith.constant 0 : i32
      %dma_wait3A_16 = arith.constant 0 : i32
      %dma_wait3A_17 = tpu.memref_slice %arg2[%dma_wait3A, %dma_wait3A_16] : memref<4096x128xf32, #tpu.memory_space<hbm>> -> memref<4096x128xf32, #tpu.memory_space<hbm>>
      tpu.wait_indirect_dma semaphore(%arg7 : memref<!tpu.dma_semaphore, #tpu.memory_space<semaphore_mem>>) src(%dma_wait3A_17 : memref<4096x128xf32, #tpu.memory_space<hbm>>) dst(%arg6 : memref<128x128xf32, #tpu.memory_space<vmem>>)
      "tpu.region"() ({
        %run_scoped3A = tpu.sem_alloc : memref<!tpu.dma_semaphore, #tpu.memory_space<semaphore_mem>>
        %dma_start3A_19 = arith.constant 0 : i32
        %dma_start3A_20 = tpu.memref_slice %arg4[%add3A_13, %dma_start3A_19] : memref<65536x128xf32, #tpu.memory_space<hbm>> -> memref<128x128xf32, #tpu.memory_space<hbm>>
        %dma_start3A_21 = arith.constant 0 : i32
        %dma_start3A_22 = tpu.memref_slice %arg4[%add3A_13, %dma_start3A_21] : memref<65536x128xf32, #tpu.memory_space<hbm>> -> memref<128x128xf32, #tpu.memory_space<hbm>>
        tpu.enqueue_dma source(%arg6 : memref<128x128xf32, #tpu.memory_space<vmem>>) target(%dma_start3A_22 : memref<128x128xf32, #tpu.memory_space<hbm>>) target_semaphore(%run_scoped3A : memref<!tpu.dma_semaphore, #tpu.memory_space<semaphore_mem>>)
        %dma_wait3A_23 = arith.constant 0 : i32
        %dma_wait3A_24 = tpu.memref_slice %arg4[%add3A_13, %dma_wait3A_23] : memref<65536x128xf32, #tpu.memory_space<hbm>> -> memref<128x128xf32, #tpu.memory_space<hbm>>
        %dma_wait3A_25 = arith.constant 0 : i32
        %dma_wait3A_26 = tpu.memref_slice %arg4[%add3A_13, %dma_wait3A_25] : memref<65536x128xf32, #tpu.memory_space<hbm>> -> memref<128x128xf32, #tpu.memory_space<hbm>>
        tpu.wait_dma2 semaphore(%run_scoped3A : memref<!tpu.dma_semaphore, #tpu.memory_space<semaphore_mem>>) src(%arg6 : memref<128x128xf32, #tpu.memory_space<vmem>>) dst(%dma_wait3A_26 : memref<128x128xf32, #tpu.memory_space<hbm>>)
        tpu.yield
      }) : () -> ()
      %scan3A_18 = arith.constant 0 : i32
      scf.yield %scan3A_18 : i32
    }
    %scan3A_8 = arith.constant 16 : i32
    return
  }
}

#map = affine_map<(d0, d1) -> (0, 0)>
#map1 = affine_map<(d0, d1) -> (0)>
module attributes {stable_mosaic.version = 14 : i64} {
  func.func @gather_k(%arg0: i32, %arg1: i32, %arg2: memref<4096x128xf32, #tpu.memory_space<hbm>>, %arg3: memref<65536xi32, #tpu.memory_space<hbm>>, %arg4: memref<65536x128xf32, #tpu.memory_space<hbm>>, %arg5: memref<128xi32, #tpu.memory_space<vmem>>, %arg6: memref<128x128xf32, #tpu.memory_space<vmem>>, %arg7: memref<!tpu.dma_semaphore, #tpu.memory_space<semaphore_mem>>) attributes {dimension_semantics = [#tpu.dimension_semantics<core_parallel>, #tpu.dimension_semantics<subcore_parallel>], iteration_bounds = array<i64: 2, 16>, scalar_prefetch = 0 : i64, scratch_operands = 3 : i64, tpu.core_type = #tpu.core_type<sc_vector_subcore>, window_params = [{transform_indices = #map}, {transform_indices = #map1}, {transform_indices = #map}]} {
    %mul3A = arith.constant 2 : i32
    %mul3A_0 = arith.muli %arg1, %mul3A : i32
    %add3A = arith.addi %mul3A_0, %arg0 : i32
    %mul3A_1 = arith.constant 2048 : i32
    %mul3A_2 = arith.muli %add3A, %mul3A_1 : i32
    %scan3A = arith.constant 0 : i32
    %scan3A_3 = arith.constant 0 : i32
    %scan3A_4 = arith.constant 16 : i32
    %scan3A_5 = arith.addi %scan3A_3, %scan3A_4 : i32
    %scan3A_6 = arith.constant 1 : i32
    %scan3A_7 = scf.for %scan3A_9 = %scan3A_3 to %scan3A_5 step %scan3A_6 iter_args(%scan3A_10 = %scan3A) -> (i32)  : i32 {
      %mul3A_11 = arith.constant 128 : i32
      %mul3A_12 = arith.muli %scan3A_9, %mul3A_11 : i32
      %add3A_13 = arith.addi %mul3A_2, %mul3A_12 : i32
      "tpu.region"() ({
        %run_scoped3A = tpu.sem_alloc : memref<!tpu.dma_semaphore, #tpu.memory_space<semaphore_mem>>
        %dma_start3A_19 = tpu.memref_slice %arg3[%add3A_13] : memref<65536xi32, #tpu.memory_space<hbm>> -> memref<128xi32, #tpu.memory_space<hbm>>
        %dma_start3A_20 = tpu.memref_slice %arg3[%add3A_13] : memref<65536xi32, #tpu.memory_space<hbm>> -> memref<128xi32, #tpu.memory_space<hbm>>
        tpu.enqueue_dma source(%dma_start3A_20 : memref<128xi32, #tpu.memory_space<hbm>>) target(%arg5 : memref<128xi32, #tpu.memory_space<vmem>>) target_semaphore(%run_scoped3A : memref<!tpu.dma_semaphore, #tpu.memory_space<semaphore_mem>>)
        %dma_wait3A_21 = tpu.memref_slice %arg3[%add3A_13] : memref<65536xi32, #tpu.memory_space<hbm>> -> memref<128xi32, #tpu.memory_space<hbm>>
        %dma_wait3A_22 = tpu.memref_slice %arg3[%add3A_13] : memref<65536xi32, #tpu.memory_space<hbm>> -> memref<128xi32, #tpu.memory_space<hbm>>
        tpu.wait_dma2 semaphore(%run_scoped3A : memref<!tpu.dma_semaphore, #tpu.memory_space<semaphore_mem>>) src(%dma_wait3A_22 : memref<128xi32, #tpu.memory_space<hbm>>) dst(%arg5 : memref<128xi32, #tpu.memory_space<vmem>>)
        tpu.yield
      }) : () -> ()
      %dma_start3A = arith.constant 0 : i32
      %dma_start3A_14 = arith.constant 0 : i32
      %dma_start3A_15 = tpu.memref_slice %arg2[%dma_start3A, %dma_start3A_14] : memref<4096x128xf32, #tpu.memory_space<hbm>> -> memref<4096x128xf32, #tpu.memory_space<hbm>>
      tpu.enqueue_indirect_dma source(%dma_start3A_15 : memref<4096x128xf32, #tpu.memory_space<hbm>>) target(%arg6 : memref<128x128xf32, #tpu.memory_space<vmem>>) offsets(%arg5 : memref<128xi32, #tpu.memory_space<vmem>>) semaphore(%arg7 : memref<!tpu.dma_semaphore, #tpu.memory_space<semaphore_mem>>)
      %dma_wait3A = arith.constant 0 : i32
      %dma_wait3A_16 = arith.constant 0 : i32
      %dma_wait3A_17 = tpu.memref_slice %arg2[%dma_wait3A, %dma_wait3A_16] : memref<4096x128xf32, #tpu.memory_space<hbm>> -> memref<4096x128xf32, #tpu.memory_space<hbm>>
      tpu.wait_indirect_dma semaphore(%arg7 : memref<!tpu.dma_semaphore, #tpu.memory_space<semaphore_mem>>) src(%dma_wait3A_17 : memref<4096x128xf32, #tpu.memory_space<hbm>>) dst(%arg6 : memref<128x128xf32, #tpu.memory_space<vmem>>)
      "tpu.region"() ({
        %run_scoped3A = tpu.sem_alloc : memref<!tpu.dma_semaphore, #tpu.memory_space<semaphore_mem>>
        %dma_start3A_19 = arith.constant 0 : i32
        %dma_start3A_20 = tpu.memref_slice %arg4[%add3A_13, %dma_start3A_19] : memref<65536x128xf32, #tpu.memory_space<hbm>> -> memref<128x128xf32, #tpu.memory_space<hbm>>
        %dma_start3A_21 = arith.constant 0 : i32
        %dma_start3A_22 = tpu.memref_slice %arg4[%add3A_13, %dma_start3A_21] : memref<65536x128xf32, #tpu.memory_space<hbm>> -> memref<128x128xf32, #tpu.memory_space<hbm>>
        tpu.enqueue_dma source(%arg6 : memref<128x128xf32, #tpu.memory_space<vmem>>) target(%dma_start3A_22 : memref<128x128xf32, #tpu.memory_space<hbm>>) target_semaphore(%run_scoped3A : memref<!tpu.dma_semaphore, #tpu.memory_space<semaphore_mem>>)
        %dma_wait3A_23 = arith.constant 0 : i32
        %dma_wait3A_24 = tpu.memref_slice %arg4[%add3A_13, %dma_wait3A_23] : memref<65536x128xf32, #tpu.memory_space<hbm>> -> memref<128x128xf32, #tpu.memory_space<hbm>>
        %dma_wait3A_25 = arith.constant 0 : i32
        %dma_wait3A_26 = tpu.memref_slice %arg4[%add3A_13, %dma_wait3A_25] : memref<65536x128xf32, #tpu.memory_space<hbm>> -> memref<128x128xf32, #tpu.memory_space<hbm>>
        tpu.wait_dma2 semaphore(%run_scoped3A : memref<!tpu.dma_semaphore, #tpu.memory_space<semaphore_mem>>) src(%arg6 : memref<128x128xf32, #tpu.memory_space<vmem>>) dst(%dma_wait3A_26 : memref<128x128xf32, #tpu.memory_space<hbm>>)
        tpu.yield
      }) : () -> ()
      %scan3A_18 = arith.constant 0 : i32
      scf.yield %scan3A_18 : i32
    }
    %scan3A_8 = arith.constant 16 : i32
    return
  }
}

#map = affine_map<(d0, d1) -> (0, 0)>
#map1 = affine_map<(d0, d1) -> (0)>
module attributes {stable_mosaic.version = 14 : i64} {
  func.func @gather_k(%arg0: i32, %arg1: i32, %arg2: memref<4096x128xf32, #tpu.memory_space<hbm>>, %arg3: memref<65536xi32, #tpu.memory_space<hbm>>, %arg4: memref<65536x128xf32, #tpu.memory_space<hbm>>, %arg5: memref<128xi32, #tpu.memory_space<vmem>>, %arg6: memref<128x128xf32, #tpu.memory_space<vmem>>, %arg7: memref<!tpu.dma_semaphore, #tpu.memory_space<semaphore_mem>>) attributes {dimension_semantics = [#tpu.dimension_semantics<core_parallel>, #tpu.dimension_semantics<subcore_parallel>], iteration_bounds = array<i64: 2, 16>, scalar_prefetch = 0 : i64, scratch_operands = 3 : i64, tpu.core_type = #tpu.core_type<sc_vector_subcore>, window_params = [{transform_indices = #map}, {transform_indices = #map1}, {transform_indices = #map}]} {
    %mul3A = arith.constant 2 : i32
    %mul3A_0 = arith.muli %arg1, %mul3A : i32
    %add3A = arith.addi %mul3A_0, %arg0 : i32
    %mul3A_1 = arith.constant 2048 : i32
    %mul3A_2 = arith.muli %add3A, %mul3A_1 : i32
    %scan3A = arith.constant 0 : i32
    %scan3A_3 = arith.constant 0 : i32
    %scan3A_4 = arith.constant 16 : i32
    %scan3A_5 = arith.addi %scan3A_3, %scan3A_4 : i32
    %scan3A_6 = arith.constant 1 : i32
    %scan3A_7 = scf.for %scan3A_9 = %scan3A_3 to %scan3A_5 step %scan3A_6 iter_args(%scan3A_10 = %scan3A) -> (i32)  : i32 {
      %mul3A_11 = arith.constant 128 : i32
      %mul3A_12 = arith.muli %scan3A_9, %mul3A_11 : i32
      %add3A_13 = arith.addi %mul3A_2, %mul3A_12 : i32
      "tpu.region"() ({
        %run_scoped3A = tpu.sem_alloc : memref<!tpu.dma_semaphore, #tpu.memory_space<semaphore_mem>>
        %dma_start3A_19 = tpu.memref_slice %arg3[%add3A_13] : memref<65536xi32, #tpu.memory_space<hbm>> -> memref<128xi32, #tpu.memory_space<hbm>>
        %dma_start3A_20 = tpu.memref_slice %arg3[%add3A_13] : memref<65536xi32, #tpu.memory_space<hbm>> -> memref<128xi32, #tpu.memory_space<hbm>>
        tpu.enqueue_dma source(%dma_start3A_20 : memref<128xi32, #tpu.memory_space<hbm>>) target(%arg5 : memref<128xi32, #tpu.memory_space<vmem>>) target_semaphore(%run_scoped3A : memref<!tpu.dma_semaphore, #tpu.memory_space<semaphore_mem>>)
        %dma_wait3A_21 = tpu.memref_slice %arg3[%add3A_13] : memref<65536xi32, #tpu.memory_space<hbm>> -> memref<128xi32, #tpu.memory_space<hbm>>
        %dma_wait3A_22 = tpu.memref_slice %arg3[%add3A_13] : memref<65536xi32, #tpu.memory_space<hbm>> -> memref<128xi32, #tpu.memory_space<hbm>>
        tpu.wait_dma2 semaphore(%run_scoped3A : memref<!tpu.dma_semaphore, #tpu.memory_space<semaphore_mem>>) src(%dma_wait3A_22 : memref<128xi32, #tpu.memory_space<hbm>>) dst(%arg5 : memref<128xi32, #tpu.memory_space<vmem>>)
        tpu.yield
      }) : () -> ()
      %dma_start3A = arith.constant 0 : i32
      %dma_start3A_14 = arith.constant 0 : i32
      %dma_start3A_15 = tpu.memref_slice %arg2[%dma_start3A, %dma_start3A_14] : memref<4096x128xf32, #tpu.memory_space<hbm>> -> memref<4096x128xf32, #tpu.memory_space<hbm>>
      tpu.enqueue_indirect_dma source(%dma_start3A_15 : memref<4096x128xf32, #tpu.memory_space<hbm>>) target(%arg6 : memref<128x128xf32, #tpu.memory_space<vmem>>) offsets(%arg5 : memref<128xi32, #tpu.memory_space<vmem>>) semaphore(%arg7 : memref<!tpu.dma_semaphore, #tpu.memory_space<semaphore_mem>>)
      %dma_wait3A = arith.constant 0 : i32
      %dma_wait3A_16 = arith.constant 0 : i32
      %dma_wait3A_17 = tpu.memref_slice %arg2[%dma_wait3A, %dma_wait3A_16] : memref<4096x128xf32, #tpu.memory_space<hbm>> -> memref<4096x128xf32, #tpu.memory_space<hbm>>
      tpu.wait_indirect_dma semaphore(%arg7 : memref<!tpu.dma_semaphore, #tpu.memory_space<semaphore_mem>>) src(%dma_wait3A_17 : memref<4096x128xf32, #tpu.memory_space<hbm>>) dst(%arg6 : memref<128x128xf32, #tpu.memory_space<vmem>>)
      "tpu.region"() ({
        %run_scoped3A = tpu.sem_alloc : memref<!tpu.dma_semaphore, #tpu.memory_space<semaphore_mem>>
        %dma_start3A_19 = arith.constant 0 : i32
        %dma_start3A_20 = tpu.memref_slice %arg4[%add3A_13, %dma_start3A_19] : memref<65536x128xf32, #tpu.memory_space<hbm>> -> memref<128x128xf32, #tpu.memory_space<hbm>>
        %dma_start3A_21 = arith.constant 0 : i32
        %dma_start3A_22 = tpu.memref_slice %arg4[%add3A_13, %dma_start3A_21] : memref<65536x128xf32, #tpu.memory_space<hbm>> -> memref<128x128xf32, #tpu.memory_space<hbm>>
        tpu.enqueue_dma source(%arg6 : memref<128x128xf32, #tpu.memory_space<vmem>>) target(%dma_start3A_22 : memref<128x128xf32, #tpu.memory_space<hbm>>) target_semaphore(%run_scoped3A : memref<!tpu.dma_semaphore, #tpu.memory_space<semaphore_mem>>)
        %dma_wait3A_23 = arith.constant 0 : i32
        %dma_wait3A_24 = tpu.memref_slice %arg4[%add3A_13, %dma_wait3A_23] : memref<65536x128xf32, #tpu.memory_space<hbm>> -> memref<128x128xf32, #tpu.memory_space<hbm>>
        %dma_wait3A_25 = arith.constant 0 : i32
        %dma_wait3A_26 = tpu.memref_slice %arg4[%add3A_13, %dma_wait3A_25] : memref<65536x128xf32, #tpu.memory_space<hbm>> -> memref<128x128xf32, #tpu.memory_space<hbm>>
        tpu.wait_dma2 semaphore(%run_scoped3A : memref<!tpu.dma_semaphore, #tpu.memory_space<semaphore_mem>>) src(%arg6 : memref<128x128xf32, #tpu.memory_space<vmem>>) dst(%dma_wait3A_26 : memref<128x128xf32, #tpu.memory_space<hbm>>)
        tpu.yield
      }) : () -> ()
      %scan3A_18 = arith.constant 0 : i32
      scf.yield %scan3A_18 : i32
    }
    %scan3A_8 = arith.constant 16 : i32
    return
  }
}

module attributes {stable_mosaic.version = 14 : i64} {
  func.func @_topk_body(%arg0: i32, %arg1: memref<256x8xf32, #tpu.memory_space<vmem>>, %arg2: memref<8x4096xf32, #tpu.memory_space<vmem>>, %arg3: memref<32x128xi32, #tpu.memory_space<vmem>>, %arg4: memref<256x64xf32, #tpu.memory_space<vmem>>, %arg5: memref<64x128xf32, #tpu.memory_space<vmem>>, %arg6: memref<256x16xi32, #tpu.memory_space<vmem>>, %arg7: memref<256x128xf32, #tpu.memory_space<vmem>>) attributes {dimension_semantics = [#tpu.dimension_semantics<arbitrary>], iteration_bounds = array<i64: 16>, scalar_prefetch = 0 : i64, scratch_operands = 0 : i64, tpu.core_type = #tpu.core_type<tc>, window_params = [{transform_indices = @transform_0, window_bounds = array<i64: 256, 8>}, {pipeline_mode = #tpu.pipeline_mode<synchronous>, transform_indices = @transform_1, window_bounds = array<i64: 8, 4096>}, {pipeline_mode = #tpu.pipeline_mode<synchronous>, transform_indices = @transform_2, window_bounds = array<i64: 32, 128>}, {transform_indices = @transform_3, window_bounds = array<i64: 256, 64>}, {pipeline_mode = #tpu.pipeline_mode<synchronous>, transform_indices = @transform_4, window_bounds = array<i64: 64, 128>}, {transform_indices = @transform_5, window_bounds = array<i64: 256, 16>}, {transform_indices = @transform_6, window_bounds = array<i64: 256, 128>}]} {
    %get3A = arith.constant 0 : index
    %get3A_0 = arith.constant 0 : index
    %get3A_1 = vector.load %arg4[%get3A, %get3A_0] : memref<256x64xf32, #tpu.memory_space<vmem>>, vector<256x64xf32>
    %get3A_2 = arith.constant 0 : index
    %get3A_3 = arith.constant 0 : index
    %get3A_4 = vector.load %arg5[%get3A_2, %get3A_3] : memref<64x128xf32, #tpu.memory_space<vmem>>, vector<64x128xf32>
    %dot_general3A = arith.constant dense<0.000000e+00> : vector<256x128xf32>
    %dot_general3A_5 = tpu.matmul %get3A_1, %get3A_4, %dot_general3A {dimension_numbers = #tpu.dot_dimension_numbers<[1], [0], [0], [1], [0, 0, 1, 1], [], []>, transpose_lhs_hint = false} : vector<256x64xf32>, vector<64x128xf32>, vector<256x128xf32> -> vector<256x128xf32>
    %swap3A = arith.constant 0 : index
    %swap3A_6 = arith.constant 0 : index
    %swap3A_7 = vector.load %arg7[%swap3A, %swap3A_6] : memref<256x128xf32, #tpu.memory_space<vmem>>, vector<256x128xf32>
    tpu.vector_store %arg7[%swap3A, %swap3A_6], %dot_general3A_5 {strides = array<i32>} : memref<256x128xf32, #tpu.memory_space<vmem>>, vector<256x128xf32>,
    %get3A_8 = arith.constant 0 : index
    %get3A_9 = arith.constant 0 : index
    %get3A_10 = vector.load %arg1[%get3A_8, %get3A_9] : memref<256x8xf32, #tpu.memory_space<vmem>>, vector<256x8xf32>
    %get3A_11 = arith.constant 0 : index
    %get3A_12 = arith.constant 0 : index
    %get3A_13 = vector.load %arg2[%get3A_11, %get3A_12] : memref<8x4096xf32, #tpu.memory_space<vmem>>, vector<8x4096xf32>
    %mul3A = arith.mulf %get3A_10, %get3A_10 : vector<256x8xf32>
    %reduce_sum3A = arith.constant dense<0.000000e+00> : vector<256xf32>
    %reduce_sum3A_14 = vector.multi_reduction <add>, %mul3A, %reduce_sum3A [1] : vector<256x8xf32> to vector<256xf32>
    %broadcast_in_dim3A = vector.shape_cast %reduce_sum3A_14 : vector<256xf32> to vector<256x1xf32>
    %mul3A_15 = arith.constant 2.500000e-01 : f32
    %mul3A_16 = vector.broadcast %mul3A_15 : f32 to vector<256x1xf32>
    %mul3A_17 = arith.mulf %mul3A_16, %broadcast_in_dim3A : vector<256x1xf32>
    %mul3A_18 = arith.mulf %get3A_13, %get3A_13 : vector<8x4096xf32>
    %reduce_sum3A_19 = arith.constant dense<0.000000e+00> : vector<4096xf32>
    %reduce_sum3A_20 = vector.multi_reduction <add>, %mul3A_18, %reduce_sum3A_19 [0] : vector<8x4096xf32> to vector<4096xf32>
    %broadcast_in_dim3A_21 = vector.shape_cast %reduce_sum3A_20 : vector<4096xf32> to vector<1x4096xf32>
    %add3A = arith.constant 1.000000e+00 : f32
    %add3A_22 = vector.broadcast %add3A : f32 to vector<1x4096xf32>
    %add3A_23 = arith.addf %broadcast_in_dim3A_21, %add3A_22 : vector<1x4096xf32>
    %dot_general3A_24 = arith.constant dense<0.000000e+00> : vector<256x4096xf32>
    %dot_general3A_25 = tpu.matmul %get3A_10, %get3A_13, %dot_general3A_24 {dimension_numbers = #tpu.dot_dimension_numbers<[1], [0], [0], [1], [0, 0, 1, 1], [], []>, transpose_lhs_hint = false} : vector<256x8xf32>, vector<8x4096xf32>, vector<256x4096xf32> -> vector<256x4096xf32>
    %add3A_26 = vector.broadcast %mul3A_17 : vector<256x1xf32> to vector<256x4096xf32>
    %add3A_27 = arith.addf %dot_general3A_25, %add3A_26 : vector<256x4096xf32>
    %add3A_28 = vector.broadcast %add3A_23 : vector<1x4096xf32> to vector<256x4096xf32>
    %add3A_29 = arith.addf %add3A_27, %add3A_28 : vector<256x4096xf32>
    %slice3A = vector.extract_strided_slice %add3A_29 {offsets = [0, 0], sizes = [64, 4096], strides = [1, 1]} : vector<256x4096xf32> to vector<64x4096xf32>
    %broadcast_in_dim3A_30 = arith.constant 3.000000e+38 : f32
    %broadcast_in_dim3A_31 = vector.broadcast %broadcast_in_dim3A_30 : f32 to vector<64x128xf32>
    %slice3A_32 = vector.extract_strided_slice %slice3A {offsets = [0, 0], sizes = [64, 128], strides = [1, 1]} : vector<64x4096xf32> to vector<64x128xf32>
    %min3A = arith.constant 1.240000e+02 : f32
    %min3A_33 = vector.broadcast %min3A : f32 to vector<64x128xf32>
    %min3A_34 = arith.minimumf %slice3A_32, %min3A_33 : vector<64x128xf32>
    %bitcast_convert_type3A = tpu.bitcast %min3A_34 : vector<64x128xf32> -> vector<64x128xi32>
    %sub3A = arith.constant 1056964608 : i32
    %sub3A_35 = vector.broadcast %sub3A : i32 to vector<64x128xi32>
    %sub3A_36 = arith.subi %bitcast_convert_type3A, %sub3A_35 : vector<64x128xi32>
    %shift_left3A = arith.constant 5 : i32
    %shift_left3A_37 = vector.broadcast %shift_left3A : i32 to vector<64x128xi32>
    %shift_left3A_38 = arith.shli %sub3A_36, %shift_left3A_37 : vector<64x128xi32>
    %and3A = arith.constant -4096 : i32
    %and3A_39 = vector.broadcast %and3A : i32 to vector<64x128xi32>
    %and3A_40 = arith.andi %shift_left3A_38, %and3A_39 : vector<64x128xi32>
    %get3A_41 = arith.constant 0 : index
    %get3A_42 = arith.constant 0 : index
    %get3A_43 = vector.load %arg3[%get3A_41, %get3A_42] : memref<32x128xi32, #tpu.memory_space<vmem>>, vector<1x128xi32>
    %or3A = vector.broadcast %get3A_43 : vector<1x128xi32> to vector<64x128xi32>
    %or3A_44 = arith.ori %and3A_40, %or3A : vector<64x128xi32>
    %bitcast_convert_type3A_45 = tpu.bitcast %or3A_44 : vector<64x128xi32> -> vector<64x128xf32>
    %min3A_46 = arith.minimumf %broadcast_in_dim3A_31, %bitcast_convert_type3A_45 : vector<64x128xf32>
    %max3A = arith.maximumf %broadcast_in_dim3A_31, %bitcast_convert_type3A_45 : vector<64x128xf32>
    %min3A_47 = arith.minimumf %broadcast_in_dim3A_31, %max3A : vector<64x128xf32>
    %max3A_48 = arith.maximumf %broadcast_in_dim3A_31, %max3A : vector<64x128xf32>
    %min3A_49 = arith.minimumf %broadcast_in_dim3A_31, %max3A_48 : vector<64x128xf32>
    %max3A_50 = arith.maximumf %broadcast_in_dim3A_31, %max3A_48 : vector<64x128xf32>
    %min3A_51 = arith.minimumf %broadcast_in_dim3A_31, %max3A_50 : vector<64x128xf32>
    %slice3A_52 = vector.extract_strided_slice %slice3A {offsets = [0, 128], sizes = [64, 128], strides = [1, 1]} : vector<64x4096xf32> to vector<64x128xf32>
    %min3A_53 = arith.constant 1.240000e+02 : f32
    %min3A_54 = vector.broadcast %min3A_53 : f32 to vector<64x128xf32>
    %min3A_55 = arith.minimumf %slice3A_52, %min3A_54 : vector<64x128xf32>
    %bitcast_convert_type3A_56 = tpu.bitcast %min3A_55 : vector<64x128xf32> -> vector<64x128xi32>
    %sub3A_57 = arith.constant 1056964608 : i32
    %sub3A_58 = vector.broadcast %sub3A_57 : i32 to vector<64x128xi32>
    %sub3A_59 = arith.subi %bitcast_convert_type3A_56, %sub3A_58 : vector<64x128xi32>
    %shift_left3A_60 = arith.constant 5 : i32
    %shift_left3A_61 = vector.broadcast %shift_left3A_60 : i32 to vector<64x128xi32>
    %shift_left3A_62 = arith.shli %sub3A_59, %shift_left3A_61 : vector<64x128xi32>
    %and3A_63 = arith.constant -4096 : i32
    %and3A_64 = vector.broadcast %and3A_63 : i32 to vector<64x128xi32>
    %and3A_65 = arith.andi %shift_left3A_62, %and3A_64 : vector<64x128xi32>
    %get3A_66 = arith.constant 1 : index
    %get3A_67 = arith.constant 0 : index
    %get3A_68 = vector.load %arg3[%get3A_66, %get3A_67] : memref<32x128xi32, #tpu.memory_space<vmem>>, vector<1x128xi32>
    %or3A_69 = vector.broadcast %get3A_68 : vector<1x128xi32> to vector<64x128xi32>
    %or3A_70 = arith.ori %and3A_65, %or3A_69 : vector<64x128xi32>
    %bitcast_convert_type3A_71 = tpu.bitcast %or3A_70 : vector<64x128xi32> -> vector<64x128xf32>
    %min3A_72 = arith.minimumf %min3A_46, %bitcast_convert_type3A_71 : vector<64x128xf32>
    %max3A_73 = arith.maximumf %min3A_46, %bitcast_convert_type3A_71 : vector<64x128xf32>
    %min3A_74 = arith.minimumf %min3A_47, %max3A_73 : vector<64x128xf32>
    %max3A_75 = arith.maximumf %min3A_47, %max3A_73 : vector<64x128xf32>
    %min3A_76 = arith.minimumf %min3A_49, %max3A_75 : vector<64x128xf32>
    %max3A_77 = arith.maximumf %min3A_49, %max3A_75 : vector<64x128xf32>
    %min3A_78 = arith.minimumf %min3A_51, %max3A_77 : vector<64x128xf32>
    %slice3A_79 = vector.extract_strided_slice %slice3A {offsets = [0, 256], sizes = [64, 128], strides = [1, 1]} : vector<64x4096xf32> to vector<64x128xf32>
    %min3A_80 = arith.constant 1.240000e+02 : f32
    %min3A_81 = vector.broadcast %min3A_80 : f32 to vector<64x128xf32>
    %min3A_82 = arith.minimumf %slice3A_79, %min3A_81 : vector<64x128xf32>
    %bitcast_convert_type3A_83 = tpu.bitcast %min3A_82 : vector<64x128xf32> -> vector<64x128xi32>
    %sub3A_84 = arith.constant 1056964608 : i32
    %sub3A_85 = vector.broadcast %sub3A_84 : i32 to vector<64x128xi32>
    %sub3A_86 = arith.subi %bitcast_convert_type3A_83, %sub3A_85 : vector<64x128xi32>
    %shift_left3A_87 = arith.constant 5 : i32
    %shift_left3A_88 = vector.broadcast %shift_left3A_87 : i32 to vector<64x128xi32>
    %shift_left3A_89 = arith.shli %sub3A_86, %shift_left3A_88 : vector<64x128xi32>
    %and3A_90 = arith.constant -4096 : i32
    %and3A_91 = vector.broadcast %and3A_90 : i32 to vector<64x128xi32>
    %and3A_92 = arith.andi %shift_left3A_89, %and3A_91 : vector<64x128xi32>
    %get3A_93 = arith.constant 2 : index
    %get3A_94 = arith.constant 0 : index
    %get3A_95 = vector.load %arg3[%get3A_93, %get3A_94] : memref<32x128xi32, #tpu.memory_space<vmem>>, vector<1x128xi32>
    %or3A_96 = vector.broadcast %get3A_95 : vector<1x128xi32> to vector<64x128xi32>
    %or3A_97 = arith.ori %and3A_92, %or3A_96 : vector<64x128xi32>
    %bitcast_convert_type3A_98 = tpu.bitcast %or3A_97 : vector<64x128xi32> -> vector<64x128xf32>
    %min3A_99 = arith.minimumf %min3A_72, %bitcast_convert_type3A_98 : vector<64x128xf32>
    %max3A_100 = arith.maximumf %min3A_72, %bitcast_convert_type3A_98 : vector<64x128xf32>
    %min3A_101 = arith.minimumf %min3A_74, %max3A_100 : vector<64x128xf32>
    %max3A_102 = arith.maximumf %min3A_74, %max3A_100 : vector<64x128xf32>
    %min3A_103 = arith.minimumf %min3A_76, %max3A_102 : vector<64x128xf32>
    %max3A_104 = arith.maximumf %min3A_76, %max3A_102 : vector<64x128xf32>
    %min3A_105 = arith.minimumf %min3A_78, %max3A_104 : vector<64x128xf32>
    %slice3A_106 = vector.extract_strided_slice %slice3A {offsets = [0, 384], sizes = [64, 128], strides = [1, 1]} : vector<64x4096xf32> to vector<64x128xf32>
    %min3A_107 = arith.constant 1.240000e+02 : f32
    %min3A_108 = vector.broadcast %min3A_107 : f32 to vector<64x128xf32>
    %min3A_109 = arith.minimumf %slice3A_106, %min3A_108 : vector<64x128xf32>
    %bitcast_convert_type3A_110 = tpu.bitcast %min3A_109 : vector<64x128xf32> -> vector<64x128xi32>
    %sub3A_111 = arith.constant 1056964608 : i32
    %sub3A_112 = vector.broadcast %sub3A_111 : i32 to vector<64x128xi32>
    %sub3A_113 = arith.subi %bitcast_convert_type3A_110, %sub3A_112 : vector<64x128xi32>
    %shift_left3A_114 = arith.constant 5 : i32
    %shift_left3A_115 = vector.broadcast %shift_left3A_114 : i32 to vector<64x128xi32>
    %shift_left3A_116 = arith.shli %sub3A_113, %shift_left3A_115 : vector<64x128xi32>
    %and3A_117 = arith.constant -4096 : i32
    %and3A_118 = vector.broadcast %and3A_117 : i32 to vector<64x128xi32>
    %and3A_119 = arith.andi %shift_left3A_116, %and3A_118 : vector<64x128xi32>
    %get3A_120 = arith.constant 3 : index
    %get3A_121 = arith.constant 0 : index
    %get3A_122 = vector.load %arg3[%get3A_120, %get3A_121] : memref<32x128xi32, #tpu.memory_space<vmem>>, vector<1x128xi32>
    %or3A_123 = vector.broadcast %get3A_122 : vector<1x128xi32> to vector<64x128xi32>
    %or3A_124 = arith.ori %and3A_119, %or3A_123 : vector<64x128xi32>
    %bitcast_convert_type3A_125 = tpu.bitcast %or3A_124 : vector<64x128xi32> -> vector<64x128xf32>
    %min3A_126 = arith.minimumf %min3A_99, %bitcast_convert_type3A_125 : vector<64x128xf32>
    %max3A_127 = arith.maximumf %min3A_99, %bitcast_convert_type3A_125 : vector<64x128xf32>
    %min3A_128 = arith.minimumf %min3A_101, %max3A_127 : vector<64x128xf32>
    %max3A_129 = arith.maximumf %min3A_101, %max3A_127 : vector<64x128xf32>
    %min3A_130 = arith.minimumf %min3A_103, %max3A_129 : vector<64x128xf32>
    %max3A_131 = arith.maximumf %min3A_103, %max3A_129 : vector<64x128xf32>
    %min3A_132 = arith.minimumf %min3A_105, %max3A_131 : vector<64x128xf32>
    %slice3A_133 = vector.extract_strided_slice %slice3A {offsets = [0, 512], sizes = [64, 128], strides = [1, 1]} : vector<64x4096xf32> to vector<64x128xf32>
    %min3A_134 = arith.constant 1.240000e+02 : f32
    %min3A_135 = vector.broadcast %min3A_134 : f32 to vector<64x128xf32>
    %min3A_136 = arith.minimumf %slice3A_133, %min3A_135 : vector<64x128xf32>
    %bitcast_convert_type3A_137 = tpu.bitcast %min3A_136 : vector<64x128xf32> -> vector<64x128xi32>
    %sub3A_138 = arith.constant 1056964608 : i32
    %sub3A_139 = vector.broadcast %sub3A_138 : i32 to vector<64x128xi32>
    %sub3A_140 = arith.subi %bitcast_convert_type3A_137, %sub3A_139 : vector<64x128xi32>
    %shift_left3A_141 = arith.constant 5 : i32
    %shift_left3A_142 = vector.broadcast %shift_left3A_141 : i32 to vector<64x128xi32>
    %shift_left3A_143 = arith.shli %sub3A_140, %shift_left3A_142 : vector<64x128xi32>
    %and3A_144 = arith.constant -4096 : i32
    %and3A_145 = vector.broadcast %and3A_144 : i32 to vector<64x128xi32>
    %and3A_146 = arith.andi %shift_left3A_143, %and3A_145 : vector<64x128xi32>
    %get3A_147 = arith.constant 4 : index
    %get3A_148 = arith.constant 0 : index
    %get3A_149 = vector.load %arg3[%get3A_147, %get3A_148] : memref<32x128xi32, #tpu.memory_space<vmem>>, vector<1x128xi32>
    %or3A_150 = vector.broadcast %get3A_149 : vector<1x128xi32> to vector<64x128xi32>
    %or3A_151 = arith.ori %and3A_146, %or3A_150 : vector<64x128xi32>
    %bitcast_convert_type3A_152 = tpu.bitcast %or3A_151 : vector<64x128xi32> -> vector<64x128xf32>
    %min3A_153 = arith.minimumf %min3A_126, %bitcast_convert_type3A_152 : vector<64x128xf32>
    %max3A_154 = arith.maximumf %min3A_126, %bitcast_convert_type3A_152 : vector<64x128xf32>
    %min3A_155 = arith.minimumf %min3A_128, %max3A_154 : vector<64x128xf32>
    %max3A_156 = arith.maximumf %min3A_128, %max3A_154 : vector<64x128xf32>
    %min3A_157 = arith.minimumf %min3A_130, %max3A_156 : vector<64x128xf32>
    %max3A_158 = arith.maximumf %min3A_130, %max3A_156 : vector<64x128xf32>
    %min3A_159 = arith.minimumf %min3A_132, %max3A_158 : vector<64x128xf32>
    %slice3A_160 = vector.extract_strided_slice %slice3A {offsets = [0, 640], sizes = [64, 128], strides = [1, 1]} : vector<64x4096xf32> to vector<64x128xf32>
    %min3A_161 = arith.constant 1.240000e+02 : f32
    %min3A_162 = vector.broadcast %min3A_161 : f32 to vector<64x128xf32>
    %min3A_163 = arith.minimumf %slice3A_160, %min3A_162 : vector<64x128xf32>
    %bitcast_convert_type3A_164 = tpu.bitcast %min3A_163 : vector<64x128xf32> -> vector<64x128xi32>
    %sub3A_165 = arith.constant 1056964608 : i32
    %sub3A_166 = vector.broadcast %sub3A_165 : i32 to vector<64x128xi32>
    %sub3A_167 = arith.subi %bitcast_convert_type3A_164, %sub3A_166 : vector<64x128xi32>
    %shift_left3A_168 = arith.constant 5 : i32
    %shift_left3A_169 = vector.broadcast %shift_left3A_168 : i32 to vector<64x128xi32>
    %shift_left3A_170 = arith.shli %sub3A_167, %shift_left3A_169 : vector<64x128xi32>
    %and3A_171 = arith.constant -4096 : i32
    %and3A_172 = vector.broadcast %and3A_171 : i32 to vector<64x128xi32>
    %and3A_173 = arith.andi %shift_left3A_170, %and3A_172 : vector<64x128xi32>
    %get3A_174 = arith.constant 5 : index
    %get3A_175 = arith.constant 0 : index
    %get3A_176 = vector.load %arg3[%get3A_174, %get3A_175] : memref<32x128xi32, #tpu.memory_space<vmem>>, vector<1x128xi32>
    %or3A_177 = vector.broadcast %get3A_176 : vector<1x128xi32> to vector<64x128xi32>
    %or3A_178 = arith.ori %and3A_173, %or3A_177 : vector<64x128xi32>
    %bitcast_convert_type3A_179 = tpu.bitcast %or3A_178 : vector<64x128xi32> -> vector<64x128xf32>
    %min3A_180 = arith.minimumf %min3A_153, %bitcast_convert_type3A_179 : vector<64x128xf32>
    %max3A_181 = arith.maximumf %min3A_153, %bitcast_convert_type3A_179 : vector<64x128xf32>
    %min3A_182 = arith.minimumf %min3A_155, %max3A_181 : vector<64x128xf32>
    %max3A_183 = arith.maximumf %min3A_155, %max3A_181 : vector<64x128xf32>
    %min3A_184 = arith.minimumf %min3A_157, %max3A_183 : vector<64x128xf32>
    %max3A_185 = arith.maximumf %min3A_157, %max3A_183 : vector<64x128xf32>
    %min3A_186 = arith.minimumf %min3A_159, %max3A_185 : vector<64x128xf32>
    %slice3A_187 = vector.extract_strided_slice %slice3A {offsets = [0, 768], sizes = [64, 128], strides = [1, 1]} : vector<64x4096xf32> to vector<64x128xf32>
    %min3A_188 = arith.constant 1.240000e+02 : f32
    %min3A_189 = vector.broadcast %min3A_188 : f32 to vector<64x128xf32>
    %min3A_190 = arith.minimumf %slice3A_187, %min3A_189 : vector<64x128xf32>
    %bitcast_convert_type3A_191 = tpu.bitcast %min3A_190 : vector<64x128xf32> -> vector<64x128xi32>
    %sub3A_192 = arith.constant 1056964608 : i32
    %sub3A_193 = vector.broadcast %sub3A_192 : i32 to vector<64x128xi32>
    %sub3A_194 = arith.subi %bitcast_convert_type3A_191, %sub3A_193 : vector<64x128xi32>
    %shift_left3A_195 = arith.constant 5 : i32
    %shift_left3A_196 = vector.broadcast %shift_left3A_195 : i32 to vector<64x128xi32>
    %shift_left3A_197 = arith.shli %sub3A_194, %shift_left3A_196 : vector<64x128xi32>
    %and3A_198 = arith.constant -4096 : i32
    %and3A_199 = vector.broadcast %and3A_198 : i32 to vector<64x128xi32>
    %and3A_200 = arith.andi %shift_left3A_197, %and3A_199 : vector<64x128xi32>
    %get3A_201 = arith.constant 6 : index
    %get3A_202 = arith.constant 0 : index
    %get3A_203 = vector.load %arg3[%get3A_201, %get3A_202] : memref<32x128xi32, #tpu.memory_space<vmem>>, vector<1x128xi32>
    %or3A_204 = vector.broadcast %get3A_203 : vector<1x128xi32> to vector<64x128xi32>
    %or3A_205 = arith.ori %and3A_200, %or3A_204 : vector<64x128xi32>
    %bitcast_convert_type3A_206 = tpu.bitcast %or3A_205 : vector<64x128xi32> -> vector<64x128xf32>
    %min3A_207 = arith.minimumf %min3A_180, %bitcast_convert_type3A_206 : vector<64x128xf32>
    %max3A_208 = arith.maximumf %min3A_180, %bitcast_convert_type3A_206 : vector<64x128xf32>
    %min3A_209 = arith.minimumf %min3A_182, %max3A_208 : vector<64x128xf32>
    %max3A_210 = arith.maximumf %min3A_182, %max3A_208 : vector<64x128xf32>
    %min3A_211 = arith.minimumf %min3A_184, %max3A_210 : vector<64x128xf32>
    %max3A_212 = arith.maximumf %min3A_184, %max3A_210 : vector<64x128xf32>
    %min3A_213 = arith.minimumf %min3A_186, %max3A_212 : vector<64x128xf32>
    %slice3A_214 = vector.extract_strided_slice %slice3A {offsets = [0, 896], sizes = [64, 128], strides = [1, 1]} : vector<64x4096xf32> to vector<64x128xf32>
    %min3A_215 = arith.constant 1.240000e+02 : f32
    %min3A_216 = vector.broadcast %min3A_215 : f32 to vector<64x128xf32>
    %min3A_217 = arith.minimumf %slice3A_214, %min3A_216 : vector<64x128xf32>
    %bitcast_convert_type3A_218 = tpu.bitcast %min3A_217 : vector<64x128xf32> -> vector<64x128xi32>
    %sub3A_219 = arith.constant 1056964608 : i32
    %sub3A_220 = vector.broadcast %sub3A_219 : i32 to vector<64x128xi32>
    %sub3A_221 = arith.subi %bitcast_convert_type3A_218, %sub3A_220 : vector<64x128xi32>
    %shift_left3A_222 = arith.constant 5 : i32
    %shift_left3A_223 = vector.broadcast %shift_left3A_222 : i32 to vector<64x128xi32>
    %shift_left3A_224 = arith.shli %sub3A_221, %shift_left3A_223 : vector<64x128xi32>
    %and3A_225 = arith.constant -4096 : i32
    %and3A_226 = vector.broadcast %and3A_225 : i32 to vector<64x128xi32>
    %and3A_227 = arith.andi %shift_left3A_224, %and3A_226 : vector<64x128xi32>
    %get3A_228 = arith.constant 7 : index
    %get3A_229 = arith.constant 0 : index
    %get3A_230 = vector.load %arg3[%get3A_228, %get3A_229] : memref<32x128xi32, #tpu.memory_space<vmem>>, vector<1x128xi32>
    %or3A_231 = vector.broadcast %get3A_230 : vector<1x128xi32> to vector<64x128xi32>
    %or3A_232 = arith.ori %and3A_227, %or3A_231 : vector<64x128xi32>
    %bitcast_convert_type3A_233 = tpu.bitcast %or3A_232 : vector<64x128xi32> -> vector<64x128xf32>
    %min3A_234 = arith.minimumf %min3A_207, %bitcast_convert_type3A_233 : vector<64x128xf32>
    %max3A_235 = arith.maximumf %min3A_207, %bitcast_convert_type3A_233 : vector<64x128xf32>
    %min3A_236 = arith.minimumf %min3A_209, %max3A_235 : vector<64x128xf32>
    %max3A_237 = arith.maximumf %min3A_209, %max3A_235 : vector<64x128xf32>
    %min3A_238 = arith.minimumf %min3A_211, %max3A_237 : vector<64x128xf32>
    %max3A_239 = arith.maximumf %min3A_211, %max3A_237 : vector<64x128xf32>
    %min3A_240 = arith.minimumf %min3A_213, %max3A_239 : vector<64x128xf32>
    %slice3A_241 = vector.extract_strided_slice %slice3A {offsets = [0, 1024], sizes = [64, 128], strides = [1, 1]} : vector<64x4096xf32> to vector<64x128xf32>
    %min3A_242 = arith.constant 1.240000e+02 : f32
    %min3A_243 = vector.broadcast %min3A_242 : f32 to vector<64x128xf32>
    %min3A_244 = arith.minimumf %slice3A_241, %min3A_243 : vector<64x128xf32>
    %bitcast_convert_type3A_245 = tpu.bitcast %min3A_244 : vector<64x128xf32> -> vector<64x128xi32>
    %sub3A_246 = arith.constant 1056964608 : i32
    %sub3A_247 = vector.broadcast %sub3A_246 : i32 to vector<64x128xi32>
    %sub3A_248 = arith.subi %bitcast_convert_type3A_245, %sub3A_247 : vector<64x128xi32>
    %shift_left3A_249 = arith.constant 5 : i32
    %shift_left3A_250 = vector.broadcast %shift_left3A_249 : i32 to vector<64x128xi32>
    %shift_left3A_251 = arith.shli %sub3A_248, %shift_left3A_250 : vector<64x128xi32>
    %and3A_252 = arith.constant -4096 : i32
    %and3A_253 = vector.broadcast %and3A_252 : i32 to vector<64x128xi32>
    %and3A_254 = arith.andi %shift_left3A_251, %and3A_253 : vector<64x128xi32>
    %get3A_255 = arith.constant 8 : index
    %get3A_256 = arith.constant 0 : index
    %get3A_257 = vector.load %arg3[%get3A_255, %get3A_256] : memref<32x128xi32, #tpu.memory_space<vmem>>, vector<1x128xi32>
    %or3A_258 = vector.broadcast %get3A_257 : vector<1x128xi32> to vector<64x128xi32>
    %or3A_259 = arith.ori %and3A_254, %or3A_258 : vector<64x128xi32>
    %bitcast_convert_type3A_260 = tpu.bitcast %or3A_259 : vector<64x128xi32> -> vector<64x128xf32>
    %min3A_261 = arith.minimumf %min3A_234, %bitcast_convert_type3A_260 : vector<64x128xf32>
    %max3A_262 = arith.maximumf %min3A_234, %bitcast_convert_type3A_260 : vector<64x128xf32>
    %min3A_263 = arith.minimumf %min3A_236, %max3A_262 : vector<64x128xf32>
    %max3A_264 = arith.maximumf %min3A_236, %max3A_262 : vector<64x128xf32>
    %min3A_265 = arith.minimumf %min3A_238, %max3A_264 : vector<64x128xf32>
    %max3A_266 = arith.maximumf %min3A_238, %max3A_264 : vector<64x128xf32>
    %min3A_267 = arith.minimumf %min3A_240, %max3A_266 : vector<64x128xf32>
    %slice3A_268 = vector.extract_strided_slice %slice3A {offsets = [0, 1152], sizes = [64, 128], strides = [1, 1]} : vector<64x4096xf32> to vector<64x128xf32>
    %min3A_269 = arith.constant 1.240000e+02 : f32
    %min3A_270 = vector.broadcast %min3A_269 : f32 to vector<64x128xf32>
    %min3A_271 = arith.minimumf %slice3A_268, %min3A_270 : vector<64x128xf32>
    %bitcast_convert_type3A_272 = tpu.bitcast %min3A_271 : vector<64x128xf32> -> vector<64x128xi32>
    %sub3A_273 = arith.constant 1056964608 : i32
    %sub3A_274 = vector.broadcast %sub3A_273 : i32 to vector<64x128xi32>
    %sub3A_275 = arith.subi %bitcast_convert_type3A_272, %sub3A_274 : vector<64x128xi32>
    %shift_left3A_276 = arith.constant 5 : i32
    %shift_left3A_277 = vector.broadcast %shift_left3A_276 : i32 to vector<64x128xi32>
    %shift_left3A_278 = arith.shli %sub3A_275, %shift_left3A_277 : vector<64x128xi32>
    %and3A_279 = arith.constant -4096 : i32
    %and3A_280 = vector.broadcast %and3A_279 : i32 to vector<64x128xi32>
    %and3A_281 = arith.andi %shift_left3A_278, %and3A_280 : vector<64x128xi32>
    %get3A_282 = arith.constant 9 : index
    %get3A_283 = arith.constant 0 : index
    %get3A_284 = vector.load %arg3[%get3A_282, %get3A_283] : memref<32x128xi32, #tpu.memory_space<vmem>>, vector<1x128xi32>
    %or3A_285 = vector.broadcast %get3A_284 : vector<1x128xi32> to vector<64x128xi32>
    %or3A_286 = arith.ori %and3A_281, %or3A_285 : vector<64x128xi32>
    %bitcast_convert_type3A_287 = tpu.bitcast %or3A_286 : vector<64x128xi32> -> vector<64x128xf32>
    %min3A_288 = arith.minimumf %min3A_261, %bitcast_convert_type3A_287 : vector<64x128xf32>
    %max3A_289 = arith.maximumf %min3A_261, %bitcast_convert_type3A_287 : vector<64x128xf32>
    %min3A_290 = arith.minimumf %min3A_263, %max3A_289 : vector<64x128xf32>
    %max3A_291 = arith.maximumf %min3A_263, %max3A_289 : vector<64x128xf32>
    %min3A_292 = arith.minimumf %min3A_265, %max3A_291 : vector<64x128xf32>
    %max3A_293 = arith.maximumf %min3A_265, %max3A_291 : vector<64x128xf32>
    %min3A_294 = arith.minimumf %min3A_267, %max3A_293 : vector<64x128xf32>
    %slice3A_295 = vector.extract_strided_slice %slice3A {offsets = [0, 1280], sizes = [64, 128], strides = [1, 1]} : vector<64x4096xf32> to vector<64x128xf32>
    %min3A_296 = arith.constant 1.240000e+02 : f32
    %min3A_297 = vector.broadcast %min3A_296 : f32 to vector<64x128xf32>
    %min3A_298 = arith.minimumf %slice3A_295, %min3A_297 : vector<64x128xf32>
    %bitcast_convert_type3A_299 = tpu.bitcast %min3A_298 : vector<64x128xf32> -> vector<64x128xi32>
    %sub3A_300 = arith.constant 1056964608 : i32
    %sub3A_301 = vector.broadcast %sub3A_300 : i32 to vector<64x128xi32>
    %sub3A_302 = arith.subi %bitcast_convert_type3A_299, %sub3A_301 : vector<64x128xi32>
    %shift_left3A_303 = arith.constant 5 : i32
    %shift_left3A_304 = vector.broadcast %shift_left3A_303 : i32 to vector<64x128xi32>
    %shift_left3A_305 = arith.shli %sub3A_302, %shift_left3A_304 : vector<64x128xi32>
    %and3A_306 = arith.constant -4096 : i32
    %and3A_307 = vector.broadcast %and3A_306 : i32 to vector<64x128xi32>
    %and3A_308 = arith.andi %shift_left3A_305, %and3A_307 : vector<64x128xi32>
    %get3A_309 = arith.constant 10 : index
    %get3A_310 = arith.constant 0 : index
    %get3A_311 = vector.load %arg3[%get3A_309, %get3A_310] : memref<32x128xi32, #tpu.memory_space<vmem>>, vector<1x128xi32>
    %or3A_312 = vector.broadcast %get3A_311 : vector<1x128xi32> to vector<64x128xi32>
    %or3A_313 = arith.ori %and3A_308, %or3A_312 : vector<64x128xi32>
    %bitcast_convert_type3A_314 = tpu.bitcast %or3A_313 : vector<64x128xi32> -> vector<64x128xf32>
    %min3A_315 = arith.minimumf %min3A_288, %bitcast_convert_type3A_314 : vector<64x128xf32>
    %max3A_316 = arith.maximumf %min3A_288, %bitcast_convert_type3A_314 : vector<64x128xf32>
    %min3A_317 = arith.minimumf %min3A_290, %max3A_316 : vector<64x128xf32>
    %max3A_318 = arith.maximumf %min3A_290, %max3A_316 : vector<64x128xf32>
    %min3A_319 = arith.minimumf %min3A_292, %max3A_318 : vector<64x128xf32>
    %max3A_320 = arith.maximumf %min3A_292, %max3A_318 : vector<64x128xf32>
    %min3A_321 = arith.minimumf %min3A_294, %max3A_320 : vector<64x128xf32>
    %slice3A_322 = vector.extract_strided_slice %slice3A {offsets = [0, 1408], sizes = [64, 128], strides = [1, 1]} : vector<64x4096xf32> to vector<64x128xf32>
    %min3A_323 = arith.constant 1.240000e+02 : f32
    %min3A_324 = vector.broadcast %min3A_323 : f32 to vector<64x128xf32>
    %min3A_325 = arith.minimumf %slice3A_322, %min3A_324 : vector<64x128xf32>
    %bitcast_convert_type3A_326 = tpu.bitcast %min3A_325 : vector<64x128xf32> -> vector<64x128xi32>
    %sub3A_327 = arith.constant 1056964608 : i32
    %sub3A_328 = vector.broadcast %sub3A_327 : i32 to vector<64x128xi32>
    %sub3A_329 = arith.subi %bitcast_convert_type3A_326, %sub3A_328 : vector<64x128xi32>
    %shift_left3A_330 = arith.constant 5 : i32
    %shift_left3A_331 = vector.broadcast %shift_left3A_330 : i32 to vector<64x128xi32>
    %shift_left3A_332 = arith.shli %sub3A_329, %shift_left3A_331 : vector<64x128xi32>
    %and3A_333 = arith.constant -4096 : i32
    %and3A_334 = vector.broadcast %and3A_333 : i32 to vector<64x128xi32>
    %and3A_335 = arith.andi %shift_left3A_332, %and3A_334 : vector<64x128xi32>
    %get3A_336 = arith.constant 11 : index
    %get3A_337 = arith.constant 0 : index
    %get3A_338 = vector.load %arg3[%get3A_336, %get3A_337] : memref<32x128xi32, #tpu.memory_space<vmem>>, vector<1x128xi32>
    %or3A_339 = vector.broadcast %get3A_338 : vector<1x128xi32> to vector<64x128xi32>
    %or3A_340 = arith.ori %and3A_335, %or3A_339 : vector<64x128xi32>
    %bitcast_convert_type3A_341 = tpu.bitcast %or3A_340 : vector<64x128xi32> -> vector<64x128xf32>
    %min3A_342 = arith.minimumf %min3A_315, %bitcast_convert_type3A_341 : vector<64x128xf32>
    %max3A_343 = arith.maximumf %min3A_315, %bitcast_convert_type3A_341 : vector<64x128xf32>
    %min3A_344 = arith.minimumf %min3A_317, %max3A_343 : vector<64x128xf32>
    %max3A_345 = arith.maximumf %min3A_317, %max3A_343 : vector<64x128xf32>
    %min3A_346 = arith.minimumf %min3A_319, %max3A_345 : vector<64x128xf32>
    %max3A_347 = arith.maximumf %min3A_319, %max3A_345 : vector<64x128xf32>
    %min3A_348 = arith.minimumf %min3A_321, %max3A_347 : vector<64x128xf32>
    %slice3A_349 = vector.extract_strided_slice %slice3A {offsets = [0, 1536], sizes = [64, 128], strides = [1, 1]} : vector<64x4096xf32> to vector<64x128xf32>
    %min3A_350 = arith.constant 1.240000e+02 : f32
    %min3A_351 = vector.broadcast %min3A_350 : f32 to vector<64x128xf32>
    %min3A_352 = arith.minimumf %slice3A_349, %min3A_351 : vector<64x128xf32>
    %bitcast_convert_type3A_353 = tpu.bitcast %min3A_352 : vector<64x128xf32> -> vector<64x128xi32>
    %sub3A_354 = arith.constant 1056964608 : i32
    %sub3A_355 = vector.broadcast %sub3A_354 : i32 to vector<64x128xi32>
    %sub3A_356 = arith.subi %bitcast_convert_type3A_353, %sub3A_355 : vector<64x128xi32>
    %shift_left3A_357 = arith.constant 5 : i32
    %shift_left3A_358 = vector.broadcast %shift_left3A_357 : i32 to vector<64x128xi32>
    %shift_left3A_359 = arith.shli %sub3A_356, %shift_left3A_358 : vector<64x128xi32>
    %and3A_360 = arith.constant -4096 : i32
    %and3A_361 = vector.broadcast %and3A_360 : i32 to vector<64x128xi32>
    %and3A_362 = arith.andi %shift_left3A_359, %and3A_361 : vector<64x128xi32>
    %get3A_363 = arith.constant 12 : index
    %get3A_364 = arith.constant 0 : index
    %get3A_365 = vector.load %arg3[%get3A_363, %get3A_364] : memref<32x128xi32, #tpu.memory_space<vmem>>, vector<1x128xi32>
    %or3A_366 = vector.broadcast %get3A_365 : vector<1x128xi32> to vector<64x128xi32>
    %or3A_367 = arith.ori %and3A_362, %or3A_366 : vector<64x128xi32>
    %bitcast_convert_type3A_368 = tpu.bitcast %or3A_367 : vector<64x128xi32> -> vector<64x128xf32>
    %min3A_369 = arith.minimumf %min3A_342, %bitcast_convert_type3A_368 : vector<64x128xf32>
    %max3A_370 = arith.maximumf %min3A_342, %bitcast_convert_type3A_368 : vector<64x128xf32>
    %min3A_371 = arith.minimumf %min3A_344, %max3A_370 : vector<64x128xf32>
    %max3A_372 = arith.maximumf %min3A_344, %max3A_370 : vector<64x128xf32>
    %min3A_373 = arith.minimumf %min3A_346, %max3A_372 : vector<64x128xf32>
    %max3A_374 = arith.maximumf %min3A_346, %max3A_372 : vector<64x128xf32>
    %min3A_375 = arith.minimumf %min3A_348, %max3A_374 : vector<64x128xf32>
    %slice3A_376 = vector.extract_strided_slice %slice3A {offsets = [0, 1664], sizes = [64, 128], strides = [1, 1]} : vector<64x4096xf32> to vector<64x128xf32>
    %min3A_377 = arith.constant 1.240000e+02 : f32
    %min3A_378 = vector.broadcast %min3A_377 : f32 to vector<64x128xf32>
    %min3A_379 = arith.minimumf %slice3A_376, %min3A_378 : vector<64x128xf32>
    %bitcast_convert_type3A_380 = tpu.bitcast %min3A_379 : vector<64x128xf32> -> vector<64x128xi32>
    %sub3A_381 = arith.constant 1056964608 : i32
    %sub3A_382 = vector.broadcast %sub3A_381 : i32 to vector<64x128xi32>
    %sub3A_383 = arith.subi %bitcast_convert_type3A_380, %sub3A_382 : vector<64x128xi32>
    %shift_left3A_384 = arith.constant 5 : i32
    %shift_left3A_385 = vector.broadcast %shift_left3A_384 : i32 to vector<64x128xi32>
    %shift_left3A_386 = arith.shli %sub3A_383, %shift_left3A_385 : vector<64x128xi32>
    %and3A_387 = arith.constant -4096 : i32
    %and3A_388 = vector.broadcast %and3A_387 : i32 to vector<64x128xi32>
    %and3A_389 = arith.andi %shift_left3A_386, %and3A_388 : vector<64x128xi32>
    %get3A_390 = arith.constant 13 : index
    %get3A_391 = arith.constant 0 : index
    %get3A_392 = vector.load %arg3[%get3A_390, %get3A_391] : memref<32x128xi32, #tpu.memory_space<vmem>>, vector<1x128xi32>
    %or3A_393 = vector.broadcast %get3A_392 : vector<1x128xi32> to vector<64x128xi32>
    %or3A_394 = arith.ori %and3A_389, %or3A_393 : vector<64x128xi32>
    %bitcast_convert_type3A_395 = tpu.bitcast %or3A_394 : vector<64x128xi32> -> vector<64x128xf32>
    %min3A_396 = arith.minimumf %min3A_369, %bitcast_convert_type3A_395 : vector<64x128xf32>
    %max3A_397 = arith.maximumf %min3A_369, %bitcast_convert_type3A_395 : vector<64x128xf32>
    %min3A_398 = arith.minimumf %min3A_371, %max3A_397 : vector<64x128xf32>
    %max3A_399 = arith.maximumf %min3A_371, %max3A_397 : vector<64x128xf32>
    %min3A_400 = arith.minimumf %min3A_373, %max3A_399 : vector<64x128xf32>
    %max3A_401 = arith.maximumf %min3A_373, %max3A_399 : vector<64x128xf32>
    %min3A_402 = arith.minimumf %min3A_375, %max3A_401 : vector<64x128xf32>
    %slice3A_403 = vector.extract_strided_slice %slice3A {offsets = [0, 1792], sizes = [64, 128], strides = [1, 1]} : vector<64x4096xf32> to vector<64x128xf32>
    %min3A_404 = arith.constant 1.240000e+02 : f32
    %min3A_405 = vector.broadcast %min3A_404 : f32 to vector<64x128xf32>
    %min3A_406 = arith.minimumf %slice3A_403, %min3A_405 : vector<64x128xf32>
    %bitcast_convert_type3A_407 = tpu.bitcast %min3A_406 : vector<64x128xf32> -> vector<64x128xi32>
    %sub3A_408 = arith.constant 1056964608 : i32
    %sub3A_409 = vector.broadcast %sub3A_408 : i32 to vector<64x128xi32>
    %sub3A_410 = arith.subi %bitcast_convert_type3A_407, %sub3A_409 : vector<64x128xi32>
    %shift_left3A_411 = arith.constant 5 : i32
    %shift_left3A_412 = vector.broadcast %shift_left3A_411 : i32 to vector<64x128xi32>
    %shift_left3A_413 = arith.shli %sub3A_410, %shift_left3A_412 : vector<64x128xi32>
    %and3A_414 = arith.constant -4096 : i32
    %and3A_415 = vector.broadcast %and3A_414 : i32 to vector<64x128xi32>
    %and3A_416 = arith.andi %shift_left3A_413, %and3A_415 : vector<64x128xi32>
    %get3A_417 = arith.constant 14 : index
    %get3A_418 = arith.constant 0 : index
    %get3A_419 = vector.load %arg3[%get3A_417, %get3A_418] : memref<32x128xi32, #tpu.memory_space<vmem>>, vector<1x128xi32>
    %or3A_420 = vector.broadcast %get3A_419 : vector<1x128xi32> to vector<64x128xi32>
    %or3A_421 = arith.ori %and3A_416, %or3A_420 : vector<64x128xi32>
    %bitcast_convert_type3A_422 = tpu.bitcast %or3A_421 : vector<64x128xi32> -> vector<64x128xf32>
    %min3A_423 = arith.minimumf %min3A_396, %bitcast_convert_type3A_422 : vector<64x128xf32>
    %max3A_424 = arith.maximumf %min3A_396, %bitcast_convert_type3A_422 : vector<64x128xf32>
    %min3A_425 = arith.minimumf %min3A_398, %max3A_424 : vector<64x128xf32>
    %max3A_426 = arith.maximumf %min3A_398, %max3A_424 : vector<64x128xf32>
    %min3A_427 = arith.minimumf %min3A_400, %max3A_426 : vector<64x128xf32>
    %max3A_428 = arith.maximumf %min3A_400, %max3A_426 : vector<64x128xf32>
    %min3A_429 = arith.minimumf %min3A_402, %max3A_428 : vector<64x128xf32>
    %slice3A_430 = vector.extract_strided_slice %slice3A {offsets = [0, 1920], sizes = [64, 128], strides = [1, 1]} : vector<64x4096xf32> to vector<64x128xf32>
    %min3A_431 = arith.constant 1.240000e+02 : f32
    %min3A_432 = vector.broadcast %min3A_431 : f32 to vector<64x128xf32>
    %min3A_433 = arith.minimumf %slice3A_430, %min3A_432 : vector<64x128xf32>
    %bitcast_convert_type3A_434 = tpu.bitcast %min3A_433 : vector<64x128xf32> -> vector<64x128xi32>
    %sub3A_435 = arith.constant 1056964608 : i32
    %sub3A_436 = vector.broadcast %sub3A_435 : i32 to vector<64x128xi32>
    %sub3A_437 = arith.subi %bitcast_convert_type3A_434, %sub3A_436 : vector<64x128xi32>
    %shift_left3A_438 = arith.constant 5 : i32
    %shift_left3A_439 = vector.broadcast %shift_left3A_438 : i32 to vector<64x128xi32>
    %shift_left3A_440 = arith.shli %sub3A_437, %shift_left3A_439 : vector<64x128xi32>
    %and3A_441 = arith.constant -4096 : i32
    %and3A_442 = vector.broadcast %and3A_441 : i32 to vector<64x128xi32>
    %and3A_443 = arith.andi %shift_left3A_440, %and3A_442 : vector<64x128xi32>
    %get3A_444 = arith.constant 15 : index
    %get3A_445 = arith.constant 0 : index
    %get3A_446 = vector.load %arg3[%get3A_444, %get3A_445] : memref<32x128xi32, #tpu.memory_space<vmem>>, vector<1x128xi32>
    %or3A_447 = vector.broadcast %get3A_446 : vector<1x128xi32> to vector<64x128xi32>
    %or3A_448 = arith.ori %and3A_443, %or3A_447 : vector<64x128xi32>
    %bitcast_convert_type3A_449 = tpu.bitcast %or3A_448 : vector<64x128xi32> -> vector<64x128xf32>
    %min3A_450 = arith.minimumf %min3A_423, %bitcast_convert_type3A_449 : vector<64x128xf32>
    %max3A_451 = arith.maximumf %min3A_423, %bitcast_convert_type3A_449 : vector<64x128xf32>
    %min3A_452 = arith.minimumf %min3A_425, %max3A_451 : vector<64x128xf32>
    %max3A_453 = arith.maximumf %min3A_425, %max3A_451 : vector<64x128xf32>
    %min3A_454 = arith.minimumf %min3A_427, %max3A_453 : vector<64x128xf32>
    %max3A_455 = arith.maximumf %min3A_427, %max3A_453 : vector<64x128xf32>
    %min3A_456 = arith.minimumf %min3A_429, %max3A_455 : vector<64x128xf32>
    %slice3A_457 = vector.extract_strided_slice %slice3A {offsets = [0, 2048], sizes = [64, 128], strides = [1, 1]} : vector<64x4096xf32> to vector<64x128xf32>
    %min3A_458 = arith.constant 1.240000e+02 : f32
    %min3A_459 = vector.broadcast %min3A_458 : f32 to vector<64x128xf32>
    %min3A_460 = arith.minimumf %slice3A_457, %min3A_459 : vector<64x128xf32>
    %bitcast_convert_type3A_461 = tpu.bitcast %min3A_460 : vector<64x128xf32> -> vector<64x128xi32>
    %sub3A_462 = arith.constant 1056964608 : i32
    %sub3A_463 = vector.broadcast %sub3A_462 : i32 to vector<64x128xi32>
    %sub3A_464 = arith.subi %bitcast_convert_type3A_461, %sub3A_463 : vector<64x128xi32>
    %shift_left3A_465 = arith.constant 5 : i32
    %shift_left3A_466 = vector.broadcast %shift_left3A_465 : i32 to vector<64x128xi32>
    %shift_left3A_467 = arith.shli %sub3A_464, %shift_left3A_466 : vector<64x128xi32>
    %and3A_468 = arith.constant -4096 : i32
    %and3A_469 = vector.broadcast %and3A_468 : i32 to vector<64x128xi32>
    %and3A_470 = arith.andi %shift_left3A_467, %and3A_469 : vector<64x128xi32>
    %get3A_471 = arith.constant 16 : index
    %get3A_472 = arith.constant 0 : index
    %get3A_473 = vector.load %arg3[%get3A_471, %get3A_472] : memref<32x128xi32, #tpu.memory_space<vmem>>, vector<1x128xi32>
    %or3A_474 = vector.broadcast %get3A_473 : vector<1x128xi32> to vector<64x128xi32>
    %or3A_475 = arith.ori %and3A_470, %or3A_474 : vector<64x128xi32>
    %bitcast_convert_type3A_476 = tpu.bitcast %or3A_475 : vector<64x128xi32> -> vector<64x128xf32>
    %min3A_477 = arith.minimumf %min3A_450, %bitcast_convert_type3A_476 : vector<64x128xf32>
    %max3A_478 = arith.maximumf %min3A_450, %bitcast_convert_type3A_476 : vector<64x128xf32>
    %min3A_479 = arith.minimumf %min3A_452, %max3A_478 : vector<64x128xf32>
    %max3A_480 = arith.maximumf %min3A_452, %max3A_478 : vector<64x128xf32>
    %min3A_481 = arith.minimumf %min3A_454, %max3A_480 : vector<64x128xf32>
    %max3A_482 = arith.maximumf %min3A_454, %max3A_480 : vector<64x128xf32>
    %min3A_483 = arith.minimumf %min3A_456, %max3A_482 : vector<64x128xf32>
    %slice3A_484 = vector.extract_strided_slice %slice3A {offsets = [0, 2176], sizes = [64, 128], strides = [1, 1]} : vector<64x4096xf32> to vector<64x128xf32>
    %min3A_485 = arith.constant 1.240000e+02 : f32
    %min3A_486 = vector.broadcast %min3A_485 : f32 to vector<64x128xf32>
    %min3A_487 = arith.minimumf %slice3A_484, %min3A_486 : vector<64x128xf32>
    %bitcast_convert_type3A_488 = tpu.bitcast %min3A_487 : vector<64x128xf32> -> vector<64x128xi32>
    %sub3A_489 = arith.constant 1056964608 : i32
    %sub3A_490 = vector.broadcast %sub3A_489 : i32 to vector<64x128xi32>
    %sub3A_491 = arith.subi %bitcast_convert_type3A_488, %sub3A_490 : vector<64x128xi32>
    %shift_left3A_492 = arith.constant 5 : i32
    %shift_left3A_493 = vector.broadcast %shift_left3A_492 : i32 to vector<64x128xi32>
    %shift_left3A_494 = arith.shli %sub3A_491, %shift_left3A_493 : vector<64x128xi32>
    %and3A_495 = arith.constant -4096 : i32
    %and3A_496 = vector.broadcast %and3A_495 : i32 to vector<64x128xi32>
    %and3A_497 = arith.andi %shift_left3A_494, %and3A_496 : vector<64x128xi32>
    %get3A_498 = arith.constant 17 : index
    %get3A_499 = arith.constant 0 : index
    %get3A_500 = vector.load %arg3[%get3A_498, %get3A_499] : memref<32x128xi32, #tpu.memory_space<vmem>>, vector<1x128xi32>
    %or3A_501 = vector.broadcast %get3A_500 : vector<1x128xi32> to vector<64x128xi32>
    %or3A_502 = arith.ori %and3A_497, %or3A_501 : vector<64x128xi32>
    %bitcast_convert_type3A_503 = tpu.bitcast %or3A_502 : vector<64x128xi32> -> vector<64x128xf32>
    %min3A_504 = arith.minimumf %min3A_477, %bitcast_convert_type3A_503 : vector<64x128xf32>
    %max3A_505 = arith.maximumf %min3A_477, %bitcast_convert_type3A_503 : vector<64x128xf32>
    %min3A_506 = arith.minimumf %min3A_479, %max3A_505 : vector<64x128xf32>
    %max3A_507 = arith.maximumf %min3A_479, %max3A_505 : vector<64x128xf32>
    %min3A_508 = arith.minimumf %min3A_481, %max3A_507 : vector<64x128xf32>
    %max3A_509 = arith.maximumf %min3A_481, %max3A_507 : vector<64x128xf32>
    %min3A_510 = arith.minimumf %min3A_483, %max3A_509 : vector<64x128xf32>
    %slice3A_511 = vector.extract_strided_slice %slice3A {offsets = [0, 2304], sizes = [64, 128], strides = [1, 1]} : vector<64x4096xf32> to vector<64x128xf32>
    %min3A_512 = arith.constant 1.240000e+02 : f32
    %min3A_513 = vector.broadcast %min3A_512 : f32 to vector<64x128xf32>
    %min3A_514 = arith.minimumf %slice3A_511, %min3A_513 : vector<64x128xf32>
    %bitcast_convert_type3A_515 = tpu.bitcast %min3A_514 : vector<64x128xf32> -> vector<64x128xi32>
    %sub3A_516 = arith.constant 1056964608 : i32
    %sub3A_517 = vector.broadcast %sub3A_516 : i32 to vector<64x128xi32>
    %sub3A_518 = arith.subi %bitcast_convert_type3A_515, %sub3A_517 : vector<64x128xi32>
    %shift_left3A_519 = arith.constant 5 : i32
    %shift_left3A_520 = vector.broadcast %shift_left3A_519 : i32 to vector<64x128xi32>
    %shift_left3A_521 = arith.shli %sub3A_518, %shift_left3A_520 : vector<64x128xi32>
    %and3A_522 = arith.constant -4096 : i32
    %and3A_523 = vector.broadcast %and3A_522 : i32 to vector<64x128xi32>
    %and3A_524 = arith.andi %shift_left3A_521, %and3A_523 : vector<64x128xi32>
    %get3A_525 = arith.constant 18 : index
    %get3A_526 = arith.constant 0 : index
    %get3A_527 = vector.load %arg3[%get3A_525, %get3A_526] : memref<32x128xi32, #tpu.memory_space<vmem>>, vector<1x128xi32>
    %or3A_528 = vector.broadcast %get3A_527 : vector<1x128xi32> to vector<64x128xi32>
    %or3A_529 = arith.ori %and3A_524, %or3A_528 : vector<64x128xi32>
    %bitcast_convert_type3A_530 = tpu.bitcast %or3A_529 : vector<64x128xi32> -> vector<64x128xf32>
    %min3A_531 = arith.minimumf %min3A_504, %bitcast_convert_type3A_530 : vector<64x128xf32>
    %max3A_532 = arith.maximumf %min3A_504, %bitcast_convert_type3A_530 : vector<64x128xf32>
    %min3A_533 = arith.minimumf %min3A_506, %max3A_532 : vector<64x128xf32>
    %max3A_534 = arith.maximumf %min3A_506, %max3A_532 : vector<64x128xf32>
    %min3A_535 = arith.minimumf %min3A_508, %max3A_534 : vector<64x128xf32>
    %max3A_536 = arith.maximumf %min3A_508, %max3A_534 : vector<64x128xf32>
    %min3A_537 = arith.minimumf %min3A_510, %max3A_536 : vector<64x128xf32>
    %slice3A_538 = vector.extract_strided_slice %slice3A {offsets = [0, 2432], sizes = [64, 128], strides = [1, 1]} : vector<64x4096xf32> to vector<64x128xf32>
    %min3A_539 = arith.constant 1.240000e+02 : f32
    %min3A_540 = vector.broadcast %min3A_539 : f32 to vector<64x128xf32>
    %min3A_541 = arith.minimumf %slice3A_538, %min3A_540 : vector<64x128xf32>
    %bitcast_convert_type3A_542 = tpu.bitcast %min3A_541 : vector<64x128xf32> -> vector<64x128xi32>
    %sub3A_543 = arith.constant 1056964608 : i32
    %sub3A_544 = vector.broadcast %sub3A_543 : i32 to vector<64x128xi32>
    %sub3A_545 = arith.subi %bitcast_convert_type3A_542, %sub3A_544 : vector<64x128xi32>
    %shift_left3A_546 = arith.constant 5 : i32
    %shift_left3A_547 = vector.broadcast %shift_left3A_546 : i32 to vector<64x128xi32>
    %shift_left3A_548 = arith.shli %sub3A_545, %shift_left3A_547 : vector<64x128xi32>
    %and3A_549 = arith.constant -4096 : i32
    %and3A_550 = vector.broadcast %and3A_549 : i32 to vector<64x128xi32>
    %and3A_551 = arith.andi %shift_left3A_548, %and3A_550 : vector<64x128xi32>
    %get3A_552 = arith.constant 19 : index
    %get3A_553 = arith.constant 0 : index
    %get3A_554 = vector.load %arg3[%get3A_552, %get3A_553] : memref<32x128xi32, #tpu.memory_space<vmem>>, vector<1x128xi32>
    %or3A_555 = vector.broadcast %get3A_554 : vector<1x128xi32> to vector<64x128xi32>
    %or3A_556 = arith.ori %and3A_551, %or3A_555 : vector<64x128xi32>
    %bitcast_convert_type3A_557 = tpu.bitcast %or3A_556 : vector<64x128xi32> -> vector<64x128xf32>
    %min3A_558 = arith.minimumf %min3A_531, %bitcast_convert_type3A_557 : vector<64x128xf32>
    %max3A_559 = arith.maximumf %min3A_531, %bitcast_convert_type3A_557 : vector<64x128xf32>
    %min3A_560 = arith.minimumf %min3A_533, %max3A_559 : vector<64x128xf32>
    %max3A_561 = arith.maximumf %min3A_533, %max3A_559 : vector<64x128xf32>
    %min3A_562 = arith.minimumf %min3A_535, %max3A_561 : vector<64x128xf32>
    %max3A_563 = arith.maximumf %min3A_535, %max3A_561 : vector<64x128xf32>
    %min3A_564 = arith.minimumf %min3A_537, %max3A_563 : vector<64x128xf32>
    %slice3A_565 = vector.extract_strided_slice %slice3A {offsets = [0, 2560], sizes = [64, 128], strides = [1, 1]} : vector<64x4096xf32> to vector<64x128xf32>
    %min3A_566 = arith.constant 1.240000e+02 : f32
    %min3A_567 = vector.broadcast %min3A_566 : f32 to vector<64x128xf32>
    %min3A_568 = arith.minimumf %slice3A_565, %min3A_567 : vector<64x128xf32>
    %bitcast_convert_type3A_569 = tpu.bitcast %min3A_568 : vector<64x128xf32> -> vector<64x128xi32>
    %sub3A_570 = arith.constant 1056964608 : i32
    %sub3A_571 = vector.broadcast %sub3A_570 : i32 to vector<64x128xi32>
    %sub3A_572 = arith.subi %bitcast_convert_type3A_569, %sub3A_571 : vector<64x128xi32>
    %shift_left3A_573 = arith.constant 5 : i32
    %shift_left3A_574 = vector.broadcast %shift_left3A_573 : i32 to vector<64x128xi32>
    %shift_left3A_575 = arith.shli %sub3A_572, %shift_left3A_574 : vector<64x128xi32>
    %and3A_576 = arith.constant -4096 : i32
    %and3A_577 = vector.broadcast %and3A_576 : i32 to vector<64x128xi32>
    %and3A_578 = arith.andi %shift_left3A_575, %and3A_577 : vector<64x128xi32>
    %get3A_579 = arith.constant 20 : index
    %get3A_580 = arith.constant 0 : index
    %get3A_581 = vector.load %arg3[%get3A_579, %get3A_580] : memref<32x128xi32, #tpu.memory_space<vmem>>, vector<1x128xi32>
    %or3A_582 = vector.broadcast %get3A_581 : vector<1x128xi32> to vector<64x128xi32>
    %or3A_583 = arith.ori %and3A_578, %or3A_582 : vector<64x128xi32>
    %bitcast_convert_type3A_584 = tpu.bitcast %or3A_583 : vector<64x128xi32> -> vector<64x128xf32>
    %min3A_585 = arith.minimumf %min3A_558, %bitcast_convert_type3A_584 : vector<64x128xf32>
    %max3A_586 = arith.maximumf %min3A_558, %bitcast_convert_type3A_584 : vector<64x128xf32>
    %min3A_587 = arith.minimumf %min3A_560, %max3A_586 : vector<64x128xf32>
    %max3A_588 = arith.maximumf %min3A_560, %max3A_586 : vector<64x128xf32>
    %min3A_589 = arith.minimumf %min3A_562, %max3A_588 : vector<64x128xf32>
    %max3A_590 = arith.maximumf %min3A_562, %max3A_588 : vector<64x128xf32>
    %min3A_591 = arith.minimumf %min3A_564, %max3A_590 : vector<64x128xf32>
    %slice3A_592 = vector.extract_strided_slice %slice3A {offsets = [0, 2688], sizes = [64, 128], strides = [1, 1]} : vector<64x4096xf32> to vector<64x128xf32>
    %min3A_593 = arith.constant 1.240000e+02 : f32
    %min3A_594 = vector.broadcast %min3A_593 : f32 to vector<64x128xf32>
    %min3A_595 = arith.minimumf %slice3A_592, %min3A_594 : vector<64x128xf32>
    %bitcast_convert_type3A_596 = tpu.bitcast %min3A_595 : vector<64x128xf32> -> vector<64x128xi32>
    %sub3A_597 = arith.constant 1056964608 : i32
    %sub3A_598 = vector.broadcast %sub3A_597 : i32 to vector<64x128xi32>
    %sub3A_599 = arith.subi %bitcast_convert_type3A_596, %sub3A_598 : vector<64x128xi32>
    %shift_left3A_600 = arith.constant 5 : i32
    %shift_left3A_601 = vector.broadcast %shift_left3A_600 : i32 to vector<64x128xi32>
    %shift_left3A_602 = arith.shli %sub3A_599, %shift_left3A_601 : vector<64x128xi32>
    %and3A_603 = arith.constant -4096 : i32
    %and3A_604 = vector.broadcast %and3A_603 : i32 to vector<64x128xi32>
    %and3A_605 = arith.andi %shift_left3A_602, %and3A_604 : vector<64x128xi32>
    %get3A_606 = arith.constant 21 : index
    %get3A_607 = arith.constant 0 : index
    %get3A_608 = vector.load %arg3[%get3A_606, %get3A_607] : memref<32x128xi32, #tpu.memory_space<vmem>>, vector<1x128xi32>
    %or3A_609 = vector.broadcast %get3A_608 : vector<1x128xi32> to vector<64x128xi32>
    %or3A_610 = arith.ori %and3A_605, %or3A_609 : vector<64x128xi32>
    %bitcast_convert_type3A_611 = tpu.bitcast %or3A_610 : vector<64x128xi32> -> vector<64x128xf32>
    %min3A_612 = arith.minimumf %min3A_585, %bitcast_convert_type3A_611 : vector<64x128xf32>
    %max3A_613 = arith.maximumf %min3A_585, %bitcast_convert_type3A_611 : vector<64x128xf32>
    %min3A_614 = arith.minimumf %min3A_587, %max3A_613 : vector<64x128xf32>
    %max3A_615 = arith.maximumf %min3A_587, %max3A_613 : vector<64x128xf32>
    %min3A_616 = arith.minimumf %min3A_589, %max3A_615 : vector<64x128xf32>
    %max3A_617 = arith.maximumf %min3A_589, %max3A_615 : vector<64x128xf32>
    %min3A_618 = arith.minimumf %min3A_591, %max3A_617 : vector<64x128xf32>
    %slice3A_619 = vector.extract_strided_slice %slice3A {offsets = [0, 2816], sizes = [64, 128], strides = [1, 1]} : vector<64x4096xf32> to vector<64x128xf32>
    %min3A_620 = arith.constant 1.240000e+02 : f32
    %min3A_621 = vector.broadcast %min3A_620 : f32 to vector<64x128xf32>
    %min3A_622 = arith.minimumf %slice3A_619, %min3A_621 : vector<64x128xf32>
    %bitcast_convert_type3A_623 = tpu.bitcast %min3A_622 : vector<64x128xf32> -> vector<64x128xi32>
    %sub3A_624 = arith.constant 1056964608 : i32
    %sub3A_625 = vector.broadcast %sub3A_624 : i32 to vector<64x128xi32>
    %sub3A_626 = arith.subi %bitcast_convert_type3A_623, %sub3A_625 : vector<64x128xi32>
    %shift_left3A_627 = arith.constant 5 : i32
    %shift_left3A_628 = vector.broadcast %shift_left3A_627 : i32 to vector<64x128xi32>
    %shift_left3A_629 = arith.shli %sub3A_626, %shift_left3A_628 : vector<64x128xi32>
    %and3A_630 = arith.constant -4096 : i32
    %and3A_631 = vector.broadcast %and3A_630 : i32 to vector<64x128xi32>
    %and3A_632 = arith.andi %shift_left3A_629, %and3A_631 : vector<64x128xi32>
    %get3A_633 = arith.constant 22 : index
    %get3A_634 = arith.constant 0 : index
    %get3A_635 = vector.load %arg3[%get3A_633, %get3A_634] : memref<32x128xi32, #tpu.memory_space<vmem>>, vector<1x128xi32>
    %or3A_636 = vector.broadcast %get3A_635 : vector<1x128xi32> to vector<64x128xi32>
    %or3A_637 = arith.ori %and3A_632, %or3A_636 : vector<64x128xi32>
    %bitcast_convert_type3A_638 = tpu.bitcast %or3A_637 : vector<64x128xi32> -> vector<64x128xf32>
    %min3A_639 = arith.minimumf %min3A_612, %bitcast_convert_type3A_638 : vector<64x128xf32>
    %max3A_640 = arith.maximumf %min3A_612, %bitcast_convert_type3A_638 : vector<64x128xf32>
    %min3A_641 = arith.minimumf %min3A_614, %max3A_640 : vector<64x128xf32>
    %max3A_642 = arith.maximumf %min3A_614, %max3A_640 : vector<64x128xf32>
    %min3A_643 = arith.minimumf %min3A_616, %max3A_642 : vector<64x128xf32>
    %max3A_644 = arith.maximumf %min3A_616, %max3A_642 : vector<64x128xf32>
    %min3A_645 = arith.minimumf %min3A_618, %max3A_644 : vector<64x128xf32>
    %slice3A_646 = vector.extract_strided_slice %slice3A {offsets = [0, 2944], sizes = [64, 128], strides = [1, 1]} : vector<64x4096xf32> to vector<64x128xf32>
    %min3A_647 = arith.constant 1.240000e+02 : f32
    %min3A_648 = vector.broadcast %min3A_647 : f32 to vector<64x128xf32>
    %min3A_649 = arith.minimumf %slice3A_646, %min3A_648 : vector<64x128xf32>
    %bitcast_convert_type3A_650 = tpu.bitcast %min3A_649 : vector<64x128xf32> -> vector<64x128xi32>
    %sub3A_651 = arith.constant 1056964608 : i32
    %sub3A_652 = vector.broadcast %sub3A_651 : i32 to vector<64x128xi32>
    %sub3A_653 = arith.subi %bitcast_convert_type3A_650, %sub3A_652 : vector<64x128xi32>
    %shift_left3A_654 = arith.constant 5 : i32
    %shift_left3A_655 = vector.broadcast %shift_left3A_654 : i32 to vector<64x128xi32>
    %shift_left3A_656 = arith.shli %sub3A_653, %shift_left3A_655 : vector<64x128xi32>
    %and3A_657 = arith.constant -4096 : i32
    %and3A_658 = vector.broadcast %and3A_657 : i32 to vector<64x128xi32>
    %and3A_659 = arith.andi %shift_left3A_656, %and3A_658 : vector<64x128xi32>
    %get3A_660 = arith.constant 23 : index
    %get3A_661 = arith.constant 0 : index
    %get3A_662 = vector.load %arg3[%get3A_660, %get3A_661] : memref<32x128xi32, #tpu.memory_space<vmem>>, vector<1x128xi32>
    %or3A_663 = vector.broadcast %get3A_662 : vector<1x128xi32> to vector<64x128xi32>
    %or3A_664 = arith.ori %and3A_659, %or3A_663 : vector<64x128xi32>
    %bitcast_convert_type3A_665 = tpu.bitcast %or3A_664 : vector<64x128xi32> -> vector<64x128xf32>
    %min3A_666 = arith.minimumf %min3A_639, %bitcast_convert_type3A_665 : vector<64x128xf32>
    %max3A_667 = arith.maximumf %min3A_639, %bitcast_convert_type3A_665 : vector<64x128xf32>
    %min3A_668 = arith.minimumf %min3A_641, %max3A_667 : vector<64x128xf32>
    %max3A_669 = arith.maximumf %min3A_641, %max3A_667 : vector<64x128xf32>
    %min3A_670 = arith.minimumf %min3A_643, %max3A_669 : vector<64x128xf32>
    %max3A_671 = arith.maximumf %min3A_643, %max3A_669 : vector<64x128xf32>
    %min3A_672 = arith.minimumf %min3A_645, %max3A_671 : vector<64x128xf32>
    %slice3A_673 = vector.extract_strided_slice %slice3A {offsets = [0, 3072], sizes = [64, 128], strides = [1, 1]} : vector<64x4096xf32> to vector<64x128xf32>
    %min3A_674 = arith.constant 1.240000e+02 : f32
    %min3A_675 = vector.broadcast %min3A_674 : f32 to vector<64x128xf32>
    %min3A_676 = arith.minimumf %slice3A_673, %min3A_675 : vector<64x128xf32>
    %bitcast_convert_type3A_677 = tpu.bitcast %min3A_676 : vector<64x128xf32> -> vector<64x128xi32>
    %sub3A_678 = arith.constant 1056964608 : i32
    %sub3A_679 = vector.broadcast %sub3A_678 : i32 to vector<64x128xi32>
    %sub3A_680 = arith.subi %bitcast_convert_type3A_677, %sub3A_679 : vector<64x128xi32>
    %shift_left3A_681 = arith.constant 5 : i32
    %shift_left3A_682 = vector.broadcast %shift_left3A_681 : i32 to vector<64x128xi32>
    %shift_left3A_683 = arith.shli %sub3A_680, %shift_left3A_682 : vector<64x128xi32>
    %and3A_684 = arith.constant -4096 : i32
    %and3A_685 = vector.broadcast %and3A_684 : i32 to vector<64x128xi32>
    %and3A_686 = arith.andi %shift_left3A_683, %and3A_685 : vector<64x128xi32>
    %get3A_687 = arith.constant 24 : index
    %get3A_688 = arith.constant 0 : index
    %get3A_689 = vector.load %arg3[%get3A_687, %get3A_688] : memref<32x128xi32, #tpu.memory_space<vmem>>, vector<1x128xi32>
    %or3A_690 = vector.broadcast %get3A_689 : vector<1x128xi32> to vector<64x128xi32>
    %or3A_691 = arith.ori %and3A_686, %or3A_690 : vector<64x128xi32>
    %bitcast_convert_type3A_692 = tpu.bitcast %or3A_691 : vector<64x128xi32> -> vector<64x128xf32>
    %min3A_693 = arith.minimumf %min3A_666, %bitcast_convert_type3A_692 : vector<64x128xf32>
    %max3A_694 = arith.maximumf %min3A_666, %bitcast_convert_type3A_692 : vector<64x128xf32>
    %min3A_695 = arith.minimumf %min3A_668, %max3A_694 : vector<64x128xf32>
    %max3A_696 = arith.maximumf %min3A_668, %max3A_694 : vector<64x128xf32>
    %min3A_697 = arith.minimumf %min3A_670, %max3A_696 : vector<64x128xf32>
    %max3A_698 = arith.maximumf %min3A_670, %max3A_696 : vector<64x128xf32>
    %min3A_699 = arith.minimumf %min3A_672, %max3A_698 : vector<64x128xf32>
    %slice3A_700 = vector.extract_strided_slice %slice3A {offsets = [0, 3200], sizes = [64, 128], strides = [1, 1]} : vector<64x4096xf32> to vector<64x128xf32>
    %min3A_701 = arith.constant 1.240000e+02 : f32
    %min3A_702 = vector.broadcast %min3A_701 : f32 to vector<64x128xf32>
    %min3A_703 = arith.minimumf %slice3A_700, %min3A_702 : vector<64x128xf32>
    %bitcast_convert_type3A_704 = tpu.bitcast %min3A_703 : vector<64x128xf32> -> vector<64x128xi32>
    %sub3A_705 = arith.constant 1056964608 : i32
    %sub3A_706 = vector.broadcast %sub3A_705 : i32 to vector<64x128xi32>
    %sub3A_707 = arith.subi %bitcast_convert_type3A_704, %sub3A_706 : vector<64x128xi32>
    %shift_left3A_708 = arith.constant 5 : i32
    %shift_left3A_709 = vector.broadcast %shift_left3A_708 : i32 to vector<64x128xi32>
    %shift_left3A_710 = arith.shli %sub3A_707, %shift_left3A_709 : vector<64x128xi32>
    %and3A_711 = arith.constant -4096 : i32
    %and3A_712 = vector.broadcast %and3A_711 : i32 to vector<64x128xi32>
    %and3A_713 = arith.andi %shift_left3A_710, %and3A_712 : vector<64x128xi32>
    %get3A_714 = arith.constant 25 : index
    %get3A_715 = arith.constant 0 : index
    %get3A_716 = vector.load %arg3[%get3A_714, %get3A_715] : memref<32x128xi32, #tpu.memory_space<vmem>>, vector<1x128xi32>
    %or3A_717 = vector.broadcast %get3A_716 : vector<1x128xi32> to vector<64x128xi32>
    %or3A_718 = arith.ori %and3A_713, %or3A_717 : vector<64x128xi32>
    %bitcast_convert_type3A_719 = tpu.bitcast %or3A_718 : vector<64x128xi32> -> vector<64x128xf32>
    %min3A_720 = arith.minimumf %min3A_693, %bitcast_convert_type3A_719 : vector<64x128xf32>
    %max3A_721 = arith.maximumf %min3A_693, %bitcast_convert_type3A_719 : vector<64x128xf32>
    %min3A_722 = arith.minimumf %min3A_695, %max3A_721 : vector<64x128xf32>
    %max3A_723 = arith.maximumf %min3A_695, %max3A_721 : vector<64x128xf32>
    %min3A_724 = arith.minimumf %min3A_697, %max3A_723 : vector<64x128xf32>
    %max3A_725 = arith.maximumf %min3A_697, %max3A_723 : vector<64x128xf32>
    %min3A_726 = arith.minimumf %min3A_699, %max3A_725 : vector<64x128xf32>
    %slice3A_727 = vector.extract_strided_slice %slice3A {offsets = [0, 3328], sizes = [64, 128], strides = [1, 1]} : vector<64x4096xf32> to vector<64x128xf32>
    %min3A_728 = arith.constant 1.240000e+02 : f32
    %min3A_729 = vector.broadcast %min3A_728 : f32 to vector<64x128xf32>
    %min3A_730 = arith.minimumf %slice3A_727, %min3A_729 : vector<64x128xf32>
    %bitcast_convert_type3A_731 = tpu.bitcast %min3A_730 : vector<64x128xf32> -> vector<64x128xi32>
    %sub3A_732 = arith.constant 1056964608 : i32
    %sub3A_733 = vector.broadcast %sub3A_732 : i32 to vector<64x128xi32>
    %sub3A_734 = arith.subi %bitcast_convert_type3A_731, %sub3A_733 : vector<64x128xi32>
    %shift_left3A_735 = arith.constant 5 : i32
    %shift_left3A_736 = vector.broadcast %shift_left3A_735 : i32 to vector<64x128xi32>
    %shift_left3A_737 = arith.shli %sub3A_734, %shift_left3A_736 : vector<64x128xi32>
    %and3A_738 = arith.constant -4096 : i32
    %and3A_739 = vector.broadcast %and3A_738 : i32 to vector<64x128xi32>
    %and3A_740 = arith.andi %shift_left3A_737, %and3A_739 : vector<64x128xi32>
    %get3A_741 = arith.constant 26 : index
    %get3A_742 = arith.constant 0 : index
    %get3A_743 = vector.load %arg3[%get3A_741, %get3A_742] : memref<32x128xi32, #tpu.memory_space<vmem>>, vector<1x128xi32>
    %or3A_744 = vector.broadcast %get3A_743 : vector<1x128xi32> to vector<64x128xi32>
    %or3A_745 = arith.ori %and3A_740, %or3A_744 : vector<64x128xi32>
    %bitcast_convert_type3A_746 = tpu.bitcast %or3A_745 : vector<64x128xi32> -> vector<64x128xf32>
    %min3A_747 = arith.minimumf %min3A_720, %bitcast_convert_type3A_746 : vector<64x128xf32>
    %max3A_748 = arith.maximumf %min3A_720, %bitcast_convert_type3A_746 : vector<64x128xf32>
    %min3A_749 = arith.minimumf %min3A_722, %max3A_748 : vector<64x128xf32>
    %max3A_750 = arith.maximumf %min3A_722, %max3A_748 : vector<64x128xf32>
    %min3A_751 = arith.minimumf %min3A_724, %max3A_750 : vector<64x128xf32>
    %max3A_752 = arith.maximumf %min3A_724, %max3A_750 : vector<64x128xf32>
    %min3A_753 = arith.minimumf %min3A_726, %max3A_752 : vector<64x128xf32>
    %slice3A_754 = vector.extract_strided_slice %slice3A {offsets = [0, 3456], sizes = [64, 128], strides = [1, 1]} : vector<64x4096xf32> to vector<64x128xf32>
    %min3A_755 = arith.constant 1.240000e+02 : f32
    %min3A_756 = vector.broadcast %min3A_755 : f32 to vector<64x128xf32>
    %min3A_757 = arith.minimumf %slice3A_754, %min3A_756 : vector<64x128xf32>
    %bitcast_convert_type3A_758 = tpu.bitcast %min3A_757 : vector<64x128xf32> -> vector<64x128xi32>
    %sub3A_759 = arith.constant 1056964608 : i32
    %sub3A_760 = vector.broadcast %sub3A_759 : i32 to vector<64x128xi32>
    %sub3A_761 = arith.subi %bitcast_convert_type3A_758, %sub3A_760 : vector<64x128xi32>
    %shift_left3A_762 = arith.constant 5 : i32
    %shift_left3A_763 = vector.broadcast %shift_left3A_762 : i32 to vector<64x128xi32>
    %shift_left3A_764 = arith.shli %sub3A_761, %shift_left3A_763 : vector<64x128xi32>
    %and3A_765 = arith.constant -4096 : i32
    %and3A_766 = vector.broadcast %and3A_765 : i32 to vector<64x128xi32>
    %and3A_767 = arith.andi %shift_left3A_764, %and3A_766 : vector<64x128xi32>
    %get3A_768 = arith.constant 27 : index
    %get3A_769 = arith.constant 0 : index
    %get3A_770 = vector.load %arg3[%get3A_768, %get3A_769] : memref<32x128xi32, #tpu.memory_space<vmem>>, vector<1x128xi32>
    %or3A_771 = vector.broadcast %get3A_770 : vector<1x128xi32> to vector<64x128xi32>
    %or3A_772 = arith.ori %and3A_767, %or3A_771 : vector<64x128xi32>
    %bitcast_convert_type3A_773 = tpu.bitcast %or3A_772 : vector<64x128xi32> -> vector<64x128xf32>
    %min3A_774 = arith.minimumf %min3A_747, %bitcast_convert_type3A_773 : vector<64x128xf32>
    %max3A_775 = arith.maximumf %min3A_747, %bitcast_convert_type3A_773 : vector<64x128xf32>
    %min3A_776 = arith.minimumf %min3A_749, %max3A_775 : vector<64x128xf32>
    %max3A_777 = arith.maximumf %min3A_749, %max3A_775 : vector<64x128xf32>
    %min3A_778 = arith.minimumf %min3A_751, %max3A_777 : vector<64x128xf32>
    %max3A_779 = arith.maximumf %min3A_751, %max3A_777 : vector<64x128xf32>
    %min3A_780 = arith.minimumf %min3A_753, %max3A_779 : vector<64x128xf32>
    %slice3A_781 = vector.extract_strided_slice %slice3A {offsets = [0, 3584], sizes = [64, 128], strides = [1, 1]} : vector<64x4096xf32> to vector<64x128xf32>
    %min3A_782 = arith.constant 1.240000e+02 : f32
    %min3A_783 = vector.broadcast %min3A_782 : f32 to vector<64x128xf32>
    %min3A_784 = arith.minimumf %slice3A_781, %min3A_783 : vector<64x128xf32>
    %bitcast_convert_type3A_785 = tpu.bitcast %min3A_784 : vector<64x128xf32> -> vector<64x128xi32>
    %sub3A_786 = arith.constant 1056964608 : i32
    %sub3A_787 = vector.broadcast %sub3A_786 : i32 to vector<64x128xi32>
    %sub3A_788 = arith.subi %bitcast_convert_type3A_785, %sub3A_787 : vector<64x128xi32>
    %shift_left3A_789 = arith.constant 5 : i32
    %shift_left3A_790 = vector.broadcast %shift_left3A_789 : i32 to vector<64x128xi32>
    %shift_left3A_791 = arith.shli %sub3A_788, %shift_left3A_790 : vector<64x128xi32>
    %and3A_792 = arith.constant -4096 : i32
    %and3A_793 = vector.broadcast %and3A_792 : i32 to vector<64x128xi32>
    %and3A_794 = arith.andi %shift_left3A_791, %and3A_793 : vector<64x128xi32>
    %get3A_795 = arith.constant 28 : index
    %get3A_796 = arith.constant 0 : index
    %get3A_797 = vector.load %arg3[%get3A_795, %get3A_796] : memref<32x128xi32, #tpu.memory_space<vmem>>, vector<1x128xi32>
    %or3A_798 = vector.broadcast %get3A_797 : vector<1x128xi32> to vector<64x128xi32>
    %or3A_799 = arith.ori %and3A_794, %or3A_798 : vector<64x128xi32>
    %bitcast_convert_type3A_800 = tpu.bitcast %or3A_799 : vector<64x128xi32> -> vector<64x128xf32>
    %min3A_801 = arith.minimumf %min3A_774, %bitcast_convert_type3A_800 : vector<64x128xf32>
    %max3A_802 = arith.maximumf %min3A_774, %bitcast_convert_type3A_800 : vector<64x128xf32>
    %min3A_803 = arith.minimumf %min3A_776, %max3A_802 : vector<64x128xf32>
    %max3A_804 = arith.maximumf %min3A_776, %max3A_802 : vector<64x128xf32>
    %min3A_805 = arith.minimumf %min3A_778, %max3A_804 : vector<64x128xf32>
    %max3A_806 = arith.maximumf %min3A_778, %max3A_804 : vector<64x128xf32>
    %min3A_807 = arith.minimumf %min3A_780, %max3A_806 : vector<64x128xf32>
    %slice3A_808 = vector.extract_strided_slice %slice3A {offsets = [0, 3712], sizes = [64, 128], strides = [1, 1]} : vector<64x4096xf32> to vector<64x128xf32>
    %min3A_809 = arith.constant 1.240000e+02 : f32
    %min3A_810 = vector.broadcast %min3A_809 : f32 to vector<64x128xf32>
    %min3A_811 = arith.minimumf %slice3A_808, %min3A_810 : vector<64x128xf32>
    %bitcast_convert_type3A_812 = tpu.bitcast %min3A_811 : vector<64x128xf32> -> vector<64x128xi32>
    %sub3A_813 = arith.constant 1056964608 : i32
    %sub3A_814 = vector.broadcast %sub3A_813 : i32 to vector<64x128xi32>
    %sub3A_815 = arith.subi %bitcast_convert_type3A_812, %sub3A_814 : vector<64x128xi32>
    %shift_left3A_816 = arith.constant 5 : i32
    %shift_left3A_817 = vector.broadcast %shift_left3A_816 : i32 to vector<64x128xi32>
    %shift_left3A_818 = arith.shli %sub3A_815, %shift_left3A_817 : vector<64x128xi32>
    %and3A_819 = arith.constant -4096 : i32
    %and3A_820 = vector.broadcast %and3A_819 : i32 to vector<64x128xi32>
    %and3A_821 = arith.andi %shift_left3A_818, %and3A_820 : vector<64x128xi32>
    %get3A_822 = arith.constant 29 : index
    %get3A_823 = arith.constant 0 : index
    %get3A_824 = vector.load %arg3[%get3A_822, %get3A_823] : memref<32x128xi32, #tpu.memory_space<vmem>>, vector<1x128xi32>
    %or3A_825 = vector.broadcast %get3A_824 : vector<1x128xi32> to vector<64x128xi32>
    %or3A_826 = arith.ori %and3A_821, %or3A_825 : vector<64x128xi32>
    %bitcast_convert_type3A_827 = tpu.bitcast %or3A_826 : vector<64x128xi32> -> vector<64x128xf32>
    %min3A_828 = arith.minimumf %min3A_801, %bitcast_convert_type3A_827 : vector<64x128xf32>
    %max3A_829 = arith.maximumf %min3A_801, %bitcast_convert_type3A_827 : vector<64x128xf32>
    %min3A_830 = arith.minimumf %min3A_803, %max3A_829 : vector<64x128xf32>
    %max3A_831 = arith.maximumf %min3A_803, %max3A_829 : vector<64x128xf32>
    %min3A_832 = arith.minimumf %min3A_805, %max3A_831 : vector<64x128xf32>
    %max3A_833 = arith.maximumf %min3A_805, %max3A_831 : vector<64x128xf32>
    %min3A_834 = arith.minimumf %min3A_807, %max3A_833 : vector<64x128xf32>
    %slice3A_835 = vector.extract_strided_slice %slice3A {offsets = [0, 3840], sizes = [64, 128], strides = [1, 1]} : vector<64x4096xf32> to vector<64x128xf32>
    %min3A_836 = arith.constant 1.240000e+02 : f32
    %min3A_837 = vector.broadcast %min3A_836 : f32 to vector<64x128xf32>
    %min3A_838 = arith.minimumf %slice3A_835, %min3A_837 : vector<64x128xf32>
    %bitcast_convert_type3A_839 = tpu.bitcast %min3A_838 : vector<64x128xf32> -> vector<64x128xi32>
    %sub3A_840 = arith.constant 1056964608 : i32
    %sub3A_841 = vector.broadcast %sub3A_840 : i32 to vector<64x128xi32>
    %sub3A_842 = arith.subi %bitcast_convert_type3A_839, %sub3A_841 : vector<64x128xi32>
    %shift_left3A_843 = arith.constant 5 : i32
    %shift_left3A_844 = vector.broadcast %shift_left3A_843 : i32 to vector<64x128xi32>
    %shift_left3A_845 = arith.shli %sub3A_842, %shift_left3A_844 : vector<64x128xi32>
    %and3A_846 = arith.constant -4096 : i32
    %and3A_847 = vector.broadcast %and3A_846 : i32 to vector<64x128xi32>
    %and3A_848 = arith.andi %shift_left3A_845, %and3A_847 : vector<64x128xi32>
    %get3A_849 = arith.constant 30 : index
    %get3A_850 = arith.constant 0 : index
    %get3A_851 = vector.load %arg3[%get3A_849, %get3A_850] : memref<32x128xi32, #tpu.memory_space<vmem>>, vector<1x128xi32>
    %or3A_852 = vector.broadcast %get3A_851 : vector<1x128xi32> to vector<64x128xi32>
    %or3A_853 = arith.ori %and3A_848, %or3A_852 : vector<64x128xi32>
    %bitcast_convert_type3A_854 = tpu.bitcast %or3A_853 : vector<64x128xi32> -> vector<64x128xf32>
    %min3A_855 = arith.minimumf %min3A_828, %bitcast_convert_type3A_854 : vector<64x128xf32>
    %max3A_856 = arith.maximumf %min3A_828, %bitcast_convert_type3A_854 : vector<64x128xf32>
    %min3A_857 = arith.minimumf %min3A_830, %max3A_856 : vector<64x128xf32>
    %max3A_858 = arith.maximumf %min3A_830, %max3A_856 : vector<64x128xf32>
    %min3A_859 = arith.minimumf %min3A_832, %max3A_858 : vector<64x128xf32>
    %max3A_860 = arith.maximumf %min3A_832, %max3A_858 : vector<64x128xf32>
    %min3A_861 = arith.minimumf %min3A_834, %max3A_860 : vector<64x128xf32>
    %slice3A_862 = vector.extract_strided_slice %slice3A {offsets = [0, 3968], sizes = [64, 128], strides = [1, 1]} : vector<64x4096xf32> to vector<64x128xf32>
    %min3A_863 = arith.constant 1.240000e+02 : f32
    %min3A_864 = vector.broadcast %min3A_863 : f32 to vector<64x128xf32>
    %min3A_865 = arith.minimumf %slice3A_862, %min3A_864 : vector<64x128xf32>
    %bitcast_convert_type3A_866 = tpu.bitcast %min3A_865 : vector<64x128xf32> -> vector<64x128xi32>
    %sub3A_867 = arith.constant 1056964608 : i32
    %sub3A_868 = vector.broadcast %sub3A_867 : i32 to vector<64x128xi32>
    %sub3A_869 = arith.subi %bitcast_convert_type3A_866, %sub3A_868 : vector<64x128xi32>
    %shift_left3A_870 = arith.constant 5 : i32
    %shift_left3A_871 = vector.broadcast %shift_left3A_870 : i32 to vector<64x128xi32>
    %shift_left3A_872 = arith.shli %sub3A_869, %shift_left3A_871 : vector<64x128xi32>
    %and3A_873 = arith.constant -4096 : i32
    %and3A_874 = vector.broadcast %and3A_873 : i32 to vector<64x128xi32>
    %and3A_875 = arith.andi %shift_left3A_872, %and3A_874 : vector<64x128xi32>
    %get3A_876 = arith.constant 31 : index
    %get3A_877 = arith.constant 0 : index
    %get3A_878 = vector.load %arg3[%get3A_876, %get3A_877] : memref<32x128xi32, #tpu.memory_space<vmem>>, vector<1x128xi32>
    %or3A_879 = vector.broadcast %get3A_878 : vector<1x128xi32> to vector<64x128xi32>
    %or3A_880 = arith.ori %and3A_875, %or3A_879 : vector<64x128xi32>
    %bitcast_convert_type3A_881 = tpu.bitcast %or3A_880 : vector<64x128xi32> -> vector<64x128xf32>
    %min3A_882 = arith.minimumf %min3A_855, %bitcast_convert_type3A_881 : vector<64x128xf32>
    %max3A_883 = arith.maximumf %min3A_855, %bitcast_convert_type3A_881 : vector<64x128xf32>
    %min3A_884 = arith.minimumf %min3A_857, %max3A_883 : vector<64x128xf32>
    %max3A_885 = arith.maximumf %min3A_857, %max3A_883 : vector<64x128xf32>
    %min3A_886 = arith.minimumf %min3A_859, %max3A_885 : vector<64x128xf32>
    %max3A_887 = arith.maximumf %min3A_859, %max3A_885 : vector<64x128xf32>
    %min3A_888 = arith.minimumf %min3A_861, %max3A_887 : vector<64x128xf32>
    %iota3A = tpu.iota {dimensions = array<i32: 1>} : vector<64x16xi32>
    %broadcast_in_dim3A_889 = arith.constant 0 : i32
    %broadcast_in_dim3A_890 = vector.broadcast %broadcast_in_dim3A_889 : i32 to vector<64x16xi32>
    %reduce_min3A = arith.constant dense<0x7F800000> : vector<64xf32>
    %reduce_min3A_891 = vector.multi_reduction <minimumf>, %min3A_882, %reduce_min3A [1] : vector<64x128xf32> to vector<64xf32>
    %broadcast_in_dim3A_892 = vector.shape_cast %reduce_min3A_891 : vector<64xf32> to vector<64x1xf32>
    %eq3A = vector.broadcast %broadcast_in_dim3A_892 : vector<64x1xf32> to vector<64x128xf32>
    %eq3A_893 = arith.cmpf oeq, %min3A_882, %eq3A : vector<64x128xf32>
    %select_n3A = arith.select %eq3A_893, %min3A_884, %min3A_882 : vector<64x128xi1>, vector<64x128xf32>
    %select_n3A_894 = arith.select %eq3A_893, %min3A_886, %min3A_884 : vector<64x128xi1>, vector<64x128xf32>
    %select_n3A_895 = arith.select %eq3A_893, %min3A_888, %min3A_886 : vector<64x128xi1>, vector<64x128xf32>
    %jit3A = arith.constant 3.000000e+38 : f32
    %broadcast_in_dim3A_896 = vector.broadcast %jit3A : f32 to vector<64x128xf32>
    %select_n3A_897 = arith.select %eq3A_893, %broadcast_in_dim3A_896, %min3A_888 : vector<64x128xi1>, vector<64x128xf32>
    %reduce_min3A_898 = arith.constant dense<0x7F800000> : vector<64xf32>
    %reduce_min3A_899 = vector.multi_reduction <minimumf>, %select_n3A, %reduce_min3A_898 [1] : vector<64x128xf32> to vector<64xf32>
    %broadcast_in_dim3A_900 = vector.shape_cast %reduce_min3A_899 : vector<64xf32> to vector<64x1xf32>
    %bitcast_convert_type3A_901 = tpu.bitcast %broadcast_in_dim3A_900 : vector<64x1xf32> -> vector<64x1xi32>
    %and3A_902 = arith.constant 4095 : i32
    %and3A_903 = vector.broadcast %and3A_902 : i32 to vector<64x1xi32>
    %and3A_904 = arith.andi %bitcast_convert_type3A_901, %and3A_903 : vector<64x1xi32>
    %eq3A_905 = arith.constant 0 : i32
    %eq3A_906 = vector.broadcast %eq3A_905 : i32 to vector<64x16xi32>
    %eq3A_907 = arith.cmpi eq, %iota3A, %eq3A_906 : vector<64x16xi32>
    %broadcast_in_dim3A_908 = vector.shape_cast %and3A_904 : vector<64x1xi32> to vector<64x1xi32>
    %broadcast_in_dim3A_909 = vector.broadcast %broadcast_in_dim3A_908 : vector<64x1xi32> to vector<64x16xi32>
    %select_n3A_910 = arith.select %eq3A_907, %broadcast_in_dim3A_909, %broadcast_in_dim3A_890 : vector<64x16xi1>, vector<64x16xi32>
    %eq3A_911 = vector.broadcast %broadcast_in_dim3A_900 : vector<64x1xf32> to vector<64x128xf32>
    %eq3A_912 = arith.cmpf oeq, %select_n3A, %eq3A_911 : vector<64x128xf32>
    %select_n3A_913 = arith.select %eq3A_912, %select_n3A_894, %select_n3A : vector<64x128xi1>, vector<64x128xf32>
    %select_n3A_914 = arith.select %eq3A_912, %select_n3A_895, %select_n3A_894 : vector<64x128xi1>, vector<64x128xf32>
    %select_n3A_915 = arith.select %eq3A_912, %select_n3A_897, %select_n3A_895 : vector<64x128xi1>, vector<64x128xf32>
    %jit3A_916 = arith.constant 3.000000e+38 : f32
    %broadcast_in_dim3A_917 = vector.broadcast %jit3A_916 : f32 to vector<64x128xf32>
    %select_n3A_918 = arith.select %eq3A_912, %broadcast_in_dim3A_917, %select_n3A_897 : vector<64x128xi1>, vector<64x128xf32>
    %reduce_min3A_919 = arith.constant dense<0x7F800000> : vector<64xf32>
    %reduce_min3A_920 = vector.multi_reduction <minimumf>, %select_n3A_913, %reduce_min3A_919 [1] : vector<64x128xf32> to vector<64xf32>
    %broadcast_in_dim3A_921 = vector.shape_cast %reduce_min3A_920 : vector<64xf32> to vector<64x1xf32>
    %bitcast_convert_type3A_922 = tpu.bitcast %broadcast_in_dim3A_921 : vector<64x1xf32> -> vector<64x1xi32>
    %and3A_923 = arith.constant 4095 : i32
    %and3A_924 = vector.broadcast %and3A_923 : i32 to vector<64x1xi32>
    %and3A_925 = arith.andi %bitcast_convert_type3A_922, %and3A_924 : vector<64x1xi32>
    %eq3A_926 = arith.constant 1 : i32
    %eq3A_927 = vector.broadcast %eq3A_926 : i32 to vector<64x16xi32>
    %eq3A_928 = arith.cmpi eq, %iota3A, %eq3A_927 : vector<64x16xi32>
    %broadcast_in_dim3A_929 = vector.shape_cast %and3A_925 : vector<64x1xi32> to vector<64x1xi32>
    %broadcast_in_dim3A_930 = vector.broadcast %broadcast_in_dim3A_929 : vector<64x1xi32> to vector<64x16xi32>
    %select_n3A_931 = arith.select %eq3A_928, %broadcast_in_dim3A_930, %select_n3A_910 : vector<64x16xi1>, vector<64x16xi32>
    %eq3A_932 = vector.broadcast %broadcast_in_dim3A_921 : vector<64x1xf32> to vector<64x128xf32>
    %eq3A_933 = arith.cmpf oeq, %select_n3A_913, %eq3A_932 : vector<64x128xf32>
    %select_n3A_934 = arith.select %eq3A_933, %select_n3A_914, %select_n3A_913 : vector<64x128xi1>, vector<64x128xf32>
    %select_n3A_935 = arith.select %eq3A_933, %select_n3A_915, %select_n3A_914 : vector<64x128xi1>, vector<64x128xf32>
    %select_n3A_936 = arith.select %eq3A_933, %select_n3A_918, %select_n3A_915 : vector<64x128xi1>, vector<64x128xf32>
    %jit3A_937 = arith.constant 3.000000e+38 : f32
    %broadcast_in_dim3A_938 = vector.broadcast %jit3A_937 : f32 to vector<64x128xf32>
    %select_n3A_939 = arith.select %eq3A_933, %broadcast_in_dim3A_938, %select_n3A_918 : vector<64x128xi1>, vector<64x128xf32>
    %reduce_min3A_940 = arith.constant dense<0x7F800000> : vector<64xf32>
    %reduce_min3A_941 = vector.multi_reduction <minimumf>, %select_n3A_934, %reduce_min3A_940 [1] : vector<64x128xf32> to vector<64xf32>
    %broadcast_in_dim3A_942 = vector.shape_cast %reduce_min3A_941 : vector<64xf32> to vector<64x1xf32>
    %bitcast_convert_type3A_943 = tpu.bitcast %broadcast_in_dim3A_942 : vector<64x1xf32> -> vector<64x1xi32>
    %and3A_944 = arith.constant 4095 : i32
    %and3A_945 = vector.broadcast %and3A_944 : i32 to vector<64x1xi32>
    %and3A_946 = arith.andi %bitcast_convert_type3A_943, %and3A_945 : vector<64x1xi32>
    %eq3A_947 = arith.constant 2 : i32
    %eq3A_948 = vector.broadcast %eq3A_947 : i32 to vector<64x16xi32>
    %eq3A_949 = arith.cmpi eq, %iota3A, %eq3A_948 : vector<64x16xi32>
    %broadcast_in_dim3A_950 = vector.shape_cast %and3A_946 : vector<64x1xi32> to vector<64x1xi32>
    %broadcast_in_dim3A_951 = vector.broadcast %broadcast_in_dim3A_950 : vector<64x1xi32> to vector<64x16xi32>
    %select_n3A_952 = arith.select %eq3A_949, %broadcast_in_dim3A_951, %select_n3A_931 : vector<64x16xi1>, vector<64x16xi32>
    %eq3A_953 = vector.broadcast %broadcast_in_dim3A_942 : vector<64x1xf32> to vector<64x128xf32>
    %eq3A_954 = arith.cmpf oeq, %select_n3A_934, %eq3A_953 : vector<64x128xf32>
    %select_n3A_955 = arith.select %eq3A_954, %select_n3A_935, %select_n3A_934 : vector<64x128xi1>, vector<64x128xf32>
    %select_n3A_956 = arith.select %eq3A_954, %select_n3A_936, %select_n3A_935 : vector<64x128xi1>, vector<64x128xf32>
    %select_n3A_957 = arith.select %eq3A_954, %select_n3A_939, %select_n3A_936 : vector<64x128xi1>, vector<64x128xf32>
    %jit3A_958 = arith.constant 3.000000e+38 : f32
    %broadcast_in_dim3A_959 = vector.broadcast %jit3A_958 : f32 to vector<64x128xf32>
    %select_n3A_960 = arith.select %eq3A_954, %broadcast_in_dim3A_959, %select_n3A_939 : vector<64x128xi1>, vector<64x128xf32>
    %reduce_min3A_961 = arith.constant dense<0x7F800000> : vector<64xf32>
    %reduce_min3A_962 = vector.multi_reduction <minimumf>, %select_n3A_955, %reduce_min3A_961 [1] : vector<64x128xf32> to vector<64xf32>
    %broadcast_in_dim3A_963 = vector.shape_cast %reduce_min3A_962 : vector<64xf32> to vector<64x1xf32>
    %bitcast_convert_type3A_964 = tpu.bitcast %broadcast_in_dim3A_963 : vector<64x1xf32> -> vector<64x1xi32>
    %and3A_965 = arith.constant 4095 : i32
    %and3A_966 = vector.broadcast %and3A_965 : i32 to vector<64x1xi32>
    %and3A_967 = arith.andi %bitcast_convert_type3A_964, %and3A_966 : vector<64x1xi32>
    %eq3A_968 = arith.constant 3 : i32
    %eq3A_969 = vector.broadcast %eq3A_968 : i32 to vector<64x16xi32>
    %eq3A_970 = arith.cmpi eq, %iota3A, %eq3A_969 : vector<64x16xi32>
    %broadcast_in_dim3A_971 = vector.shape_cast %and3A_967 : vector<64x1xi32> to vector<64x1xi32>
    %broadcast_in_dim3A_972 = vector.broadcast %broadcast_in_dim3A_971 : vector<64x1xi32> to vector<64x16xi32>
    %select_n3A_973 = arith.select %eq3A_970, %broadcast_in_dim3A_972, %select_n3A_952 : vector<64x16xi1>, vector<64x16xi32>
    %eq3A_974 = vector.broadcast %broadcast_in_dim3A_963 : vector<64x1xf32> to vector<64x128xf32>
    %eq3A_975 = arith.cmpf oeq, %select_n3A_955, %eq3A_974 : vector<64x128xf32>
    %select_n3A_976 = arith.select %eq3A_975, %select_n3A_956, %select_n3A_955 : vector<64x128xi1>, vector<64x128xf32>
    %select_n3A_977 = arith.select %eq3A_975, %select_n3A_957, %select_n3A_956 : vector<64x128xi1>, vector<64x128xf32>
    %select_n3A_978 = arith.select %eq3A_975, %select_n3A_960, %select_n3A_957 : vector<64x128xi1>, vector<64x128xf32>
    %jit3A_979 = arith.constant 3.000000e+38 : f32
    %broadcast_in_dim3A_980 = vector.broadcast %jit3A_979 : f32 to vector<64x128xf32>
    %select_n3A_981 = arith.select %eq3A_975, %broadcast_in_dim3A_980, %select_n3A_960 : vector<64x128xi1>, vector<64x128xf32>
    %reduce_min3A_982 = arith.constant dense<0x7F800000> : vector<64xf32>
    %reduce_min3A_983 = vector.multi_reduction <minimumf>, %select_n3A_976, %reduce_min3A_982 [1] : vector<64x128xf32> to vector<64xf32>
    %broadcast_in_dim3A_984 = vector.shape_cast %reduce_min3A_983 : vector<64xf32> to vector<64x1xf32>
    %bitcast_convert_type3A_985 = tpu.bitcast %broadcast_in_dim3A_984 : vector<64x1xf32> -> vector<64x1xi32>
    %and3A_986 = arith.constant 4095 : i32
    %and3A_987 = vector.broadcast %and3A_986 : i32 to vector<64x1xi32>
    %and3A_988 = arith.andi %bitcast_convert_type3A_985, %and3A_987 : vector<64x1xi32>
    %eq3A_989 = arith.constant 4 : i32
    %eq3A_990 = vector.broadcast %eq3A_989 : i32 to vector<64x16xi32>
    %eq3A_991 = arith.cmpi eq, %iota3A, %eq3A_990 : vector<64x16xi32>
    %broadcast_in_dim3A_992 = vector.shape_cast %and3A_988 : vector<64x1xi32> to vector<64x1xi32>
    %broadcast_in_dim3A_993 = vector.broadcast %broadcast_in_dim3A_992 : vector<64x1xi32> to vector<64x16xi32>
    %select_n3A_994 = arith.select %eq3A_991, %broadcast_in_dim3A_993, %select_n3A_973 : vector<64x16xi1>, vector<64x16xi32>
    %eq3A_995 = vector.broadcast %broadcast_in_dim3A_984 : vector<64x1xf32> to vector<64x128xf32>
    %eq3A_996 = arith.cmpf oeq, %select_n3A_976, %eq3A_995 : vector<64x128xf32>
    %select_n3A_997 = arith.select %eq3A_996, %select_n3A_977, %select_n3A_976 : vector<64x128xi1>, vector<64x128xf32>
    %select_n3A_998 = arith.select %eq3A_996, %select_n3A_978, %select_n3A_977 : vector<64x128xi1>, vector<64x128xf32>
    %select_n3A_999 = arith.select %eq3A_996, %select_n3A_981, %select_n3A_978 : vector<64x128xi1>, vector<64x128xf32>
    %jit3A_1000 = arith.constant 3.000000e+38 : f32
    %broadcast_in_dim3A_1001 = vector.broadcast %jit3A_1000 : f32 to vector<64x128xf32>
    %select_n3A_1002 = arith.select %eq3A_996, %broadcast_in_dim3A_1001, %select_n3A_981 : vector<64x128xi1>, vector<64x128xf32>
    %reduce_min3A_1003 = arith.constant dense<0x7F800000> : vector<64xf32>
    %reduce_min3A_1004 = vector.multi_reduction <minimumf>, %select_n3A_997, %reduce_min3A_1003 [1] : vector<64x128xf32> to vector<64xf32>
    %broadcast_in_dim3A_1005 = vector.shape_cast %reduce_min3A_1004 : vector<64xf32> to vector<64x1xf32>
    %bitcast_convert_type3A_1006 = tpu.bitcast %broadcast_in_dim3A_1005 : vector<64x1xf32> -> vector<64x1xi32>
    %and3A_1007 = arith.constant 4095 : i32
    %and3A_1008 = vector.broadcast %and3A_1007 : i32 to vector<64x1xi32>
    %and3A_1009 = arith.andi %bitcast_convert_type3A_1006, %and3A_1008 : vector<64x1xi32>
    %eq3A_1010 = arith.constant 5 : i32
    %eq3A_1011 = vector.broadcast %eq3A_1010 : i32 to vector<64x16xi32>
    %eq3A_1012 = arith.cmpi eq, %iota3A, %eq3A_1011 : vector<64x16xi32>
    %broadcast_in_dim3A_1013 = vector.shape_cast %and3A_1009 : vector<64x1xi32> to vector<64x1xi32>
    %broadcast_in_dim3A_1014 = vector.broadcast %broadcast_in_dim3A_1013 : vector<64x1xi32> to vector<64x16xi32>
    %select_n3A_1015 = arith.select %eq3A_1012, %broadcast_in_dim3A_1014, %select_n3A_994 : vector<64x16xi1>, vector<64x16xi32>
    %eq3A_1016 = vector.broadcast %broadcast_in_dim3A_1005 : vector<64x1xf32> to vector<64x128xf32>
    %eq3A_1017 = arith.cmpf oeq, %select_n3A_997, %eq3A_1016 : vector<64x128xf32>
    %select_n3A_1018 = arith.select %eq3A_1017, %select_n3A_998, %select_n3A_997 : vector<64x128xi1>, vector<64x128xf32>
    %select_n3A_1019 = arith.select %eq3A_1017, %select_n3A_999, %select_n3A_998 : vector<64x128xi1>, vector<64x128xf32>
    %select_n3A_1020 = arith.select %eq3A_1017, %select_n3A_1002, %select_n3A_999 : vector<64x128xi1>, vector<64x128xf32>
    %jit3A_1021 = arith.constant 3.000000e+38 : f32
    %broadcast_in_dim3A_1022 = vector.broadcast %jit3A_1021 : f32 to vector<64x128xf32>
    %select_n3A_1023 = arith.select %eq3A_1017, %broadcast_in_dim3A_1022, %select_n3A_1002 : vector<64x128xi1>, vector<64x128xf32>
    %reduce_min3A_1024 = arith.constant dense<0x7F800000> : vector<64xf32>
    %reduce_min3A_1025 = vector.multi_reduction <minimumf>, %select_n3A_1018, %reduce_min3A_1024 [1] : vector<64x128xf32> to vector<64xf32>
    %broadcast_in_dim3A_1026 = vector.shape_cast %reduce_min3A_1025 : vector<64xf32> to vector<64x1xf32>
    %bitcast_convert_type3A_1027 = tpu.bitcast %broadcast_in_dim3A_1026 : vector<64x1xf32> -> vector<64x1xi32>
    %and3A_1028 = arith.constant 4095 : i32
    %and3A_1029 = vector.broadcast %and3A_1028 : i32 to vector<64x1xi32>
    %and3A_1030 = arith.andi %bitcast_convert_type3A_1027, %and3A_1029 : vector<64x1xi32>
    %eq3A_1031 = arith.constant 6 : i32
    %eq3A_1032 = vector.broadcast %eq3A_1031 : i32 to vector<64x16xi32>
    %eq3A_1033 = arith.cmpi eq, %iota3A, %eq3A_1032 : vector<64x16xi32>
    %broadcast_in_dim3A_1034 = vector.shape_cast %and3A_1030 : vector<64x1xi32> to vector<64x1xi32>
    %broadcast_in_dim3A_1035 = vector.broadcast %broadcast_in_dim3A_1034 : vector<64x1xi32> to vector<64x16xi32>
    %select_n3A_1036 = arith.select %eq3A_1033, %broadcast_in_dim3A_1035, %select_n3A_1015 : vector<64x16xi1>, vector<64x16xi32>
    %eq3A_1037 = vector.broadcast %broadcast_in_dim3A_1026 : vector<64x1xf32> to vector<64x128xf32>
    %eq3A_1038 = arith.cmpf oeq, %select_n3A_1018, %eq3A_1037 : vector<64x128xf32>
    %select_n3A_1039 = arith.select %eq3A_1038, %select_n3A_1019, %select_n3A_1018 : vector<64x128xi1>, vector<64x128xf32>
    %select_n3A_1040 = arith.select %eq3A_1038, %select_n3A_1020, %select_n3A_1019 : vector<64x128xi1>, vector<64x128xf32>
    %select_n3A_1041 = arith.select %eq3A_1038, %select_n3A_1023, %select_n3A_1020 : vector<64x128xi1>, vector<64x128xf32>
    %jit3A_1042 = arith.constant 3.000000e+38 : f32
    %broadcast_in_dim3A_1043 = vector.broadcast %jit3A_1042 : f32 to vector<64x128xf32>
    %select_n3A_1044 = arith.select %eq3A_1038, %broadcast_in_dim3A_1043, %select_n3A_1023 : vector<64x128xi1>, vector<64x128xf32>
    %reduce_min3A_1045 = arith.constant dense<0x7F800000> : vector<64xf32>
    %reduce_min3A_1046 = vector.multi_reduction <minimumf>, %select_n3A_1039, %reduce_min3A_1045 [1] : vector<64x128xf32> to vector<64xf32>
    %broadcast_in_dim3A_1047 = vector.shape_cast %reduce_min3A_1046 : vector<64xf32> to vector<64x1xf32>
    %bitcast_convert_type3A_1048 = tpu.bitcast %broadcast_in_dim3A_1047 : vector<64x1xf32> -> vector<64x1xi32>
    %and3A_1049 = arith.constant 4095 : i32
    %and3A_1050 = vector.broadcast %and3A_1049 : i32 to vector<64x1xi32>
    %and3A_1051 = arith.andi %bitcast_convert_type3A_1048, %and3A_1050 : vector<64x1xi32>
    %eq3A_1052 = arith.constant 7 : i32
    %eq3A_1053 = vector.broadcast %eq3A_1052 : i32 to vector<64x16xi32>
    %eq3A_1054 = arith.cmpi eq, %iota3A, %eq3A_1053 : vector<64x16xi32>
    %broadcast_in_dim3A_1055 = vector.shape_cast %and3A_1051 : vector<64x1xi32> to vector<64x1xi32>
    %broadcast_in_dim3A_1056 = vector.broadcast %broadcast_in_dim3A_1055 : vector<64x1xi32> to vector<64x16xi32>
    %select_n3A_1057 = arith.select %eq3A_1054, %broadcast_in_dim3A_1056, %select_n3A_1036 : vector<64x16xi1>, vector<64x16xi32>
    %eq3A_1058 = vector.broadcast %broadcast_in_dim3A_1047 : vector<64x1xf32> to vector<64x128xf32>
    %eq3A_1059 = arith.cmpf oeq, %select_n3A_1039, %eq3A_1058 : vector<64x128xf32>
    %select_n3A_1060 = arith.select %eq3A_1059, %select_n3A_1040, %select_n3A_1039 : vector<64x128xi1>, vector<64x128xf32>
    %select_n3A_1061 = arith.select %eq3A_1059, %select_n3A_1041, %select_n3A_1040 : vector<64x128xi1>, vector<64x128xf32>
    %select_n3A_1062 = arith.select %eq3A_1059, %select_n3A_1044, %select_n3A_1041 : vector<64x128xi1>, vector<64x128xf32>
    %jit3A_1063 = arith.constant 3.000000e+38 : f32
    %broadcast_in_dim3A_1064 = vector.broadcast %jit3A_1063 : f32 to vector<64x128xf32>
    %select_n3A_1065 = arith.select %eq3A_1059, %broadcast_in_dim3A_1064, %select_n3A_1044 : vector<64x128xi1>, vector<64x128xf32>
    %reduce_min3A_1066 = arith.constant dense<0x7F800000> : vector<64xf32>
    %reduce_min3A_1067 = vector.multi_reduction <minimumf>, %select_n3A_1060, %reduce_min3A_1066 [1] : vector<64x128xf32> to vector<64xf32>
    %broadcast_in_dim3A_1068 = vector.shape_cast %reduce_min3A_1067 : vector<64xf32> to vector<64x1xf32>
    %bitcast_convert_type3A_1069 = tpu.bitcast %broadcast_in_dim3A_1068 : vector<64x1xf32> -> vector<64x1xi32>
    %and3A_1070 = arith.constant 4095 : i32
    %and3A_1071 = vector.broadcast %and3A_1070 : i32 to vector<64x1xi32>
    %and3A_1072 = arith.andi %bitcast_convert_type3A_1069, %and3A_1071 : vector<64x1xi32>
    %eq3A_1073 = arith.constant 8 : i32
    %eq3A_1074 = vector.broadcast %eq3A_1073 : i32 to vector<64x16xi32>
    %eq3A_1075 = arith.cmpi eq, %iota3A, %eq3A_1074 : vector<64x16xi32>
    %broadcast_in_dim3A_1076 = vector.shape_cast %and3A_1072 : vector<64x1xi32> to vector<64x1xi32>
    %broadcast_in_dim3A_1077 = vector.broadcast %broadcast_in_dim3A_1076 : vector<64x1xi32> to vector<64x16xi32>
    %select_n3A_1078 = arith.select %eq3A_1075, %broadcast_in_dim3A_1077, %select_n3A_1057 : vector<64x16xi1>, vector<64x16xi32>
    %eq3A_1079 = vector.broadcast %broadcast_in_dim3A_1068 : vector<64x1xf32> to vector<64x128xf32>
    %eq3A_1080 = arith.cmpf oeq, %select_n3A_1060, %eq3A_1079 : vector<64x128xf32>
    %select_n3A_1081 = arith.select %eq3A_1080, %select_n3A_1061, %select_n3A_1060 : vector<64x128xi1>, vector<64x128xf32>
    %select_n3A_1082 = arith.select %eq3A_1080, %select_n3A_1062, %select_n3A_1061 : vector<64x128xi1>, vector<64x128xf32>
    %select_n3A_1083 = arith.select %eq3A_1080, %select_n3A_1065, %select_n3A_1062 : vector<64x128xi1>, vector<64x128xf32>
    %jit3A_1084 = arith.constant 3.000000e+38 : f32
    %broadcast_in_dim3A_1085 = vector.broadcast %jit3A_1084 : f32 to vector<64x128xf32>
    %select_n3A_1086 = arith.select %eq3A_1080, %broadcast_in_dim3A_1085, %select_n3A_1065 : vector<64x128xi1>, vector<64x128xf32>
    %reduce_min3A_1087 = arith.constant dense<0x7F800000> : vector<64xf32>
    %reduce_min3A_1088 = vector.multi_reduction <minimumf>, %select_n3A_1081, %reduce_min3A_1087 [1] : vector<64x128xf32> to vector<64xf32>
    %broadcast_in_dim3A_1089 = vector.shape_cast %reduce_min3A_1088 : vector<64xf32> to vector<64x1xf32>
    %bitcast_convert_type3A_1090 = tpu.bitcast %broadcast_in_dim3A_1089 : vector<64x1xf32> -> vector<64x1xi32>
    %and3A_1091 = arith.constant 4095 : i32
    %and3A_1092 = vector.broadcast %and3A_1091 : i32 to vector<64x1xi32>
    %and3A_1093 = arith.andi %bitcast_convert_type3A_1090, %and3A_1092 : vector<64x1xi32>
    %eq3A_1094 = arith.constant 9 : i32
    %eq3A_1095 = vector.broadcast %eq3A_1094 : i32 to vector<64x16xi32>
    %eq3A_1096 = arith.cmpi eq, %iota3A, %eq3A_1095 : vector<64x16xi32>
    %broadcast_in_dim3A_1097 = vector.shape_cast %and3A_1093 : vector<64x1xi32> to vector<64x1xi32>
    %broadcast_in_dim3A_1098 = vector.broadcast %broadcast_in_dim3A_1097 : vector<64x1xi32> to vector<64x16xi32>
    %select_n3A_1099 = arith.select %eq3A_1096, %broadcast_in_dim3A_1098, %select_n3A_1078 : vector<64x16xi1>, vector<64x16xi32>
    %eq3A_1100 = vector.broadcast %broadcast_in_dim3A_1089 : vector<64x1xf32> to vector<64x128xf32>
    %eq3A_1101 = arith.cmpf oeq, %select_n3A_1081, %eq3A_1100 : vector<64x128xf32>
    %select_n3A_1102 = arith.select %eq3A_1101, %select_n3A_1082, %select_n3A_1081 : vector<64x128xi1>, vector<64x128xf32>
    %select_n3A_1103 = arith.select %eq3A_1101, %select_n3A_1083, %select_n3A_1082 : vector<64x128xi1>, vector<64x128xf32>
    %select_n3A_1104 = arith.select %eq3A_1101, %select_n3A_1086, %select_n3A_1083 : vector<64x128xi1>, vector<64x128xf32>
    %jit3A_1105 = arith.constant 3.000000e+38 : f32
    %broadcast_in_dim3A_1106 = vector.broadcast %jit3A_1105 : f32 to vector<64x128xf32>
    %select_n3A_1107 = arith.select %eq3A_1101, %broadcast_in_dim3A_1106, %select_n3A_1086 : vector<64x128xi1>, vector<64x128xf32>
    %reduce_min3A_1108 = arith.constant dense<0x7F800000> : vector<64xf32>
    %reduce_min3A_1109 = vector.multi_reduction <minimumf>, %select_n3A_1102, %reduce_min3A_1108 [1] : vector<64x128xf32> to vector<64xf32>
    %broadcast_in_dim3A_1110 = vector.shape_cast %reduce_min3A_1109 : vector<64xf32> to vector<64x1xf32>
    %bitcast_convert_type3A_1111 = tpu.bitcast %broadcast_in_dim3A_1110 : vector<64x1xf32> -> vector<64x1xi32>
    %and3A_1112 = arith.constant 4095 : i32
    %and3A_1113 = vector.broadcast %and3A_1112 : i32 to vector<64x1xi32>
    %and3A_1114 = arith.andi %bitcast_convert_type3A_1111, %and3A_1113 : vector<64x1xi32>
    %eq3A_1115 = arith.constant 10 : i32
    %eq3A_1116 = vector.broadcast %eq3A_1115 : i32 to vector<64x16xi32>
    %eq3A_1117 = arith.cmpi eq, %iota3A, %eq3A_1116 : vector<64x16xi32>
    %broadcast_in_dim3A_1118 = vector.shape_cast %and3A_1114 : vector<64x1xi32> to vector<64x1xi32>
    %broadcast_in_dim3A_1119 = vector.broadcast %broadcast_in_dim3A_1118 : vector<64x1xi32> to vector<64x16xi32>
    %select_n3A_1120 = arith.select %eq3A_1117, %broadcast_in_dim3A_1119, %select_n3A_1099 : vector<64x16xi1>, vector<64x16xi32>
    %eq3A_1121 = vector.broadcast %broadcast_in_dim3A_1110 : vector<64x1xf32> to vector<64x128xf32>
    %eq3A_1122 = arith.cmpf oeq, %select_n3A_1102, %eq3A_1121 : vector<64x128xf32>
    %select_n3A_1123 = arith.select %eq3A_1122, %select_n3A_1103, %select_n3A_1102 : vector<64x128xi1>, vector<64x128xf32>
    %select_n3A_1124 = arith.select %eq3A_1122, %select_n3A_1104, %select_n3A_1103 : vector<64x128xi1>, vector<64x128xf32>
    %select_n3A_1125 = arith.select %eq3A_1122, %select_n3A_1107, %select_n3A_1104 : vector<64x128xi1>, vector<64x128xf32>
    %jit3A_1126 = arith.constant 3.000000e+38 : f32
    %broadcast_in_dim3A_1127 = vector.broadcast %jit3A_1126 : f32 to vector<64x128xf32>
    %select_n3A_1128 = arith.select %eq3A_1122, %broadcast_in_dim3A_1127, %select_n3A_1107 : vector<64x128xi1>, vector<64x128xf32>
    %reduce_min3A_1129 = arith.constant dense<0x7F800000> : vector<64xf32>
    %reduce_min3A_1130 = vector.multi_reduction <minimumf>, %select_n3A_1123, %reduce_min3A_1129 [1] : vector<64x128xf32> to vector<64xf32>
    %broadcast_in_dim3A_1131 = vector.shape_cast %reduce_min3A_1130 : vector<64xf32> to vector<64x1xf32>
    %bitcast_convert_type3A_1132 = tpu.bitcast %broadcast_in_dim3A_1131 : vector<64x1xf32> -> vector<64x1xi32>
    %and3A_1133 = arith.constant 4095 : i32
    %and3A_1134 = vector.broadcast %and3A_1133 : i32 to vector<64x1xi32>
    %and3A_1135 = arith.andi %bitcast_convert_type3A_1132, %and3A_1134 : vector<64x1xi32>
    %eq3A_1136 = arith.constant 11 : i32
    %eq3A_1137 = vector.broadcast %eq3A_1136 : i32 to vector<64x16xi32>
    %eq3A_1138 = arith.cmpi eq, %iota3A, %eq3A_1137 : vector<64x16xi32>
    %broadcast_in_dim3A_1139 = vector.shape_cast %and3A_1135 : vector<64x1xi32> to vector<64x1xi32>
    %broadcast_in_dim3A_1140 = vector.broadcast %broadcast_in_dim3A_1139 : vector<64x1xi32> to vector<64x16xi32>
    %select_n3A_1141 = arith.select %eq3A_1138, %broadcast_in_dim3A_1140, %select_n3A_1120 : vector<64x16xi1>, vector<64x16xi32>
    %eq3A_1142 = vector.broadcast %broadcast_in_dim3A_1131 : vector<64x1xf32> to vector<64x128xf32>
    %eq3A_1143 = arith.cmpf oeq, %select_n3A_1123, %eq3A_1142 : vector<64x128xf32>
    %select_n3A_1144 = arith.select %eq3A_1143, %select_n3A_1124, %select_n3A_1123 : vector<64x128xi1>, vector<64x128xf32>
    %select_n3A_1145 = arith.select %eq3A_1143, %select_n3A_1125, %select_n3A_1124 : vector<64x128xi1>, vector<64x128xf32>
    %select_n3A_1146 = arith.select %eq3A_1143, %select_n3A_1128, %select_n3A_1125 : vector<64x128xi1>, vector<64x128xf32>
    %jit3A_1147 = arith.constant 3.000000e+38 : f32
    %broadcast_in_dim3A_1148 = vector.broadcast %jit3A_1147 : f32 to vector<64x128xf32>
    %select_n3A_1149 = arith.select %eq3A_1143, %broadcast_in_dim3A_1148, %select_n3A_1128 : vector<64x128xi1>, vector<64x128xf32>
    %reduce_min3A_1150 = arith.constant dense<0x7F800000> : vector<64xf32>
    %reduce_min3A_1151 = vector.multi_reduction <minimumf>, %select_n3A_1144, %reduce_min3A_1150 [1] : vector<64x128xf32> to vector<64xf32>
    %broadcast_in_dim3A_1152 = vector.shape_cast %reduce_min3A_1151 : vector<64xf32> to vector<64x1xf32>
    %bitcast_convert_type3A_1153 = tpu.bitcast %broadcast_in_dim3A_1152 : vector<64x1xf32> -> vector<64x1xi32>
    %and3A_1154 = arith.constant 4095 : i32
    %and3A_1155 = vector.broadcast %and3A_1154 : i32 to vector<64x1xi32>
    %and3A_1156 = arith.andi %bitcast_convert_type3A_1153, %and3A_1155 : vector<64x1xi32>
    %eq3A_1157 = arith.constant 12 : i32
    %eq3A_1158 = vector.broadcast %eq3A_1157 : i32 to vector<64x16xi32>
    %eq3A_1159 = arith.cmpi eq, %iota3A, %eq3A_1158 : vector<64x16xi32>
    %broadcast_in_dim3A_1160 = vector.shape_cast %and3A_1156 : vector<64x1xi32> to vector<64x1xi32>
    %broadcast_in_dim3A_1161 = vector.broadcast %broadcast_in_dim3A_1160 : vector<64x1xi32> to vector<64x16xi32>
    %select_n3A_1162 = arith.select %eq3A_1159, %broadcast_in_dim3A_1161, %select_n3A_1141 : vector<64x16xi1>, vector<64x16xi32>
    %eq3A_1163 = vector.broadcast %broadcast_in_dim3A_1152 : vector<64x1xf32> to vector<64x128xf32>
    %eq3A_1164 = arith.cmpf oeq, %select_n3A_1144, %eq3A_1163 : vector<64x128xf32>
    %select_n3A_1165 = arith.select %eq3A_1164, %select_n3A_1145, %select_n3A_1144 : vector<64x128xi1>, vector<64x128xf32>
    %select_n3A_1166 = arith.select %eq3A_1164, %select_n3A_1146, %select_n3A_1145 : vector<64x128xi1>, vector<64x128xf32>
    %select_n3A_1167 = arith.select %eq3A_1164, %select_n3A_1149, %select_n3A_1146 : vector<64x128xi1>, vector<64x128xf32>
    %reduce_min3A_1168 = arith.constant dense<0x7F800000> : vector<64xf32>
    %reduce_min3A_1169 = vector.multi_reduction <minimumf>, %select_n3A_1165, %reduce_min3A_1168 [1] : vector<64x128xf32> to vector<64xf32>
    %broadcast_in_dim3A_1170 = vector.shape_cast %reduce_min3A_1169 : vector<64xf32> to vector<64x1xf32>
    %bitcast_convert_type3A_1171 = tpu.bitcast %broadcast_in_dim3A_1170 : vector<64x1xf32> -> vector<64x1xi32>
    %and3A_1172 = arith.constant 4095 : i32
    %and3A_1173 = vector.broadcast %and3A_1172 : i32 to vector<64x1xi32>
    %and3A_1174 = arith.andi %bitcast_convert_type3A_1171, %and3A_1173 : vector<64x1xi32>
    %eq3A_1175 = arith.constant 13 : i32
    %eq3A_1176 = vector.broadcast %eq3A_1175 : i32 to vector<64x16xi32>
    %eq3A_1177 = arith.cmpi eq, %iota3A, %eq3A_1176 : vector<64x16xi32>
    %broadcast_in_dim3A_1178 = vector.shape_cast %and3A_1174 : vector<64x1xi32> to vector<64x1xi32>
    %broadcast_in_dim3A_1179 = vector.broadcast %broadcast_in_dim3A_1178 : vector<64x1xi32> to vector<64x16xi32>
    %select_n3A_1180 = arith.select %eq3A_1177, %broadcast_in_dim3A_1179, %select_n3A_1162 : vector<64x16xi1>, vector<64x16xi32>
    %eq3A_1181 = vector.broadcast %broadcast_in_dim3A_1170 : vector<64x1xf32> to vector<64x128xf32>
    %eq3A_1182 = arith.cmpf oeq, %select_n3A_1165, %eq3A_1181 : vector<64x128xf32>
    %select_n3A_1183 = arith.select %eq3A_1182, %select_n3A_1166, %select_n3A_1165 : vector<64x128xi1>, vector<64x128xf32>
    %select_n3A_1184 = arith.select %eq3A_1182, %select_n3A_1167, %select_n3A_1166 : vector<64x128xi1>, vector<64x128xf32>
    %reduce_min3A_1185 = arith.constant dense<0x7F800000> : vector<64xf32>
    %reduce_min3A_1186 = vector.multi_reduction <minimumf>, %select_n3A_1183, %reduce_min3A_1185 [1] : vector<64x128xf32> to vector<64xf32>
    %broadcast_in_dim3A_1187 = vector.shape_cast %reduce_min3A_1186 : vector<64xf32> to vector<64x1xf32>
    %bitcast_convert_type3A_1188 = tpu.bitcast %broadcast_in_dim3A_1187 : vector<64x1xf32> -> vector<64x1xi32>
    %and3A_1189 = arith.constant 4095 : i32
    %and3A_1190 = vector.broadcast %and3A_1189 : i32 to vector<64x1xi32>
    %and3A_1191 = arith.andi %bitcast_convert_type3A_1188, %and3A_1190 : vector<64x1xi32>
    %eq3A_1192 = arith.constant 14 : i32
    %eq3A_1193 = vector.broadcast %eq3A_1192 : i32 to vector<64x16xi32>
    %eq3A_1194 = arith.cmpi eq, %iota3A, %eq3A_1193 : vector<64x16xi32>
    %broadcast_in_dim3A_1195 = vector.shape_cast %and3A_1191 : vector<64x1xi32> to vector<64x1xi32>
    %broadcast_in_dim3A_1196 = vector.broadcast %broadcast_in_dim3A_1195 : vector<64x1xi32> to vector<64x16xi32>
    %select_n3A_1197 = arith.select %eq3A_1194, %broadcast_in_dim3A_1196, %select_n3A_1180 : vector<64x16xi1>, vector<64x16xi32>
    %eq3A_1198 = vector.broadcast %broadcast_in_dim3A_1187 : vector<64x1xf32> to vector<64x128xf32>
    %eq3A_1199 = arith.cmpf oeq, %select_n3A_1183, %eq3A_1198 : vector<64x128xf32>
    %select_n3A_1200 = arith.select %eq3A_1199, %select_n3A_1184, %select_n3A_1183 : vector<64x128xi1>, vector<64x128xf32>
    %reduce_min3A_1201 = arith.constant dense<0x7F800000> : vector<64xf32>
    %reduce_min3A_1202 = vector.multi_reduction <minimumf>, %select_n3A_1200, %reduce_min3A_1201 [1] : vector<64x128xf32> to vector<64xf32>
    %broadcast_in_dim3A_1203 = vector.shape_cast %reduce_min3A_1202 : vector<64xf32> to vector<64x1xf32>
    %bitcast_convert_type3A_1204 = tpu.bitcast %broadcast_in_dim3A_1203 : vector<64x1xf32> -> vector<64x1xi32>
    %and3A_1205 = arith.constant 4095 : i32
    %and3A_1206 = vector.broadcast %and3A_1205 : i32 to vector<64x1xi32>
    %and3A_1207 = arith.andi %bitcast_convert_type3A_1204, %and3A_1206 : vector<64x1xi32>
    %eq3A_1208 = arith.constant 15 : i32
    %eq3A_1209 = vector.broadcast %eq3A_1208 : i32 to vector<64x16xi32>
    %eq3A_1210 = arith.cmpi eq, %iota3A, %eq3A_1209 : vector<64x16xi32>
    %broadcast_in_dim3A_1211 = vector.shape_cast %and3A_1207 : vector<64x1xi32> to vector<64x1xi32>
    %broadcast_in_dim3A_1212 = vector.broadcast %broadcast_in_dim3A_1211 : vector<64x1xi32> to vector<64x16xi32>
    %select_n3A_1213 = arith.select %eq3A_1210, %broadcast_in_dim3A_1212, %select_n3A_1197 : vector<64x16xi1>, vector<64x16xi32>
    %swap3A_1214 = arith.constant 0 : index
    %swap3A_1215 = arith.constant 0 : index
    %swap3A_1216 = vector.load %arg6[%swap3A_1214, %swap3A_1215] : memref<256x16xi32, #tpu.memory_space<vmem>>, vector<64x16xi32>
    tpu.vector_store %arg6[%swap3A_1214, %swap3A_1215], %select_n3A_1213 {strides = array<i32>} : memref<256x16xi32, #tpu.memory_space<vmem>>, vector<64x16xi32>,
    %slice3A_1217 = vector.extract_strided_slice %add3A_29 {offsets = [64, 0], sizes = [64, 4096], strides = [1, 1]} : vector<256x4096xf32> to vector<64x4096xf32>
    %broadcast_in_dim3A_1218 = arith.constant 3.000000e+38 : f32
    %broadcast_in_dim3A_1219 = vector.broadcast %broadcast_in_dim3A_1218 : f32 to vector<64x128xf32>
    %slice3A_1220 = vector.extract_strided_slice %slice3A_1217 {offsets = [0, 0], sizes = [64, 128], strides = [1, 1]} : vector<64x4096xf32> to vector<64x128xf32>
    %min3A_1221 = arith.constant 1.240000e+02 : f32
    %min3A_1222 = vector.broadcast %min3A_1221 : f32 to vector<64x128xf32>
    %min3A_1223 = arith.minimumf %slice3A_1220, %min3A_1222 : vector<64x128xf32>
    %bitcast_convert_type3A_1224 = tpu.bitcast %min3A_1223 : vector<64x128xf32> -> vector<64x128xi32>
    %sub3A_1225 = arith.constant 1056964608 : i32
    %sub3A_1226 = vector.broadcast %sub3A_1225 : i32 to vector<64x128xi32>
    %sub3A_1227 = arith.subi %bitcast_convert_type3A_1224, %sub3A_1226 : vector<64x128xi32>
    %shift_left3A_1228 = arith.constant 5 : i32
    %shift_left3A_1229 = vector.broadcast %shift_left3A_1228 : i32 to vector<64x128xi32>
    %shift_left3A_1230 = arith.shli %sub3A_1227, %shift_left3A_1229 : vector<64x128xi32>
    %and3A_1231 = arith.constant -4096 : i32
    %and3A_1232 = vector.broadcast %and3A_1231 : i32 to vector<64x128xi32>
    %and3A_1233 = arith.andi %shift_left3A_1230, %and3A_1232 : vector<64x128xi32>
    %get3A_1234 = arith.constant 0 : index
    %get3A_1235 = arith.constant 0 : index
    %get3A_1236 = vector.load %arg3[%get3A_1234, %get3A_1235] : memref<32x128xi32, #tpu.memory_space<vmem>>, vector<1x128xi32>
    %or3A_1237 = vector.broadcast %get3A_1236 : vector<1x128xi32> to vector<64x128xi32>
    %or3A_1238 = arith.ori %and3A_1233, %or3A_1237 : vector<64x128xi32>
    %bitcast_convert_type3A_1239 = tpu.bitcast %or3A_1238 : vector<64x128xi32> -> vector<64x128xf32>
    %min3A_1240 = arith.minimumf %broadcast_in_dim3A_1219, %bitcast_convert_type3A_1239 : vector<64x128xf32>
    %max3A_1241 = arith.maximumf %broadcast_in_dim3A_1219, %bitcast_convert_type3A_1239 : vector<64x128xf32>
    %min3A_1242 = arith.minimumf %broadcast_in_dim3A_1219, %max3A_1241 : vector<64x128xf32>
    %max3A_1243 = arith.maximumf %broadcast_in_dim3A_1219, %max3A_1241 : vector<64x128xf32>
    %min3A_1244 = arith.minimumf %broadcast_in_dim3A_1219, %max3A_1243 : vector<64x128xf32>
    %max3A_1245 = arith.maximumf %broadcast_in_dim3A_1219, %max3A_1243 : vector<64x128xf32>
    %min3A_1246 = arith.minimumf %broadcast_in_dim3A_1219, %max3A_1245 : vector<64x128xf32>
    %slice3A_1247 = vector.extract_strided_slice %slice3A_1217 {offsets = [0, 128], sizes = [64, 128], strides = [1, 1]} : vector<64x4096xf32> to vector<64x128xf32>
    %min3A_1248 = arith.constant 1.240000e+02 : f32
    %min3A_1249 = vector.broadcast %min3A_1248 : f32 to vector<64x128xf32>
    %min3A_1250 = arith.minimumf %slice3A_1247, %min3A_1249 : vector<64x128xf32>
    %bitcast_convert_type3A_1251 = tpu.bitcast %min3A_1250 : vector<64x128xf32> -> vector<64x128xi32>
    %sub3A_1252 = arith.constant 1056964608 : i32
    %sub3A_1253 = vector.broadcast %sub3A_1252 : i32 to vector<64x128xi32>
    %sub3A_1254 = arith.subi %bitcast_convert_type3A_1251, %sub3A_1253 : vector<64x128xi32>
    %shift_left3A_1255 = arith.constant 5 : i32
    %shift_left3A_1256 = vector.broadcast %shift_left3A_1255 : i32 to vector<64x128xi32>
    %shift_left3A_1257 = arith.shli %sub3A_1254, %shift_left3A_1256 : vector<64x128xi32>
    %and3A_1258 = arith.constant -4096 : i32
    %and3A_1259 = vector.broadcast %and3A_1258 : i32 to vector<64x128xi32>
    %and3A_1260 = arith.andi %shift_left3A_1257, %and3A_1259 : vector<64x128xi32>
    %get3A_1261 = arith.constant 1 : index
    %get3A_1262 = arith.constant 0 : index
    %get3A_1263 = vector.load %arg3[%get3A_1261, %get3A_1262] : memref<32x128xi32, #tpu.memory_space<vmem>>, vector<1x128xi32>
    %or3A_1264 = vector.broadcast %get3A_1263 : vector<1x128xi32> to vector<64x128xi32>
    %or3A_1265 = arith.ori %and3A_1260, %or3A_1264 : vector<64x128xi32>
    %bitcast_convert_type3A_1266 = tpu.bitcast %or3A_1265 : vector<64x128xi32> -> vector<64x128xf32>
    %min3A_1267 = arith.minimumf %min3A_1240, %bitcast_convert_type3A_1266 : vector<64x128xf32>
    %max3A_1268 = arith.maximumf %min3A_1240, %bitcast_convert_type3A_1266 : vector<64x128xf32>
    %min3A_1269 = arith.minimumf %min3A_1242, %max3A_1268 : vector<64x128xf32>
    %max3A_1270 = arith.maximumf %min3A_1242, %max3A_1268 : vector<64x128xf32>
    %min3A_1271 = arith.minimumf %min3A_1244, %max3A_1270 : vector<64x128xf32>
    %max3A_1272 = arith.maximumf %min3A_1244, %max3A_1270 : vector<64x128xf32>
    %min3A_1273 = arith.minimumf %min3A_1246, %max3A_1272 : vector<64x128xf32>
    %slice3A_1274 = vector.extract_strided_slice %slice3A_1217 {offsets = [0, 256], sizes = [64, 128], strides = [1, 1]} : vector<64x4096xf32> to vector<64x128xf32>
    %min3A_1275 = arith.constant 1.240000e+02 : f32
    %min3A_1276 = vector.broadcast %min3A_1275 : f32 to vector<64x128xf32>
    %min3A_1277 = arith.minimumf %slice3A_1274, %min3A_1276 : vector<64x128xf32>
    %bitcast_convert_type3A_1278 = tpu.bitcast %min3A_1277 : vector<64x128xf32> -> vector<64x128xi32>
    %sub3A_1279 = arith.constant 1056964608 : i32
    %sub3A_1280 = vector.broadcast %sub3A_1279 : i32 to vector<64x128xi32>
    %sub3A_1281 = arith.subi %bitcast_convert_type3A_1278, %sub3A_1280 : vector<64x128xi32>
    %shift_left3A_1282 = arith.constant 5 : i32
    %shift_left3A_1283 = vector.broadcast %shift_left3A_1282 : i32 to vector<64x128xi32>
    %shift_left3A_1284 = arith.shli %sub3A_1281, %shift_left3A_1283 : vector<64x128xi32>
    %and3A_1285 = arith.constant -4096 : i32
    %and3A_1286 = vector.broadcast %and3A_1285 : i32 to vector<64x128xi32>
    %and3A_1287 = arith.andi %shift_left3A_1284, %and3A_1286 : vector<64x128xi32>
    %get3A_1288 = arith.constant 2 : index
    %get3A_1289 = arith.constant 0 : index
    %get3A_1290 = vector.load %arg3[%get3A_1288, %get3A_1289] : memref<32x128xi32, #tpu.memory_space<vmem>>, vector<1x128xi32>
    %or3A_1291 = vector.broadcast %get3A_1290 : vector<1x128xi32> to vector<64x128xi32>
    %or3A_1292 = arith.ori %and3A_1287, %or3A_1291 : vector<64x128xi32>
    %bitcast_convert_type3A_1293 = tpu.bitcast %or3A_1292 : vector<64x128xi32> -> vector<64x128xf32>
    %min3A_1294 = arith.minimumf %min3A_1267, %bitcast_convert_type3A_1293 : vector<64x128xf32>
    %max3A_1295 = arith.maximumf %min3A_1267, %bitcast_convert_type3A_1293 : vector<64x128xf32>
    %min3A_1296 = arith.minimumf %min3A_1269, %max3A_1295 : vector<64x128xf32>
    %max3A_1297 = arith.maximumf %min3A_1269, %max3A_1295 : vector<64x128xf32>
    %min3A_1298 = arith.minimumf %min3A_1271, %max3A_1297 : vector<64x128xf32>
    %max3A_1299 = arith.maximumf %min3A_1271, %max3A_1297 : vector<64x128xf32>
    %min3A_1300 = arith.minimumf %min3A_1273, %max3A_1299 : vector<64x128xf32>
    %slice3A_1301 = vector.extract_strided_slice %slice3A_1217 {offsets = [0, 384], sizes = [64, 128], strides = [1, 1]} : vector<64x4096xf32> to vector<64x128xf32>
    %min3A_1302 = arith.constant 1.240000e+02 : f32
    %min3A_1303 = vector.broadcast %min3A_1302 : f32 to vector<64x128xf32>
    %min3A_1304 = arith.minimumf %slice3A_1301, %min3A_1303 : vector<64x128xf32>
    %bitcast_convert_type3A_1305 = tpu.bitcast %min3A_1304 : vector<64x128xf32> -> vector<64x128xi32>
    %sub3A_1306 = arith.constant 1056964608 : i32
    %sub3A_1307 = vector.broadcast %sub3A_1306 : i32 to vector<64x128xi32>
    %sub3A_1308 = arith.subi %bitcast_convert_type3A_1305, %sub3A_1307 : vector<64x128xi32>
    %shift_left3A_1309 = arith.constant 5 : i32
    %shift_left3A_1310 = vector.broadcast %shift_left3A_1309 : i32 to vector<64x128xi32>
    %shift_left3A_1311 = arith.shli %sub3A_1308, %shift_left3A_1310 : vector<64x128xi32>
    %and3A_1312 = arith.constant -4096 : i32
    %and3A_1313 = vector.broadcast %and3A_1312 : i32 to vector<64x128xi32>
    %and3A_1314 = arith.andi %shift_left3A_1311, %and3A_1313 : vector<64x128xi32>
    %get3A_1315 = arith.constant 3 : index
    %get3A_1316 = arith.constant 0 : index
    %get3A_1317 = vector.load %arg3[%get3A_1315, %get3A_1316] : memref<32x128xi32, #tpu.memory_space<vmem>>, vector<1x128xi32>
    %or3A_1318 = vector.broadcast %get3A_1317 : vector<1x128xi32> to vector<64x128xi32>
    %or3A_1319 = arith.ori %and3A_1314, %or3A_1318 : vector<64x128xi32>
    %bitcast_convert_type3A_1320 = tpu.bitcast %or3A_1319 : vector<64x128xi32> -> vector<64x128xf32>
    %min3A_1321 = arith.minimumf %min3A_1294, %bitcast_convert_type3A_1320 : vector<64x128xf32>
    %max3A_1322 = arith.maximumf %min3A_1294, %bitcast_convert_type3A_1320 : vector<64x128xf32>
    %min3A_1323 = arith.minimumf %min3A_1296, %max3A_1322 : vector<64x128xf32>
    %max3A_1324 = arith.maximumf %min3A_1296, %max3A_1322 : vector<64x128xf32>
    %min3A_1325 = arith.minimumf %min3A_1298, %max3A_1324 : vector<64x128xf32>
    %max3A_1326 = arith.maximumf %min3A_1298, %max3A_1324 : vector<64x128xf32>
    %min3A_1327 = arith.minimumf %min3A_1300, %max3A_1326 : vector<64x128xf32>
    %slice3A_1328 = vector.extract_strided_slice %slice3A_1217 {offsets = [0, 512], sizes = [64, 128], strides = [1, 1]} : vector<64x4096xf32> to vector<64x128xf32>
    %min3A_1329 = arith.constant 1.240000e+02 : f32
    %min3A_1330 = vector.broadcast %min3A_1329 : f32 to vector<64x128xf32>
    %min3A_1331 = arith.minimumf %slice3A_1328, %min3A_1330 : vector<64x128xf32>
    %bitcast_convert_type3A_1332 = tpu.bitcast %min3A_1331 : vector<64x128xf32> -> vector<64x128xi32>
    %sub3A_1333 = arith.constant 1056964608 : i32
    %sub3A_1334 = vector.broadcast %sub3A_1333 : i32 to vector<64x128xi32>
    %sub3A_1335 = arith.subi %bitcast_convert_type3A_1332, %sub3A_1334 : vector<64x128xi32>
    %shift_left3A_1336 = arith.constant 5 : i32
    %shift_left3A_1337 = vector.broadcast %shift_left3A_1336 : i32 to vector<64x128xi32>
    %shift_left3A_1338 = arith.shli %sub3A_1335, %shift_left3A_1337 : vector<64x128xi32>
    %and3A_1339 = arith.constant -4096 : i32
    %and3A_1340 = vector.broadcast %and3A_1339 : i32 to vector<64x128xi32>
    %and3A_1341 = arith.andi %shift_left3A_1338, %and3A_1340 : vector<64x128xi32>
    %get3A_1342 = arith.constant 4 : index
    %get3A_1343 = arith.constant 0 : index
    %get3A_1344 = vector.load %arg3[%get3A_1342, %get3A_1343] : memref<32x128xi32, #tpu.memory_space<vmem>>, vector<1x128xi32>
    %or3A_1345 = vector.broadcast %get3A_1344 : vector<1x128xi32> to vector<64x128xi32>
    %or3A_1346 = arith.ori %and3A_1341, %or3A_1345 : vector<64x128xi32>
    %bitcast_convert_type3A_1347 = tpu.bitcast %or3A_1346 : vector<64x128xi32> -> vector<64x128xf32>
    %min3A_1348 = arith.minimumf %min3A_1321, %bitcast_convert_type3A_1347 : vector<64x128xf32>
    %max3A_1349 = arith.maximumf %min3A_1321, %bitcast_convert_type3A_1347 : vector<64x128xf32>
    %min3A_1350 = arith.minimumf %min3A_1323, %max3A_1349 : vector<64x128xf32>
    %max3A_1351 = arith.maximumf %min3A_1323, %max3A_1349 : vector<64x128xf32>
    %min3A_1352 = arith.minimumf %min3A_1325, %max3A_1351 : vector<64x128xf32>
    %max3A_1353 = arith.maximumf %min3A_1325, %max3A_1351 : vector<64x128xf32>
    %min3A_1354 = arith.minimumf %min3A_1327, %max3A_1353 : vector<64x128xf32>
    %slice3A_1355 = vector.extract_strided_slice %slice3A_1217 {offsets = [0, 640], sizes = [64, 128], strides = [1, 1]} : vector<64x4096xf32> to vector<64x128xf32>
    %min3A_1356 = arith.constant 1.240000e+02 : f32
    %min3A_1357 = vector.broadcast %min3A_1356 : f32 to vector<64x128xf32>
    %min3A_1358 = arith.minimumf %slice3A_1355, %min3A_1357 : vector<64x128xf32>
    %bitcast_convert_type3A_1359 = tpu.bitcast %min3A_1358 : vector<64x128xf32> -> vector<64x128xi32>
    %sub3A_1360 = arith.constant 1056964608 : i32
    %sub3A_1361 = vector.broadcast %sub3A_1360 : i32 to vector<64x128xi32>
    %sub3A_1362 = arith.subi %bitcast_convert_type3A_1359, %sub3A_1361 : vector<64x128xi32>
    %shift_left3A_1363 = arith.constant 5 : i32
    %shift_left3A_1364 = vector.broadcast %shift_left3A_1363 : i32 to vector<64x128xi32>
    %shift_left3A_1365 = arith.shli %sub3A_1362, %shift_left3A_1364 : vector<64x128xi32>
    %and3A_1366 = arith.constant -4096 : i32
    %and3A_1367 = vector.broadcast %and3A_1366 : i32 to vector<64x128xi32>
    %and3A_1368 = arith.andi %shift_left3A_1365, %and3A_1367 : vector<64x128xi32>
    %get3A_1369 = arith.constant 5 : index
    %get3A_1370 = arith.constant 0 : index
    %get3A_1371 = vector.load %arg3[%get3A_1369, %get3A_1370] : memref<32x128xi32, #tpu.memory_space<vmem>>, vector<1x128xi32>
    %or3A_1372 = vector.broadcast %get3A_1371 : vector<1x128xi32> to vector<64x128xi32>
    %or3A_1373 = arith.ori %and3A_1368, %or3A_1372 : vector<64x128xi32>
    %bitcast_convert_type3A_1374 = tpu.bitcast %or3A_1373 : vector<64x128xi32> -> vector<64x128xf32>
    %min3A_1375 = arith.minimumf %min3A_1348, %bitcast_convert_type3A_1374 : vector<64x128xf32>
    %max3A_1376 = arith.maximumf %min3A_1348, %bitcast_convert_type3A_1374 : vector<64x128xf32>
    %min3A_1377 = arith.minimumf %min3A_1350, %max3A_1376 : vector<64x128xf32>
    %max3A_1378 = arith.maximumf %min3A_1350, %max3A_1376 : vector<64x128xf32>
    %min3A_1379 = arith.minimumf %min3A_1352, %max3A_1378 : vector<64x128xf32>
    %max3A_1380 = arith.maximumf %min3A_1352, %max3A_1378 : vector<64x128xf32>
    %min3A_1381 = arith.minimumf %min3A_1354, %max3A_1380 : vector<64x128xf32>
    %slice3A_1382 = vector.extract_strided_slice %slice3A_1217 {offsets = [0, 768], sizes = [64, 128], strides = [1, 1]} : vector<64x4096xf32> to vector<64x128xf32>
    %min3A_1383 = arith.constant 1.240000e+02 : f32
    %min3A_1384 = vector.broadcast %min3A_1383 : f32 to vector<64x128xf32>
    %min3A_1385 = arith.minimumf %slice3A_1382, %min3A_1384 : vector<64x128xf32>
    %bitcast_convert_type3A_1386 = tpu.bitcast %min3A_1385 : vector<64x128xf32> -> vector<64x128xi32>
    %sub3A_1387 = arith.constant 1056964608 : i32
    %sub3A_1388 = vector.broadcast %sub3A_1387 : i32 to vector<64x128xi32>
    %sub3A_1389 = arith.subi %bitcast_convert_type3A_1386, %sub3A_1388 : vector<64x128xi32>
    %shift_left3A_1390 = arith.constant 5 : i32
    %shift_left3A_1391 = vector.broadcast %shift_left3A_1390 : i32 to vector<64x128xi32>
    %shift_left3A_1392 = arith.shli %sub3A_1389, %shift_left3A_1391 : vector<64x128xi32>
    %and3A_1393 = arith.constant -4096 : i32
    %and3A_1394 = vector.broadcast %and3A_1393 : i32 to vector<64x128xi32>
    %and3A_1395 = arith.andi %shift_left3A_1392, %and3A_1394 : vector<64x128xi32>
    %get3A_1396 = arith.constant 6 : index
    %get3A_1397 = arith.constant 0 : index
    %get3A_1398 = vector.load %arg3[%get3A_1396, %get3A_1397] : memref<32x128xi32, #tpu.memory_space<vmem>>, vector<1x128xi32>
    %or3A_1399 = vector.broadcast %get3A_1398 : vector<1x128xi32> to vector<64x128xi32>
    %or3A_1400 = arith.ori %and3A_1395, %or3A_1399 : vector<64x128xi32>
    %bitcast_convert_type3A_1401 = tpu.bitcast %or3A_1400 : vector<64x128xi32> -> vector<64x128xf32>
    %min3A_1402 = arith.minimumf %min3A_1375, %bitcast_convert_type3A_1401 : vector<64x128xf32>
    %max3A_1403 = arith.maximumf %min3A_1375, %bitcast_convert_type3A_1401 : vector<64x128xf32>
    %min3A_1404 = arith.minimumf %min3A_1377, %max3A_1403 : vector<64x128xf32>
    %max3A_1405 = arith.maximumf %min3A_1377, %max3A_1403 : vector<64x128xf32>
    %min3A_1406 = arith.minimumf %min3A_1379, %max3A_1405 : vector<64x128xf32>
    %max3A_1407 = arith.maximumf %min3A_1379, %max3A_1405 : vector<64x128xf32>
    %min3A_1408 = arith.minimumf %min3A_1381, %max3A_1407 : vector<64x128xf32>
    %slice3A_1409 = vector.extract_strided_slice %slice3A_1217 {offsets = [0, 896], sizes = [64, 128], strides = [1, 1]} : vector<64x4096xf32> to vector<64x128xf32>
    %min3A_1410 = arith.constant 1.240000e+02 : f32
    %min3A_1411 = vector.broadcast %min3A_1410 : f32 to vector<64x128xf32>
    %min3A_1412 = arith.minimumf %slice3A_1409, %min3A_1411 : vector<64x128xf32>
    %bitcast_convert_type3A_1413 = tpu.bitcast %min3A_1412 : vector<64x128xf32> -> vector<64x128xi32>
    %sub3A_1414 = arith.constant 1056964608 : i32
    %sub3A_1415 = vector.broadcast %sub3A_1414 : i32 to vector<64x128xi32>
    %sub3A_1416 = arith.subi %bitcast_convert_type3A_1413, %sub3A_1415 : vector<64x128xi32>
    %shift_left3A_1417 = arith.constant 5 : i32
    %shift_left3A_1418 = vector.broadcast %shift_left3A_1417 : i32 to vector<64x128xi32>
    %shift_left3A_1419 = arith.shli %sub3A_1416, %shift_left3A_1418 : vector<64x128xi32>
    %and3A_1420 = arith.constant -4096 : i32
    %and3A_1421 = vector.broadcast %and3A_1420 : i32 to vector<64x128xi32>
    %and3A_1422 = arith.andi %shift_left3A_1419, %and3A_1421 : vector<64x128xi32>
    %get3A_1423 = arith.constant 7 : index
    %get3A_1424 = arith.constant 0 : index
    %get3A_1425 = vector.load %arg3[%get3A_1423, %get3A_1424] : memref<32x128xi32, #tpu.memory_space<vmem>>, vector<1x128xi32>
    %or3A_1426 = vector.broadcast %get3A_1425 : vector<1x128xi32> to vector<64x128xi32>
    %or3A_1427 = arith.ori %and3A_1422, %or3A_1426 : vector<64x128xi32>
    %bitcast_convert_type3A_1428 = tpu.bitcast %or3A_1427 : vector<64x128xi32> -> vector<64x128xf32>
    %min3A_1429 = arith.minimumf %min3A_1402, %bitcast_convert_type3A_1428 : vector<64x128xf32>
    %max3A_1430 = arith.maximumf %min3A_1402, %bitcast_convert_type3A_1428 : vector<64x128xf32>
    %min3A_1431 = arith.minimumf %min3A_1404, %max3A_1430 : vector<64x128xf32>
    %max3A_1432 = arith.maximumf %min3A_1404, %max3A_1430 : vector<64x128xf32>
    %min3A_1433 = arith.minimumf %min3A_1406, %max3A_1432 : vector<64x128xf32>
    %max3A_1434 = arith.maximumf %min3A_1406, %max3A_1432 : vector<64x128xf32>
    %min3A_1435 = arith.minimumf %min3A_1408, %max3A_1434 : vector<64x128xf32>
    %slice3A_1436 = vector.extract_strided_slice %slice3A_1217 {offsets = [0, 1024], sizes = [64, 128], strides = [1, 1]} : vector<64x4096xf32> to vector<64x128xf32>
    %min3A_1437 = arith.constant 1.240000e+02 : f32
    %min3A_1438 = vector.broadcast %min3A_1437 : f32 to vector<64x128xf32>
    %min3A_1439 = arith.minimumf %slice3A_1436, %min3A_1438 : vector<64x128xf32>
    %bitcast_convert_type3A_1440 = tpu.bitcast %min3A_1439 : vector<64x128xf32> -> vector<64x128xi32>
    %sub3A_1441 = arith.constant 1056964608 : i32
    %sub3A_1442 = vector.broadcast %sub3A_1441 : i32 to vector<64x128xi32>
    %sub3A_1443 = arith.subi %bitcast_convert_type3A_1440, %sub3A_1442 : vector<64x128xi32>
    %shift_left3A_1444 = arith.constant 5 : i32
    %shift_left3A_1445 = vector.broadcast %shift_left3A_1444 : i32 to vector<64x128xi32>
    %shift_left3A_1446 = arith.shli %sub3A_1443, %shift_left3A_1445 : vector<64x128xi32>
    %and3A_1447 = arith.constant -4096 : i32
    %and3A_1448 = vector.broadcast %and3A_1447 : i32 to vector<64x128xi32>
    %and3A_1449 = arith.andi %shift_left3A_1446, %and3A_1448 : vector<64x128xi32>
    %get3A_1450 = arith.constant 8 : index
    %get3A_1451 = arith.constant 0 : index
    %get3A_1452 = vector.load %arg3[%get3A_1450, %get3A_1451] : memref<32x128xi32, #tpu.memory_space<vmem>>, vector<1x128xi32>
    %or3A_1453 = vector.broadcast %get3A_1452 : vector<1x128xi32> to vector<64x128xi32>
    %or3A_1454 = arith.ori %and3A_1449, %or3A_1453 : vector<64x128xi32>
    %bitcast_convert_type3A_1455 = tpu.bitcast %or3A_1454 : vector<64x128xi32> -> vector<64x128xf32>
    %min3A_1456 = arith.minimumf %min3A_1429, %bitcast_convert_type3A_1455 : vector<64x128xf32>
    %max3A_1457 = arith.maximumf %min3A_1429, %bitcast_convert_type3A_1455 : vector<64x128xf32>
    %min3A_1458 = arith.minimumf %min3A_1431, %max3A_1457 : vector<64x128xf32>
    %max3A_1459 = arith.maximumf %min3A_1431, %max3A_1457 : vector<64x128xf32>
    %min3A_1460 = arith.minimumf %min3A_1433, %max3A_1459 : vector<64x128xf32>
    %max3A_1461 = arith.maximumf %min3A_1433, %max3A_1459 : vector<64x128xf32>
    %min3A_1462 = arith.minimumf %min3A_1435, %max3A_1461 : vector<64x128xf32>
    %slice3A_1463 = vector.extract_strided_slice %slice3A_1217 {offsets = [0, 1152], sizes = [64, 128], strides = [1, 1]} : vector<64x4096xf32> to vector<64x128xf32>
    %min3A_1464 = arith.constant 1.240000e+02 : f32
    %min3A_1465 = vector.broadcast %min3A_1464 : f32 to vector<64x128xf32>
    %min3A_1466 = arith.minimumf %slice3A_1463, %min3A_1465 : vector<64x128xf32>
    %bitcast_convert_type3A_1467 = tpu.bitcast %min3A_1466 : vector<64x128xf32> -> vector<64x128xi32>
    %sub3A_1468 = arith.constant 1056964608 : i32
    %sub3A_1469 = vector.broadcast %sub3A_1468 : i32 to vector<64x128xi32>
    %sub3A_1470 = arith.subi %bitcast_convert_type3A_1467, %sub3A_1469 : vector<64x128xi32>
    %shift_left3A_1471 = arith.constant 5 : i32
    %shift_left3A_1472 = vector.broadcast %shift_left3A_1471 : i32 to vector<64x128xi32>
    %shift_left3A_1473 = arith.shli %sub3A_1470, %shift_left3A_1472 : vector<64x128xi32>
    %and3A_1474 = arith.constant -4096 : i32
    %and3A_1475 = vector.broadcast %and3A_1474 : i32 to vector<64x128xi32>
    %and3A_1476 = arith.andi %shift_left3A_1473, %and3A_1475 : vector<64x128xi32>
    %get3A_1477 = arith.constant 9 : index
    %get3A_1478 = arith.constant 0 : index
    %get3A_1479 = vector.load %arg3[%get3A_1477, %get3A_1478] : memref<32x128xi32, #tpu.memory_space<vmem>>, vector<1x128xi32>
    %or3A_1480 = vector.broadcast %get3A_1479 : vector<1x128xi32> to vector<64x128xi32>
    %or3A_1481 = arith.ori %and3A_1476, %or3A_1480 : vector<64x128xi32>
    %bitcast_convert_type3A_1482 = tpu.bitcast %or3A_1481 : vector<64x128xi32> -> vector<64x128xf32>
    %min3A_1483 = arith.minimumf %min3A_1456, %bitcast_convert_type3A_1482 : vector<64x128xf32>
    %max3A_1484 = arith.maximumf %min3A_1456, %bitcast_convert_type3A_1482 : vector<64x128xf32>
    %min3A_1485 = arith.minimumf %min3A_1458, %max3A_1484 : vector<64x128xf32>
    %max3A_1486 = arith.maximumf %min3A_1458, %max3A_1484 : vector<64x128xf32>
    %min3A_1487 = arith.minimumf %min3A_1460, %max3A_1486 : vector<64x128xf32>
    %max3A_1488 = arith.maximumf %min3A_1460, %max3A_1486 : vector<64x128xf32>
    %min3A_1489 = arith.minimumf %min3A_1462, %max3A_1488 : vector<64x128xf32>
    %slice3A_1490 = vector.extract_strided_slice %slice3A_1217 {offsets = [0, 1280], sizes = [64, 128], strides = [1, 1]} : vector<64x4096xf32> to vector<64x128xf32>
    %min3A_1491 = arith.constant 1.240000e+02 : f32
    %min3A_1492 = vector.broadcast %min3A_1491 : f32 to vector<64x128xf32>
    %min3A_1493 = arith.minimumf %slice3A_1490, %min3A_1492 : vector<64x128xf32>
    %bitcast_convert_type3A_1494 = tpu.bitcast %min3A_1493 : vector<64x128xf32> -> vector<64x128xi32>
    %sub3A_1495 = arith.constant 1056964608 : i32
    %sub3A_1496 = vector.broadcast %sub3A_1495 : i32 to vector<64x128xi32>
    %sub3A_1497 = arith.subi %bitcast_convert_type3A_1494, %sub3A_1496 : vector<64x128xi32>
    %shift_left3A_1498 = arith.constant 5 : i32
    %shift_left3A_1499 = vector.broadcast %shift_left3A_1498 : i32 to vector<64x128xi32>
    %shift_left3A_1500 = arith.shli %sub3A_1497, %shift_left3A_1499 : vector<64x128xi32>
    %and3A_1501 = arith.constant -4096 : i32
    %and3A_1502 = vector.broadcast %and3A_1501 : i32 to vector<64x128xi32>
    %and3A_1503 = arith.andi %shift_left3A_1500, %and3A_1502 : vector<64x128xi32>
    %get3A_1504 = arith.constant 10 : index
    %get3A_1505 = arith.constant 0 : index
    %get3A_1506 = vector.load %arg3[%get3A_1504, %get3A_1505] : memref<32x128xi32, #tpu.memory_space<vmem>>, vector<1x128xi32>
    %or3A_1507 = vector.broadcast %get3A_1506 : vector<1x128xi32> to vector<64x128xi32>
    %or3A_1508 = arith.ori %and3A_1503, %or3A_1507 : vector<64x128xi32>
    %bitcast_convert_type3A_1509 = tpu.bitcast %or3A_1508 : vector<64x128xi32> -> vector<64x128xf32>
    %min3A_1510 = arith.minimumf %min3A_1483, %bitcast_convert_type3A_1509 : vector<64x128xf32>
    %max3A_1511 = arith.maximumf %min3A_1483, %bitcast_convert_type3A_1509 : vector<64x128xf32>
    %min3A_1512 = arith.minimumf %min3A_1485, %max3A_1511 : vector<64x128xf32>
    %max3A_1513 = arith.maximumf %min3A_1485, %max3A_1511 : vector<64x128xf32>
    %min3A_1514 = arith.minimumf %min3A_1487, %max3A_1513 : vector<64x128xf32>
    %max3A_1515 = arith.maximumf %min3A_1487, %max3A_1513 : vector<64x128xf32>
    %min3A_1516 = arith.minimumf %min3A_1489, %max3A_1515 : vector<64x128xf32>
    %slice3A_1517 = vector.extract_strided_slice %slice3A_1217 {offsets = [0, 1408], sizes = [64, 128], strides = [1, 1]} : vector<64x4096xf32> to vector<64x128xf32>
    %min3A_1518 = arith.constant 1.240000e+02 : f32
    %min3A_1519 = vector.broadcast %min3A_1518 : f32 to vector<64x128xf32>
    %min3A_1520 = arith.minimumf %slice3A_1517, %min3A_1519 : vector<64x128xf32>
    %bitcast_convert_type3A_1521 = tpu.bitcast %min3A_1520 : vector<64x128xf32> -> vector<64x128xi32>
    %sub3A_1522 = arith.constant 1056964608 : i32
    %sub3A_1523 = vector.broadcast %sub3A_1522 : i32 to vector<64x128xi32>
    %sub3A_1524 = arith.subi %bitcast_convert_type3A_1521, %sub3A_1523 : vector<64x128xi32>
    %shift_left3A_1525 = arith.constant 5 : i32
    %shift_left3A_1526 = vector.broadcast %shift_left3A_1525 : i32 to vector<64x128xi32>
    %shift_left3A_1527 = arith.shli %sub3A_1524, %shift_left3A_1526 : vector<64x128xi32>
    %and3A_1528 = arith.constant -4096 : i32
    %and3A_1529 = vector.broadcast %and3A_1528 : i32 to vector<64x128xi32>
    %and3A_1530 = arith.andi %shift_left3A_1527, %and3A_1529 : vector<64x128xi32>
    %get3A_1531 = arith.constant 11 : index
    %get3A_1532 = arith.constant 0 : index
    %get3A_1533 = vector.load %arg3[%get3A_1531, %get3A_1532] : memref<32x128xi32, #tpu.memory_space<vmem>>, vector<1x128xi32>
    %or3A_1534 = vector.broadcast %get3A_1533 : vector<1x128xi32> to vector<64x128xi32>
    %or3A_1535 = arith.ori %and3A_1530, %or3A_1534 : vector<64x128xi32>
    %bitcast_convert_type3A_1536 = tpu.bitcast %or3A_1535 : vector<64x128xi32> -> vector<64x128xf32>
    %min3A_1537 = arith.minimumf %min3A_1510, %bitcast_convert_type3A_1536 : vector<64x128xf32>
    %max3A_1538 = arith.maximumf %min3A_1510, %bitcast_convert_type3A_1536 : vector<64x128xf32>
    %min3A_1539 = arith.minimumf %min3A_1512, %max3A_1538 : vector<64x128xf32>
    %max3A_1540 = arith.maximumf %min3A_1512, %max3A_1538 : vector<64x128xf32>
    %min3A_1541 = arith.minimumf %min3A_1514, %max3A_1540 : vector<64x128xf32>
    %max3A_1542 = arith.maximumf %min3A_1514, %max3A_1540 : vector<64x128xf32>
    %min3A_1543 = arith.minimumf %min3A_1516, %max3A_1542 : vector<64x128xf32>
    %slice3A_1544 = vector.extract_strided_slice %slice3A_1217 {offsets = [0, 1536], sizes = [64, 128], strides = [1, 1]} : vector<64x4096xf32> to vector<64x128xf32>
    %min3A_1545 = arith.constant 1.240000e+02 : f32
    %min3A_1546 = vector.broadcast %min3A_1545 : f32 to vector<64x128xf32>
    %min3A_1547 = arith.minimumf %slice3A_1544, %min3A_1546 : vector<64x128xf32>
    %bitcast_convert_type3A_1548 = tpu.bitcast %min3A_1547 : vector<64x128xf32> -> vector<64x128xi32>
    %sub3A_1549 = arith.constant 1056964608 : i32
    %sub3A_1550 = vector.broadcast %sub3A_1549 : i32 to vector<64x128xi32>
    %sub3A_1551 = arith.subi %bitcast_convert_type3A_1548, %sub3A_1550 : vector<64x128xi32>
    %shift_left3A_1552 = arith.constant 5 : i32
    %shift_left3A_1553 = vector.broadcast %shift_left3A_1552 : i32 to vector<64x128xi32>
    %shift_left3A_1554 = arith.shli %sub3A_1551, %shift_left3A_1553 : vector<64x128xi32>
    %and3A_1555 = arith.constant -4096 : i32
    %and3A_1556 = vector.broadcast %and3A_1555 : i32 to vector<64x128xi32>
    %and3A_1557 = arith.andi %shift_left3A_1554, %and3A_1556 : vector<64x128xi32>
    %get3A_1558 = arith.constant 12 : index
    %get3A_1559 = arith.constant 0 : index
    %get3A_1560 = vector.load %arg3[%get3A_1558, %get3A_1559] : memref<32x128xi32, #tpu.memory_space<vmem>>, vector<1x128xi32>
    %or3A_1561 = vector.broadcast %get3A_1560 : vector<1x128xi32> to vector<64x128xi32>
    %or3A_1562 = arith.ori %and3A_1557, %or3A_1561 : vector<64x128xi32>
    %bitcast_convert_type3A_1563 = tpu.bitcast %or3A_1562 : vector<64x128xi32> -> vector<64x128xf32>
    %min3A_1564 = arith.minimumf %min3A_1537, %bitcast_convert_type3A_1563 : vector<64x128xf32>
    %max3A_1565 = arith.maximumf %min3A_1537, %bitcast_convert_type3A_1563 : vector<64x128xf32>
    %min3A_1566 = arith.minimumf %min3A_1539, %max3A_1565 : vector<64x128xf32>
    %max3A_1567 = arith.maximumf %min3A_1539, %max3A_1565 : vector<64x128xf32>
    %min3A_1568 = arith.minimumf %min3A_1541, %max3A_1567 : vector<64x128xf32>
    %max3A_1569 = arith.maximumf %min3A_1541, %max3A_1567 : vector<64x128xf32>
    %min3A_1570 = arith.minimumf %min3A_1543, %max3A_1569 : vector<64x128xf32>
    %slice3A_1571 = vector.extract_strided_slice %slice3A_1217 {offsets = [0, 1664], sizes = [64, 128], strides = [1, 1]} : vector<64x4096xf32> to vector<64x128xf32>
    %min3A_1572 = arith.constant 1.240000e+02 : f32
    %min3A_1573 = vector.broadcast %min3A_1572 : f32 to vector<64x128xf32>
    %min3A_1574 = arith.minimumf %slice3A_1571, %min3A_1573 : vector<64x128xf32>
    %bitcast_convert_type3A_1575 = tpu.bitcast %min3A_1574 : vector<64x128xf32> -> vector<64x128xi32>
    %sub3A_1576 = arith.constant 1056964608 : i32
    %sub3A_1577 = vector.broadcast %sub3A_1576 : i32 to vector<64x128xi32>
    %sub3A_1578 = arith.subi %bitcast_convert_type3A_1575, %sub3A_1577 : vector<64x128xi32>
    %shift_left3A_1579 = arith.constant 5 : i32
    %shift_left3A_1580 = vector.broadcast %shift_left3A_1579 : i32 to vector<64x128xi32>
    %shift_left3A_1581 = arith.shli %sub3A_1578, %shift_left3A_1580 : vector<64x128xi32>
    %and3A_1582 = arith.constant -4096 : i32
    %and3A_1583 = vector.broadcast %and3A_1582 : i32 to vector<64x128xi32>
    %and3A_1584 = arith.andi %shift_left3A_1581, %and3A_1583 : vector<64x128xi32>
    %get3A_1585 = arith.constant 13 : index
    %get3A_1586 = arith.constant 0 : index
    %get3A_1587 = vector.load %arg3[%get3A_1585, %get3A_1586] : memref<32x128xi32, #tpu.memory_space<vmem>>, vector<1x128xi32>
    %or3A_1588 = vector.broadcast %get3A_1587 : vector<1x128xi32> to vector<64x128xi32>
    %or3A_1589 = arith.ori %and3A_1584, %or3A_1588 : vector<64x128xi32>
    %bitcast_convert_type3A_1590 = tpu.bitcast %or3A_1589 : vector<64x128xi32> -> vector<64x128xf32>
    %min3A_1591 = arith.minimumf %min3A_1564, %bitcast_convert_type3A_1590 : vector<64x128xf32>
    %max3A_1592 = arith.maximumf %min3A_1564, %bitcast_convert_type3A_1590 : vector<64x128xf32>
    %min3A_1593 = arith.minimumf %min3A_1566, %max3A_1592 : vector<64x128xf32>
    %max3A_1594 = arith.maximumf %min3A_1566, %max3A_1592 : vector<64x128xf32>
    %min3A_1595 = arith.minimumf %min3A_1568, %max3A_1594 : vector<64x128xf32>
    %max3A_1596 = arith.maximumf %min3A_1568, %max3A_1594 : vector<64x128xf32>
    %min3A_1597 = arith.minimumf %min3A_1570, %max3A_1596 : vector<64x128xf32>
    %slice3A_1598 = vector.extract_strided_slice %slice3A_1217 {offsets = [0, 1792], sizes = [64, 128], strides = [1, 1]} : vector<64x4096xf32> to vector<64x128xf32>
    %min3A_1599 = arith.constant 1.240000e+02 : f32
    %min3A_1600 = vector.broadcast %min3A_1599 : f32 to vector<64x128xf32>
    %min3A_1601 = arith.minimumf %slice3A_1598, %min3A_1600 : vector<64x128xf32>
    %bitcast_convert_type3A_1602 = tpu.bitcast %min3A_1601 : vector<64x128xf32> -> vector<64x128xi32>
    %sub3A_1603 = arith.constant 1056964608 : i32
    %sub3A_1604 = vector.broadcast %sub3A_1603 : i32 to vector<64x128xi32>
    %sub3A_1605 = arith.subi %bitcast_convert_type3A_1602, %sub3A_1604 : vector<64x128xi32>
    %shift_left3A_1606 = arith.constant 5 : i32
    %shift_left3A_1607 = vector.broadcast %shift_left3A_1606 : i32 to vector<64x128xi32>
    %shift_left3A_1608 = arith.shli %sub3A_1605, %shift_left3A_1607 : vector<64x128xi32>
    %and3A_1609 = arith.constant -4096 : i32
    %and3A_1610 = vector.broadcast %and3A_1609 : i32 to vector<64x128xi32>
    %and3A_1611 = arith.andi %shift_left3A_1608, %and3A_1610 : vector<64x128xi32>
    %get3A_1612 = arith.constant 14 : index
    %get3A_1613 = arith.constant 0 : index
    %get3A_1614 = vector.load %arg3[%get3A_1612, %get3A_1613] : memref<32x128xi32, #tpu.memory_space<vmem>>, vector<1x128xi32>
    %or3A_1615 = vector.broadcast %get3A_1614 : vector<1x128xi32> to vector<64x128xi32>
    %or3A_1616 = arith.ori %and3A_1611, %or3A_1615 : vector<64x128xi32>
    %bitcast_convert_type3A_1617 = tpu.bitcast %or3A_1616 : vector<64x128xi32> -> vector<64x128xf32>
    %min3A_1618 = arith.minimumf %min3A_1591, %bitcast_convert_type3A_1617 : vector<64x128xf32>
    %max3A_1619 = arith.maximumf %min3A_1591, %bitcast_convert_type3A_1617 : vector<64x128xf32>
    %min3A_1620 = arith.minimumf %min3A_1593, %max3A_1619 : vector<64x128xf32>
    %max3A_1621 = arith.maximumf %min3A_1593, %max3A_1619 : vector<64x128xf32>
    %min3A_1622 = arith.minimumf %min3A_1595, %max3A_1621 : vector<64x128xf32>
    %max3A_1623 = arith.maximumf %min3A_1595, %max3A_1621 : vector<64x128xf32>
    %min3A_1624 = arith.minimumf %min3A_1597, %max3A_1623 : vector<64x128xf32>
    %slice3A_1625 = vector.extract_strided_slice %slice3A_1217 {offsets = [0, 1920], sizes = [64, 128], strides = [1, 1]} : vector<64x4096xf32> to vector<64x128xf32>
    %min3A_1626 = arith.constant 1.240000e+02 : f32
    %min3A_1627 = vector.broadcast %min3A_1626 : f32 to vector<64x128xf32>
    %min3A_1628 = arith.minimumf %slice3A_1625, %min3A_1627 : vector<64x128xf32>
    %bitcast_convert_type3A_1629 = tpu.bitcast %min3A_1628 : vector<64x128xf32> -> vector<64x128xi32>
    %sub3A_1630 = arith.constant 1056964608 : i32
    %sub3A_1631 = vector.broadcast %sub3A_1630 : i32 to vector<64x128xi32>
    %sub3A_1632 = arith.subi %bitcast_convert_type3A_1629, %sub3A_1631 : vector<64x128xi32>
    %shift_left3A_1633 = arith.constant 5 : i32
    %shift_left3A_1634 = vector.broadcast %shift_left3A_1633 : i32 to vector<64x128xi32>
    %shift_left3A_1635 = arith.shli %sub3A_1632, %shift_left3A_1634 : vector<64x128xi32>
    %and3A_1636 = arith.constant -4096 : i32
    %and3A_1637 = vector.broadcast %and3A_1636 : i32 to vector<64x128xi32>
    %and3A_1638 = arith.andi %shift_left3A_1635, %and3A_1637 : vector<64x128xi32>
    %get3A_1639 = arith.constant 15 : index
    %get3A_1640 = arith.constant 0 : index
    %get3A_1641 = vector.load %arg3[%get3A_1639, %get3A_1640] : memref<32x128xi32, #tpu.memory_space<vmem>>, vector<1x128xi32>
    %or3A_1642 = vector.broadcast %get3A_1641 : vector<1x128xi32> to vector<64x128xi32>
    %or3A_1643 = arith.ori %and3A_1638, %or3A_1642 : vector<64x128xi32>
    %bitcast_convert_type3A_1644 = tpu.bitcast %or3A_1643 : vector<64x128xi32> -> vector<64x128xf32>
    %min3A_1645 = arith.minimumf %min3A_1618, %bitcast_convert_type3A_1644 : vector<64x128xf32>
    %max3A_1646 = arith.maximumf %min3A_1618, %bitcast_convert_type3A_1644 : vector<64x128xf32>
    %min3A_1647 = arith.minimumf %min3A_1620, %max3A_1646 : vector<64x128xf32>
    %max3A_1648 = arith.maximumf %min3A_1620, %max3A_1646 : vector<64x128xf32>
    %min3A_1649 = arith.minimumf %min3A_1622, %max3A_1648 : vector<64x128xf32>
    %max3A_1650 = arith.maximumf %min3A_1622, %max3A_1648 : vector<64x128xf32>
    %min3A_1651 = arith.minimumf %min3A_1624, %max3A_1650 : vector<64x128xf32>
    %slice3A_1652 = vector.extract_strided_slice %slice3A_1217 {offsets = [0, 2048], sizes = [64, 128], strides = [1, 1]} : vector<64x4096xf32> to vector<64x128xf32>
    %min3A_1653 = arith.constant 1.240000e+02 : f32
    %min3A_1654 = vector.broadcast %min3A_1653 : f32 to vector<64x128xf32>
    %min3A_1655 = arith.minimumf %slice3A_1652, %min3A_1654 : vector<64x128xf32>
    %bitcast_convert_type3A_1656 = tpu.bitcast %min3A_1655 : vector<64x128xf32> -> vector<64x128xi32>
    %sub3A_1657 = arith.constant 1056964608 : i32
    %sub3A_1658 = vector.broadcast %sub3A_1657 : i32 to vector<64x128xi32>
    %sub3A_1659 = arith.subi %bitcast_convert_type3A_1656, %sub3A_1658 : vector<64x128xi32>
    %shift_left3A_1660 = arith.constant 5 : i32
    %shift_left3A_1661 = vector.broadcast %shift_left3A_1660 : i32 to vector<64x128xi32>
    %shift_left3A_1662 = arith.shli %sub3A_1659, %shift_left3A_1661 : vector<64x128xi32>
    %and3A_1663 = arith.constant -4096 : i32
    %and3A_1664 = vector.broadcast %and3A_1663 : i32 to vector<64x128xi32>
    %and3A_1665 = arith.andi %shift_left3A_1662, %and3A_1664 : vector<64x128xi32>
    %get3A_1666 = arith.constant 16 : index
    %get3A_1667 = arith.constant 0 : index
    %get3A_1668 = vector.load %arg3[%get3A_1666, %get3A_1667] : memref<32x128xi32, #tpu.memory_space<vmem>>, vector<1x128xi32>
    %or3A_1669 = vector.broadcast %get3A_1668 : vector<1x128xi32> to vector<64x128xi32>
    %or3A_1670 = arith.ori %and3A_1665, %or3A_1669 : vector<64x128xi32>
    %bitcast_convert_type3A_1671 = tpu.bitcast %or3A_1670 : vector<64x128xi32> -> vector<64x128xf32>
    %min3A_1672 = arith.minimumf %min3A_1645, %bitcast_convert_type3A_1671 : vector<64x128xf32>
    %max3A_1673 = arith.maximumf %min3A_1645, %bitcast_convert_type3A_1671 : vector<64x128xf32>
    %min3A_1674 = arith.minimumf %min3A_1647, %max3A_1673 : vector<64x128xf32>
    %max3A_1675 = arith.maximumf %min3A_1647, %max3A_1673 : vector<64x128xf32>
    %min3A_1676 = arith.minimumf %min3A_1649, %max3A_1675 : vector<64x128xf32>
    %max3A_1677 = arith.maximumf %min3A_1649, %max3A_1675 : vector<64x128xf32>
    %min3A_1678 = arith.minimumf %min3A_1651, %max3A_1677 : vector<64x128xf32>
    %slice3A_1679 = vector.extract_strided_slice %slice3A_1217 {offsets = [0, 2176], sizes = [64, 128], strides = [1, 1]} : vector<64x4096xf32> to vector<64x128xf32>
    %min3A_1680 = arith.constant 1.240000e+02 : f32
    %min3A_1681 = vector.broadcast %min3A_1680 : f32 to vector<64x128xf32>
    %min3A_1682 = arith.minimumf %slice3A_1679, %min3A_1681 : vector<64x128xf32>
    %bitcast_convert_type3A_1683 = tpu.bitcast %min3A_1682 : vector<64x128xf32> -> vector<64x128xi32>
    %sub3A_1684 = arith.constant 1056964608 : i32
    %sub3A_1685 = vector.broadcast %sub3A_1684 : i32 to vector<64x128xi32>
    %sub3A_1686 = arith.subi %bitcast_convert_type3A_1683, %sub3A_1685 : vector<64x128xi32>
    %shift_left3A_1687 = arith.constant 5 : i32
    %shift_left3A_1688 = vector.broadcast %shift_left3A_1687 : i32 to vector<64x128xi32>
    %shift_left3A_1689 = arith.shli %sub3A_1686, %shift_left3A_1688 : vector<64x128xi32>
    %and3A_1690 = arith.constant -4096 : i32
    %and3A_1691 = vector.broadcast %and3A_1690 : i32 to vector<64x128xi32>
    %and3A_1692 = arith.andi %shift_left3A_1689, %and3A_1691 : vector<64x128xi32>
    %get3A_1693 = arith.constant 17 : index
    %get3A_1694 = arith.constant 0 : index
    %get3A_1695 = vector.load %arg3[%get3A_1693, %get3A_1694] : memref<32x128xi32, #tpu.memory_space<vmem>>, vector<1x128xi32>
    %or3A_1696 = vector.broadcast %get3A_1695 : vector<1x128xi32> to vector<64x128xi32>
    %or3A_1697 = arith.ori %and3A_1692, %or3A_1696 : vector<64x128xi32>
    %bitcast_convert_type3A_1698 = tpu.bitcast %or3A_1697 : vector<64x128xi32> -> vector<64x128xf32>
    %min3A_1699 = arith.minimumf %min3A_1672, %bitcast_convert_type3A_1698 : vector<64x128xf32>
    %max3A_1700 = arith.maximumf %min3A_1672, %bitcast_convert_type3A_1698 : vector<64x128xf32>
    %min3A_1701 = arith.minimumf %min3A_1674, %max3A_1700 : vector<64x128xf32>
    %max3A_1702 = arith.maximumf %min3A_1674, %max3A_1700 : vector<64x128xf32>
    %min3A_1703 = arith.minimumf %min3A_1676, %max3A_1702 : vector<64x128xf32>
    %max3A_1704 = arith.maximumf %min3A_1676, %max3A_1702 : vector<64x128xf32>
    %min3A_1705 = arith.minimumf %min3A_1678, %max3A_1704 : vector<64x128xf32>
    %slice3A_1706 = vector.extract_strided_slice %slice3A_1217 {offsets = [0, 2304], sizes = [64, 128], strides = [1, 1]} : vector<64x4096xf32> to vector<64x128xf32>
    %min3A_1707 = arith.constant 1.240000e+02 : f32
    %min3A_1708 = vector.broadcast %min3A_1707 : f32 to vector<64x128xf32>
    %min3A_1709 = arith.minimumf %slice3A_1706, %min3A_1708 : vector<64x128xf32>
    %bitcast_convert_type3A_1710 = tpu.bitcast %min3A_1709 : vector<64x128xf32> -> vector<64x128xi32>
    %sub3A_1711 = arith.constant 1056964608 : i32
    %sub3A_1712 = vector.broadcast %sub3A_1711 : i32 to vector<64x128xi32>
    %sub3A_1713 = arith.subi %bitcast_convert_type3A_1710, %sub3A_1712 : vector<64x128xi32>
    %shift_left3A_1714 = arith.constant 5 : i32
    %shift_left3A_1715 = vector.broadcast %shift_left3A_1714 : i32 to vector<64x128xi32>
    %shift_left3A_1716 = arith.shli %sub3A_1713, %shift_left3A_1715 : vector<64x128xi32>
    %and3A_1717 = arith.constant -4096 : i32
    %and3A_1718 = vector.broadcast %and3A_1717 : i32 to vector<64x128xi32>
    %and3A_1719 = arith.andi %shift_left3A_1716, %and3A_1718 : vector<64x128xi32>
    %get3A_1720 = arith.constant 18 : index
    %get3A_1721 = arith.constant 0 : index
    %get3A_1722 = vector.load %arg3[%get3A_1720, %get3A_1721] : memref<32x128xi32, #tpu.memory_space<vmem>>, vector<1x128xi32>
    %or3A_1723 = vector.broadcast %get3A_1722 : vector<1x128xi32> to vector<64x128xi32>
    %or3A_1724 = arith.ori %and3A_1719, %or3A_1723 : vector<64x128xi32>
    %bitcast_convert_type3A_1725 = tpu.bitcast %or3A_1724 : vector<64x128xi32> -> vector<64x128xf32>
    %min3A_1726 = arith.minimumf %min3A_1699, %bitcast_convert_type3A_1725 : vector<64x128xf32>
    %max3A_1727 = arith.maximumf %min3A_1699, %bitcast_convert_type3A_1725 : vector<64x128xf32>
    %min3A_1728 = arith.minimumf %min3A_1701, %max3A_1727 : vector<64x128xf32>
    %max3A_1729 = arith.maximumf %min3A_1701, %max3A_1727 : vector<64x128xf32>
    %min3A_1730 = arith.minimumf %min3A_1703, %max3A_1729 : vector<64x128xf32>
    %max3A_1731 = arith.maximumf %min3A_1703, %max3A_1729 : vector<64x128xf32>
    %min3A_1732 = arith.minimumf %min3A_1705, %max3A_1731 : vector<64x128xf32>
    %slice3A_1733 = vector.extract_strided_slice %slice3A_1217 {offsets = [0, 2432], sizes = [64, 128], strides = [1, 1]} : vector<64x4096xf32> to vector<64x128xf32>
    %min3A_1734 = arith.constant 1.240000e+02 : f32
    %min3A_1735 = vector.broadcast %min3A_1734 : f32 to vector<64x128xf32>
    %min3A_1736 = arith.minimumf %slice3A_1733, %min3A_1735 : vector<64x128xf32>
    %bitcast_convert_type3A_1737 = tpu.bitcast %min3A_1736 : vector<64x128xf32> -> vector<64x128xi32>
    %sub3A_1738 = arith.constant 1056964608 : i32
    %sub3A_1739 = vector.broadcast %sub3A_1738 : i32 to vector<64x128xi32>
    %sub3A_1740 = arith.subi %bitcast_convert_type3A_1737, %sub3A_1739 : vector<64x128xi32>
    %shift_left3A_1741 = arith.constant 5 : i32
    %shift_left3A_1742 = vector.broadcast %shift_left3A_1741 : i32 to vector<64x128xi32>
    %shift_left3A_1743 = arith.shli %sub3A_1740, %shift_left3A_1742 : vector<64x128xi32>
    %and3A_1744 = arith.constant -4096 : i32
    %and3A_1745 = vector.broadcast %and3A_1744 : i32 to vector<64x128xi32>
    %and3A_1746 = arith.andi %shift_left3A_1743, %and3A_1745 : vector<64x128xi32>
    %get3A_1747 = arith.constant 19 : index
    %get3A_1748 = arith.constant 0 : index
    %get3A_1749 = vector.load %arg3[%get3A_1747, %get3A_1748] : memref<32x128xi32, #tpu.memory_space<vmem>>, vector<1x128xi32>
    %or3A_1750 = vector.broadcast %get3A_1749 : vector<1x128xi32> to vector<64x128xi32>
    %or3A_1751 = arith.ori %and3A_1746, %or3A_1750 : vector<64x128xi32>
    %bitcast_convert_type3A_1752 = tpu.bitcast %or3A_1751 : vector<64x128xi32> -> vector<64x128xf32>
    %min3A_1753 = arith.minimumf %min3A_1726, %bitcast_convert_type3A_1752 : vector<64x128xf32>
    %max3A_1754 = arith.maximumf %min3A_1726, %bitcast_convert_type3A_1752 : vector<64x128xf32>
    %min3A_1755 = arith.minimumf %min3A_1728, %max3A_1754 : vector<64x128xf32>
    %max3A_1756 = arith.maximumf %min3A_1728, %max3A_1754 : vector<64x128xf32>
    %min3A_1757 = arith.minimumf %min3A_1730, %max3A_1756 : vector<64x128xf32>
    %max3A_1758 = arith.maximumf %min3A_1730, %max3A_1756 : vector<64x128xf32>
    %min3A_1759 = arith.minimumf %min3A_1732, %max3A_1758 : vector<64x128xf32>
    %slice3A_1760 = vector.extract_strided_slice %slice3A_1217 {offsets = [0, 2560], sizes = [64, 128], strides = [1, 1]} : vector<64x4096xf32> to vector<64x128xf32>
    %min3A_1761 = arith.constant 1.240000e+02 : f32
    %min3A_1762 = vector.broadcast %min3A_1761 : f32 to vector<64x128xf32>
    %min3A_1763 = arith.minimumf %slice3A_1760, %min3A_1762 : vector<64x128xf32>
    %bitcast_convert_type3A_1764 = tpu.bitcast %min3A_1763 : vector<64x128xf32> -> vector<64x128xi32>
    %sub3A_1765 = arith.constant 1056964608 : i32
    %sub3A_1766 = vector.broadcast %sub3A_1765 : i32 to vector<64x128xi32>
    %sub3A_1767 = arith.subi %bitcast_convert_type3A_1764, %sub3A_1766 : vector<64x128xi32>
    %shift_left3A_1768 = arith.constant 5 : i32
    %shift_left3A_1769 = vector.broadcast %shift_left3A_1768 : i32 to vector<64x128xi32>
    %shift_left3A_1770 = arith.shli %sub3A_1767, %shift_left3A_1769 : vector<64x128xi32>
    %and3A_1771 = arith.constant -4096 : i32
    %and3A_1772 = vector.broadcast %and3A_1771 : i32 to vector<64x128xi32>
    %and3A_1773 = arith.andi %shift_left3A_1770, %and3A_1772 : vector<64x128xi32>
    %get3A_1774 = arith.constant 20 : index
    %get3A_1775 = arith.constant 0 : index
    %get3A_1776 = vector.load %arg3[%get3A_1774, %get3A_1775] : memref<32x128xi32, #tpu.memory_space<vmem>>, vector<1x128xi32>
    %or3A_1777 = vector.broadcast %get3A_1776 : vector<1x128xi32> to vector<64x128xi32>
    %or3A_1778 = arith.ori %and3A_1773, %or3A_1777 : vector<64x128xi32>
    %bitcast_convert_type3A_1779 = tpu.bitcast %or3A_1778 : vector<64x128xi32> -> vector<64x128xf32>
    %min3A_1780 = arith.minimumf %min3A_1753, %bitcast_convert_type3A_1779 : vector<64x128xf32>
    %max3A_1781 = arith.maximumf %min3A_1753, %bitcast_convert_type3A_1779 : vector<64x128xf32>
    %min3A_1782 = arith.minimumf %min3A_1755, %max3A_1781 : vector<64x128xf32>
    %max3A_1783 = arith.maximumf %min3A_1755, %max3A_1781 : vector<64x128xf32>
    %min3A_1784 = arith.minimumf %min3A_1757, %max3A_1783 : vector<64x128xf32>
    %max3A_1785 = arith.maximumf %min3A_1757, %max3A_1783 : vector<64x128xf32>
    %min3A_1786 = arith.minimumf %min3A_1759, %max3A_1785 : vector<64x128xf32>
    %slice3A_1787 = vector.extract_strided_slice %slice3A_1217 {offsets = [0, 2688], sizes = [64, 128], strides = [1, 1]} : vector<64x4096xf32> to vector<64x128xf32>
    %min3A_1788 = arith.constant 1.240000e+02 : f32
    %min3A_1789 = vector.broadcast %min3A_1788 : f32 to vector<64x128xf32>
    %min3A_1790 = arith.minimumf %slice3A_1787, %min3A_1789 : vector<64x128xf32>
    %bitcast_convert_type3A_1791 = tpu.bitcast %min3A_1790 : vector<64x128xf32> -> vector<64x128xi32>
    %sub3A_1792 = arith.constant 1056964608 : i32
    %sub3A_1793 = vector.broadcast %sub3A_1792 : i32 to vector<64x128xi32>
    %sub3A_1794 = arith.subi %bitcast_convert_type3A_1791, %sub3A_1793 : vector<64x128xi32>
    %shift_left3A_1795 = arith.constant 5 : i32
    %shift_left3A_1796 = vector.broadcast %shift_left3A_1795 : i32 to vector<64x128xi32>
    %shift_left3A_1797 = arith.shli %sub3A_1794, %shift_left3A_1796 : vector<64x128xi32>
    %and3A_1798 = arith.constant -4096 : i32
    %and3A_1799 = vector.broadcast %and3A_1798 : i32 to vector<64x128xi32>
    %and3A_1800 = arith.andi %shift_left3A_1797, %and3A_1799 : vector<64x128xi32>
    %get3A_1801 = arith.constant 21 : index
    %get3A_1802 = arith.constant 0 : index
    %get3A_1803 = vector.load %arg3[%get3A_1801, %get3A_1802] : memref<32x128xi32, #tpu.memory_space<vmem>>, vector<1x128xi32>
    %or3A_1804 = vector.broadcast %get3A_1803 : vector<1x128xi32> to vector<64x128xi32>
    %or3A_1805 = arith.ori %and3A_1800, %or3A_1804 : vector<64x128xi32>
    %bitcast_convert_type3A_1806 = tpu.bitcast %or3A_1805 : vector<64x128xi32> -> vector<64x128xf32>
    %min3A_1807 = arith.minimumf %min3A_1780, %bitcast_convert_type3A_1806 : vector<64x128xf32>
    %max3A_1808 = arith.maximumf %min3A_1780, %bitcast_convert_type3A_1806 : vector<64x128xf32>
    %min3A_1809 = arith.minimumf %min3A_1782, %max3A_1808 : vector<64x128xf32>
    %max3A_1810 = arith.maximumf %min3A_1782, %max3A_1808 : vector<64x128xf32>
    %min3A_1811 = arith.minimumf %min3A_1784, %max3A_1810 : vector<64x128xf32>
    %max3A_1812 = arith.maximumf %min3A_1784, %max3A_1810 : vector<64x128xf32>
    %min3A_1813 = arith.minimumf %min3A_1786, %max3A_1812 : vector<64x128xf32>
    %slice3A_1814 = vector.extract_strided_slice %slice3A_1217 {offsets = [0, 2816], sizes = [64, 128], strides = [1, 1]} : vector<64x4096xf32> to vector<64x128xf32>
    %min3A_1815 = arith.constant 1.240000e+02 : f32
    %min3A_1816 = vector.broadcast %min3A_1815 : f32 to vector<64x128xf32>
    %min3A_1817 = arith.minimumf %slice3A_1814, %min3A_1816 : vector<64x128xf32>
    %bitcast_convert_type3A_1818 = tpu.bitcast %min3A_1817 : vector<64x128xf32> -> vector<64x128xi32>
    %sub3A_1819 = arith.constant 1056964608 : i32
    %sub3A_1820 = vector.broadcast %sub3A_1819 : i32 to vector<64x128xi32>
    %sub3A_1821 = arith.subi %bitcast_convert_type3A_1818, %sub3A_1820 : vector<64x128xi32>
    %shift_left3A_1822 = arith.constant 5 : i32
    %shift_left3A_1823 = vector.broadcast %shift_left3A_1822 : i32 to vector<64x128xi32>
    %shift_left3A_1824 = arith.shli %sub3A_1821, %shift_left3A_1823 : vector<64x128xi32>
    %and3A_1825 = arith.constant -4096 : i32
    %and3A_1826 = vector.broadcast %and3A_1825 : i32 to vector<64x128xi32>
    %and3A_1827 = arith.andi %shift_left3A_1824, %and3A_1826 : vector<64x128xi32>
    %get3A_1828 = arith.constant 22 : index
    %get3A_1829 = arith.constant 0 : index
    %get3A_1830 = vector.load %arg3[%get3A_1828, %get3A_1829] : memref<32x128xi32, #tpu.memory_space<vmem>>, vector<1x128xi32>
    %or3A_1831 = vector.broadcast %get3A_1830 : vector<1x128xi32> to vector<64x128xi32>
    %or3A_1832 = arith.ori %and3A_1827, %or3A_1831 : vector<64x128xi32>
    %bitcast_convert_type3A_1833 = tpu.bitcast %or3A_1832 : vector<64x128xi32> -> vector<64x128xf32>
    %min3A_1834 = arith.minimumf %min3A_1807, %bitcast_convert_type3A_1833 : vector<64x128xf32>
    %max3A_1835 = arith.maximumf %min3A_1807, %bitcast_convert_type3A_1833 : vector<64x128xf32>
    %min3A_1836 = arith.minimumf %min3A_1809, %max3A_1835 : vector<64x128xf32>
    %max3A_1837 = arith.maximumf %min3A_1809, %max3A_1835 : vector<64x128xf32>
    %min3A_1838 = arith.minimumf %min3A_1811, %max3A_1837 : vector<64x128xf32>
    %max3A_1839 = arith.maximumf %min3A_1811, %max3A_1837 : vector<64x128xf32>
    %min3A_1840 = arith.minimumf %min3A_1813, %max3A_1839 : vector<64x128xf32>
    %slice3A_1841 = vector.extract_strided_slice %slice3A_1217 {offsets = [0, 2944], sizes = [64, 128], strides = [1, 1]} : vector<64x4096xf32> to vector<64x128xf32>
    %min3A_1842 = arith.constant 1.240000e+02 : f32
    %min3A_1843 = vector.broadcast %min3A_1842 : f32 to vector<64x128xf32>
    %min3A_1844 = arith.minimumf %slice3A_1841, %min3A_1843 : vector<64x128xf32>
    %bitcast_convert_type3A_1845 = tpu.bitcast %min3A_1844 : vector<64x128xf32> -> vector<64x128xi32>
    %sub3A_1846 = arith.constant 1056964608 : i32
    %sub3A_1847 = vector.broadcast %sub3A_1846 : i32 to vector<64x128xi32>
    %sub3A_1848 = arith.subi %bitcast_convert_type3A_1845, %sub3A_1847 : vector<64x128xi32>
    %shift_left3A_1849 = arith.constant 5 : i32
    %shift_left3A_1850 = vector.broadcast %shift_left3A_1849 : i32 to vector<64x128xi32>
    %shift_left3A_1851 = arith.shli %sub3A_1848, %shift_left3A_1850 : vector<64x128xi32>
    %and3A_1852 = arith.constant -4096 : i32
    %and3A_1853 = vector.broadcast %and3A_1852 : i32 to vector<64x128xi32>
    %and3A_1854 = arith.andi %shift_left3A_1851, %and3A_1853 : vector<64x128xi32>
    %get3A_1855 = arith.constant 23 : index
    %get3A_1856 = arith.constant 0 : index
    %get3A_1857 = vector.load %arg3[%get3A_1855, %get3A_1856] : memref<32x128xi32, #tpu.memory_space<vmem>>, vector<1x128xi32>
    %or3A_1858 = vector.broadcast %get3A_1857 : vector<1x128xi32> to vector<64x128xi32>
    %or3A_1859 = arith.ori %and3A_1854, %or3A_1858 : vector<64x128xi32>
    %bitcast_convert_type3A_1860 = tpu.bitcast %or3A_1859 : vector<64x128xi32> -> vector<64x128xf32>
    %min3A_1861 = arith.minimumf %min3A_1834, %bitcast_convert_type3A_1860 : vector<64x128xf32>
    %max3A_1862 = arith.maximumf %min3A_1834, %bitcast_convert_type3A_1860 : vector<64x128xf32>
    %min3A_1863 = arith.minimumf %min3A_1836, %max3A_1862 : vector<64x128xf32>
    %max3A_1864 = arith.maximumf %min3A_1836, %max3A_1862 : vector<64x128xf32>
    %min3A_1865 = arith.minimumf %min3A_1838, %max3A_1864 : vector<64x128xf32>
    %max3A_1866 = arith.maximumf %min3A_1838, %max3A_1864 : vector<64x128xf32>
    %min3A_1867 = arith.minimumf %min3A_1840, %max3A_1866 : vector<64x128xf32>
    %slice3A_1868 = vector.extract_strided_slice %slice3A_1217 {offsets = [0, 3072], sizes = [64, 128], strides = [1, 1]} : vector<64x4096xf32> to vector<64x128xf32>
    %min3A_1869 = arith.constant 1.240000e+02 : f32
    %min3A_1870 = vector.broadcast %min3A_1869 : f32 to vector<64x128xf32>
    %min3A_1871 = arith.minimumf %slice3A_1868, %min3A_1870 : vector<64x128xf32>
    %bitcast_convert_type3A_1872 = tpu.bitcast %min3A_1871 : vector<64x128xf32> -> vector<64x128xi32>
    %sub3A_1873 = arith.constant 1056964608 : i32
    %sub3A_1874 = vector.broadcast %sub3A_1873 : i32 to vector<64x128xi32>
    %sub3A_1875 = arith.subi %bitcast_convert_type3A_1872, %sub3A_1874 : vector<64x128xi32>
    %shift_left3A_1876 = arith.constant 5 : i32
    %shift_left3A_1877 = vector.broadcast %shift_left3A_1876 : i32 to vector<64x128xi32>
    %shift_left3A_1878 = arith.shli %sub3A_1875, %shift_left3A_1877 : vector<64x128xi32>
    %and3A_1879 = arith.constant -4096 : i32
    %and3A_1880 = vector.broadcast %and3A_1879 : i32 to vector<64x128xi32>
    %and3A_1881 = arith.andi %shift_left3A_1878, %and3A_1880 : vector<64x128xi32>
    %get3A_1882 = arith.constant 24 : index
    %get3A_1883 = arith.constant 0 : index
    %get3A_1884 = vector.load %arg3[%get3A_1882, %get3A_1883] : memref<32x128xi32, #tpu.memory_space<vmem>>, vector<1x128xi32>
    %or3A_1885 = vector.broadcast %get3A_1884 : vector<1x128xi32> to vector<64x128xi32>
    %or3A_1886 = arith.ori %and3A_1881, %or3A_1885 : vector<64x128xi32>
    %bitcast_convert_type3A_1887 = tpu.bitcast %or3A_1886 : vector<64x128xi32> -> vector<64x128xf32>
    %min3A_1888 = arith.minimumf %min3A_1861, %bitcast_convert_type3A_1887 : vector<64x128xf32>
    %max3A_1889 = arith.maximumf %min3A_1861, %bitcast_convert_type3A_1887 : vector<64x128xf32>
    %min3A_1890 = arith.minimumf %min3A_1863, %max3A_1889 : vector<64x128xf32>
    %max3A_1891 = arith.maximumf %min3A_1863, %max3A_1889 : vector<64x128xf32>
    %min3A_1892 = arith.minimumf %min3A_1865, %max3A_1891 : vector<64x128xf32>
    %max3A_1893 = arith.maximumf %min3A_1865, %max3A_1891 : vector<64x128xf32>
    %min3A_1894 = arith.minimumf %min3A_1867, %max3A_1893 : vector<64x128xf32>
    %slice3A_1895 = vector.extract_strided_slice %slice3A_1217 {offsets = [0, 3200], sizes = [64, 128], strides = [1, 1]} : vector<64x4096xf32> to vector<64x128xf32>
    %min3A_1896 = arith.constant 1.240000e+02 : f32
    %min3A_1897 = vector.broadcast %min3A_1896 : f32 to vector<64x128xf32>
    %min3A_1898 = arith.minimumf %slice3A_1895, %min3A_1897 : vector<64x128xf32>
    %bitcast_convert_type3A_1899 = tpu.bitcast %min3A_1898 : vector<64x128xf32> -> vector<64x128xi32>
    %sub3A_1900 = arith.constant 1056964608 : i32
    %sub3A_1901 = vector.broadcast %sub3A_1900 : i32 to vector<64x128xi32>
    %sub3A_1902 = arith.subi %bitcast_convert_type3A_1899, %sub3A_1901 : vector<64x128xi32>
    %shift_left3A_1903 = arith.constant 5 : i32
    %shift_left3A_1904 = vector.broadcast %shift_left3A_1903 : i32 to vector<64x128xi32>
    %shift_left3A_1905 = arith.shli %sub3A_1902, %shift_left3A_1904 : vector<64x128xi32>
    %and3A_1906 = arith.constant -4096 : i32
    %and3A_1907 = vector.broadcast %and3A_1906 : i32 to vector<64x128xi32>
    %and3A_1908 = arith.andi %shift_left3A_1905, %and3A_1907 : vector<64x128xi32>
    %get3A_1909 = arith.constant 25 : index
    %get3A_1910 = arith.constant 0 : index
    %get3A_1911 = vector.load %arg3[%get3A_1909, %get3A_1910] : memref<32x128xi32, #tpu.memory_space<vmem>>, vector<1x128xi32>
    %or3A_1912 = vector.broadcast %get3A_1911 : vector<1x128xi32> to vector<64x128xi32>
    %or3A_1913 = arith.ori %and3A_1908, %or3A_1912 : vector<64x128xi32>
    %bitcast_convert_type3A_1914 = tpu.bitcast %or3A_1913 : vector<64x128xi32> -> vector<64x128xf32>
    %min3A_1915 = arith.minimumf %min3A_1888, %bitcast_convert_type3A_1914 : vector<64x128xf32>
    %max3A_1916 = arith.maximumf %min3A_1888, %bitcast_convert_type3A_1914 : vector<64x128xf32>
    %min3A_1917 = arith.minimumf %min3A_1890, %max3A_1916 : vector<64x128xf32>
    %max3A_1918 = arith.maximumf %min3A_1890, %max3A_1916 : vector<64x128xf32>
    %min3A_1919 = arith.minimumf %min3A_1892, %max3A_1918 : vector<64x128xf32>
    %max3A_1920 = arith.maximumf %min3A_1892, %max3A_1918 : vector<64x128xf32>
    %min3A_1921 = arith.minimumf %min3A_1894, %max3A_1920 : vector<64x128xf32>
    %slice3A_1922 = vector.extract_strided_slice %slice3A_1217 {offsets = [0, 3328], sizes = [64, 128], strides = [1, 1]} : vector<64x4096xf32> to vector<64x128xf32>
    %min3A_1923 = arith.constant 1.240000e+02 : f32
    %min3A_1924 = vector.broadcast %min3A_1923 : f32 to vector<64x128xf32>
    %min3A_1925 = arith.minimumf %slice3A_1922, %min3A_1924 : vector<64x128xf32>
    %bitcast_convert_type3A_1926 = tpu.bitcast %min3A_1925 : vector<64x128xf32> -> vector<64x128xi32>
    %sub3A_1927 = arith.constant 1056964608 : i32
    %sub3A_1928 = vector.broadcast %sub3A_1927 : i32 to vector<64x128xi32>
    %sub3A_1929 = arith.subi %bitcast_convert_type3A_1926, %sub3A_1928 : vector<64x128xi32>
    %shift_left3A_1930 = arith.constant 5 : i32
    %shift_left3A_1931 = vector.broadcast %shift_left3A_1930 : i32 to vector<64x128xi32>
    %shift_left3A_1932 = arith.shli %sub3A_1929, %shift_left3A_1931 : vector<64x128xi32>
    %and3A_1933 = arith.constant -4096 : i32
    %and3A_1934 = vector.broadcast %and3A_1933 : i32 to vector<64x128xi32>
    %and3A_1935 = arith.andi %shift_left3A_1932, %and3A_1934 : vector<64x128xi32>
    %get3A_1936 = arith.constant 26 : index
    %get3A_1937 = arith.constant 0 : index
    %get3A_1938 = vector.load %arg3[%get3A_1936, %get3A_1937] : memref<32x128xi32, #tpu.memory_space<vmem>>, vector<1x128xi32>
    %or3A_1939 = vector.broadcast %get3A_1938 : vector<1x128xi32> to vector<64x128xi32>
    %or3A_1940 = arith.ori %and3A_1935, %or3A_1939 : vector<64x128xi32>
    %bitcast_convert_type3A_1941 = tpu.bitcast %or3A_1940 : vector<64x128xi32> -> vector<64x128xf32>
    %min3A_1942 = arith.minimumf %min3A_1915, %bitcast_convert_type3A_1941 : vector<64x128xf32>
    %max3A_1943 = arith.maximumf %min3A_1915, %bitcast_convert_type3A_1941 : vector<64x128xf32>
    %min3A_1944 = arith.minimumf %min3A_1917, %max3A_1943 : vector<64x128xf32>
    %max3A_1945 = arith.maximumf %min3A_1917, %max3A_1943 : vector<64x128xf32>
    %min3A_1946 = arith.minimumf %min3A_1919, %max3A_1945 : vector<64x128xf32>
    %max3A_1947 = arith.maximumf %min3A_1919, %max3A_1945 : vector<64x128xf32>
    %min3A_1948 = arith.minimumf %min3A_1921, %max3A_1947 : vector<64x128xf32>
    %slice3A_1949 = vector.extract_strided_slice %slice3A_1217 {offsets = [0, 3456], sizes = [64, 128], strides = [1, 1]} : vector<64x4096xf32> to vector<64x128xf32>
    %min3A_1950 = arith.constant 1.240000e+02 : f32
    %min3A_1951 = vector.broadcast %min3A_1950 : f32 to vector<64x128xf32>
    %min3A_1952 = arith.minimumf %slice3A_1949, %min3A_1951 : vector<64x128xf32>
    %bitcast_convert_type3A_1953 = tpu.bitcast %min3A_1952 : vector<64x128xf32> -> vector<64x128xi32>
    %sub3A_1954 = arith.constant 1056964608 : i32
    %sub3A_1955 = vector.broadcast %sub3A_1954 : i32 to vector<64x128xi32>
    %sub3A_1956 = arith.subi %bitcast_convert_type3A_1953, %sub3A_1955 : vector<64x128xi32>
    %shift_left3A_1957 = arith.constant 5 : i32
    %shift_left3A_1958 = vector.broadcast %shift_left3A_1957 : i32 to vector<64x128xi32>
    %shift_left3A_1959 = arith.shli %sub3A_1956, %shift_left3A_1958 : vector<64x128xi32>
    %and3A_1960 = arith.constant -4096 : i32
    %and3A_1961 = vector.broadcast %and3A_1960 : i32 to vector<64x128xi32>
    %and3A_1962 = arith.andi %shift_left3A_1959, %and3A_1961 : vector<64x128xi32>
    %get3A_1963 = arith.constant 27 : index
    %get3A_1964 = arith.constant 0 : index
    %get3A_1965 = vector.load %arg3[%get3A_1963, %get3A_1964] : memref<32x128xi32, #tpu.memory_space<vmem>>, vector<1x128xi32>
    %or3A_1966 = vector.broadcast %get3A_1965 : vector<1x128xi32> to vector<64x128xi32>
    %or3A_1967 = arith.ori %and3A_1962, %or3A_1966 : vector<64x128xi32>
    %bitcast_convert_type3A_1968 = tpu.bitcast %or3A_1967 : vector<64x128xi32> -> vector<64x128xf32>
    %min3A_1969 = arith.minimumf %min3A_1942, %bitcast_convert_type3A_1968 : vector<64x128xf32>
    %max3A_1970 = arith.maximumf %min3A_1942, %bitcast_convert_type3A_1968 : vector<64x128xf32>
    %min3A_1971 = arith.minimumf %min3A_1944, %max3A_1970 : vector<64x128xf32>
    %max3A_1972 = arith.maximumf %min3A_1944, %max3A_1970 : vector<64x128xf32>
    %min3A_1973 = arith.minimumf %min3A_1946, %max3A_1972 : vector<64x128xf32>
    %max3A_1974 = arith.maximumf %min3A_1946, %max3A_1972 : vector<64x128xf32>
    %min3A_1975 = arith.minimumf %min3A_1948, %max3A_1974 : vector<64x128xf32>
    %slice3A_1976 = vector.extract_strided_slice %slice3A_1217 {offsets = [0, 3584], sizes = [64, 128], strides = [1, 1]} : vector<64x4096xf32> to vector<64x128xf32>
    %min3A_1977 = arith.constant 1.240000e+02 : f32
    %min3A_1978 = vector.broadcast %min3A_1977 : f32 to vector<64x128xf32>
    %min3A_1979 = arith.minimumf %slice3A_1976, %min3A_1978 : vector<64x128xf32>
    %bitcast_convert_type3A_1980 = tpu.bitcast %min3A_1979 : vector<64x128xf32> -> vector<64x128xi32>
    %sub3A_1981 = arith.constant 1056964608 : i32
    %sub3A_1982 = vector.broadcast %sub3A_1981 : i32 to vector<64x128xi32>
    %sub3A_1983 = arith.subi %bitcast_convert_type3A_1980, %sub3A_1982 : vector<64x128xi32>
    %shift_left3A_1984 = arith.constant 5 : i32
    %shift_left3A_1985 = vector.broadcast %shift_left3A_1984 : i32 to vector<64x128xi32>
    %shift_left3A_1986 = arith.shli %sub3A_1983, %shift_left3A_1985 : vector<64x128xi32>
    %and3A_1987 = arith.constant -4096 : i32
    %and3A_1988 = vector.broadcast %and3A_1987 : i32 to vector<64x128xi32>
    %and3A_1989 = arith.andi %shift_left3A_1986, %and3A_1988 : vector<64x128xi32>
    %get3A_1990 = arith.constant 28 : index
    %get3A_1991 = arith.constant 0 : index
    %get3A_1992 = vector.load %arg3[%get3A_1990, %get3A_1991] : memref<32x128xi32, #tpu.memory_space<vmem>>, vector<1x128xi32>
    %or3A_1993 = vector.broadcast %get3A_1992 : vector<1x128xi32> to vector<64x128xi32>
    %or3A_1994 = arith.ori %and3A_1989, %or3A_1993 : vector<64x128xi32>
    %bitcast_convert_type3A_1995 = tpu.bitcast %or3A_1994 : vector<64x128xi32> -> vector<64x128xf32>
    %min3A_1996 = arith.minimumf %min3A_1969, %bitcast_convert_type3A_1995 : vector<64x128xf32>
    %max3A_1997 = arith.maximumf %min3A_1969, %bitcast_convert_type3A_1995 : vector<64x128xf32>
    %min3A_1998 = arith.minimumf %min3A_1971, %max3A_1997 : vector<64x128xf32>
    %max3A_1999 = arith.maximumf %min3A_1971, %max3A_1997 : vector<64x128xf32>
    %min3A_2000 = arith.minimumf %min3A_1973, %max3A_1999 : vector<64x128xf32>
    %max3A_2001 = arith.maximumf %min3A_1973, %max3A_1999 : vector<64x128xf32>
    %min3A_2002 = arith.minimumf %min3A_1975, %max3A_2001 : vector<64x128xf32>
    %slice3A_2003 = vector.extract_strided_slice %slice3A_1217 {offsets = [0, 3712], sizes = [64, 128], strides = [1, 1]} : vector<64x4096xf32> to vector<64x128xf32>
    %min3A_2004 = arith.constant 1.240000e+02 : f32
    %min3A_2005 = vector.broadcast %min3A_2004 : f32 to vector<64x128xf32>
    %min3A_2006 = arith.minimumf %slice3A_2003, %min3A_2005 : vector<64x128xf32>
    %bitcast_convert_type3A_2007 = tpu.bitcast %min3A_2006 : vector<64x128xf32> -> vector<64x128xi32>
    %sub3A_2008 = arith.constant 1056964608 : i32
    %sub3A_2009 = vector.broadcast %sub3A_2008 : i32 to vector<64x128xi32>
    %sub3A_2010 = arith.subi %bitcast_convert_type3A_2007, %sub3A_2009 : vector<64x128xi32>
    %shift_left3A_2011 = arith.constant 5 : i32
    %shift_left3A_2012 = vector.broadcast %shift_left3A_2011 : i32 to vector<64x128xi32>
    %shift_left3A_2013 = arith.shli %sub3A_2010, %shift_left3A_2012 : vector<64x128xi32>
    %and3A_2014 = arith.constant -4096 : i32
    %and3A_2015 = vector.broadcast %and3A_2014 : i32 to vector<64x128xi32>
    %and3A_2016 = arith.andi %shift_left3A_2013, %and3A_2015 : vector<64x128xi32>
    %get3A_2017 = arith.constant 29 : index
    %get3A_2018 = arith.constant 0 : index
    %get3A_2019 = vector.load %arg3[%get3A_2017, %get3A_2018] : memref<32x128xi32, #tpu.memory_space<vmem>>, vector<1x128xi32>
    %or3A_2020 = vector.broadcast %get3A_2019 : vector<1x128xi32> to vector<64x128xi32>
    %or3A_2021 = arith.ori %and3A_2016, %or3A_2020 : vector<64x128xi32>
    %bitcast_convert_type3A_2022 = tpu.bitcast %or3A_2021 : vector<64x128xi32> -> vector<64x128xf32>
    %min3A_2023 = arith.minimumf %min3A_1996, %bitcast_convert_type3A_2022 : vector<64x128xf32>
    %max3A_2024 = arith.maximumf %min3A_1996, %bitcast_convert_type3A_2022 : vector<64x128xf32>
    %min3A_2025 = arith.minimumf %min3A_1998, %max3A_2024 : vector<64x128xf32>
    %max3A_2026 = arith.maximumf %min3A_1998, %max3A_2024 : vector<64x128xf32>
    %min3A_2027 = arith.minimumf %min3A_2000, %max3A_2026 : vector<64x128xf32>
    %max3A_2028 = arith.maximumf %min3A_2000, %max3A_2026 : vector<64x128xf32>
    %min3A_2029 = arith.minimumf %min3A_2002, %max3A_2028 : vector<64x128xf32>
    %slice3A_2030 = vector.extract_strided_slice %slice3A_1217 {offsets = [0, 3840], sizes = [64, 128], strides = [1, 1]} : vector<64x4096xf32> to vector<64x128xf32>
    %min3A_2031 = arith.constant 1.240000e+02 : f32
    %min3A_2032 = vector.broadcast %min3A_2031 : f32 to vector<64x128xf32>
    %min3A_2033 = arith.minimumf %slice3A_2030, %min3A_2032 : vector<64x128xf32>
    %bitcast_convert_type3A_2034 = tpu.bitcast %min3A_2033 : vector<64x128xf32> -> vector<64x128xi32>
    %sub3A_2035 = arith.constant 1056964608 : i32
    %sub3A_2036 = vector.broadcast %sub3A_2035 : i32 to vector<64x128xi32>
    %sub3A_2037 = arith.subi %bitcast_convert_type3A_2034, %sub3A_2036 : vector<64x128xi32>
    %shift_left3A_2038 = arith.constant 5 : i32
    %shift_left3A_2039 = vector.broadcast %shift_left3A_2038 : i32 to vector<64x128xi32>
    %shift_left3A_2040 = arith.shli %sub3A_2037, %shift_left3A_2039 : vector<64x128xi32>
    %and3A_2041 = arith.constant -4096 : i32
    %and3A_2042 = vector.broadcast %and3A_2041 : i32 to vector<64x128xi32>
    %and3A_2043 = arith.andi %shift_left3A_2040, %and3A_2042 : vector<64x128xi32>
    %get3A_2044 = arith.constant 30 : index
    %get3A_2045 = arith.constant 0 : index
    %get3A_2046 = vector.load %arg3[%get3A_2044, %get3A_2045] : memref<32x128xi32, #tpu.memory_space<vmem>>, vector<1x128xi32>
    %or3A_2047 = vector.broadcast %get3A_2046 : vector<1x128xi32> to vector<64x128xi32>
    %or3A_2048 = arith.ori %and3A_2043, %or3A_2047 : vector<64x128xi32>
    %bitcast_convert_type3A_2049 = tpu.bitcast %or3A_2048 : vector<64x128xi32> -> vector<64x128xf32>
    %min3A_2050 = arith.minimumf %min3A_2023, %bitcast_convert_type3A_2049 : vector<64x128xf32>
    %max3A_2051 = arith.maximumf %min3A_2023, %bitcast_convert_type3A_2049 : vector<64x128xf32>
    %min3A_2052 = arith.minimumf %min3A_2025, %max3A_2051 : vector<64x128xf32>
    %max3A_2053 = arith.maximumf %min3A_2025, %max3A_2051 : vector<64x128xf32>
    %min3A_2054 = arith.minimumf %min3A_2027, %max3A_2053 : vector<64x128xf32>
    %max3A_2055 = arith.maximumf %min3A_2027, %max3A_2053 : vector<64x128xf32>
    %min3A_2056 = arith.minimumf %min3A_2029, %max3A_2055 : vector<64x128xf32>
    %slice3A_2057 = vector.extract_strided_slice %slice3A_1217 {offsets = [0, 3968], sizes = [64, 128], strides = [1, 1]} : vector<64x4096xf32> to vector<64x128xf32>
    %min3A_2058 = arith.constant 1.240000e+02 : f32
    %min3A_2059 = vector.broadcast %min3A_2058 : f32 to vector<64x128xf32>
    %min3A_2060 = arith.minimumf %slice3A_2057, %min3A_2059 : vector<64x128xf32>
    %bitcast_convert_type3A_2061 = tpu.bitcast %min3A_2060 : vector<64x128xf32> -> vector<64x128xi32>
    %sub3A_2062 = arith.constant 1056964608 : i32
    %sub3A_2063 = vector.broadcast %sub3A_2062 : i32 to vector<64x128xi32>
    %sub3A_2064 = arith.subi %bitcast_convert_type3A_2061, %sub3A_2063 : vector<64x128xi32>
    %shift_left3A_2065 = arith.constant 5 : i32
    %shift_left3A_2066 = vector.broadcast %shift_left3A_2065 : i32 to vector<64x128xi32>
    %shift_left3A_2067 = arith.shli %sub3A_2064, %shift_left3A_2066 : vector<64x128xi32>
    %and3A_2068 = arith.constant -4096 : i32
    %and3A_2069 = vector.broadcast %and3A_2068 : i32 to vector<64x128xi32>
    %and3A_2070 = arith.andi %shift_left3A_2067, %and3A_2069 : vector<64x128xi32>
    %get3A_2071 = arith.constant 31 : index
    %get3A_2072 = arith.constant 0 : index
    %get3A_2073 = vector.load %arg3[%get3A_2071, %get3A_2072] : memref<32x128xi32, #tpu.memory_space<vmem>>, vector<1x128xi32>
    %or3A_2074 = vector.broadcast %get3A_2073 : vector<1x128xi32> to vector<64x128xi32>
    %or3A_2075 = arith.ori %and3A_2070, %or3A_2074 : vector<64x128xi32>
    %bitcast_convert_type3A_2076 = tpu.bitcast %or3A_2075 : vector<64x128xi32> -> vector<64x128xf32>
    %min3A_2077 = arith.minimumf %min3A_2050, %bitcast_convert_type3A_2076 : vector<64x128xf32>
    %max3A_2078 = arith.maximumf %min3A_2050, %bitcast_convert_type3A_2076 : vector<64x128xf32>
    %min3A_2079 = arith.minimumf %min3A_2052, %max3A_2078 : vector<64x128xf32>
    %max3A_2080 = arith.maximumf %min3A_2052, %max3A_2078 : vector<64x128xf32>
    %min3A_2081 = arith.minimumf %min3A_2054, %max3A_2080 : vector<64x128xf32>
    %max3A_2082 = arith.maximumf %min3A_2054, %max3A_2080 : vector<64x128xf32>
    %min3A_2083 = arith.minimumf %min3A_2056, %max3A_2082 : vector<64x128xf32>
    %iota3A_2084 = tpu.iota {dimensions = array<i32: 1>} : vector<64x16xi32>
    %broadcast_in_dim3A_2085 = arith.constant 0 : i32
    %broadcast_in_dim3A_2086 = vector.broadcast %broadcast_in_dim3A_2085 : i32 to vector<64x16xi32>
    %reduce_min3A_2087 = arith.constant dense<0x7F800000> : vector<64xf32>
    %reduce_min3A_2088 = vector.multi_reduction <minimumf>, %min3A_2077, %reduce_min3A_2087 [1] : vector<64x128xf32> to vector<64xf32>
    %broadcast_in_dim3A_2089 = vector.shape_cast %reduce_min3A_2088 : vector<64xf32> to vector<64x1xf32>
    %eq3A_2090 = vector.broadcast %broadcast_in_dim3A_2089 : vector<64x1xf32> to vector<64x128xf32>
    %eq3A_2091 = arith.cmpf oeq, %min3A_2077, %eq3A_2090 : vector<64x128xf32>
    %select_n3A_2092 = arith.select %eq3A_2091, %min3A_2079, %min3A_2077 : vector<64x128xi1>, vector<64x128xf32>
    %select_n3A_2093 = arith.select %eq3A_2091, %min3A_2081, %min3A_2079 : vector<64x128xi1>, vector<64x128xf32>
    %select_n3A_2094 = arith.select %eq3A_2091, %min3A_2083, %min3A_2081 : vector<64x128xi1>, vector<64x128xf32>
    %jit3A_2095 = arith.constant 3.000000e+38 : f32
    %broadcast_in_dim3A_2096 = vector.broadcast %jit3A_2095 : f32 to vector<64x128xf32>
    %select_n3A_2097 = arith.select %eq3A_2091, %broadcast_in_dim3A_2096, %min3A_2083 : vector<64x128xi1>, vector<64x128xf32>
    %reduce_min3A_2098 = arith.constant dense<0x7F800000> : vector<64xf32>
    %reduce_min3A_2099 = vector.multi_reduction <minimumf>, %select_n3A_2092, %reduce_min3A_2098 [1] : vector<64x128xf32> to vector<64xf32>
    %broadcast_in_dim3A_2100 = vector.shape_cast %reduce_min3A_2099 : vector<64xf32> to vector<64x1xf32>
    %bitcast_convert_type3A_2101 = tpu.bitcast %broadcast_in_dim3A_2100 : vector<64x1xf32> -> vector<64x1xi32>
    %and3A_2102 = arith.constant 4095 : i32
    %and3A_2103 = vector.broadcast %and3A_2102 : i32 to vector<64x1xi32>
    %and3A_2104 = arith.andi %bitcast_convert_type3A_2101, %and3A_2103 : vector<64x1xi32>
    %eq3A_2105 = arith.constant 0 : i32
    %eq3A_2106 = vector.broadcast %eq3A_2105 : i32 to vector<64x16xi32>
    %eq3A_2107 = arith.cmpi eq, %iota3A_2084, %eq3A_2106 : vector<64x16xi32>
    %broadcast_in_dim3A_2108 = vector.shape_cast %and3A_2104 : vector<64x1xi32> to vector<64x1xi32>
    %broadcast_in_dim3A_2109 = vector.broadcast %broadcast_in_dim3A_2108 : vector<64x1xi32> to vector<64x16xi32>
    %select_n3A_2110 = arith.select %eq3A_2107, %broadcast_in_dim3A_2109, %broadcast_in_dim3A_2086 : vector<64x16xi1>, vector<64x16xi32>
    %eq3A_2111 = vector.broadcast %broadcast_in_dim3A_2100 : vector<64x1xf32> to vector<64x128xf32>
    %eq3A_2112 = arith.cmpf oeq, %select_n3A_2092, %eq3A_2111 : vector<64x128xf32>
    %select_n3A_2113 = arith.select %eq3A_2112, %select_n3A_2093, %select_n3A_2092 : vector<64x128xi1>, vector<64x128xf32>
    %select_n3A_2114 = arith.select %eq3A_2112, %select_n3A_2094, %select_n3A_2093 : vector<64x128xi1>, vector<64x128xf32>
    %select_n3A_2115 = arith.select %eq3A_2112, %select_n3A_2097, %select_n3A_2094 : vector<64x128xi1>, vector<64x128xf32>
    %jit3A_2116 = arith.constant 3.000000e+38 : f32
    %broadcast_in_dim3A_2117 = vector.broadcast %jit3A_2116 : f32 to vector<64x128xf32>
    %select_n3A_2118 = arith.select %eq3A_2112, %broadcast_in_dim3A_2117, %select_n3A_2097 : vector<64x128xi1>, vector<64x128xf32>
    %reduce_min3A_2119 = arith.constant dense<0x7F800000> : vector<64xf32>
    %reduce_min3A_2120 = vector.multi_reduction <minimumf>, %select_n3A_2113, %reduce_min3A_2119 [1] : vector<64x128xf32> to vector<64xf32>
    %broadcast_in_dim3A_2121 = vector.shape_cast %reduce_min3A_2120 : vector<64xf32> to vector<64x1xf32>
    %bitcast_convert_type3A_2122 = tpu.bitcast %broadcast_in_dim3A_2121 : vector<64x1xf32> -> vector<64x1xi32>
    %and3A_2123 = arith.constant 4095 : i32
    %and3A_2124 = vector.broadcast %and3A_2123 : i32 to vector<64x1xi32>
    %and3A_2125 = arith.andi %bitcast_convert_type3A_2122, %and3A_2124 : vector<64x1xi32>
    %eq3A_2126 = arith.constant 1 : i32
    %eq3A_2127 = vector.broadcast %eq3A_2126 : i32 to vector<64x16xi32>
    %eq3A_2128 = arith.cmpi eq, %iota3A_2084, %eq3A_2127 : vector<64x16xi32>
    %broadcast_in_dim3A_2129 = vector.shape_cast %and3A_2125 : vector<64x1xi32> to vector<64x1xi32>
    %broadcast_in_dim3A_2130 = vector.broadcast %broadcast_in_dim3A_2129 : vector<64x1xi32> to vector<64x16xi32>
    %select_n3A_2131 = arith.select %eq3A_2128, %broadcast_in_dim3A_2130, %select_n3A_2110 : vector<64x16xi1>, vector<64x16xi32>
    %eq3A_2132 = vector.broadcast %broadcast_in_dim3A_2121 : vector<64x1xf32> to vector<64x128xf32>
    %eq3A_2133 = arith.cmpf oeq, %select_n3A_2113, %eq3A_2132 : vector<64x128xf32>
    %select_n3A_2134 = arith.select %eq3A_2133, %select_n3A_2114, %select_n3A_2113 : vector<64x128xi1>, vector<64x128xf32>
    %select_n3A_2135 = arith.select %eq3A_2133, %select_n3A_2115, %select_n3A_2114 : vector<64x128xi1>, vector<64x128xf32>
    %select_n3A_2136 = arith.select %eq3A_2133, %select_n3A_2118, %select_n3A_2115 : vector<64x128xi1>, vector<64x128xf32>
    %jit3A_2137 = arith.constant 3.000000e+38 : f32
    %broadcast_in_dim3A_2138 = vector.broadcast %jit3A_2137 : f32 to vector<64x128xf32>
    %select_n3A_2139 = arith.select %eq3A_2133, %broadcast_in_dim3A_2138, %select_n3A_2118 : vector<64x128xi1>, vector<64x128xf32>
    %reduce_min3A_2140 = arith.constant dense<0x7F800000> : vector<64xf32>
    %reduce_min3A_2141 = vector.multi_reduction <minimumf>, %select_n3A_2134, %reduce_min3A_2140 [1] : vector<64x128xf32> to vector<64xf32>
    %broadcast_in_dim3A_2142 = vector.shape_cast %reduce_min3A_2141 : vector<64xf32> to vector<64x1xf32>
    %bitcast_convert_type3A_2143 = tpu.bitcast %broadcast_in_dim3A_2142 : vector<64x1xf32> -> vector<64x1xi32>
    %and3A_2144 = arith.constant 4095 : i32
    %and3A_2145 = vector.broadcast %and3A_2144 : i32 to vector<64x1xi32>
    %and3A_2146 = arith.andi %bitcast_convert_type3A_2143, %and3A_2145 : vector<64x1xi32>
    %eq3A_2147 = arith.constant 2 : i32
    %eq3A_2148 = vector.broadcast %eq3A_2147 : i32 to vector<64x16xi32>
    %eq3A_2149 = arith.cmpi eq, %iota3A_2084, %eq3A_2148 : vector<64x16xi32>
    %broadcast_in_dim3A_2150 = vector.shape_cast %and3A_2146 : vector<64x1xi32> to vector<64x1xi32>
    %broadcast_in_dim3A_2151 = vector.broadcast %broadcast_in_dim3A_2150 : vector<64x1xi32> to vector<64x16xi32>
    %select_n3A_2152 = arith.select %eq3A_2149, %broadcast_in_dim3A_2151, %select_n3A_2131 : vector<64x16xi1>, vector<64x16xi32>
    %eq3A_2153 = vector.broadcast %broadcast_in_dim3A_2142 : vector<64x1xf32> to vector<64x128xf32>
    %eq3A_2154 = arith.cmpf oeq, %select_n3A_2134, %eq3A_2153 : vector<64x128xf32>
    %select_n3A_2155 = arith.select %eq3A_2154, %select_n3A_2135, %select_n3A_2134 : vector<64x128xi1>, vector<64x128xf32>
    %select_n3A_2156 = arith.select %eq3A_2154, %select_n3A_2136, %select_n3A_2135 : vector<64x128xi1>, vector<64x128xf32>
    %select_n3A_2157 = arith.select %eq3A_2154, %select_n3A_2139, %select_n3A_2136 : vector<64x128xi1>, vector<64x128xf32>
    %jit3A_2158 = arith.constant 3.000000e+38 : f32
    %broadcast_in_dim3A_2159 = vector.broadcast %jit3A_2158 : f32 to vector<64x128xf32>
    %select_n3A_2160 = arith.select %eq3A_2154, %broadcast_in_dim3A_2159, %select_n3A_2139 : vector<64x128xi1>, vector<64x128xf32>
    %reduce_min3A_2161 = arith.constant dense<0x7F800000> : vector<64xf32>
    %reduce_min3A_2162 = vector.multi_reduction <minimumf>, %select_n3A_2155, %reduce_min3A_2161 [1] : vector<64x128xf32> to vector<64xf32>
    %broadcast_in_dim3A_2163 = vector.shape_cast %reduce_min3A_2162 : vector<64xf32> to vector<64x1xf32>
    %bitcast_convert_type3A_2164 = tpu.bitcast %broadcast_in_dim3A_2163 : vector<64x1xf32> -> vector<64x1xi32>
    %and3A_2165 = arith.constant 4095 : i32
    %and3A_2166 = vector.broadcast %and3A_2165 : i32 to vector<64x1xi32>
    %and3A_2167 = arith.andi %bitcast_convert_type3A_2164, %and3A_2166 : vector<64x1xi32>
    %eq3A_2168 = arith.constant 3 : i32
    %eq3A_2169 = vector.broadcast %eq3A_2168 : i32 to vector<64x16xi32>
    %eq3A_2170 = arith.cmpi eq, %iota3A_2084, %eq3A_2169 : vector<64x16xi32>
    %broadcast_in_dim3A_2171 = vector.shape_cast %and3A_2167 : vector<64x1xi32> to vector<64x1xi32>
    %broadcast_in_dim3A_2172 = vector.broadcast %broadcast_in_dim3A_2171 : vector<64x1xi32> to vector<64x16xi32>
    %select_n3A_2173 = arith.select %eq3A_2170, %broadcast_in_dim3A_2172, %select_n3A_2152 : vector<64x16xi1>, vector<64x16xi32>
    %eq3A_2174 = vector.broadcast %broadcast_in_dim3A_2163 : vector<64x1xf32> to vector<64x128xf32>
    %eq3A_2175 = arith.cmpf oeq, %select_n3A_2155, %eq3A_2174 : vector<64x128xf32>
    %select_n3A_2176 = arith.select %eq3A_2175, %select_n3A_2156, %select_n3A_2155 : vector<64x128xi1>, vector<64x128xf32>
    %select_n3A_2177 = arith.select %eq3A_2175, %select_n3A_2157, %select_n3A_2156 : vector<64x128xi1>, vector<64x128xf32>
    %select_n3A_2178 = arith.select %eq3A_2175, %select_n3A_2160, %select_n3A_2157 : vector<64x128xi1>, vector<64x128xf32>
    %jit3A_2179 = arith.constant 3.000000e+38 : f32
    %broadcast_in_dim3A_2180 = vector.broadcast %jit3A_2179 : f32 to vector<64x128xf32>
    %select_n3A_2181 = arith.select %eq3A_2175, %broadcast_in_dim3A_2180, %select_n3A_2160 : vector<64x128xi1>, vector<64x128xf32>
    %reduce_min3A_2182 = arith.constant dense<0x7F800000> : vector<64xf32>
    %reduce_min3A_2183 = vector.multi_reduction <minimumf>, %select_n3A_2176, %reduce_min3A_2182 [1] : vector<64x128xf32> to vector<64xf32>
    %broadcast_in_dim3A_2184 = vector.shape_cast %reduce_min3A_2183 : vector<64xf32> to vector<64x1xf32>
    %bitcast_convert_type3A_2185 = tpu.bitcast %broadcast_in_dim3A_2184 : vector<64x1xf32> -> vector<64x1xi32>
    %and3A_2186 = arith.constant 4095 : i32
    %and3A_2187 = vector.broadcast %and3A_2186 : i32 to vector<64x1xi32>
    %and3A_2188 = arith.andi %bitcast_convert_type3A_2185, %and3A_2187 : vector<64x1xi32>
    %eq3A_2189 = arith.constant 4 : i32
    %eq3A_2190 = vector.broadcast %eq3A_2189 : i32 to vector<64x16xi32>
    %eq3A_2191 = arith.cmpi eq, %iota3A_2084, %eq3A_2190 : vector<64x16xi32>
    %broadcast_in_dim3A_2192 = vector.shape_cast %and3A_2188 : vector<64x1xi32> to vector<64x1xi32>
    %broadcast_in_dim3A_2193 = vector.broadcast %broadcast_in_dim3A_2192 : vector<64x1xi32> to vector<64x16xi32>
    %select_n3A_2194 = arith.select %eq3A_2191, %broadcast_in_dim3A_2193, %select_n3A_2173 : vector<64x16xi1>, vector<64x16xi32>
    %eq3A_2195 = vector.broadcast %broadcast_in_dim3A_2184 : vector<64x1xf32> to vector<64x128xf32>
    %eq3A_2196 = arith.cmpf oeq, %select_n3A_2176, %eq3A_2195 : vector<64x128xf32>
    %select_n3A_2197 = arith.select %eq3A_2196, %select_n3A_2177, %select_n3A_2176 : vector<64x128xi1>, vector<64x128xf32>
    %select_n3A_2198 = arith.select %eq3A_2196, %select_n3A_2178, %select_n3A_2177 : vector<64x128xi1>, vector<64x128xf32>
    %select_n3A_2199 = arith.select %eq3A_2196, %select_n3A_2181, %select_n3A_2178 : vector<64x128xi1>, vector<64x128xf32>
    %jit3A_2200 = arith.constant 3.000000e+38 : f32
    %broadcast_in_dim3A_2201 = vector.broadcast %jit3A_2200 : f32 to vector<64x128xf32>
    %select_n3A_2202 = arith.select %eq3A_2196, %broadcast_in_dim3A_2201, %select_n3A_2181 : vector<64x128xi1>, vector<64x128xf32>
    %reduce_min3A_2203 = arith.constant dense<0x7F800000> : vector<64xf32>
    %reduce_min3A_2204 = vector.multi_reduction <minimumf>, %select_n3A_2197, %reduce_min3A_2203 [1] : vector<64x128xf32> to vector<64xf32>
    %broadcast_in_dim3A_2205 = vector.shape_cast %reduce_min3A_2204 : vector<64xf32> to vector<64x1xf32>
    %bitcast_convert_type3A_2206 = tpu.bitcast %broadcast_in_dim3A_2205 : vector<64x1xf32> -> vector<64x1xi32>
    %and3A_2207 = arith.constant 4095 : i32
    %and3A_2208 = vector.broadcast %and3A_2207 : i32 to vector<64x1xi32>
    %and3A_2209 = arith.andi %bitcast_convert_type3A_2206, %and3A_2208 : vector<64x1xi32>
    %eq3A_2210 = arith.constant 5 : i32
    %eq3A_2211 = vector.broadcast %eq3A_2210 : i32 to vector<64x16xi32>
    %eq3A_2212 = arith.cmpi eq, %iota3A_2084, %eq3A_2211 : vector<64x16xi32>
    %broadcast_in_dim3A_2213 = vector.shape_cast %and3A_2209 : vector<64x1xi32> to vector<64x1xi32>
    %broadcast_in_dim3A_2214 = vector.broadcast %broadcast_in_dim3A_2213 : vector<64x1xi32> to vector<64x16xi32>
    %select_n3A_2215 = arith.select %eq3A_2212, %broadcast_in_dim3A_2214, %select_n3A_2194 : vector<64x16xi1>, vector<64x16xi32>
    %eq3A_2216 = vector.broadcast %broadcast_in_dim3A_2205 : vector<64x1xf32> to vector<64x128xf32>
    %eq3A_2217 = arith.cmpf oeq, %select_n3A_2197, %eq3A_2216 : vector<64x128xf32>
    %select_n3A_2218 = arith.select %eq3A_2217, %select_n3A_2198, %select_n3A_2197 : vector<64x128xi1>, vector<64x128xf32>
    %select_n3A_2219 = arith.select %eq3A_2217, %select_n3A_2199, %select_n3A_2198 : vector<64x128xi1>, vector<64x128xf32>
    %select_n3A_2220 = arith.select %eq3A_2217, %select_n3A_2202, %select_n3A_2199 : vector<64x128xi1>, vector<64x128xf32>
    %jit3A_2221 = arith.constant 3.000000e+38 : f32
    %broadcast_in_dim3A_2222 = vector.broadcast %jit3A_2221 : f32 to vector<64x128xf32>
    %select_n3A_2223 = arith.select %eq3A_2217, %broadcast_in_dim3A_2222, %select_n3A_2202 : vector<64x128xi1>, vector<64x128xf32>
    %reduce_min3A_2224 = arith.constant dense<0x7F800000> : vector<64xf32>
    %reduce_min3A_2225 = vector.multi_reduction <minimumf>, %select_n3A_2218, %reduce_min3A_2224 [1] : vector<64x128xf32> to vector<64xf32>
    %broadcast_in_dim3A_2226 = vector.shape_cast %reduce_min3A_2225 : vector<64xf32> to vector<64x1xf32>
    %bitcast_convert_type3A_2227 = tpu.bitcast %broadcast_in_dim3A_2226 : vector<64x1xf32> -> vector<64x1xi32>
    %and3A_2228 = arith.constant 4095 : i32
    %and3A_2229 = vector.broadcast %and3A_2228 : i32 to vector<64x1xi32>
    %and3A_2230 = arith.andi %bitcast_convert_type3A_2227, %and3A_2229 : vector<64x1xi32>
    %eq3A_2231 = arith.constant 6 : i32
    %eq3A_2232 = vector.broadcast %eq3A_2231 : i32 to vector<64x16xi32>
    %eq3A_2233 = arith.cmpi eq, %iota3A_2084, %eq3A_2232 : vector<64x16xi32>
    %broadcast_in_dim3A_2234 = vector.shape_cast %and3A_2230 : vector<64x1xi32> to vector<64x1xi32>
    %broadcast_in_dim3A_2235 = vector.broadcast %broadcast_in_dim3A_2234 : vector<64x1xi32> to vector<64x16xi32>
    %select_n3A_2236 = arith.select %eq3A_2233, %broadcast_in_dim3A_2235, %select_n3A_2215 : vector<64x16xi1>, vector<64x16xi32>
    %eq3A_2237 = vector.broadcast %broadcast_in_dim3A_2226 : vector<64x1xf32> to vector<64x128xf32>
    %eq3A_2238 = arith.cmpf oeq, %select_n3A_2218, %eq3A_2237 : vector<64x128xf32>
    %select_n3A_2239 = arith.select %eq3A_2238, %select_n3A_2219, %select_n3A_2218 : vector<64x128xi1>, vector<64x128xf32>
    %select_n3A_2240 = arith.select %eq3A_2238, %select_n3A_2220, %select_n3A_2219 : vector<64x128xi1>, vector<64x128xf32>
    %select_n3A_2241 = arith.select %eq3A_2238, %select_n3A_2223, %select_n3A_2220 : vector<64x128xi1>, vector<64x128xf32>
    %jit3A_2242 = arith.constant 3.000000e+38 : f32
    %broadcast_in_dim3A_2243 = vector.broadcast %jit3A_2242 : f32 to vector<64x128xf32>
    %select_n3A_2244 = arith.select %eq3A_2238, %broadcast_in_dim3A_2243, %select_n3A_2223 : vector<64x128xi1>, vector<64x128xf32>
    %reduce_min3A_2245 = arith.constant dense<0x7F800000> : vector<64xf32>
    %reduce_min3A_2246 = vector.multi_reduction <minimumf>, %select_n3A_2239, %reduce_min3A_2245 [1] : vector<64x128xf32> to vector<64xf32>
    %broadcast_in_dim3A_2247 = vector.shape_cast %reduce_min3A_2246 : vector<64xf32> to vector<64x1xf32>
    %bitcast_convert_type3A_2248 = tpu.bitcast %broadcast_in_dim3A_2247 : vector<64x1xf32> -> vector<64x1xi32>
    %and3A_2249 = arith.constant 4095 : i32
    %and3A_2250 = vector.broadcast %and3A_2249 : i32 to vector<64x1xi32>
    %and3A_2251 = arith.andi %bitcast_convert_type3A_2248, %and3A_2250 : vector<64x1xi32>
    %eq3A_2252 = arith.constant 7 : i32
    %eq3A_2253 = vector.broadcast %eq3A_2252 : i32 to vector<64x16xi32>
    %eq3A_2254 = arith.cmpi eq, %iota3A_2084, %eq3A_2253 : vector<64x16xi32>
    %broadcast_in_dim3A_2255 = vector.shape_cast %and3A_2251 : vector<64x1xi32> to vector<64x1xi32>
    %broadcast_in_dim3A_2256 = vector.broadcast %broadcast_in_dim3A_2255 : vector<64x1xi32> to vector<64x16xi32>
    %select_n3A_2257 = arith.select %eq3A_2254, %broadcast_in_dim3A_2256, %select_n3A_2236 : vector<64x16xi1>, vector<64x16xi32>
    %eq3A_2258 = vector.broadcast %broadcast_in_dim3A_2247 : vector<64x1xf32> to vector<64x128xf32>
    %eq3A_2259 = arith.cmpf oeq, %select_n3A_2239, %eq3A_2258 : vector<64x128xf32>
    %select_n3A_2260 = arith.select %eq3A_2259, %select_n3A_2240, %select_n3A_2239 : vector<64x128xi1>, vector<64x128xf32>
    %select_n3A_2261 = arith.select %eq3A_2259, %select_n3A_2241, %select_n3A_2240 : vector<64x128xi1>, vector<64x128xf32>
    %select_n3A_2262 = arith.select %eq3A_2259, %select_n3A_2244, %select_n3A_2241 : vector<64x128xi1>, vector<64x128xf32>
    %jit3A_2263 = arith.constant 3.000000e+38 : f32
    %broadcast_in_dim3A_2264 = vector.broadcast %jit3A_2263 : f32 to vector<64x128xf32>
    %select_n3A_2265 = arith.select %eq3A_2259, %broadcast_in_dim3A_2264, %select_n3A_2244 : vector<64x128xi1>, vector<64x128xf32>
    %reduce_min3A_2266 = arith.constant dense<0x7F800000> : vector<64xf32>
    %reduce_min3A_2267 = vector.multi_reduction <minimumf>, %select_n3A_2260, %reduce_min3A_2266 [1] : vector<64x128xf32> to vector<64xf32>
    %broadcast_in_dim3A_2268 = vector.shape_cast %reduce_min3A_2267 : vector<64xf32> to vector<64x1xf32>
    %bitcast_convert_type3A_2269 = tpu.bitcast %broadcast_in_dim3A_2268 : vector<64x1xf32> -> vector<64x1xi32>
    %and3A_2270 = arith.constant 4095 : i32
    %and3A_2271 = vector.broadcast %and3A_2270 : i32 to vector<64x1xi32>
    %and3A_2272 = arith.andi %bitcast_convert_type3A_2269, %and3A_2271 : vector<64x1xi32>
    %eq3A_2273 = arith.constant 8 : i32
    %eq3A_2274 = vector.broadcast %eq3A_2273 : i32 to vector<64x16xi32>
    %eq3A_2275 = arith.cmpi eq, %iota3A_2084, %eq3A_2274 : vector<64x16xi32>
    %broadcast_in_dim3A_2276 = vector.shape_cast %and3A_2272 : vector<64x1xi32> to vector<64x1xi32>
    %broadcast_in_dim3A_2277 = vector.broadcast %broadcast_in_dim3A_2276 : vector<64x1xi32> to vector<64x16xi32>
    %select_n3A_2278 = arith.select %eq3A_2275, %broadcast_in_dim3A_2277, %select_n3A_2257 : vector<64x16xi1>, vector<64x16xi32>
    %eq3A_2279 = vector.broadcast %broadcast_in_dim3A_2268 : vector<64x1xf32> to vector<64x128xf32>
    %eq3A_2280 = arith.cmpf oeq, %select_n3A_2260, %eq3A_2279 : vector<64x128xf32>
    %select_n3A_2281 = arith.select %eq3A_2280, %select_n3A_2261, %select_n3A_2260 : vector<64x128xi1>, vector<64x128xf32>
    %select_n3A_2282 = arith.select %eq3A_2280, %select_n3A_2262, %select_n3A_2261 : vector<64x128xi1>, vector<64x128xf32>
    %select_n3A_2283 = arith.select %eq3A_2280, %select_n3A_2265, %select_n3A_2262 : vector<64x128xi1>, vector<64x128xf32>
    %jit3A_2284 = arith.constant 3.000000e+38 : f32
    %broadcast_in_dim3A_2285 = vector.broadcast %jit3A_2284 : f32 to vector<64x128xf32>
    %select_n3A_2286 = arith.select %eq3A_2280, %broadcast_in_dim3A_2285, %select_n3A_2265 : vector<64x128xi1>, vector<64x128xf32>
    %reduce_min3A_2287 = arith.constant dense<0x7F800000> : vector<64xf32>
    %reduce_min3A_2288 = vector.multi_reduction <minimumf>, %select_n3A_2281, %reduce_min3A_2287 [1] : vector<64x128xf32> to vector<64xf32>
    %broadcast_in_dim3A_2289 = vector.shape_cast %reduce_min3A_2288 : vector<64xf32> to vector<64x1xf32>
    %bitcast_convert_type3A_2290 = tpu.bitcast %broadcast_in_dim3A_2289 : vector<64x1xf32> -> vector<64x1xi32>
    %and3A_2291 = arith.constant 4095 : i32
    %and3A_2292 = vector.broadcast %and3A_2291 : i32 to vector<64x1xi32>
    %and3A_2293 = arith.andi %bitcast_convert_type3A_2290, %and3A_2292 : vector<64x1xi32>
    %eq3A_2294 = arith.constant 9 : i32
    %eq3A_2295 = vector.broadcast %eq3A_2294 : i32 to vector<64x16xi32>
    %eq3A_2296 = arith.cmpi eq, %iota3A_2084, %eq3A_2295 : vector<64x16xi32>
    %broadcast_in_dim3A_2297 = vector.shape_cast %and3A_2293 : vector<64x1xi32> to vector<64x1xi32>
    %broadcast_in_dim3A_2298 = vector.broadcast %broadcast_in_dim3A_2297 : vector<64x1xi32> to vector<64x16xi32>
    %select_n3A_2299 = arith.select %eq3A_2296, %broadcast_in_dim3A_2298, %select_n3A_2278 : vector<64x16xi1>, vector<64x16xi32>
    %eq3A_2300 = vector.broadcast %broadcast_in_dim3A_2289 : vector<64x1xf32> to vector<64x128xf32>
    %eq3A_2301 = arith.cmpf oeq, %select_n3A_2281, %eq3A_2300 : vector<64x128xf32>
    %select_n3A_2302 = arith.select %eq3A_2301, %select_n3A_2282, %select_n3A_2281 : vector<64x128xi1>, vector<64x128xf32>
    %select_n3A_2303 = arith.select %eq3A_2301, %select_n3A_2283, %select_n3A_2282 : vector<64x128xi1>, vector<64x128xf32>
    %select_n3A_2304 = arith.select %eq3A_2301, %select_n3A_2286, %select_n3A_2283 : vector<64x128xi1>, vector<64x128xf32>
    %jit3A_2305 = arith.constant 3.000000e+38 : f32
    %broadcast_in_dim3A_2306 = vector.broadcast %jit3A_2305 : f32 to vector<64x128xf32>
    %select_n3A_2307 = arith.select %eq3A_2301, %broadcast_in_dim3A_2306, %select_n3A_2286 : vector<64x128xi1>, vector<64x128xf32>
    %reduce_min3A_2308 = arith.constant dense<0x7F800000> : vector<64xf32>
    %reduce_min3A_2309 = vector.multi_reduction <minimumf>, %select_n3A_2302, %reduce_min3A_2308 [1] : vector<64x128xf32> to vector<64xf32>
    %broadcast_in_dim3A_2310 = vector.shape_cast %reduce_min3A_2309 : vector<64xf32> to vector<64x1xf32>
    %bitcast_convert_type3A_2311 = tpu.bitcast %broadcast_in_dim3A_2310 : vector<64x1xf32> -> vector<64x1xi32>
    %and3A_2312 = arith.constant 4095 : i32
    %and3A_2313 = vector.broadcast %and3A_2312 : i32 to vector<64x1xi32>
    %and3A_2314 = arith.andi %bitcast_convert_type3A_2311, %and3A_2313 : vector<64x1xi32>
    %eq3A_2315 = arith.constant 10 : i32
    %eq3A_2316 = vector.broadcast %eq3A_2315 : i32 to vector<64x16xi32>
    %eq3A_2317 = arith.cmpi eq, %iota3A_2084, %eq3A_2316 : vector<64x16xi32>
    %broadcast_in_dim3A_2318 = vector.shape_cast %and3A_2314 : vector<64x1xi32> to vector<64x1xi32>
    %broadcast_in_dim3A_2319 = vector.broadcast %broadcast_in_dim3A_2318 : vector<64x1xi32> to vector<64x16xi32>
    %select_n3A_2320 = arith.select %eq3A_2317, %broadcast_in_dim3A_2319, %select_n3A_2299 : vector<64x16xi1>, vector<64x16xi32>
    %eq3A_2321 = vector.broadcast %broadcast_in_dim3A_2310 : vector<64x1xf32> to vector<64x128xf32>
    %eq3A_2322 = arith.cmpf oeq, %select_n3A_2302, %eq3A_2321 : vector<64x128xf32>
    %select_n3A_2323 = arith.select %eq3A_2322, %select_n3A_2303, %select_n3A_2302 : vector<64x128xi1>, vector<64x128xf32>
    %select_n3A_2324 = arith.select %eq3A_2322, %select_n3A_2304, %select_n3A_2303 : vector<64x128xi1>, vector<64x128xf32>
    %select_n3A_2325 = arith.select %eq3A_2322, %select_n3A_2307, %select_n3A_2304 : vector<64x128xi1>, vector<64x128xf32>
    %jit3A_2326 = arith.constant 3.000000e+38 : f32
    %broadcast_in_dim3A_2327 = vector.broadcast %jit3A_2326 : f32 to vector<64x128xf32>
    %select_n3A_2328 = arith.select %eq3A_2322, %broadcast_in_dim3A_2327, %select_n3A_2307 : vector<64x128xi1>, vector<64x128xf32>
    %reduce_min3A_2329 = arith.constant dense<0x7F800000> : vector<64xf32>
    %reduce_min3A_2330 = vector.multi_reduction <minimumf>, %select_n3A_2323, %reduce_min3A_2329 [1] : vector<64x128xf32> to vector<64xf32>
    %broadcast_in_dim3A_2331 = vector.shape_cast %reduce_min3A_2330 : vector<64xf32> to vector<64x1xf32>
    %bitcast_convert_type3A_2332 = tpu.bitcast %broadcast_in_dim3A_2331 : vector<64x1xf32> -> vector<64x1xi32>
    %and3A_2333 = arith.constant 4095 : i32
    %and3A_2334 = vector.broadcast %and3A_2333 : i32 to vector<64x1xi32>
    %and3A_2335 = arith.andi %bitcast_convert_type3A_2332, %and3A_2334 : vector<64x1xi32>
    %eq3A_2336 = arith.constant 11 : i32
    %eq3A_2337 = vector.broadcast %eq3A_2336 : i32 to vector<64x16xi32>
    %eq3A_2338 = arith.cmpi eq, %iota3A_2084, %eq3A_2337 : vector<64x16xi32>
    %broadcast_in_dim3A_2339 = vector.shape_cast %and3A_2335 : vector<64x1xi32> to vector<64x1xi32>
    %broadcast_in_dim3A_2340 = vector.broadcast %broadcast_in_dim3A_2339 : vector<64x1xi32> to vector<64x16xi32>
    %select_n3A_2341 = arith.select %eq3A_2338, %broadcast_in_dim3A_2340, %select_n3A_2320 : vector<64x16xi1>, vector<64x16xi32>
    %eq3A_2342 = vector.broadcast %broadcast_in_dim3A_2331 : vector<64x1xf32> to vector<64x128xf32>
    %eq3A_2343 = arith.cmpf oeq, %select_n3A_2323, %eq3A_2342 : vector<64x128xf32>
    %select_n3A_2344 = arith.select %eq3A_2343, %select_n3A_2324, %select_n3A_2323 : vector<64x128xi1>, vector<64x128xf32>
    %select_n3A_2345 = arith.select %eq3A_2343, %select_n3A_2325, %select_n3A_2324 : vector<64x128xi1>, vector<64x128xf32>
    %select_n3A_2346 = arith.select %eq3A_2343, %select_n3A_2328, %select_n3A_2325 : vector<64x128xi1>, vector<64x128xf32>
    %jit3A_2347 = arith.constant 3.000000e+38 : f32
    %broadcast_in_dim3A_2348 = vector.broadcast %jit3A_2347 : f32 to vector<64x128xf32>
    %select_n3A_2349 = arith.select %eq3A_2343, %broadcast_in_dim3A_2348, %select_n3A_2328 : vector<64x128xi1>, vector<64x128xf32>
    %reduce_min3A_2350 = arith.constant dense<0x7F800000> : vector<64xf32>
    %reduce_min3A_2351 = vector.multi_reduction <minimumf>, %select_n3A_2344, %reduce_min3A_2350 [1] : vector<64x128xf32> to vector<64xf32>
    %broadcast_in_dim3A_2352 = vector.shape_cast %reduce_min3A_2351 : vector<64xf32> to vector<64x1xf32>
    %bitcast_convert_type3A_2353 = tpu.bitcast %broadcast_in_dim3A_2352 : vector<64x1xf32> -> vector<64x1xi32>
    %and3A_2354 = arith.constant 4095 : i32
    %and3A_2355 = vector.broadcast %and3A_2354 : i32 to vector<64x1xi32>
    %and3A_2356 = arith.andi %bitcast_convert_type3A_2353, %and3A_2355 : vector<64x1xi32>
    %eq3A_2357 = arith.constant 12 : i32
    %eq3A_2358 = vector.broadcast %eq3A_2357 : i32 to vector<64x16xi32>
    %eq3A_2359 = arith.cmpi eq, %iota3A_2084, %eq3A_2358 : vector<64x16xi32>
    %broadcast_in_dim3A_2360 = vector.shape_cast %and3A_2356 : vector<64x1xi32> to vector<64x1xi32>
    %broadcast_in_dim3A_2361 = vector.broadcast %broadcast_in_dim3A_2360 : vector<64x1xi32> to vector<64x16xi32>
    %select_n3A_2362 = arith.select %eq3A_2359, %broadcast_in_dim3A_2361, %select_n3A_2341 : vector<64x16xi1>, vector<64x16xi32>
    %eq3A_2363 = vector.broadcast %broadcast_in_dim3A_2352 : vector<64x1xf32> to vector<64x128xf32>
    %eq3A_2364 = arith.cmpf oeq, %select_n3A_2344, %eq3A_2363 : vector<64x128xf32>
    %select_n3A_2365 = arith.select %eq3A_2364, %select_n3A_2345, %select_n3A_2344 : vector<64x128xi1>, vector<64x128xf32>
    %select_n3A_2366 = arith.select %eq3A_2364, %select_n3A_2346, %select_n3A_2345 : vector<64x128xi1>, vector<64x128xf32>
    %select_n3A_2367 = arith.select %eq3A_2364, %select_n3A_2349, %select_n3A_2346 : vector<64x128xi1>, vector<64x128xf32>
    %reduce_min3A_2368 = arith.constant dense<0x7F800000> : vector<64xf32>
    %reduce_min3A_2369 = vector.multi_reduction <minimumf>, %select_n3A_2365, %reduce_min3A_2368 [1] : vector<64x128xf32> to vector<64xf32>
    %broadcast_in_dim3A_2370 = vector.shape_cast %reduce_min3A_2369 : vector<64xf32> to vector<64x1xf32>
    %bitcast_convert_type3A_2371 = tpu.bitcast %broadcast_in_dim3A_2370 : vector<64x1xf32> -> vector<64x1xi32>
    %and3A_2372 = arith.constant 4095 : i32
    %and3A_2373 = vector.broadcast %and3A_2372 : i32 to vector<64x1xi32>
    %and3A_2374 = arith.andi %bitcast_convert_type3A_2371, %and3A_2373 : vector<64x1xi32>
    %eq3A_2375 = arith.constant 13 : i32
    %eq3A_2376 = vector.broadcast %eq3A_2375 : i32 to vector<64x16xi32>
    %eq3A_2377 = arith.cmpi eq, %iota3A_2084, %eq3A_2376 : vector<64x16xi32>
    %broadcast_in_dim3A_2378 = vector.shape_cast %and3A_2374 : vector<64x1xi32> to vector<64x1xi32>
    %broadcast_in_dim3A_2379 = vector.broadcast %broadcast_in_dim3A_2378 : vector<64x1xi32> to vector<64x16xi32>
    %select_n3A_2380 = arith.select %eq3A_2377, %broadcast_in_dim3A_2379, %select_n3A_2362 : vector<64x16xi1>, vector<64x16xi32>
    %eq3A_2381 = vector.broadcast %broadcast_in_dim3A_2370 : vector<64x1xf32> to vector<64x128xf32>
    %eq3A_2382 = arith.cmpf oeq, %select_n3A_2365, %eq3A_2381 : vector<64x128xf32>
    %select_n3A_2383 = arith.select %eq3A_2382, %select_n3A_2366, %select_n3A_2365 : vector<64x128xi1>, vector<64x128xf32>
    %select_n3A_2384 = arith.select %eq3A_2382, %select_n3A_2367, %select_n3A_2366 : vector<64x128xi1>, vector<64x128xf32>
    %reduce_min3A_2385 = arith.constant dense<0x7F800000> : vector<64xf32>
    %reduce_min3A_2386 = vector.multi_reduction <minimumf>, %select_n3A_2383, %reduce_min3A_2385 [1] : vector<64x128xf32> to vector<64xf32>
    %broadcast_in_dim3A_2387 = vector.shape_cast %reduce_min3A_2386 : vector<64xf32> to vector<64x1xf32>
    %bitcast_convert_type3A_2388 = tpu.bitcast %broadcast_in_dim3A_2387 : vector<64x1xf32> -> vector<64x1xi32>
    %and3A_2389 = arith.constant 4095 : i32
    %and3A_2390 = vector.broadcast %and3A_2389 : i32 to vector<64x1xi32>
    %and3A_2391 = arith.andi %bitcast_convert_type3A_2388, %and3A_2390 : vector<64x1xi32>
    %eq3A_2392 = arith.constant 14 : i32
    %eq3A_2393 = vector.broadcast %eq3A_2392 : i32 to vector<64x16xi32>
    %eq3A_2394 = arith.cmpi eq, %iota3A_2084, %eq3A_2393 : vector<64x16xi32>
    %broadcast_in_dim3A_2395 = vector.shape_cast %and3A_2391 : vector<64x1xi32> to vector<64x1xi32>
    %broadcast_in_dim3A_2396 = vector.broadcast %broadcast_in_dim3A_2395 : vector<64x1xi32> to vector<64x16xi32>
    %select_n3A_2397 = arith.select %eq3A_2394, %broadcast_in_dim3A_2396, %select_n3A_2380 : vector<64x16xi1>, vector<64x16xi32>
    %eq3A_2398 = vector.broadcast %broadcast_in_dim3A_2387 : vector<64x1xf32> to vector<64x128xf32>
    %eq3A_2399 = arith.cmpf oeq, %select_n3A_2383, %eq3A_2398 : vector<64x128xf32>
    %select_n3A_2400 = arith.select %eq3A_2399, %select_n3A_2384, %select_n3A_2383 : vector<64x128xi1>, vector<64x128xf32>
    %reduce_min3A_2401 = arith.constant dense<0x7F800000> : vector<64xf32>
    %reduce_min3A_2402 = vector.multi_reduction <minimumf>, %select_n3A_2400, %reduce_min3A_2401 [1] : vector<64x128xf32> to vector<64xf32>
    %broadcast_in_dim3A_2403 = vector.shape_cast %reduce_min3A_2402 : vector<64xf32> to vector<64x1xf32>
    %bitcast_convert_type3A_2404 = tpu.bitcast %broadcast_in_dim3A_2403 : vector<64x1xf32> -> vector<64x1xi32>
    %and3A_2405 = arith.constant 4095 : i32
    %and3A_2406 = vector.broadcast %and3A_2405 : i32 to vector<64x1xi32>
    %and3A_2407 = arith.andi %bitcast_convert_type3A_2404, %and3A_2406 : vector<64x1xi32>
    %eq3A_2408 = arith.constant 15 : i32
    %eq3A_2409 = vector.broadcast %eq3A_2408 : i32 to vector<64x16xi32>
    %eq3A_2410 = arith.cmpi eq, %iota3A_2084, %eq3A_2409 : vector<64x16xi32>
    %broadcast_in_dim3A_2411 = vector.shape_cast %and3A_2407 : vector<64x1xi32> to vector<64x1xi32>
    %broadcast_in_dim3A_2412 = vector.broadcast %broadcast_in_dim3A_2411 : vector<64x1xi32> to vector<64x16xi32>
    %select_n3A_2413 = arith.select %eq3A_2410, %broadcast_in_dim3A_2412, %select_n3A_2397 : vector<64x16xi1>, vector<64x16xi32>
    %swap3A_2414 = arith.constant 64 : index
    %swap3A_2415 = arith.constant 0 : index
    %swap3A_2416 = vector.load %arg6[%swap3A_2414, %swap3A_2415] : memref<256x16xi32, #tpu.memory_space<vmem>>, vector<64x16xi32>
    tpu.vector_store %arg6[%swap3A_2414, %swap3A_2415], %select_n3A_2413 {strides = array<i32>} : memref<256x16xi32, #tpu.memory_space<vmem>>, vector<64x16xi32>,
    %slice3A_2417 = vector.extract_strided_slice %add3A_29 {offsets = [128, 0], sizes = [64, 4096], strides = [1, 1]} : vector<256x4096xf32> to vector<64x4096xf32>
    %broadcast_in_dim3A_2418 = arith.constant 3.000000e+38 : f32
    %broadcast_in_dim3A_2419 = vector.broadcast %broadcast_in_dim3A_2418 : f32 to vector<64x128xf32>
    %slice3A_2420 = vector.extract_strided_slice %slice3A_2417 {offsets = [0, 0], sizes = [64, 128], strides = [1, 1]} : vector<64x4096xf32> to vector<64x128xf32>
    %min3A_2421 = arith.constant 1.240000e+02 : f32
    %min3A_2422 = vector.broadcast %min3A_2421 : f32 to vector<64x128xf32>
    %min3A_2423 = arith.minimumf %slice3A_2420, %min3A_2422 : vector<64x128xf32>
    %bitcast_convert_type3A_2424 = tpu.bitcast %min3A_2423 : vector<64x128xf32> -> vector<64x128xi32>
    %sub3A_2425 = arith.constant 1056964608 : i32
    %sub3A_2426 = vector.broadcast %sub3A_2425 : i32 to vector<64x128xi32>
    %sub3A_2427 = arith.subi %bitcast_convert_type3A_2424, %sub3A_2426 : vector<64x128xi32>
    %shift_left3A_2428 = arith.constant 5 : i32
    %shift_left3A_2429 = vector.broadcast %shift_left3A_2428 : i32 to vector<64x128xi32>
    %shift_left3A_2430 = arith.shli %sub3A_2427, %shift_left3A_2429 : vector<64x128xi32>
    %and3A_2431 = arith.constant -4096 : i32
    %and3A_2432 = vector.broadcast %and3A_2431 : i32 to vector<64x128xi32>
    %and3A_2433 = arith.andi %shift_left3A_2430, %and3A_2432 : vector<64x128xi32>
    %get3A_2434 = arith.constant 0 : index
    %get3A_2435 = arith.constant 0 : index
    %get3A_2436 = vector.load %arg3[%get3A_2434, %get3A_2435] : memref<32x128xi32, #tpu.memory_space<vmem>>, vector<1x128xi32>
    %or3A_2437 = vector.broadcast %get3A_2436 : vector<1x128xi32> to vector<64x128xi32>
    %or3A_2438 = arith.ori %and3A_2433, %or3A_2437 : vector<64x128xi32>
    %bitcast_convert_type3A_2439 = tpu.bitcast %or3A_2438 : vector<64x128xi32> -> vector<64x128xf32>
    %min3A_2440 = arith.minimumf %broadcast_in_dim3A_2419, %bitcast_convert_type3A_2439 : vector<64x128xf32>
    %max3A_2441 = arith.maximumf %broadcast_in_dim3A_2419, %bitcast_convert_type3A_2439 : vector<64x128xf32>
    %min3A_2442 = arith.minimumf %broadcast_in_dim3A_2419, %max3A_2441 : vector<64x128xf32>
    %max3A_2443 = arith.maximumf %broadcast_in_dim3A_2419, %max3A_2441 : vector<64x128xf32>
    %min3A_2444 = arith.minimumf %broadcast_in_dim3A_2419, %max3A_2443 : vector<64x128xf32>
    %max3A_2445 = arith.maximumf %broadcast_in_dim3A_2419, %max3A_2443 : vector<64x128xf32>
    %min3A_2446 = arith.minimumf %broadcast_in_dim3A_2419, %max3A_2445 : vector<64x128xf32>
    %slice3A_2447 = vector.extract_strided_slice %slice3A_2417 {offsets = [0, 128], sizes = [64, 128], strides = [1, 1]} : vector<64x4096xf32> to vector<64x128xf32>
    %min3A_2448 = arith.constant 1.240000e+02 : f32
    %min3A_2449 = vector.broadcast %min3A_2448 : f32 to vector<64x128xf32>
    %min3A_2450 = arith.minimumf %slice3A_2447, %min3A_2449 : vector<64x128xf32>
    %bitcast_convert_type3A_2451 = tpu.bitcast %min3A_2450 : vector<64x128xf32> -> vector<64x128xi32>
    %sub3A_2452 = arith.constant 1056964608 : i32
    %sub3A_2453 = vector.broadcast %sub3A_2452 : i32 to vector<64x128xi32>
    %sub3A_2454 = arith.subi %bitcast_convert_type3A_2451, %sub3A_2453 : vector<64x128xi32>
    %shift_left3A_2455 = arith.constant 5 : i32
    %shift_left3A_2456 = vector.broadcast %shift_left3A_2455 : i32 to vector<64x128xi32>
    %shift_left3A_2457 = arith.shli %sub3A_2454, %shift_left3A_2456 : vector<64x128xi32>
    %and3A_2458 = arith.constant -4096 : i32
    %and3A_2459 = vector.broadcast %and3A_2458 : i32 to vector<64x128xi32>
    %and3A_2460 = arith.andi %shift_left3A_2457, %and3A_2459 : vector<64x128xi32>
    %get3A_2461 = arith.constant 1 : index
    %get3A_2462 = arith.constant 0 : index
    %get3A_2463 = vector.load %arg3[%get3A_2461, %get3A_2462] : memref<32x128xi32, #tpu.memory_space<vmem>>, vector<1x128xi32>
    %or3A_2464 = vector.broadcast %get3A_2463 : vector<1x128xi32> to vector<64x128xi32>
    %or3A_2465 = arith.ori %and3A_2460, %or3A_2464 : vector<64x128xi32>
    %bitcast_convert_type3A_2466 = tpu.bitcast %or3A_2465 : vector<64x128xi32> -> vector<64x128xf32>
    %min3A_2467 = arith.minimumf %min3A_2440, %bitcast_convert_type3A_2466 : vector<64x128xf32>
    %max3A_2468 = arith.maximumf %min3A_2440, %bitcast_convert_type3A_2466 : vector<64x128xf32>
    %min3A_2469 = arith.minimumf %min3A_2442, %max3A_2468 : vector<64x128xf32>
    %max3A_2470 = arith.maximumf %min3A_2442, %max3A_2468 : vector<64x128xf32>
    %min3A_2471 = arith.minimumf %min3A_2444, %max3A_2470 : vector<64x128xf32>
    %max3A_2472 = arith.maximumf %min3A_2444, %max3A_2470 : vector<64x128xf32>
    %min3A_2473 = arith.minimumf %min3A_2446, %max3A_2472 : vector<64x128xf32>
    %slice3A_2474 = vector.extract_strided_slice %slice3A_2417 {offsets = [0, 256], sizes = [64, 128], strides = [1, 1]} : vector<64x4096xf32> to vector<64x128xf32>
    %min3A_2475 = arith.constant 1.240000e+02 : f32
    %min3A_2476 = vector.broadcast %min3A_2475 : f32 to vector<64x128xf32>
    %min3A_2477 = arith.minimumf %slice3A_2474, %min3A_2476 : vector<64x128xf32>
    %bitcast_convert_type3A_2478 = tpu.bitcast %min3A_2477 : vector<64x128xf32> -> vector<64x128xi32>
    %sub3A_2479 = arith.constant 1056964608 : i32
    %sub3A_2480 = vector.broadcast %sub3A_2479 : i32 to vector<64x128xi32>
    %sub3A_2481 = arith.subi %bitcast_convert_type3A_2478, %sub3A_2480 : vector<64x128xi32>
    %shift_left3A_2482 = arith.constant 5 : i32
    %shift_left3A_2483 = vector.broadcast %shift_left3A_2482 : i32 to vector<64x128xi32>
    %shift_left3A_2484 = arith.shli %sub3A_2481, %shift_left3A_2483 : vector<64x128xi32>
    %and3A_2485 = arith.constant -4096 : i32
    %and3A_2486 = vector.broadcast %and3A_2485 : i32 to vector<64x128xi32>
    %and3A_2487 = arith.andi %shift_left3A_2484, %and3A_2486 : vector<64x128xi32>
    %get3A_2488 = arith.constant 2 : index
    %get3A_2489 = arith.constant 0 : index
    %get3A_2490 = vector.load %arg3[%get3A_2488, %get3A_2489] : memref<32x128xi32, #tpu.memory_space<vmem>>, vector<1x128xi32>
    %or3A_2491 = vector.broadcast %get3A_2490 : vector<1x128xi32> to vector<64x128xi32>
    %or3A_2492 = arith.ori %and3A_2487, %or3A_2491 : vector<64x128xi32>
    %bitcast_convert_type3A_2493 = tpu.bitcast %or3A_2492 : vector<64x128xi32> -> vector<64x128xf32>
    %min3A_2494 = arith.minimumf %min3A_2467, %bitcast_convert_type3A_2493 : vector<64x128xf32>
    %max3A_2495 = arith.maximumf %min3A_2467, %bitcast_convert_type3A_2493 : vector<64x128xf32>
    %min3A_2496 = arith.minimumf %min3A_2469, %max3A_2495 : vector<64x128xf32>
    %max3A_2497 = arith.maximumf %min3A_2469, %max3A_2495 : vector<64x128xf32>
    %min3A_2498 = arith.minimumf %min3A_2471, %max3A_2497 : vector<64x128xf32>
    %max3A_2499 = arith.maximumf %min3A_2471, %max3A_2497 : vector<64x128xf32>
    %min3A_2500 = arith.minimumf %min3A_2473, %max3A_2499 : vector<64x128xf32>
    %slice3A_2501 = vector.extract_strided_slice %slice3A_2417 {offsets = [0, 384], sizes = [64, 128], strides = [1, 1]} : vector<64x4096xf32> to vector<64x128xf32>
    %min3A_2502 = arith.constant 1.240000e+02 : f32
    %min3A_2503 = vector.broadcast %min3A_2502 : f32 to vector<64x128xf32>
    %min3A_2504 = arith.minimumf %slice3A_2501, %min3A_2503 : vector<64x128xf32>
    %bitcast_convert_type3A_2505 = tpu.bitcast %min3A_2504 : vector<64x128xf32> -> vector<64x128xi32>
    %sub3A_2506 = arith.constant 1056964608 : i32
    %sub3A_2507 = vector.broadcast %sub3A_2506 : i32 to vector<64x128xi32>
    %sub3A_2508 = arith.subi %bitcast_convert_type3A_2505, %sub3A_2507 : vector<64x128xi32>
    %shift_left3A_2509 = arith.constant 5 : i32
    %shift_left3A_2510 = vector.broadcast %shift_left3A_2509 : i32 to vector<64x128xi32>
    %shift_left3A_2511 = arith.shli %sub3A_2508, %shift_left3A_2510 : vector<64x128xi32>
    %and3A_2512 = arith.constant -4096 : i32
    %and3A_2513 = vector.broadcast %and3A_2512 : i32 to vector<64x128xi32>
    %and3A_2514 = arith.andi %shift_left3A_2511, %and3A_2513 : vector<64x128xi32>
    %get3A_2515 = arith.constant 3 : index
    %get3A_2516 = arith.constant 0 : index
    %get3A_2517 = vector.load %arg3[%get3A_2515, %get3A_2516] : memref<32x128xi32, #tpu.memory_space<vmem>>, vector<1x128xi32>
    %or3A_2518 = vector.broadcast %get3A_2517 : vector<1x128xi32> to vector<64x128xi32>
    %or3A_2519 = arith.ori %and3A_2514, %or3A_2518 : vector<64x128xi32>
    %bitcast_convert_type3A_2520 = tpu.bitcast %or3A_2519 : vector<64x128xi32> -> vector<64x128xf32>
    %min3A_2521 = arith.minimumf %min3A_2494, %bitcast_convert_type3A_2520 : vector<64x128xf32>
    %max3A_2522 = arith.maximumf %min3A_2494, %bitcast_convert_type3A_2520 : vector<64x128xf32>
    %min3A_2523 = arith.minimumf %min3A_2496, %max3A_2522 : vector<64x128xf32>
    %max3A_2524 = arith.maximumf %min3A_2496, %max3A_2522 : vector<64x128xf32>
    %min3A_2525 = arith.minimumf %min3A_2498, %max3A_2524 : vector<64x128xf32>
    %max3A_2526 = arith.maximumf %min3A_2498, %max3A_2524 : vector<64x128xf32>
    %min3A_2527 = arith.minimumf %min3A_2500, %max3A_2526 : vector<64x128xf32>
    %slice3A_2528 = vector.extract_strided_slice %slice3A_2417 {offsets = [0, 512], sizes = [64, 128], strides = [1, 1]} : vector<64x4096xf32> to vector<64x128xf32>
    %min3A_2529 = arith.constant 1.240000e+02 : f32
    %min3A_2530 = vector.broadcast %min3A_2529 : f32 to vector<64x128xf32>
    %min3A_2531 = arith.minimumf %slice3A_2528, %min3A_2530 : vector<64x128xf32>
    %bitcast_convert_type3A_2532 = tpu.bitcast %min3A_2531 : vector<64x128xf32> -> vector<64x128xi32>
    %sub3A_2533 = arith.constant 1056964608 : i32
    %sub3A_2534 = vector.broadcast %sub3A_2533 : i32 to vector<64x128xi32>
    %sub3A_2535 = arith.subi %bitcast_convert_type3A_2532, %sub3A_2534 : vector<64x128xi32>
    %shift_left3A_2536 = arith.constant 5 : i32
    %shift_left3A_2537 = vector.broadcast %shift_left3A_2536 : i32 to vector<64x128xi32>
    %shift_left3A_2538 = arith.shli %sub3A_2535, %shift_left3A_2537 : vector<64x128xi32>
    %and3A_2539 = arith.constant -4096 : i32
    %and3A_2540 = vector.broadcast %and3A_2539 : i32 to vector<64x128xi32>
    %and3A_2541 = arith.andi %shift_left3A_2538, %and3A_2540 : vector<64x128xi32>
    %get3A_2542 = arith.constant 4 : index
    %get3A_2543 = arith.constant 0 : index
    %get3A_2544 = vector.load %arg3[%get3A_2542, %get3A_2543] : memref<32x128xi32, #tpu.memory_space<vmem>>, vector<1x128xi32>
    %or3A_2545 = vector.broadcast %get3A_2544 : vector<1x128xi32> to vector<64x128xi32>
    %or3A_2546 = arith.ori %and3A_2541, %or3A_2545 : vector<64x128xi32>
    %bitcast_convert_type3A_2547 = tpu.bitcast %or3A_2546 : vector<64x128xi32> -> vector<64x128xf32>
    %min3A_2548 = arith.minimumf %min3A_2521, %bitcast_convert_type3A_2547 : vector<64x128xf32>
    %max3A_2549 = arith.maximumf %min3A_2521, %bitcast_convert_type3A_2547 : vector<64x128xf32>
    %min3A_2550 = arith.minimumf %min3A_2523, %max3A_2549 : vector<64x128xf32>
    %max3A_2551 = arith.maximumf %min3A_2523, %max3A_2549 : vector<64x128xf32>
    %min3A_2552 = arith.minimumf %min3A_2525, %max3A_2551 : vector<64x128xf32>
    %max3A_2553 = arith.maximumf %min3A_2525, %max3A_2551 : vector<64x128xf32>
    %min3A_2554 = arith.minimumf %min3A_2527, %max3A_2553 : vector<64x128xf32>
    %slice3A_2555 = vector.extract_strided_slice %slice3A_2417 {offsets = [0, 640], sizes = [64, 128], strides = [1, 1]} : vector<64x4096xf32> to vector<64x128xf32>
    %min3A_2556 = arith.constant 1.240000e+02 : f32
    %min3A_2557 = vector.broadcast %min3A_2556 : f32 to vector<64x128xf32>
    %min3A_2558 = arith.minimumf %slice3A_2555, %min3A_2557 : vector<64x128xf32>
    %bitcast_convert_type3A_2559 = tpu.bitcast %min3A_2558 : vector<64x128xf32> -> vector<64x128xi32>
    %sub3A_2560 = arith.constant 1056964608 : i32
    %sub3A_2561 = vector.broadcast %sub3A_2560 : i32 to vector<64x128xi32>
    %sub3A_2562 = arith.subi %bitcast_convert_type3A_2559, %sub3A_2561 : vector<64x128xi32>
    %shift_left3A_2563 = arith.constant 5 : i32
    %shift_left3A_2564 = vector.broadcast %shift_left3A_2563 : i32 to vector<64x128xi32>
    %shift_left3A_2565 = arith.shli %sub3A_2562, %shift_left3A_2564 : vector<64x128xi32>
    %and3A_2566 = arith.constant -4096 : i32
    %and3A_2567 = vector.broadcast %and3A_2566 : i32 to vector<64x128xi32>
    %and3A_2568 = arith.andi %shift_left3A_2565, %and3A_2567 : vector<64x128xi32>
    %get3A_2569 = arith.constant 5 : index
    %get3A_2570 = arith.constant 0 : index
    %get3A_2571 = vector.load %arg3[%get3A_2569, %get3A_2570] : memref<32x128xi32, #tpu.memory_space<vmem>>, vector<1x128xi32>
    %or3A_2572 = vector.broadcast %get3A_2571 : vector<1x128xi32> to vector<64x128xi32>
    %or3A_2573 = arith.ori %and3A_2568, %or3A_2572 : vector<64x128xi32>
    %bitcast_convert_type3A_2574 = tpu.bitcast %or3A_2573 : vector<64x128xi32> -> vector<64x128xf32>
    %min3A_2575 = arith.minimumf %min3A_2548, %bitcast_convert_type3A_2574 : vector<64x128xf32>
    %max3A_2576 = arith.maximumf %min3A_2548, %bitcast_convert_type3A_2574 : vector<64x128xf32>
    %min3A_2577 = arith.minimumf %min3A_2550, %max3A_2576 : vector<64x128xf32>
    %max3A_2578 = arith.maximumf %min3A_2550, %max3A_2576 : vector<64x128xf32>
    %min3A_2579 = arith.minimumf %min3A_2552, %max3A_2578 : vector<64x128xf32>
    %max3A_2580 = arith.maximumf %min3A_2552, %max3A_2578 : vector<64x128xf32>
    %min3A_2581 = arith.minimumf %min3A_2554, %max3A_2580 : vector<64x128xf32>
    %slice3A_2582 = vector.extract_strided_slice %slice3A_2417 {offsets = [0, 768], sizes = [64, 128], strides = [1, 1]} : vector<64x4096xf32> to vector<64x128xf32>
    %min3A_2583 = arith.constant 1.240000e+02 : f32
    %min3A_2584 = vector.broadcast %min3A_2583 : f32 to vector<64x128xf32>
    %min3A_2585 = arith.minimumf %slice3A_2582, %min3A_2584 : vector<64x128xf32>
    %bitcast_convert_type3A_2586 = tpu.bitcast %min3A_2585 : vector<64x128xf32> -> vector<64x128xi32>
    %sub3A_2587 = arith.constant 1056964608 : i32
    %sub3A_2588 = vector.broadcast %sub3A_2587 : i32 to vector<64x128xi32>
    %sub3A_2589 = arith.subi %bitcast_convert_type3A_2586, %sub3A_2588 : vector<64x128xi32>
    %shift_left3A_2590 = arith.constant 5 : i32
    %shift_left3A_2591 = vector.broadcast %shift_left3A_2590 : i32 to vector<64x128xi32>
    %shift_left3A_2592 = arith.shli %sub3A_2589, %shift_left3A_2591 : vector<64x128xi32>
    %and3A_2593 = arith.constant -4096 : i32
    %and3A_2594 = vector.broadcast %and3A_2593 : i32 to vector<64x128xi32>
    %and3A_2595 = arith.andi %shift_left3A_2592, %and3A_2594 : vector<64x128xi32>
    %get3A_2596 = arith.constant 6 : index
    %get3A_2597 = arith.constant 0 : index
    %get3A_2598 = vector.load %arg3[%get3A_2596, %get3A_2597] : memref<32x128xi32, #tpu.memory_space<vmem>>, vector<1x128xi32>
    %or3A_2599 = vector.broadcast %get3A_2598 : vector<1x128xi32> to vector<64x128xi32>
    %or3A_2600 = arith.ori %and3A_2595, %or3A_2599 : vector<64x128xi32>
    %bitcast_convert_type3A_2601 = tpu.bitcast %or3A_2600 : vector<64x128xi32> -> vector<64x128xf32>
    %min3A_2602 = arith.minimumf %min3A_2575, %bitcast_convert_type3A_2601 : vector<64x128xf32>
    %max3A_2603 = arith.maximumf %min3A_2575, %bitcast_convert_type3A_2601 : vector<64x128xf32>
    %min3A_2604 = arith.minimumf %min3A_2577, %max3A_2603 : vector<64x128xf32>
    %max3A_2605 = arith.maximumf %min3A_2577, %max3A_2603 : vector<64x128xf32>
    %min3A_2606 = arith.minimumf %min3A_2579, %max3A_2605 : vector<64x128xf32>
    %max3A_2607 = arith.maximumf %min3A_2579, %max3A_2605 : vector<64x128xf32>
    %min3A_2608 = arith.minimumf %min3A_2581, %max3A_2607 : vector<64x128xf32>
    %slice3A_2609 = vector.extract_strided_slice %slice3A_2417 {offsets = [0, 896], sizes = [64, 128], strides = [1, 1]} : vector<64x4096xf32> to vector<64x128xf32>
    %min3A_2610 = arith.constant 1.240000e+02 : f32
    %min3A_2611 = vector.broadcast %min3A_2610 : f32 to vector<64x128xf32>
    %min3A_2612 = arith.minimumf %slice3A_2609, %min3A_2611 : vector<64x128xf32>
    %bitcast_convert_type3A_2613 = tpu.bitcast %min3A_2612 : vector<64x128xf32> -> vector<64x128xi32>
    %sub3A_2614 = arith.constant 1056964608 : i32
    %sub3A_2615 = vector.broadcast %sub3A_2614 : i32 to vector<64x128xi32>
    %sub3A_2616 = arith.subi %bitcast_convert_type3A_2613, %sub3A_2615 : vector<64x128xi32>
    %shift_left3A_2617 = arith.constant 5 : i32
    %shift_left3A_2618 = vector.broadcast %shift_left3A_2617 : i32 to vector<64x128xi32>
    %shift_left3A_2619 = arith.shli %sub3A_2616, %shift_left3A_2618 : vector<64x128xi32>
    %and3A_2620 = arith.constant -4096 : i32
    %and3A_2621 = vector.broadcast %and3A_2620 : i32 to vector<64x128xi32>
    %and3A_2622 = arith.andi %shift_left3A_2619, %and3A_2621 : vector<64x128xi32>
    %get3A_2623 = arith.constant 7 : index
    %get3A_2624 = arith.constant 0 : index
    %get3A_2625 = vector.load %arg3[%get3A_2623, %get3A_2624] : memref<32x128xi32, #tpu.memory_space<vmem>>, vector<1x128xi32>
    %or3A_2626 = vector.broadcast %get3A_2625 : vector<1x128xi32> to vector<64x128xi32>
    %or3A_2627 = arith.ori %and3A_2622, %or3A_2626 : vector<64x128xi32>
    %bitcast_convert_type3A_2628 = tpu.bitcast %or3A_2627 : vector<64x128xi32> -> vector<64x128xf32>
    %min3A_2629 = arith.minimumf %min3A_2602, %bitcast_convert_type3A_2628 : vector<64x128xf32>
    %max3A_2630 = arith.maximumf %min3A_2602, %bitcast_convert_type3A_2628 : vector<64x128xf32>
    %min3A_2631 = arith.minimumf %min3A_2604, %max3A_2630 : vector<64x128xf32>
    %max3A_2632 = arith.maximumf %min3A_2604, %max3A_2630 : vector<64x128xf32>
    %min3A_2633 = arith.minimumf %min3A_2606, %max3A_2632 : vector<64x128xf32>
    %max3A_2634 = arith.maximumf %min3A_2606, %max3A_2632 : vector<64x128xf32>
    %min3A_2635 = arith.minimumf %min3A_2608, %max3A_2634 : vector<64x128xf32>
    %slice3A_2636 = vector.extract_strided_slice %slice3A_2417 {offsets = [0, 1024], sizes = [64, 128], strides = [1, 1]} : vector<64x4096xf32> to vector<64x128xf32>
    %min3A_2637 = arith.constant 1.240000e+02 : f32
    %min3A_2638 = vector.broadcast %min3A_2637 : f32 to vector<64x128xf32>
    %min3A_2639 = arith.minimumf %slice3A_2636, %min3A_2638 : vector<64x128xf32>
    %bitcast_convert_type3A_2640 = tpu.bitcast %min3A_2639 : vector<64x128xf32> -> vector<64x128xi32>
    %sub3A_2641 = arith.constant 1056964608 : i32
    %sub3A_2642 = vector.broadcast %sub3A_2641 : i32 to vector<64x128xi32>
    %sub3A_2643 = arith.subi %bitcast_convert_type3A_2640, %sub3A_2642 : vector<64x128xi32>
    %shift_left3A_2644 = arith.constant 5 : i32
    %shift_left3A_2645 = vector.broadcast %shift_left3A_2644 : i32 to vector<64x128xi32>
    %shift_left3A_2646 = arith.shli %sub3A_2643, %shift_left3A_2645 : vector<64x128xi32>
    %and3A_2647 = arith.constant -4096 : i32
    %and3A_2648 = vector.broadcast %and3A_2647 : i32 to vector<64x128xi32>
    %and3A_2649 = arith.andi %shift_left3A_2646, %and3A_2648 : vector<64x128xi32>
    %get3A_2650 = arith.constant 8 : index
    %get3A_2651 = arith.constant 0 : index
    %get3A_2652 = vector.load %arg3[%get3A_2650, %get3A_2651] : memref<32x128xi32, #tpu.memory_space<vmem>>, vector<1x128xi32>
    %or3A_2653 = vector.broadcast %get3A_2652 : vector<1x128xi32> to vector<64x128xi32>
    %or3A_2654 = arith.ori %and3A_2649, %or3A_2653 : vector<64x128xi32>
    %bitcast_convert_type3A_2655 = tpu.bitcast %or3A_2654 : vector<64x128xi32> -> vector<64x128xf32>
    %min3A_2656 = arith.minimumf %min3A_2629, %bitcast_convert_type3A_2655 : vector<64x128xf32>
    %max3A_2657 = arith.maximumf %min3A_2629, %bitcast_convert_type3A_2655 : vector<64x128xf32>
    %min3A_2658 = arith.minimumf %min3A_2631, %max3A_2657 : vector<64x128xf32>
    %max3A_2659 = arith.maximumf %min3A_2631, %max3A_2657 : vector<64x128xf32>
    %min3A_2660 = arith.minimumf %min3A_2633, %max3A_2659 : vector<64x128xf32>
    %max3A_2661 = arith.maximumf %min3A_2633, %max3A_2659 : vector<64x128xf32>
    %min3A_2662 = arith.minimumf %min3A_2635, %max3A_2661 : vector<64x128xf32>
    %slice3A_2663 = vector.extract_strided_slice %slice3A_2417 {offsets = [0, 1152], sizes = [64, 128], strides = [1, 1]} : vector<64x4096xf32> to vector<64x128xf32>
    %min3A_2664 = arith.constant 1.240000e+02 : f32
    %min3A_2665 = vector.broadcast %min3A_2664 : f32 to vector<64x128xf32>
    %min3A_2666 = arith.minimumf %slice3A_2663, %min3A_2665 : vector<64x128xf32>
    %bitcast_convert_type3A_2667 = tpu.bitcast %min3A_2666 : vector<64x128xf32> -> vector<64x128xi32>
    %sub3A_2668 = arith.constant 1056964608 : i32
    %sub3A_2669 = vector.broadcast %sub3A_2668 : i32 to vector<64x128xi32>
    %sub3A_2670 = arith.subi %bitcast_convert_type3A_2667, %sub3A_2669 : vector<64x128xi32>
    %shift_left3A_2671 = arith.constant 5 : i32
    %shift_left3A_2672 = vector.broadcast %shift_left3A_2671 : i32 to vector<64x128xi32>
    %shift_left3A_2673 = arith.shli %sub3A_2670, %shift_left3A_2672 : vector<64x128xi32>
    %and3A_2674 = arith.constant -4096 : i32
    %and3A_2675 = vector.broadcast %and3A_2674 : i32 to vector<64x128xi32>
    %and3A_2676 = arith.andi %shift_left3A_2673, %and3A_2675 : vector<64x128xi32>
    %get3A_2677 = arith.constant 9 : index
    %get3A_2678 = arith.constant 0 : index
    %get3A_2679 = vector.load %arg3[%get3A_2677, %get3A_2678] : memref<32x128xi32, #tpu.memory_space<vmem>>, vector<1x128xi32>
    %or3A_2680 = vector.broadcast %get3A_2679 : vector<1x128xi32> to vector<64x128xi32>
    %or3A_2681 = arith.ori %and3A_2676, %or3A_2680 : vector<64x128xi32>
    %bitcast_convert_type3A_2682 = tpu.bitcast %or3A_2681 : vector<64x128xi32> -> vector<64x128xf32>
    %min3A_2683 = arith.minimumf %min3A_2656, %bitcast_convert_type3A_2682 : vector<64x128xf32>
    %max3A_2684 = arith.maximumf %min3A_2656, %bitcast_convert_type3A_2682 : vector<64x128xf32>
    %min3A_2685 = arith.minimumf %min3A_2658, %max3A_2684 : vector<64x128xf32>
    %max3A_2686 = arith.maximumf %min3A_2658, %max3A_2684 : vector<64x128xf32>
    %min3A_2687 = arith.minimumf %min3A_2660, %max3A_2686 : vector<64x128xf32>
    %max3A_2688 = arith.maximumf %min3A_2660, %max3A_2686 : vector<64x128xf32>
    %min3A_2689 = arith.minimumf %min3A_2662, %max3A_2688 : vector<64x128xf32>
    %slice3A_2690 = vector.extract_strided_slice %slice3A_2417 {offsets = [0, 1280], sizes = [64, 128], strides = [1, 1]} : vector<64x4096xf32> to vector<64x128xf32>
    %min3A_2691 = arith.constant 1.240000e+02 : f32
    %min3A_2692 = vector.broadcast %min3A_2691 : f32 to vector<64x128xf32>
    %min3A_2693 = arith.minimumf %slice3A_2690, %min3A_2692 : vector<64x128xf32>
    %bitcast_convert_type3A_2694 = tpu.bitcast %min3A_2693 : vector<64x128xf32> -> vector<64x128xi32>
    %sub3A_2695 = arith.constant 1056964608 : i32
    %sub3A_2696 = vector.broadcast %sub3A_2695 : i32 to vector<64x128xi32>
    %sub3A_2697 = arith.subi %bitcast_convert_type3A_2694, %sub3A_2696 : vector<64x128xi32>
    %shift_left3A_2698 = arith.constant 5 : i32
    %shift_left3A_2699 = vector.broadcast %shift_left3A_2698 : i32 to vector<64x128xi32>
    %shift_left3A_2700 = arith.shli %sub3A_2697, %shift_left3A_2699 : vector<64x128xi32>
    %and3A_2701 = arith.constant -4096 : i32
    %and3A_2702 = vector.broadcast %and3A_2701 : i32 to vector<64x128xi32>
    %and3A_2703 = arith.andi %shift_left3A_2700, %and3A_2702 : vector<64x128xi32>
    %get3A_2704 = arith.constant 10 : index
    %get3A_2705 = arith.constant 0 : index
    %get3A_2706 = vector.load %arg3[%get3A_2704, %get3A_2705] : memref<32x128xi32, #tpu.memory_space<vmem>>, vector<1x128xi32>
    %or3A_2707 = vector.broadcast %get3A_2706 : vector<1x128xi32> to vector<64x128xi32>
    %or3A_2708 = arith.ori %and3A_2703, %or3A_2707 : vector<64x128xi32>
    %bitcast_convert_type3A_2709 = tpu.bitcast %or3A_2708 : vector<64x128xi32> -> vector<64x128xf32>
    %min3A_2710 = arith.minimumf %min3A_2683, %bitcast_convert_type3A_2709 : vector<64x128xf32>
    %max3A_2711 = arith.maximumf %min3A_2683, %bitcast_convert_type3A_2709 : vector<64x128xf32>
    %min3A_2712 = arith.minimumf %min3A_2685, %max3A_2711 : vector<64x128xf32>
    %max3A_2713 = arith.maximumf %min3A_2685, %max3A_2711 : vector<64x128xf32>
    %min3A_2714 = arith.minimumf %min3A_2687, %max3A_2713 : vector<64x128xf32>
    %max3A_2715 = arith.maximumf %min3A_2687, %max3A_2713 : vector<64x128xf32>
    %min3A_2716 = arith.minimumf %min3A_2689, %max3A_2715 : vector<64x128xf32>
    %slice3A_2717 = vector.extract_strided_slice %slice3A_2417 {offsets = [0, 1408], sizes = [64, 128], strides = [1, 1]} : vector<64x4096xf32> to vector<64x128xf32>
    %min3A_2718 = arith.constant 1.240000e+02 : f32
    %min3A_2719 = vector.broadcast %min3A_2718 : f32 to vector<64x128xf32>
    %min3A_2720 = arith.minimumf %slice3A_2717, %min3A_2719 : vector<64x128xf32>
    %bitcast_convert_type3A_2721 = tpu.bitcast %min3A_2720 : vector<64x128xf32> -> vector<64x128xi32>
    %sub3A_2722 = arith.constant 1056964608 : i32
    %sub3A_2723 = vector.broadcast %sub3A_2722 : i32 to vector<64x128xi32>
    %sub3A_2724 = arith.subi %bitcast_convert_type3A_2721, %sub3A_2723 : vector<64x128xi32>
    %shift_left3A_2725 = arith.constant 5 : i32
    %shift_left3A_2726 = vector.broadcast %shift_left3A_2725 : i32 to vector<64x128xi32>
    %shift_left3A_2727 = arith.shli %sub3A_2724, %shift_left3A_2726 : vector<64x128xi32>
    %and3A_2728 = arith.constant -4096 : i32
    %and3A_2729 = vector.broadcast %and3A_2728 : i32 to vector<64x128xi32>
    %and3A_2730 = arith.andi %shift_left3A_2727, %and3A_2729 : vector<64x128xi32>
    %get3A_2731 = arith.constant 11 : index
    %get3A_2732 = arith.constant 0 : index
    %get3A_2733 = vector.load %arg3[%get3A_2731, %get3A_2732] : memref<32x128xi32, #tpu.memory_space<vmem>>, vector<1x128xi32>
    %or3A_2734 = vector.broadcast %get3A_2733 : vector<1x128xi32> to vector<64x128xi32>
    %or3A_2735 = arith.ori %and3A_2730, %or3A_2734 : vector<64x128xi32>
    %bitcast_convert_type3A_2736 = tpu.bitcast %or3A_2735 : vector<64x128xi32> -> vector<64x128xf32>
    %min3A_2737 = arith.minimumf %min3A_2710, %bitcast_convert_type3A_2736 : vector<64x128xf32>
    %max3A_2738 = arith.maximumf %min3A_2710, %bitcast_convert_type3A_2736 : vector<64x128xf32>
    %min3A_2739 = arith.minimumf %min3A_2712, %max3A_2738 : vector<64x128xf32>
    %max3A_2740 = arith.maximumf %min3A_2712, %max3A_2738 : vector<64x128xf32>
    %min3A_2741 = arith.minimumf %min3A_2714, %max3A_2740 : vector<64x128xf32>
    %max3A_2742 = arith.maximumf %min3A_2714, %max3A_2740 : vector<64x128xf32>
    %min3A_2743 = arith.minimumf %min3A_2716, %max3A_2742 : vector<64x128xf32>
    %slice3A_2744 = vector.extract_strided_slice %slice3A_2417 {offsets = [0, 1536], sizes = [64, 128], strides = [1, 1]} : vector<64x4096xf32> to vector<64x128xf32>
    %min3A_2745 = arith.constant 1.240000e+02 : f32
    %min3A_2746 = vector.broadcast %min3A_2745 : f32 to vector<64x128xf32>
    %min3A_2747 = arith.minimumf %slice3A_2744, %min3A_2746 : vector<64x128xf32>
    %bitcast_convert_type3A_2748 = tpu.bitcast %min3A_2747 : vector<64x128xf32> -> vector<64x128xi32>
    %sub3A_2749 = arith.constant 1056964608 : i32
    %sub3A_2750 = vector.broadcast %sub3A_2749 : i32 to vector<64x128xi32>
    %sub3A_2751 = arith.subi %bitcast_convert_type3A_2748, %sub3A_2750 : vector<64x128xi32>
    %shift_left3A_2752 = arith.constant 5 : i32
    %shift_left3A_2753 = vector.broadcast %shift_left3A_2752 : i32 to vector<64x128xi32>
    %shift_left3A_2754 = arith.shli %sub3A_2751, %shift_left3A_2753 : vector<64x128xi32>
    %and3A_2755 = arith.constant -4096 : i32
    %and3A_2756 = vector.broadcast %and3A_2755 : i32 to vector<64x128xi32>
    %and3A_2757 = arith.andi %shift_left3A_2754, %and3A_2756 : vector<64x128xi32>
    %get3A_2758 = arith.constant 12 : index
    %get3A_2759 = arith.constant 0 : index
    %get3A_2760 = vector.load %arg3[%get3A_2758, %get3A_2759] : memref<32x128xi32, #tpu.memory_space<vmem>>, vector<1x128xi32>
    %or3A_2761 = vector.broadcast %get3A_2760 : vector<1x128xi32> to vector<64x128xi32>
    %or3A_2762 = arith.ori %and3A_2757, %or3A_2761 : vector<64x128xi32>
    %bitcast_convert_type3A_2763 = tpu.bitcast %or3A_2762 : vector<64x128xi32> -> vector<64x128xf32>
    %min3A_2764 = arith.minimumf %min3A_2737, %bitcast_convert_type3A_2763 : vector<64x128xf32>
    %max3A_2765 = arith.maximumf %min3A_2737, %bitcast_convert_type3A_2763 : vector<64x128xf32>
    %min3A_2766 = arith.minimumf %min3A_2739, %max3A_2765 : vector<64x128xf32>
    %max3A_2767 = arith.maximumf %min3A_2739, %max3A_2765 : vector<64x128xf32>
    %min3A_2768 = arith.minimumf %min3A_2741, %max3A_2767 : vector<64x128xf32>
    %max3A_2769 = arith.maximumf %min3A_2741, %max3A_2767 : vector<64x128xf32>
    %min3A_2770 = arith.minimumf %min3A_2743, %max3A_2769 : vector<64x128xf32>
    %slice3A_2771 = vector.extract_strided_slice %slice3A_2417 {offsets = [0, 1664], sizes = [64, 128], strides = [1, 1]} : vector<64x4096xf32> to vector<64x128xf32>
    %min3A_2772 = arith.constant 1.240000e+02 : f32
    %min3A_2773 = vector.broadcast %min3A_2772 : f32 to vector<64x128xf32>
    %min3A_2774 = arith.minimumf %slice3A_2771, %min3A_2773 : vector<64x128xf32>
    %bitcast_convert_type3A_2775 = tpu.bitcast %min3A_2774 : vector<64x128xf32> -> vector<64x128xi32>
    %sub3A_2776 = arith.constant 1056964608 : i32
    %sub3A_2777 = vector.broadcast %sub3A_2776 : i32 to vector<64x128xi32>
    %sub3A_2778 = arith.subi %bitcast_convert_type3A_2775, %sub3A_2777 : vector<64x128xi32>
    %shift_left3A_2779 = arith.constant 5 : i32
    %shift_left3A_2780 = vector.broadcast %shift_left3A_2779 : i32 to vector<64x128xi32>
    %shift_left3A_2781 = arith.shli %sub3A_2778, %shift_left3A_2780 : vector<64x128xi32>
    %and3A_2782 = arith.constant -4096 : i32
    %and3A_2783 = vector.broadcast %and3A_2782 : i32 to vector<64x128xi32>
    %and3A_2784 = arith.andi %shift_left3A_2781, %and3A_2783 : vector<64x128xi32>
    %get3A_2785 = arith.constant 13 : index
    %get3A_2786 = arith.constant 0 : index
    %get3A_2787 = vector.load %arg3[%get3A_2785, %get3A_2786] : memref<32x128xi32, #tpu.memory_space<vmem>>, vector<1x128xi32>
    %or3A_2788 = vector.broadcast %get3A_2787 : vector<1x128xi32> to vector<64x128xi32>
    %or3A_2789 = arith.ori %and3A_2784, %or3A_2788 : vector<64x128xi32>
    %bitcast_convert_type3A_2790 = tpu.bitcast %or3A_2789 : vector<64x128xi32> -> vector<64x128xf32>
    %min3A_2791 = arith.minimumf %min3A_2764, %bitcast_convert_type3A_2790 : vector<64x128xf32>
    %max3A_2792 = arith.maximumf %min3A_2764, %bitcast_convert_type3A_2790 : vector<64x128xf32>
    %min3A_2793 = arith.minimumf %min3A_2766, %max3A_2792 : vector<64x128xf32>
    %max3A_2794 = arith.maximumf %min3A_2766, %max3A_2792 : vector<64x128xf32>
    %min3A_2795 = arith.minimumf %min3A_2768, %max3A_2794 : vector<64x128xf32>
    %max3A_2796 = arith.maximumf %min3A_2768, %max3A_2794 : vector<64x128xf32>
    %min3A_2797 = arith.minimumf %min3A_2770, %max3A_2796 : vector<64x128xf32>
    %slice3A_2798 = vector.extract_strided_slice %slice3A_2417 {offsets = [0, 1792], sizes = [64, 128], strides = [1, 1]} : vector<64x4096xf32> to vector<64x128xf32>
    %min3A_2799 = arith.constant 1.240000e+02 : f32
    %min3A_2800 = vector.broadcast %min3A_2799 : f32 to vector<64x128xf32>
    %min3A_2801 = arith.minimumf %slice3A_2798, %min3A_2800 : vector<64x128xf32>
    %bitcast_convert_type3A_2802 = tpu.bitcast %min3A_2801 : vector<64x128xf32> -> vector<64x128xi32>
    %sub3A_2803 = arith.constant 1056964608 : i32
    %sub3A_2804 = vector.broadcast %sub3A_2803 : i32 to vector<64x128xi32>
    %sub3A_2805 = arith.subi %bitcast_convert_type3A_2802, %sub3A_2804 : vector<64x128xi32>
    %shift_left3A_2806 = arith.constant 5 : i32
    %shift_left3A_2807 = vector.broadcast %shift_left3A_2806 : i32 to vector<64x128xi32>
    %shift_left3A_2808 = arith.shli %sub3A_2805, %shift_left3A_2807 : vector<64x128xi32>
    %and3A_2809 = arith.constant -4096 : i32
    %and3A_2810 = vector.broadcast %and3A_2809 : i32 to vector<64x128xi32>
    %and3A_2811 = arith.andi %shift_left3A_2808, %and3A_2810 : vector<64x128xi32>
    %get3A_2812 = arith.constant 14 : index
    %get3A_2813 = arith.constant 0 : index
    %get3A_2814 = vector.load %arg3[%get3A_2812, %get3A_2813] : memref<32x128xi32, #tpu.memory_space<vmem>>, vector<1x128xi32>
    %or3A_2815 = vector.broadcast %get3A_2814 : vector<1x128xi32> to vector<64x128xi32>
    %or3A_2816 = arith.ori %and3A_2811, %or3A_2815 : vector<64x128xi32>
    %bitcast_convert_type3A_2817 = tpu.bitcast %or3A_2816 : vector<64x128xi32> -> vector<64x128xf32>
    %min3A_2818 = arith.minimumf %min3A_2791, %bitcast_convert_type3A_2817 : vector<64x128xf32>
    %max3A_2819 = arith.maximumf %min3A_2791, %bitcast_convert_type3A_2817 : vector<64x128xf32>
    %min3A_2820 = arith.minimumf %min3A_2793, %max3A_2819 : vector<64x128xf32>
    %max3A_2821 = arith.maximumf %min3A_2793, %max3A_2819 : vector<64x128xf32>
    %min3A_2822 = arith.minimumf %min3A_2795, %max3A_2821 : vector<64x128xf32>
    %max3A_2823 = arith.maximumf %min3A_2795, %max3A_2821 : vector<64x128xf32>
    %min3A_2824 = arith.minimumf %min3A_2797, %max3A_2823 : vector<64x128xf32>
    %slice3A_2825 = vector.extract_strided_slice %slice3A_2417 {offsets = [0, 1920], sizes = [64, 128], strides = [1, 1]} : vector<64x4096xf32> to vector<64x128xf32>
    %min3A_2826 = arith.constant 1.240000e+02 : f32
    %min3A_2827 = vector.broadcast %min3A_2826 : f32 to vector<64x128xf32>
    %min3A_2828 = arith.minimumf %slice3A_2825, %min3A_2827 : vector<64x128xf32>
    %bitcast_convert_type3A_2829 = tpu.bitcast %min3A_2828 : vector<64x128xf32> -> vector<64x128xi32>
    %sub3A_2830 = arith.constant 1056964608 : i32
    %sub3A_2831 = vector.broadcast %sub3A_2830 : i32 to vector<64x128xi32>
    %sub3A_2832 = arith.subi %bitcast_convert_type3A_2829, %sub3A_2831 : vector<64x128xi32>
    %shift_left3A_2833 = arith.constant 5 : i32
    %shift_left3A_2834 = vector.broadcast %shift_left3A_2833 : i32 to vector<64x128xi32>
    %shift_left3A_2835 = arith.shli %sub3A_2832, %shift_left3A_2834 : vector<64x128xi32>
    %and3A_2836 = arith.constant -4096 : i32
    %and3A_2837 = vector.broadcast %and3A_2836 : i32 to vector<64x128xi32>
    %and3A_2838 = arith.andi %shift_left3A_2835, %and3A_2837 : vector<64x128xi32>
    %get3A_2839 = arith.constant 15 : index
    %get3A_2840 = arith.constant 0 : index
    %get3A_2841 = vector.load %arg3[%get3A_2839, %get3A_2840] : memref<32x128xi32, #tpu.memory_space<vmem>>, vector<1x128xi32>
    %or3A_2842 = vector.broadcast %get3A_2841 : vector<1x128xi32> to vector<64x128xi32>
    %or3A_2843 = arith.ori %and3A_2838, %or3A_2842 : vector<64x128xi32>
    %bitcast_convert_type3A_2844 = tpu.bitcast %or3A_2843 : vector<64x128xi32> -> vector<64x128xf32>
    %min3A_2845 = arith.minimumf %min3A_2818, %bitcast_convert_type3A_2844 : vector<64x128xf32>
    %max3A_2846 = arith.maximumf %min3A_2818, %bitcast_convert_type3A_2844 : vector<64x128xf32>
    %min3A_2847 = arith.minimumf %min3A_2820, %max3A_2846 : vector<64x128xf32>
    %max3A_2848 = arith.maximumf %min3A_2820, %max3A_2846 : vector<64x128xf32>
    %min3A_2849 = arith.minimumf %min3A_2822, %max3A_2848 : vector<64x128xf32>
    %max3A_2850 = arith.maximumf %min3A_2822, %max3A_2848 : vector<64x128xf32>
    %min3A_2851 = arith.minimumf %min3A_2824, %max3A_2850 : vector<64x128xf32>
    %slice3A_2852 = vector.extract_strided_slice %slice3A_2417 {offsets = [0, 2048], sizes = [64, 128], strides = [1, 1]} : vector<64x4096xf32> to vector<64x128xf32>
    %min3A_2853 = arith.constant 1.240000e+02 : f32
    %min3A_2854 = vector.broadcast %min3A_2853 : f32 to vector<64x128xf32>
    %min3A_2855 = arith.minimumf %slice3A_2852, %min3A_2854 : vector<64x128xf32>
    %bitcast_convert_type3A_2856 = tpu.bitcast %min3A_2855 : vector<64x128xf32> -> vector<64x128xi32>
    %sub3A_2857 = arith.constant 1056964608 : i32
    %sub3A_2858 = vector.broadcast %sub3A_2857 : i32 to vector<64x128xi32>
    %sub3A_2859 = arith.subi %bitcast_convert_type3A_2856, %sub3A_2858 : vector<64x128xi32>
    %shift_left3A_2860 = arith.constant 5 : i32
    %shift_left3A_2861 = vector.broadcast %shift_left3A_2860 : i32 to vector<64x128xi32>
    %shift_left3A_2862 = arith.shli %sub3A_2859, %shift_left3A_2861 : vector<64x128xi32>
    %and3A_2863 = arith.constant -4096 : i32
    %and3A_2864 = vector.broadcast %and3A_2863 : i32 to vector<64x128xi32>
    %and3A_2865 = arith.andi %shift_left3A_2862, %and3A_2864 : vector<64x128xi32>
    %get3A_2866 = arith.constant 16 : index
    %get3A_2867 = arith.constant 0 : index
    %get3A_2868 = vector.load %arg3[%get3A_2866, %get3A_2867] : memref<32x128xi32, #tpu.memory_space<vmem>>, vector<1x128xi32>
    %or3A_2869 = vector.broadcast %get3A_2868 : vector<1x128xi32> to vector<64x128xi32>
    %or3A_2870 = arith.ori %and3A_2865, %or3A_2869 : vector<64x128xi32>
    %bitcast_convert_type3A_2871 = tpu.bitcast %or3A_2870 : vector<64x128xi32> -> vector<64x128xf32>
    %min3A_2872 = arith.minimumf %min3A_2845, %bitcast_convert_type3A_2871 : vector<64x128xf32>
    %max3A_2873 = arith.maximumf %min3A_2845, %bitcast_convert_type3A_2871 : vector<64x128xf32>
    %min3A_2874 = arith.minimumf %min3A_2847, %max3A_2873 : vector<64x128xf32>
    %max3A_2875 = arith.maximumf %min3A_2847, %max3A_2873 : vector<64x128xf32>
    %min3A_2876 = arith.minimumf %min3A_2849, %max3A_2875 : vector<64x128xf32>
    %max3A_2877 = arith.maximumf %min3A_2849, %max3A_2875 : vector<64x128xf32>
    %min3A_2878 = arith.minimumf %min3A_2851, %max3A_2877 : vector<64x128xf32>
    %slice3A_2879 = vector.extract_strided_slice %slice3A_2417 {offsets = [0, 2176], sizes = [64, 128], strides = [1, 1]} : vector<64x4096xf32> to vector<64x128xf32>
    %min3A_2880 = arith.constant 1.240000e+02 : f32
    %min3A_2881 = vector.broadcast %min3A_2880 : f32 to vector<64x128xf32>
    %min3A_2882 = arith.minimumf %slice3A_2879, %min3A_2881 : vector<64x128xf32>
    %bitcast_convert_type3A_2883 = tpu.bitcast %min3A_2882 : vector<64x128xf32> -> vector<64x128xi32>
    %sub3A_2884 = arith.constant 1056964608 : i32
    %sub3A_2885 = vector.broadcast %sub3A_2884 : i32 to vector<64x128xi32>
    %sub3A_2886 = arith.subi %bitcast_convert_type3A_2883, %sub3A_2885 : vector<64x128xi32>
    %shift_left3A_2887 = arith.constant 5 : i32
    %shift_left3A_2888 = vector.broadcast %shift_left3A_2887 : i32 to vector<64x128xi32>
    %shift_left3A_2889 = arith.shli %sub3A_2886, %shift_left3A_2888 : vector<64x128xi32>
    %and3A_2890 = arith.constant -4096 : i32
    %and3A_2891 = vector.broadcast %and3A_2890 : i32 to vector<64x128xi32>
    %and3A_2892 = arith.andi %shift_left3A_2889, %and3A_2891 : vector<64x128xi32>
    %get3A_2893 = arith.constant 17 : index
    %get3A_2894 = arith.constant 0 : index
    %get3A_2895 = vector.load %arg3[%get3A_2893, %get3A_2894] : memref<32x128xi32, #tpu.memory_space<vmem>>, vector<1x128xi32>
    %or3A_2896 = vector.broadcast %get3A_2895 : vector<1x128xi32> to vector<64x128xi32>
    %or3A_2897 = arith.ori %and3A_2892, %or3A_2896 : vector<64x128xi32>
    %bitcast_convert_type3A_2898 = tpu.bitcast %or3A_2897 : vector<64x128xi32> -> vector<64x128xf32>
    %min3A_2899 = arith.minimumf %min3A_2872, %bitcast_convert_type3A_2898 : vector<64x128xf32>
    %max3A_2900 = arith.maximumf %min3A_2872, %bitcast_convert_type3A_2898 : vector<64x128xf32>
    %min3A_2901 = arith.minimumf %min3A_2874, %max3A_2900 : vector<64x128xf32>
    %max3A_2902 = arith.maximumf %min3A_2874, %max3A_2900 : vector<64x128xf32>
    %min3A_2903 = arith.minimumf %min3A_2876, %max3A_2902 : vector<64x128xf32>
    %max3A_2904 = arith.maximumf %min3A_2876, %max3A_2902 : vector<64x128xf32>
    %min3A_2905 = arith.minimumf %min3A_2878, %max3A_2904 : vector<64x128xf32>
    %slice3A_2906 = vector.extract_strided_slice %slice3A_2417 {offsets = [0, 2304], sizes = [64, 128], strides = [1, 1]} : vector<64x4096xf32> to vector<64x128xf32>
    %min3A_2907 = arith.constant 1.240000e+02 : f32
    %min3A_2908 = vector.broadcast %min3A_2907 : f32 to vector<64x128xf32>
    %min3A_2909 = arith.minimumf %slice3A_2906, %min3A_2908 : vector<64x128xf32>
    %bitcast_convert_type3A_2910 = tpu.bitcast %min3A_2909 : vector<64x128xf32> -> vector<64x128xi32>
    %sub3A_2911 = arith.constant 1056964608 : i32
    %sub3A_2912 = vector.broadcast %sub3A_2911 : i32 to vector<64x128xi32>
    %sub3A_2913 = arith.subi %bitcast_convert_type3A_2910, %sub3A_2912 : vector<64x128xi32>
    %shift_left3A_2914 = arith.constant 5 : i32
    %shift_left3A_2915 = vector.broadcast %shift_left3A_2914 : i32 to vector<64x128xi32>
    %shift_left3A_2916 = arith.shli %sub3A_2913, %shift_left3A_2915 : vector<64x128xi32>
    %and3A_2917 = arith.constant -4096 : i32
    %and3A_2918 = vector.broadcast %and3A_2917 : i32 to vector<64x128xi32>
    %and3A_2919 = arith.andi %shift_left3A_2916, %and3A_2918 : vector<64x128xi32>
    %get3A_2920 = arith.constant 18 : index
    %get3A_2921 = arith.constant 0 : index
    %get3A_2922 = vector.load %arg3[%get3A_2920, %get3A_2921] : memref<32x128xi32, #tpu.memory_space<vmem>>, vector<1x128xi32>
    %or3A_2923 = vector.broadcast %get3A_2922 : vector<1x128xi32> to vector<64x128xi32>
    %or3A_2924 = arith.ori %and3A_2919, %or3A_2923 : vector<64x128xi32>
    %bitcast_convert_type3A_2925 = tpu.bitcast %or3A_2924 : vector<64x128xi32> -> vector<64x128xf32>
    %min3A_2926 = arith.minimumf %min3A_2899, %bitcast_convert_type3A_2925 : vector<64x128xf32>
    %max3A_2927 = arith.maximumf %min3A_2899, %bitcast_convert_type3A_2925 : vector<64x128xf32>
    %min3A_2928 = arith.minimumf %min3A_2901, %max3A_2927 : vector<64x128xf32>
    %max3A_2929 = arith.maximumf %min3A_2901, %max3A_2927 : vector<64x128xf32>
    %min3A_2930 = arith.minimumf %min3A_2903, %max3A_2929 : vector<64x128xf32>
    %max3A_2931 = arith.maximumf %min3A_2903, %max3A_2929 : vector<64x128xf32>
    %min3A_2932 = arith.minimumf %min3A_2905, %max3A_2931 : vector<64x128xf32>
    %slice3A_2933 = vector.extract_strided_slice %slice3A_2417 {offsets = [0, 2432], sizes = [64, 128], strides = [1, 1]} : vector<64x4096xf32> to vector<64x128xf32>
    %min3A_2934 = arith.constant 1.240000e+02 : f32
    %min3A_2935 = vector.broadcast %min3A_2934 : f32 to vector<64x128xf32>
    %min3A_2936 = arith.minimumf %slice3A_2933, %min3A_2935 : vector<64x128xf32>
    %bitcast_convert_type3A_2937 = tpu.bitcast %min3A_2936 : vector<64x128xf32> -> vector<64x128xi32>
    %sub3A_2938 = arith.constant 1056964608 : i32
    %sub3A_2939 = vector.broadcast %sub3A_2938 : i32 to vector<64x128xi32>
    %sub3A_2940 = arith.subi %bitcast_convert_type3A_2937, %sub3A_2939 : vector<64x128xi32>
    %shift_left3A_2941 = arith.constant 5 : i32
    %shift_left3A_2942 = vector.broadcast %shift_left3A_2941 : i32 to vector<64x128xi32>
    %shift_left3A_2943 = arith.shli %sub3A_2940, %shift_left3A_2942 : vector<64x128xi32>
    %and3A_2944 = arith.constant -4096 : i32
    %and3A_2945 = vector.broadcast %and3A_2944 : i32 to vector<64x128xi32>
    %and3A_2946 = arith.andi %shift_left3A_2943, %and3A_2945 : vector<64x128xi32>
    %get3A_2947 = arith.constant 19 : index
    %get3A_2948 = arith.constant 0 : index
    %get3A_2949 = vector.load %arg3[%get3A_2947, %get3A_2948] : memref<32x128xi32, #tpu.memory_space<vmem>>, vector<1x128xi32>
    %or3A_2950 = vector.broadcast %get3A_2949 : vector<1x128xi32> to vector<64x128xi32>
    %or3A_2951 = arith.ori %and3A_2946, %or3A_2950 : vector<64x128xi32>
    %bitcast_convert_type3A_2952 = tpu.bitcast %or3A_2951 : vector<64x128xi32> -> vector<64x128xf32>
    %min3A_2953 = arith.minimumf %min3A_2926, %bitcast_convert_type3A_2952 : vector<64x128xf32>
    %max3A_2954 = arith.maximumf %min3A_2926, %bitcast_convert_type3A_2952 : vector<64x128xf32>
    %min3A_2955 = arith.minimumf %min3A_2928, %max3A_2954 : vector<64x128xf32>
    %max3A_2956 = arith.maximumf %min3A_2928, %max3A_2954 : vector<64x128xf32>
    %min3A_2957 = arith.minimumf %min3A_2930, %max3A_2956 : vector<64x128xf32>
    %max3A_2958 = arith.maximumf %min3A_2930, %max3A_2956 : vector<64x128xf32>
    %min3A_2959 = arith.minimumf %min3A_2932, %max3A_2958 : vector<64x128xf32>
    %slice3A_2960 = vector.extract_strided_slice %slice3A_2417 {offsets = [0, 2560], sizes = [64, 128], strides = [1, 1]} : vector<64x4096xf32> to vector<64x128xf32>
    %min3A_2961 = arith.constant 1.240000e+02 : f32
    %min3A_2962 = vector.broadcast %min3A_2961 : f32 to vector<64x128xf32>
    %min3A_2963 = arith.minimumf %slice3A_2960, %min3A_2962 : vector<64x128xf32>
    %bitcast_convert_type3A_2964 = tpu.bitcast %min3A_2963 : vector<64x128xf32> -> vector<64x128xi32>
    %sub3A_2965 = arith.constant 1056964608 : i32
    %sub3A_2966 = vector.broadcast %sub3A_2965 : i32 to vector<64x128xi32>
    %sub3A_2967 = arith.subi %bitcast_convert_type3A_2964, %sub3A_2966 : vector<64x128xi32>
    %shift_left3A_2968 = arith.constant 5 : i32
    %shift_left3A_2969 = vector.broadcast %shift_left3A_2968 : i32 to vector<64x128xi32>
    %shift_left3A_2970 = arith.shli %sub3A_2967, %shift_left3A_2969 : vector<64x128xi32>
    %and3A_2971 = arith.constant -4096 : i32
    %and3A_2972 = vector.broadcast %and3A_2971 : i32 to vector<64x128xi32>
    %and3A_2973 = arith.andi %shift_left3A_2970, %and3A_2972 : vector<64x128xi32>
    %get3A_2974 = arith.constant 20 : index
    %get3A_2975 = arith.constant 0 : index
    %get3A_2976 = vector.load %arg3[%get3A_2974, %get3A_2975] : memref<32x128xi32, #tpu.memory_space<vmem>>, vector<1x128xi32>
    %or3A_2977 = vector.broadcast %get3A_2976 : vector<1x128xi32> to vector<64x128xi32>
    %or3A_2978 = arith.ori %and3A_2973, %or3A_2977 : vector<64x128xi32>
    %bitcast_convert_type3A_2979 = tpu.bitcast %or3A_2978 : vector<64x128xi32> -> vector<64x128xf32>
    %min3A_2980 = arith.minimumf %min3A_2953, %bitcast_convert_type3A_2979 : vector<64x128xf32>
    %max3A_2981 = arith.maximumf %min3A_2953, %bitcast_convert_type3A_2979 : vector<64x128xf32>
    %min3A_2982 = arith.minimumf %min3A_2955, %max3A_2981 : vector<64x128xf32>
    %max3A_2983 = arith.maximumf %min3A_2955, %max3A_2981 : vector<64x128xf32>
    %min3A_2984 = arith.minimumf %min3A_2957, %max3A_2983 : vector<64x128xf32>
    %max3A_2985 = arith.maximumf %min3A_2957, %max3A_2983 : vector<64x128xf32>
    %min3A_2986 = arith.minimumf %min3A_2959, %max3A_2985 : vector<64x128xf32>
    %slice3A_2987 = vector.extract_strided_slice %slice3A_2417 {offsets = [0, 2688], sizes = [64, 128], strides = [1, 1]} : vector<64x4096xf32> to vector<64x128xf32>
    %min3A_2988 = arith.constant 1.240000e+02 : f32
    %min3A_2989 = vector.broadcast %min3A_2988 : f32 to vector<64x128xf32>
    %min3A_2990 = arith.minimumf %slice3A_2987, %min3A_2989 : vector<64x128xf32>
    %bitcast_convert_type3A_2991 = tpu.bitcast %min3A_2990 : vector<64x128xf32> -> vector<64x128xi32>
    %sub3A_2992 = arith.constant 1056964608 : i32
    %sub3A_2993 = vector.broadcast %sub3A_2992 : i32 to vector<64x128xi32>
    %sub3A_2994 = arith.subi %bitcast_convert_type3A_2991, %sub3A_2993 : vector<64x128xi32>
    %shift_left3A_2995 = arith.constant 5 : i32
    %shift_left3A_2996 = vector.broadcast %shift_left3A_2995 : i32 to vector<64x128xi32>
    %shift_left3A_2997 = arith.shli %sub3A_2994, %shift_left3A_2996 : vector<64x128xi32>
    %and3A_2998 = arith.constant -4096 : i32
    %and3A_2999 = vector.broadcast %and3A_2998 : i32 to vector<64x128xi32>
    %and3A_3000 = arith.andi %shift_left3A_2997, %and3A_2999 : vector<64x128xi32>
    %get3A_3001 = arith.constant 21 : index
    %get3A_3002 = arith.constant 0 : index
    %get3A_3003 = vector.load %arg3[%get3A_3001, %get3A_3002] : memref<32x128xi32, #tpu.memory_space<vmem>>, vector<1x128xi32>
    %or3A_3004 = vector.broadcast %get3A_3003 : vector<1x128xi32> to vector<64x128xi32>
    %or3A_3005 = arith.ori %and3A_3000, %or3A_3004 : vector<64x128xi32>
    %bitcast_convert_type3A_3006 = tpu.bitcast %or3A_3005 : vector<64x128xi32> -> vector<64x128xf32>
    %min3A_3007 = arith.minimumf %min3A_2980, %bitcast_convert_type3A_3006 : vector<64x128xf32>
    %max3A_3008 = arith.maximumf %min3A_2980, %bitcast_convert_type3A_3006 : vector<64x128xf32>
    %min3A_3009 = arith.minimumf %min3A_2982, %max3A_3008 : vector<64x128xf32>
    %max3A_3010 = arith.maximumf %min3A_2982, %max3A_3008 : vector<64x128xf32>
    %min3A_3011 = arith.minimumf %min3A_2984, %max3A_3010 : vector<64x128xf32>
    %max3A_3012 = arith.maximumf %min3A_2984, %max3A_3010 : vector<64x128xf32>
    %min3A_3013 = arith.minimumf %min3A_2986, %max3A_3012 : vector<64x128xf32>
    %slice3A_3014 = vector.extract_strided_slice %slice3A_2417 {offsets = [0, 2816], sizes = [64, 128], strides = [1, 1]} : vector<64x4096xf32> to vector<64x128xf32>
    %min3A_3015 = arith.constant 1.240000e+02 : f32
    %min3A_3016 = vector.broadcast %min3A_3015 : f32 to vector<64x128xf32>
    %min3A_3017 = arith.minimumf %slice3A_3014, %min3A_3016 : vector<64x128xf32>
    %bitcast_convert_type3A_3018 = tpu.bitcast %min3A_3017 : vector<64x128xf32> -> vector<64x128xi32>
    %sub3A_3019 = arith.constant 1056964608 : i32
    %sub3A_3020 = vector.broadcast %sub3A_3019 : i32 to vector<64x128xi32>
    %sub3A_3021 = arith.subi %bitcast_convert_type3A_3018, %sub3A_3020 : vector<64x128xi32>
    %shift_left3A_3022 = arith.constant 5 : i32
    %shift_left3A_3023 = vector.broadcast %shift_left3A_3022 : i32 to vector<64x128xi32>
    %shift_left3A_3024 = arith.shli %sub3A_3021, %shift_left3A_3023 : vector<64x128xi32>
    %and3A_3025 = arith.constant -4096 : i32
    %and3A_3026 = vector.broadcast %and3A_3025 : i32 to vector<64x128xi32>
    %and3A_3027 = arith.andi %shift_left3A_3024, %and3A_3026 : vector<64x128xi32>
    %get3A_3028 = arith.constant 22 : index
    %get3A_3029 = arith.constant 0 : index
    %get3A_3030 = vector.load %arg3[%get3A_3028, %get3A_3029] : memref<32x128xi32, #tpu.memory_space<vmem>>, vector<1x128xi32>
    %or3A_3031 = vector.broadcast %get3A_3030 : vector<1x128xi32> to vector<64x128xi32>
    %or3A_3032 = arith.ori %and3A_3027, %or3A_3031 : vector<64x128xi32>
    %bitcast_convert_type3A_3033 = tpu.bitcast %or3A_3032 : vector<64x128xi32> -> vector<64x128xf32>
    %min3A_3034 = arith.minimumf %min3A_3007, %bitcast_convert_type3A_3033 : vector<64x128xf32>
    %max3A_3035 = arith.maximumf %min3A_3007, %bitcast_convert_type3A_3033 : vector<64x128xf32>
    %min3A_3036 = arith.minimumf %min3A_3009, %max3A_3035 : vector<64x128xf32>
    %max3A_3037 = arith.maximumf %min3A_3009, %max3A_3035 : vector<64x128xf32>
    %min3A_3038 = arith.minimumf %min3A_3011, %max3A_3037 : vector<64x128xf32>
    %max3A_3039 = arith.maximumf %min3A_3011, %max3A_3037 : vector<64x128xf32>
    %min3A_3040 = arith.minimumf %min3A_3013, %max3A_3039 : vector<64x128xf32>
    %slice3A_3041 = vector.extract_strided_slice %slice3A_2417 {offsets = [0, 2944], sizes = [64, 128], strides = [1, 1]} : vector<64x4096xf32> to vector<64x128xf32>
    %min3A_3042 = arith.constant 1.240000e+02 : f32
    %min3A_3043 = vector.broadcast %min3A_3042 : f32 to vector<64x128xf32>
    %min3A_3044 = arith.minimumf %slice3A_3041, %min3A_3043 : vector<64x128xf32>
    %bitcast_convert_type3A_3045 = tpu.bitcast %min3A_3044 : vector<64x128xf32> -> vector<64x128xi32>
    %sub3A_3046 = arith.constant 1056964608 : i32
    %sub3A_3047 = vector.broadcast %sub3A_3046 : i32 to vector<64x128xi32>
    %sub3A_3048 = arith.subi %bitcast_convert_type3A_3045, %sub3A_3047 : vector<64x128xi32>
    %shift_left3A_3049 = arith.constant 5 : i32
    %shift_left3A_3050 = vector.broadcast %shift_left3A_3049 : i32 to vector<64x128xi32>
    %shift_left3A_3051 = arith.shli %sub3A_3048, %shift_left3A_3050 : vector<64x128xi32>
    %and3A_3052 = arith.constant -4096 : i32
    %and3A_3053 = vector.broadcast %and3A_3052 : i32 to vector<64x128xi32>
    %and3A_3054 = arith.andi %shift_left3A_3051, %and3A_3053 : vector<64x128xi32>
    %get3A_3055 = arith.constant 23 : index
    %get3A_3056 = arith.constant 0 : index
    %get3A_3057 = vector.load %arg3[%get3A_3055, %get3A_3056] : memref<32x128xi32, #tpu.memory_space<vmem>>, vector<1x128xi32>
    %or3A_3058 = vector.broadcast %get3A_3057 : vector<1x128xi32> to vector<64x128xi32>
    %or3A_3059 = arith.ori %and3A_3054, %or3A_3058 : vector<64x128xi32>
    %bitcast_convert_type3A_3060 = tpu.bitcast %or3A_3059 : vector<64x128xi32> -> vector<64x128xf32>
    %min3A_3061 = arith.minimumf %min3A_3034, %bitcast_convert_type3A_3060 : vector<64x128xf32>
    %max3A_3062 = arith.maximumf %min3A_3034, %bitcast_convert_type3A_3060 : vector<64x128xf32>
    %min3A_3063 = arith.minimumf %min3A_3036, %max3A_3062 : vector<64x128xf32>
    %max3A_3064 = arith.maximumf %min3A_3036, %max3A_3062 : vector<64x128xf32>
    %min3A_3065 = arith.minimumf %min3A_3038, %max3A_3064 : vector<64x128xf32>
    %max3A_3066 = arith.maximumf %min3A_3038, %max3A_3064 : vector<64x128xf32>
    %min3A_3067 = arith.minimumf %min3A_3040, %max3A_3066 : vector<64x128xf32>
    %slice3A_3068 = vector.extract_strided_slice %slice3A_2417 {offsets = [0, 3072], sizes = [64, 128], strides = [1, 1]} : vector<64x4096xf32> to vector<64x128xf32>
    %min3A_3069 = arith.constant 1.240000e+02 : f32
    %min3A_3070 = vector.broadcast %min3A_3069 : f32 to vector<64x128xf32>
    %min3A_3071 = arith.minimumf %slice3A_3068, %min3A_3070 : vector<64x128xf32>
    %bitcast_convert_type3A_3072 = tpu.bitcast %min3A_3071 : vector<64x128xf32> -> vector<64x128xi32>
    %sub3A_3073 = arith.constant 1056964608 : i32
    %sub3A_3074 = vector.broadcast %sub3A_3073 : i32 to vector<64x128xi32>
    %sub3A_3075 = arith.subi %bitcast_convert_type3A_3072, %sub3A_3074 : vector<64x128xi32>
    %shift_left3A_3076 = arith.constant 5 : i32
    %shift_left3A_3077 = vector.broadcast %shift_left3A_3076 : i32 to vector<64x128xi32>
    %shift_left3A_3078 = arith.shli %sub3A_3075, %shift_left3A_3077 : vector<64x128xi32>
    %and3A_3079 = arith.constant -4096 : i32
    %and3A_3080 = vector.broadcast %and3A_3079 : i32 to vector<64x128xi32>
    %and3A_3081 = arith.andi %shift_left3A_3078, %and3A_3080 : vector<64x128xi32>
    %get3A_3082 = arith.constant 24 : index
    %get3A_3083 = arith.constant 0 : index
    %get3A_3084 = vector.load %arg3[%get3A_3082, %get3A_3083] : memref<32x128xi32, #tpu.memory_space<vmem>>, vector<1x128xi32>
    %or3A_3085 = vector.broadcast %get3A_3084 : vector<1x128xi32> to vector<64x128xi32>
    %or3A_3086 = arith.ori %and3A_3081, %or3A_3085 : vector<64x128xi32>
    %bitcast_convert_type3A_3087 = tpu.bitcast %or3A_3086 : vector<64x128xi32> -> vector<64x128xf32>
    %min3A_3088 = arith.minimumf %min3A_3061, %bitcast_convert_type3A_3087 : vector<64x128xf32>
    %max3A_3089 = arith.maximumf %min3A_3061, %bitcast_convert_type3A_3087 : vector<64x128xf32>
    %min3A_3090 = arith.minimumf %min3A_3063, %max3A_3089 : vector<64x128xf32>
    %max3A_3091 = arith.maximumf %min3A_3063, %max3A_3089 : vector<64x128xf32>
    %min3A_3092 = arith.minimumf %min3A_3065, %max3A_3091 : vector<64x128xf32>
    %max3A_3093 = arith.maximumf %min3A_3065, %max3A_3091 : vector<64x128xf32>
    %min3A_3094 = arith.minimumf %min3A_3067, %max3A_3093 : vector<64x128xf32>
    %slice3A_3095 = vector.extract_strided_slice %slice3A_2417 {offsets = [0, 3200], sizes = [64, 128], strides = [1, 1]} : vector<64x4096xf32> to vector<64x128xf32>
    %min3A_3096 = arith.constant 1.240000e+02 : f32
    %min3A_3097 = vector.broadcast %min3A_3096 : f32 to vector<64x128xf32>
    %min3A_3098 = arith.minimumf %slice3A_3095, %min3A_3097 : vector<64x128xf32>
    %bitcast_convert_type3A_3099 = tpu.bitcast %min3A_3098 : vector<64x128xf32> -> vector<64x128xi32>
    %sub3A_3100 = arith.constant 1056964608 : i32
    %sub3A_3101 = vector.broadcast %sub3A_3100 : i32 to vector<64x128xi32>
    %sub3A_3102 = arith.subi %bitcast_convert_type3A_3099, %sub3A_3101 : vector<64x128xi32>
    %shift_left3A_3103 = arith.constant 5 : i32
    %shift_left3A_3104 = vector.broadcast %shift_left3A_3103 : i32 to vector<64x128xi32>
    %shift_left3A_3105 = arith.shli %sub3A_3102, %shift_left3A_3104 : vector<64x128xi32>
    %and3A_3106 = arith.constant -4096 : i32
    %and3A_3107 = vector.broadcast %and3A_3106 : i32 to vector<64x128xi32>
    %and3A_3108 = arith.andi %shift_left3A_3105, %and3A_3107 : vector<64x128xi32>
    %get3A_3109 = arith.constant 25 : index
    %get3A_3110 = arith.constant 0 : index
    %get3A_3111 = vector.load %arg3[%get3A_3109, %get3A_3110] : memref<32x128xi32, #tpu.memory_space<vmem>>, vector<1x128xi32>
    %or3A_3112 = vector.broadcast %get3A_3111 : vector<1x128xi32> to vector<64x128xi32>
    %or3A_3113 = arith.ori %and3A_3108, %or3A_3112 : vector<64x128xi32>
    %bitcast_convert_type3A_3114 = tpu.bitcast %or3A_3113 : vector<64x128xi32> -> vector<64x128xf32>
    %min3A_3115 = arith.minimumf %min3A_3088, %bitcast_convert_type3A_3114 : vector<64x128xf32>
    %max3A_3116 = arith.maximumf %min3A_3088, %bitcast_convert_type3A_3114 : vector<64x128xf32>
    %min3A_3117 = arith.minimumf %min3A_3090, %max3A_3116 : vector<64x128xf32>
    %max3A_3118 = arith.maximumf %min3A_3090, %max3A_3116 : vector<64x128xf32>
    %min3A_3119 = arith.minimumf %min3A_3092, %max3A_3118 : vector<64x128xf32>
    %max3A_3120 = arith.maximumf %min3A_3092, %max3A_3118 : vector<64x128xf32>
    %min3A_3121 = arith.minimumf %min3A_3094, %max3A_3120 : vector<64x128xf32>
    %slice3A_3122 = vector.extract_strided_slice %slice3A_2417 {offsets = [0, 3328], sizes = [64, 128], strides = [1, 1]} : vector<64x4096xf32> to vector<64x128xf32>
    %min3A_3123 = arith.constant 1.240000e+02 : f32
    %min3A_3124 = vector.broadcast %min3A_3123 : f32 to vector<64x128xf32>
    %min3A_3125 = arith.minimumf %slice3A_3122, %min3A_3124 : vector<64x128xf32>
    %bitcast_convert_type3A_3126 = tpu.bitcast %min3A_3125 : vector<64x128xf32> -> vector<64x128xi32>
    %sub3A_3127 = arith.constant 1056964608 : i32
    %sub3A_3128 = vector.broadcast %sub3A_3127 : i32 to vector<64x128xi32>
    %sub3A_3129 = arith.subi %bitcast_convert_type3A_3126, %sub3A_3128 : vector<64x128xi32>
    %shift_left3A_3130 = arith.constant 5 : i32
    %shift_left3A_3131 = vector.broadcast %shift_left3A_3130 : i32 to vector<64x128xi32>
    %shift_left3A_3132 = arith.shli %sub3A_3129, %shift_left3A_3131 : vector<64x128xi32>
    %and3A_3133 = arith.constant -4096 : i32
    %and3A_3134 = vector.broadcast %and3A_3133 : i32 to vector<64x128xi32>
    %and3A_3135 = arith.andi %shift_left3A_3132, %and3A_3134 : vector<64x128xi32>
    %get3A_3136 = arith.constant 26 : index
    %get3A_3137 = arith.constant 0 : index
    %get3A_3138 = vector.load %arg3[%get3A_3136, %get3A_3137] : memref<32x128xi32, #tpu.memory_space<vmem>>, vector<1x128xi32>
    %or3A_3139 = vector.broadcast %get3A_3138 : vector<1x128xi32> to vector<64x128xi32>
    %or3A_3140 = arith.ori %and3A_3135, %or3A_3139 : vector<64x128xi32>
    %bitcast_convert_type3A_3141 = tpu.bitcast %or3A_3140 : vector<64x128xi32> -> vector<64x128xf32>
    %min3A_3142 = arith.minimumf %min3A_3115, %bitcast_convert_type3A_3141 : vector<64x128xf32>
    %max3A_3143 = arith.maximumf %min3A_3115, %bitcast_convert_type3A_3141 : vector<64x128xf32>
    %min3A_3144 = arith.minimumf %min3A_3117, %max3A_3143 : vector<64x128xf32>
    %max3A_3145 = arith.maximumf %min3A_3117, %max3A_3143 : vector<64x128xf32>
    %min3A_3146 = arith.minimumf %min3A_3119, %max3A_3145 : vector<64x128xf32>
    %max3A_3147 = arith.maximumf %min3A_3119, %max3A_3145 : vector<64x128xf32>
    %min3A_3148 = arith.minimumf %min3A_3121, %max3A_3147 : vector<64x128xf32>
    %slice3A_3149 = vector.extract_strided_slice %slice3A_2417 {offsets = [0, 3456], sizes = [64, 128], strides = [1, 1]} : vector<64x4096xf32> to vector<64x128xf32>
    %min3A_3150 = arith.constant 1.240000e+02 : f32
    %min3A_3151 = vector.broadcast %min3A_3150 : f32 to vector<64x128xf32>
    %min3A_3152 = arith.minimumf %slice3A_3149, %min3A_3151 : vector<64x128xf32>
    %bitcast_convert_type3A_3153 = tpu.bitcast %min3A_3152 : vector<64x128xf32> -> vector<64x128xi32>
    %sub3A_3154 = arith.constant 1056964608 : i32
    %sub3A_3155 = vector.broadcast %sub3A_3154 : i32 to vector<64x128xi32>
    %sub3A_3156 = arith.subi %bitcast_convert_type3A_3153, %sub3A_3155 : vector<64x128xi32>
    %shift_left3A_3157 = arith.constant 5 : i32
    %shift_left3A_3158 = vector.broadcast %shift_left3A_3157 : i32 to vector<64x128xi32>
    %shift_left3A_3159 = arith.shli %sub3A_3156, %shift_left3A_3158 : vector<64x128xi32>
    %and3A_3160 = arith.constant -4096 : i32
    %and3A_3161 = vector.broadcast %and3A_3160 : i32 to vector<64x128xi32>
    %and3A_3162 = arith.andi %shift_left3A_3159, %and3A_3161 : vector<64x128xi32>
    %get3A_3163 = arith.constant 27 : index
    %get3A_3164 = arith.constant 0 : index
    %get3A_3165 = vector.load %arg3[%get3A_3163, %get3A_3164] : memref<32x128xi32, #tpu.memory_space<vmem>>, vector<1x128xi32>
    %or3A_3166 = vector.broadcast %get3A_3165 : vector<1x128xi32> to vector<64x128xi32>
    %or3A_3167 = arith.ori %and3A_3162, %or3A_3166 : vector<64x128xi32>
    %bitcast_convert_type3A_3168 = tpu.bitcast %or3A_3167 : vector<64x128xi32> -> vector<64x128xf32>
    %min3A_3169 = arith.minimumf %min3A_3142, %bitcast_convert_type3A_3168 : vector<64x128xf32>
    %max3A_3170 = arith.maximumf %min3A_3142, %bitcast_convert_type3A_3168 : vector<64x128xf32>
    %min3A_3171 = arith.minimumf %min3A_3144, %max3A_3170 : vector<64x128xf32>
    %max3A_3172 = arith.maximumf %min3A_3144, %max3A_3170 : vector<64x128xf32>
    %min3A_3173 = arith.minimumf %min3A_3146, %max3A_3172 : vector<64x128xf32>
    %max3A_3174 = arith.maximumf %min3A_3146, %max3A_3172 : vector<64x128xf32>
    %min3A_3175 = arith.minimumf %min3A_3148, %max3A_3174 : vector<64x128xf32>
    %slice3A_3176 = vector.extract_strided_slice %slice3A_2417 {offsets = [0, 3584], sizes = [64, 128], strides = [1, 1]} : vector<64x4096xf32> to vector<64x128xf32>
    %min3A_3177 = arith.constant 1.240000e+02 : f32
    %min3A_3178 = vector.broadcast %min3A_3177 : f32 to vector<64x128xf32>
    %min3A_3179 = arith.minimumf %slice3A_3176, %min3A_3178 : vector<64x128xf32>
    %bitcast_convert_type3A_3180 = tpu.bitcast %min3A_3179 : vector<64x128xf32> -> vector<64x128xi32>
    %sub3A_3181 = arith.constant 1056964608 : i32
    %sub3A_3182 = vector.broadcast %sub3A_3181 : i32 to vector<64x128xi32>
    %sub3A_3183 = arith.subi %bitcast_convert_type3A_3180, %sub3A_3182 : vector<64x128xi32>
    %shift_left3A_3184 = arith.constant 5 : i32
    %shift_left3A_3185 = vector.broadcast %shift_left3A_3184 : i32 to vector<64x128xi32>
    %shift_left3A_3186 = arith.shli %sub3A_3183, %shift_left3A_3185 : vector<64x128xi32>
    %and3A_3187 = arith.constant -4096 : i32
    %and3A_3188 = vector.broadcast %and3A_3187 : i32 to vector<64x128xi32>
    %and3A_3189 = arith.andi %shift_left3A_3186, %and3A_3188 : vector<64x128xi32>
    %get3A_3190 = arith.constant 28 : index
    %get3A_3191 = arith.constant 0 : index
    %get3A_3192 = vector.load %arg3[%get3A_3190, %get3A_3191] : memref<32x128xi32, #tpu.memory_space<vmem>>, vector<1x128xi32>
    %or3A_3193 = vector.broadcast %get3A_3192 : vector<1x128xi32> to vector<64x128xi32>
    %or3A_3194 = arith.ori %and3A_3189, %or3A_3193 : vector<64x128xi32>
    %bitcast_convert_type3A_3195 = tpu.bitcast %or3A_3194 : vector<64x128xi32> -> vector<64x128xf32>
    %min3A_3196 = arith.minimumf %min3A_3169, %bitcast_convert_type3A_3195 : vector<64x128xf32>
    %max3A_3197 = arith.maximumf %min3A_3169, %bitcast_convert_type3A_3195 : vector<64x128xf32>
    %min3A_3198 = arith.minimumf %min3A_3171, %max3A_3197 : vector<64x128xf32>
    %max3A_3199 = arith.maximumf %min3A_3171, %max3A_3197 : vector<64x128xf32>
    %min3A_3200 = arith.minimumf %min3A_3173, %max3A_3199 : vector<64x128xf32>
    %max3A_3201 = arith.maximumf %min3A_3173, %max3A_3199 : vector<64x128xf32>
    %min3A_3202 = arith.minimumf %min3A_3175, %max3A_3201 : vector<64x128xf32>
    %slice3A_3203 = vector.extract_strided_slice %slice3A_2417 {offsets = [0, 3712], sizes = [64, 128], strides = [1, 1]} : vector<64x4096xf32> to vector<64x128xf32>
    %min3A_3204 = arith.constant 1.240000e+02 : f32
    %min3A_3205 = vector.broadcast %min3A_3204 : f32 to vector<64x128xf32>
    %min3A_3206 = arith.minimumf %slice3A_3203, %min3A_3205 : vector<64x128xf32>
    %bitcast_convert_type3A_3207 = tpu.bitcast %min3A_3206 : vector<64x128xf32> -> vector<64x128xi32>
    %sub3A_3208 = arith.constant 1056964608 : i32
    %sub3A_3209 = vector.broadcast %sub3A_3208 : i32 to vector<64x128xi32>
    %sub3A_3210 = arith.subi %bitcast_convert_type3A_3207, %sub3A_3209 : vector<64x128xi32>
    %shift_left3A_3211 = arith.constant 5 : i32
    %shift_left3A_3212 = vector.broadcast %shift_left3A_3211 : i32 to vector<64x128xi32>
    %shift_left3A_3213 = arith.shli %sub3A_3210, %shift_left3A_3212 : vector<64x128xi32>
    %and3A_3214 = arith.constant -4096 : i32
    %and3A_3215 = vector.broadcast %and3A_3214 : i32 to vector<64x128xi32>
    %and3A_3216 = arith.andi %shift_left3A_3213, %and3A_3215 : vector<64x128xi32>
    %get3A_3217 = arith.constant 29 : index
    %get3A_3218 = arith.constant 0 : index
    %get3A_3219 = vector.load %arg3[%get3A_3217, %get3A_3218] : memref<32x128xi32, #tpu.memory_space<vmem>>, vector<1x128xi32>
    %or3A_3220 = vector.broadcast %get3A_3219 : vector<1x128xi32> to vector<64x128xi32>
    %or3A_3221 = arith.ori %and3A_3216, %or3A_3220 : vector<64x128xi32>
    %bitcast_convert_type3A_3222 = tpu.bitcast %or3A_3221 : vector<64x128xi32> -> vector<64x128xf32>
    %min3A_3223 = arith.minimumf %min3A_3196, %bitcast_convert_type3A_3222 : vector<64x128xf32>
    %max3A_3224 = arith.maximumf %min3A_3196, %bitcast_convert_type3A_3222 : vector<64x128xf32>
    %min3A_3225 = arith.minimumf %min3A_3198, %max3A_3224 : vector<64x128xf32>
    %max3A_3226 = arith.maximumf %min3A_3198, %max3A_3224 : vector<64x128xf32>
    %min3A_3227 = arith.minimumf %min3A_3200, %max3A_3226 : vector<64x128xf32>
    %max3A_3228 = arith.maximumf %min3A_3200, %max3A_3226 : vector<64x128xf32>
    %min3A_3229 = arith.minimumf %min3A_3202, %max3A_3228 : vector<64x128xf32>
    %slice3A_3230 = vector.extract_strided_slice %slice3A_2417 {offsets = [0, 3840], sizes = [64, 128], strides = [1, 1]} : vector<64x4096xf32> to vector<64x128xf32>
    %min3A_3231 = arith.constant 1.240000e+02 : f32
    %min3A_3232 = vector.broadcast %min3A_3231 : f32 to vector<64x128xf32>
    %min3A_3233 = arith.minimumf %slice3A_3230, %min3A_3232 : vector<64x128xf32>
    %bitcast_convert_type3A_3234 = tpu.bitcast %min3A_3233 : vector<64x128xf32> -> vector<64x128xi32>
    %sub3A_3235 = arith.constant 1056964608 : i32
    %sub3A_3236 = vector.broadcast %sub3A_3235 : i32 to vector<64x128xi32>
    %sub3A_3237 = arith.subi %bitcast_convert_type3A_3234, %sub3A_3236 : vector<64x128xi32>
    %shift_left3A_3238 = arith.constant 5 : i32
    %shift_left3A_3239 = vector.broadcast %shift_left3A_3238 : i32 to vector<64x128xi32>
    %shift_left3A_3240 = arith.shli %sub3A_3237, %shift_left3A_3239 : vector<64x128xi32>
    %and3A_3241 = arith.constant -4096 : i32
    %and3A_3242 = vector.broadcast %and3A_3241 : i32 to vector<64x128xi32>
    %and3A_3243 = arith.andi %shift_left3A_3240, %and3A_3242 : vector<64x128xi32>
    %get3A_3244 = arith.constant 30 : index
    %get3A_3245 = arith.constant 0 : index
    %get3A_3246 = vector.load %arg3[%get3A_3244, %get3A_3245] : memref<32x128xi32, #tpu.memory_space<vmem>>, vector<1x128xi32>
    %or3A_3247 = vector.broadcast %get3A_3246 : vector<1x128xi32> to vector<64x128xi32>
    %or3A_3248 = arith.ori %and3A_3243, %or3A_3247 : vector<64x128xi32>
    %bitcast_convert_type3A_3249 = tpu.bitcast %or3A_3248 : vector<64x128xi32> -> vector<64x128xf32>
    %min3A_3250 = arith.minimumf %min3A_3223, %bitcast_convert_type3A_3249 : vector<64x128xf32>
    %max3A_3251 = arith.maximumf %min3A_3223, %bitcast_convert_type3A_3249 : vector<64x128xf32>
    %min3A_3252 = arith.minimumf %min3A_3225, %max3A_3251 : vector<64x128xf32>
    %max3A_3253 = arith.maximumf %min3A_3225, %max3A_3251 : vector<64x128xf32>
    %min3A_3254 = arith.minimumf %min3A_3227, %max3A_3253 : vector<64x128xf32>
    %max3A_3255 = arith.maximumf %min3A_3227, %max3A_3253 : vector<64x128xf32>
    %min3A_3256 = arith.minimumf %min3A_3229, %max3A_3255 : vector<64x128xf32>
    %slice3A_3257 = vector.extract_strided_slice %slice3A_2417 {offsets = [0, 3968], sizes = [64, 128], strides = [1, 1]} : vector<64x4096xf32> to vector<64x128xf32>
    %min3A_3258 = arith.constant 1.240000e+02 : f32
    %min3A_3259 = vector.broadcast %min3A_3258 : f32 to vector<64x128xf32>
    %min3A_3260 = arith.minimumf %slice3A_3257, %min3A_3259 : vector<64x128xf32>
    %bitcast_convert_type3A_3261 = tpu.bitcast %min3A_3260 : vector<64x128xf32> -> vector<64x128xi32>
    %sub3A_3262 = arith.constant 1056964608 : i32
    %sub3A_3263 = vector.broadcast %sub3A_3262 : i32 to vector<64x128xi32>
    %sub3A_3264 = arith.subi %bitcast_convert_type3A_3261, %sub3A_3263 : vector<64x128xi32>
    %shift_left3A_3265 = arith.constant 5 : i32
    %shift_left3A_3266 = vector.broadcast %shift_left3A_3265 : i32 to vector<64x128xi32>
    %shift_left3A_3267 = arith.shli %sub3A_3264, %shift_left3A_3266 : vector<64x128xi32>
    %and3A_3268 = arith.constant -4096 : i32
    %and3A_3269 = vector.broadcast %and3A_3268 : i32 to vector<64x128xi32>
    %and3A_3270 = arith.andi %shift_left3A_3267, %and3A_3269 : vector<64x128xi32>
    %get3A_3271 = arith.constant 31 : index
    %get3A_3272 = arith.constant 0 : index
    %get3A_3273 = vector.load %arg3[%get3A_3271, %get3A_3272] : memref<32x128xi32, #tpu.memory_space<vmem>>, vector<1x128xi32>
    %or3A_3274 = vector.broadcast %get3A_3273 : vector<1x128xi32> to vector<64x128xi32>
    %or3A_3275 = arith.ori %and3A_3270, %or3A_3274 : vector<64x128xi32>
    %bitcast_convert_type3A_3276 = tpu.bitcast %or3A_3275 : vector<64x128xi32> -> vector<64x128xf32>
    %min3A_3277 = arith.minimumf %min3A_3250, %bitcast_convert_type3A_3276 : vector<64x128xf32>
    %max3A_3278 = arith.maximumf %min3A_3250, %bitcast_convert_type3A_3276 : vector<64x128xf32>
    %min3A_3279 = arith.minimumf %min3A_3252, %max3A_3278 : vector<64x128xf32>
    %max3A_3280 = arith.maximumf %min3A_3252, %max3A_3278 : vector<64x128xf32>
    %min3A_3281 = arith.minimumf %min3A_3254, %max3A_3280 : vector<64x128xf32>
    %max3A_3282 = arith.maximumf %min3A_3254, %max3A_3280 : vector<64x128xf32>
    %min3A_3283 = arith.minimumf %min3A_3256, %max3A_3282 : vector<64x128xf32>
    %iota3A_3284 = tpu.iota {dimensions = array<i32: 1>} : vector<64x16xi32>
    %broadcast_in_dim3A_3285 = arith.constant 0 : i32
    %broadcast_in_dim3A_3286 = vector.broadcast %broadcast_in_dim3A_3285 : i32 to vector<64x16xi32>
    %reduce_min3A_3287 = arith.constant dense<0x7F800000> : vector<64xf32>
    %reduce_min3A_3288 = vector.multi_reduction <minimumf>, %min3A_3277, %reduce_min3A_3287 [1] : vector<64x128xf32> to vector<64xf32>
    %broadcast_in_dim3A_3289 = vector.shape_cast %reduce_min3A_3288 : vector<64xf32> to vector<64x1xf32>
    %eq3A_3290 = vector.broadcast %broadcast_in_dim3A_3289 : vector<64x1xf32> to vector<64x128xf32>
    %eq3A_3291 = arith.cmpf oeq, %min3A_3277, %eq3A_3290 : vector<64x128xf32>
    %select_n3A_3292 = arith.select %eq3A_3291, %min3A_3279, %min3A_3277 : vector<64x128xi1>, vector<64x128xf32>
    %select_n3A_3293 = arith.select %eq3A_3291, %min3A_3281, %min3A_3279 : vector<64x128xi1>, vector<64x128xf32>
    %select_n3A_3294 = arith.select %eq3A_3291, %min3A_3283, %min3A_3281 : vector<64x128xi1>, vector<64x128xf32>
    %jit3A_3295 = arith.constant 3.000000e+38 : f32
    %broadcast_in_dim3A_3296 = vector.broadcast %jit3A_3295 : f32 to vector<64x128xf32>
    %select_n3A_3297 = arith.select %eq3A_3291, %broadcast_in_dim3A_3296, %min3A_3283 : vector<64x128xi1>, vector<64x128xf32>
    %reduce_min3A_3298 = arith.constant dense<0x7F800000> : vector<64xf32>
    %reduce_min3A_3299 = vector.multi_reduction <minimumf>, %select_n3A_3292, %reduce_min3A_3298 [1] : vector<64x128xf32> to vector<64xf32>
    %broadcast_in_dim3A_3300 = vector.shape_cast %reduce_min3A_3299 : vector<64xf32> to vector<64x1xf32>
    %bitcast_convert_type3A_3301 = tpu.bitcast %broadcast_in_dim3A_3300 : vector<64x1xf32> -> vector<64x1xi32>
    %and3A_3302 = arith.constant 4095 : i32
    %and3A_3303 = vector.broadcast %and3A_3302 : i32 to vector<64x1xi32>
    %and3A_3304 = arith.andi %bitcast_convert_type3A_3301, %and3A_3303 : vector<64x1xi32>
    %eq3A_3305 = arith.constant 0 : i32
    %eq3A_3306 = vector.broadcast %eq3A_3305 : i32 to vector<64x16xi32>
    %eq3A_3307 = arith.cmpi eq, %iota3A_3284, %eq3A_3306 : vector<64x16xi32>
    %broadcast_in_dim3A_3308 = vector.shape_cast %and3A_3304 : vector<64x1xi32> to vector<64x1xi32>
    %broadcast_in_dim3A_3309 = vector.broadcast %broadcast_in_dim3A_3308 : vector<64x1xi32> to vector<64x16xi32>
    %select_n3A_3310 = arith.select %eq3A_3307, %broadcast_in_dim3A_3309, %broadcast_in_dim3A_3286 : vector<64x16xi1>, vector<64x16xi32>
    %eq3A_3311 = vector.broadcast %broadcast_in_dim3A_3300 : vector<64x1xf32> to vector<64x128xf32>
    %eq3A_3312 = arith.cmpf oeq, %select_n3A_3292, %eq3A_3311 : vector<64x128xf32>
    %select_n3A_3313 = arith.select %eq3A_3312, %select_n3A_3293, %select_n3A_3292 : vector<64x128xi1>, vector<64x128xf32>
    %select_n3A_3314 = arith.select %eq3A_3312, %select_n3A_3294, %select_n3A_3293 : vector<64x128xi1>, vector<64x128xf32>
    %select_n3A_3315 = arith.select %eq3A_3312, %select_n3A_3297, %select_n3A_3294 : vector<64x128xi1>, vector<64x128xf32>
    %jit3A_3316 = arith.constant 3.000000e+38 : f32
    %broadcast_in_dim3A_3317 = vector.broadcast %jit3A_3316 : f32 to vector<64x128xf32>
    %select_n3A_3318 = arith.select %eq3A_3312, %broadcast_in_dim3A_3317, %select_n3A_3297 : vector<64x128xi1>, vector<64x128xf32>
    %reduce_min3A_3319 = arith.constant dense<0x7F800000> : vector<64xf32>
    %reduce_min3A_3320 = vector.multi_reduction <minimumf>, %select_n3A_3313, %reduce_min3A_3319 [1] : vector<64x128xf32> to vector<64xf32>
    %broadcast_in_dim3A_3321 = vector.shape_cast %reduce_min3A_3320 : vector<64xf32> to vector<64x1xf32>
    %bitcast_convert_type3A_3322 = tpu.bitcast %broadcast_in_dim3A_3321 : vector<64x1xf32> -> vector<64x1xi32>
    %and3A_3323 = arith.constant 4095 : i32
    %and3A_3324 = vector.broadcast %and3A_3323 : i32 to vector<64x1xi32>
    %and3A_3325 = arith.andi %bitcast_convert_type3A_3322, %and3A_3324 : vector<64x1xi32>
    %eq3A_3326 = arith.constant 1 : i32
    %eq3A_3327 = vector.broadcast %eq3A_3326 : i32 to vector<64x16xi32>
    %eq3A_3328 = arith.cmpi eq, %iota3A_3284, %eq3A_3327 : vector<64x16xi32>
    %broadcast_in_dim3A_3329 = vector.shape_cast %and3A_3325 : vector<64x1xi32> to vector<64x1xi32>
    %broadcast_in_dim3A_3330 = vector.broadcast %broadcast_in_dim3A_3329 : vector<64x1xi32> to vector<64x16xi32>
    %select_n3A_3331 = arith.select %eq3A_3328, %broadcast_in_dim3A_3330, %select_n3A_3310 : vector<64x16xi1>, vector<64x16xi32>
    %eq3A_3332 = vector.broadcast %broadcast_in_dim3A_3321 : vector<64x1xf32> to vector<64x128xf32>
    %eq3A_3333 = arith.cmpf oeq, %select_n3A_3313, %eq3A_3332 : vector<64x128xf32>
    %select_n3A_3334 = arith.select %eq3A_3333, %select_n3A_3314, %select_n3A_3313 : vector<64x128xi1>, vector<64x128xf32>
    %select_n3A_3335 = arith.select %eq3A_3333, %select_n3A_3315, %select_n3A_3314 : vector<64x128xi1>, vector<64x128xf32>
    %select_n3A_3336 = arith.select %eq3A_3333, %select_n3A_3318, %select_n3A_3315 : vector<64x128xi1>, vector<64x128xf32>
    %jit3A_3337 = arith.constant 3.000000e+38 : f32
    %broadcast_in_dim3A_3338 = vector.broadcast %jit3A_3337 : f32 to vector<64x128xf32>
    %select_n3A_3339 = arith.select %eq3A_3333, %broadcast_in_dim3A_3338, %select_n3A_3318 : vector<64x128xi1>, vector<64x128xf32>
    %reduce_min3A_3340 = arith.constant dense<0x7F800000> : vector<64xf32>
    %reduce_min3A_3341 = vector.multi_reduction <minimumf>, %select_n3A_3334, %reduce_min3A_3340 [1] : vector<64x128xf32> to vector<64xf32>
    %broadcast_in_dim3A_3342 = vector.shape_cast %reduce_min3A_3341 : vector<64xf32> to vector<64x1xf32>
    %bitcast_convert_type3A_3343 = tpu.bitcast %broadcast_in_dim3A_3342 : vector<64x1xf32> -> vector<64x1xi32>
    %and3A_3344 = arith.constant 4095 : i32
    %and3A_3345 = vector.broadcast %and3A_3344 : i32 to vector<64x1xi32>
    %and3A_3346 = arith.andi %bitcast_convert_type3A_3343, %and3A_3345 : vector<64x1xi32>
    %eq3A_3347 = arith.constant 2 : i32
    %eq3A_3348 = vector.broadcast %eq3A_3347 : i32 to vector<64x16xi32>
    %eq3A_3349 = arith.cmpi eq, %iota3A_3284, %eq3A_3348 : vector<64x16xi32>
    %broadcast_in_dim3A_3350 = vector.shape_cast %and3A_3346 : vector<64x1xi32> to vector<64x1xi32>
    %broadcast_in_dim3A_3351 = vector.broadcast %broadcast_in_dim3A_3350 : vector<64x1xi32> to vector<64x16xi32>
    %select_n3A_3352 = arith.select %eq3A_3349, %broadcast_in_dim3A_3351, %select_n3A_3331 : vector<64x16xi1>, vector<64x16xi32>
    %eq3A_3353 = vector.broadcast %broadcast_in_dim3A_3342 : vector<64x1xf32> to vector<64x128xf32>
    %eq3A_3354 = arith.cmpf oeq, %select_n3A_3334, %eq3A_3353 : vector<64x128xf32>
    %select_n3A_3355 = arith.select %eq3A_3354, %select_n3A_3335, %select_n3A_3334 : vector<64x128xi1>, vector<64x128xf32>
    %select_n3A_3356 = arith.select %eq3A_3354, %select_n3A_3336, %select_n3A_3335 : vector<64x128xi1>, vector<64x128xf32>
    %select_n3A_3357 = arith.select %eq3A_3354, %select_n3A_3339, %select_n3A_3336 : vector<64x128xi1>, vector<64x128xf32>
    %jit3A_3358 = arith.constant 3.000000e+38 : f32
    %broadcast_in_dim3A_3359 = vector.broadcast %jit3A_3358 : f32 to vector<64x128xf32>
    %select_n3A_3360 = arith.select %eq3A_3354, %broadcast_in_dim3A_3359, %select_n3A_3339 : vector<64x128xi1>, vector<64x128xf32>
    %reduce_min3A_3361 = arith.constant dense<0x7F800000> : vector<64xf32>
    %reduce_min3A_3362 = vector.multi_reduction <minimumf>, %select_n3A_3355, %reduce_min3A_3361 [1] : vector<64x128xf32> to vector<64xf32>
    %broadcast_in_dim3A_3363 = vector.shape_cast %reduce_min3A_3362 : vector<64xf32> to vector<64x1xf32>
    %bitcast_convert_type3A_3364 = tpu.bitcast %broadcast_in_dim3A_3363 : vector<64x1xf32> -> vector<64x1xi32>
    %and3A_3365 = arith.constant 4095 : i32
    %and3A_3366 = vector.broadcast %and3A_3365 : i32 to vector<64x1xi32>
    %and3A_3367 = arith.andi %bitcast_convert_type3A_3364, %and3A_3366 : vector<64x1xi32>
    %eq3A_3368 = arith.constant 3 : i32
    %eq3A_3369 = vector.broadcast %eq3A_3368 : i32 to vector<64x16xi32>
    %eq3A_3370 = arith.cmpi eq, %iota3A_3284, %eq3A_3369 : vector<64x16xi32>
    %broadcast_in_dim3A_3371 = vector.shape_cast %and3A_3367 : vector<64x1xi32> to vector<64x1xi32>
    %broadcast_in_dim3A_3372 = vector.broadcast %broadcast_in_dim3A_3371 : vector<64x1xi32> to vector<64x16xi32>
    %select_n3A_3373 = arith.select %eq3A_3370, %broadcast_in_dim3A_3372, %select_n3A_3352 : vector<64x16xi1>, vector<64x16xi32>
    %eq3A_3374 = vector.broadcast %broadcast_in_dim3A_3363 : vector<64x1xf32> to vector<64x128xf32>
    %eq3A_3375 = arith.cmpf oeq, %select_n3A_3355, %eq3A_3374 : vector<64x128xf32>
    %select_n3A_3376 = arith.select %eq3A_3375, %select_n3A_3356, %select_n3A_3355 : vector<64x128xi1>, vector<64x128xf32>
    %select_n3A_3377 = arith.select %eq3A_3375, %select_n3A_3357, %select_n3A_3356 : vector<64x128xi1>, vector<64x128xf32>
    %select_n3A_3378 = arith.select %eq3A_3375, %select_n3A_3360, %select_n3A_3357 : vector<64x128xi1>, vector<64x128xf32>
    %jit3A_3379 = arith.constant 3.000000e+38 : f32
    %broadcast_in_dim3A_3380 = vector.broadcast %jit3A_3379 : f32 to vector<64x128xf32>
    %select_n3A_3381 = arith.select %eq3A_3375, %broadcast_in_dim3A_3380, %select_n3A_3360 : vector<64x128xi1>, vector<64x128xf32>
    %reduce_min3A_3382 = arith.constant dense<0x7F800000> : vector<64xf32>
    %reduce_min3A_3383 = vector.multi_reduction <minimumf>, %select_n3A_3376, %reduce_min3A_3382 [1] : vector<64x128xf32> to vector<64xf32>
    %broadcast_in_dim3A_3384 = vector.shape_cast %reduce_min3A_3383 : vector<64xf32> to vector<64x1xf32>
    %bitcast_convert_type3A_3385 = tpu.bitcast %broadcast_in_dim3A_3384 : vector<64x1xf32> -> vector<64x1xi32>
    %and3A_3386 = arith.constant 4095 : i32
    %and3A_3387 = vector.broadcast %and3A_3386 : i32 to vector<64x1xi32>
    %and3A_3388 = arith.andi %bitcast_convert_type3A_3385, %and3A_3387 : vector<64x1xi32>
    %eq3A_3389 = arith.constant 4 : i32
    %eq3A_3390 = vector.broadcast %eq3A_3389 : i32 to vector<64x16xi32>
    %eq3A_3391 = arith.cmpi eq, %iota3A_3284, %eq3A_3390 : vector<64x16xi32>
    %broadcast_in_dim3A_3392 = vector.shape_cast %and3A_3388 : vector<64x1xi32> to vector<64x1xi32>
    %broadcast_in_dim3A_3393 = vector.broadcast %broadcast_in_dim3A_3392 : vector<64x1xi32> to vector<64x16xi32>
    %select_n3A_3394 = arith.select %eq3A_3391, %broadcast_in_dim3A_3393, %select_n3A_3373 : vector<64x16xi1>, vector<64x16xi32>
    %eq3A_3395 = vector.broadcast %broadcast_in_dim3A_3384 : vector<64x1xf32> to vector<64x128xf32>
    %eq3A_3396 = arith.cmpf oeq, %select_n3A_3376, %eq3A_3395 : vector<64x128xf32>
    %select_n3A_3397 = arith.select %eq3A_3396, %select_n3A_3377, %select_n3A_3376 : vector<64x128xi1>, vector<64x128xf32>
    %select_n3A_3398 = arith.select %eq3A_3396, %select_n3A_3378, %select_n3A_3377 : vector<64x128xi1>, vector<64x128xf32>
    %select_n3A_3399 = arith.select %eq3A_3396, %select_n3A_3381, %select_n3A_3378 : vector<64x128xi1>, vector<64x128xf32>
    %jit3A_3400 = arith.constant 3.000000e+38 : f32
    %broadcast_in_dim3A_3401 = vector.broadcast %jit3A_3400 : f32 to vector<64x128xf32>
    %select_n3A_3402 = arith.select %eq3A_3396, %broadcast_in_dim3A_3401, %select_n3A_3381 : vector<64x128xi1>, vector<64x128xf32>
    %reduce_min3A_3403 = arith.constant dense<0x7F800000> : vector<64xf32>
    %reduce_min3A_3404 = vector.multi_reduction <minimumf>, %select_n3A_3397, %reduce_min3A_3403 [1] : vector<64x128xf32> to vector<64xf32>
    %broadcast_in_dim3A_3405 = vector.shape_cast %reduce_min3A_3404 : vector<64xf32> to vector<64x1xf32>
    %bitcast_convert_type3A_3406 = tpu.bitcast %broadcast_in_dim3A_3405 : vector<64x1xf32> -> vector<64x1xi32>
    %and3A_3407 = arith.constant 4095 : i32
    %and3A_3408 = vector.broadcast %and3A_3407 : i32 to vector<64x1xi32>
    %and3A_3409 = arith.andi %bitcast_convert_type3A_3406, %and3A_3408 : vector<64x1xi32>
    %eq3A_3410 = arith.constant 5 : i32
    %eq3A_3411 = vector.broadcast %eq3A_3410 : i32 to vector<64x16xi32>
    %eq3A_3412 = arith.cmpi eq, %iota3A_3284, %eq3A_3411 : vector<64x16xi32>
    %broadcast_in_dim3A_3413 = vector.shape_cast %and3A_3409 : vector<64x1xi32> to vector<64x1xi32>
    %broadcast_in_dim3A_3414 = vector.broadcast %broadcast_in_dim3A_3413 : vector<64x1xi32> to vector<64x16xi32>
    %select_n3A_3415 = arith.select %eq3A_3412, %broadcast_in_dim3A_3414, %select_n3A_3394 : vector<64x16xi1>, vector<64x16xi32>
    %eq3A_3416 = vector.broadcast %broadcast_in_dim3A_3405 : vector<64x1xf32> to vector<64x128xf32>
    %eq3A_3417 = arith.cmpf oeq, %select_n3A_3397, %eq3A_3416 : vector<64x128xf32>
    %select_n3A_3418 = arith.select %eq3A_3417, %select_n3A_3398, %select_n3A_3397 : vector<64x128xi1>, vector<64x128xf32>
    %select_n3A_3419 = arith.select %eq3A_3417, %select_n3A_3399, %select_n3A_3398 : vector<64x128xi1>, vector<64x128xf32>
    %select_n3A_3420 = arith.select %eq3A_3417, %select_n3A_3402, %select_n3A_3399 : vector<64x128xi1>, vector<64x128xf32>
    %jit3A_3421 = arith.constant 3.000000e+38 : f32
    %broadcast_in_dim3A_3422 = vector.broadcast %jit3A_3421 : f32 to vector<64x128xf32>
    %select_n3A_3423 = arith.select %eq3A_3417, %broadcast_in_dim3A_3422, %select_n3A_3402 : vector<64x128xi1>, vector<64x128xf32>
    %reduce_min3A_3424 = arith.constant dense<0x7F800000> : vector<64xf32>
    %reduce_min3A_3425 = vector.multi_reduction <minimumf>, %select_n3A_3418, %reduce_min3A_3424 [1] : vector<64x128xf32> to vector<64xf32>
    %broadcast_in_dim3A_3426 = vector.shape_cast %reduce_min3A_3425 : vector<64xf32> to vector<64x1xf32>
    %bitcast_convert_type3A_3427 = tpu.bitcast %broadcast_in_dim3A_3426 : vector<64x1xf32> -> vector<64x1xi32>
    %and3A_3428 = arith.constant 4095 : i32
    %and3A_3429 = vector.broadcast %and3A_3428 : i32 to vector<64x1xi32>
    %and3A_3430 = arith.andi %bitcast_convert_type3A_3427, %and3A_3429 : vector<64x1xi32>
    %eq3A_3431 = arith.constant 6 : i32
    %eq3A_3432 = vector.broadcast %eq3A_3431 : i32 to vector<64x16xi32>
    %eq3A_3433 = arith.cmpi eq, %iota3A_3284, %eq3A_3432 : vector<64x16xi32>
    %broadcast_in_dim3A_3434 = vector.shape_cast %and3A_3430 : vector<64x1xi32> to vector<64x1xi32>
    %broadcast_in_dim3A_3435 = vector.broadcast %broadcast_in_dim3A_3434 : vector<64x1xi32> to vector<64x16xi32>
    %select_n3A_3436 = arith.select %eq3A_3433, %broadcast_in_dim3A_3435, %select_n3A_3415 : vector<64x16xi1>, vector<64x16xi32>
    %eq3A_3437 = vector.broadcast %broadcast_in_dim3A_3426 : vector<64x1xf32> to vector<64x128xf32>
    %eq3A_3438 = arith.cmpf oeq, %select_n3A_3418, %eq3A_3437 : vector<64x128xf32>
    %select_n3A_3439 = arith.select %eq3A_3438, %select_n3A_3419, %select_n3A_3418 : vector<64x128xi1>, vector<64x128xf32>
    %select_n3A_3440 = arith.select %eq3A_3438, %select_n3A_3420, %select_n3A_3419 : vector<64x128xi1>, vector<64x128xf32>
    %select_n3A_3441 = arith.select %eq3A_3438, %select_n3A_3423, %select_n3A_3420 : vector<64x128xi1>, vector<64x128xf32>
    %jit3A_3442 = arith.constant 3.000000e+38 : f32
    %broadcast_in_dim3A_3443 = vector.broadcast %jit3A_3442 : f32 to vector<64x128xf32>
    %select_n3A_3444 = arith.select %eq3A_3438, %broadcast_in_dim3A_3443, %select_n3A_3423 : vector<64x128xi1>, vector<64x128xf32>
    %reduce_min3A_3445 = arith.constant dense<0x7F800000> : vector<64xf32>
    %reduce_min3A_3446 = vector.multi_reduction <minimumf>, %select_n3A_3439, %reduce_min3A_3445 [1] : vector<64x128xf32> to vector<64xf32>
    %broadcast_in_dim3A_3447 = vector.shape_cast %reduce_min3A_3446 : vector<64xf32> to vector<64x1xf32>
    %bitcast_convert_type3A_3448 = tpu.bitcast %broadcast_in_dim3A_3447 : vector<64x1xf32> -> vector<64x1xi32>
    %and3A_3449 = arith.constant 4095 : i32
    %and3A_3450 = vector.broadcast %and3A_3449 : i32 to vector<64x1xi32>
    %and3A_3451 = arith.andi %bitcast_convert_type3A_3448, %and3A_3450 : vector<64x1xi32>
    %eq3A_3452 = arith.constant 7 : i32
    %eq3A_3453 = vector.broadcast %eq3A_3452 : i32 to vector<64x16xi32>
    %eq3A_3454 = arith.cmpi eq, %iota3A_3284, %eq3A_3453 : vector<64x16xi32>
    %broadcast_in_dim3A_3455 = vector.shape_cast %and3A_3451 : vector<64x1xi32> to vector<64x1xi32>
    %broadcast_in_dim3A_3456 = vector.broadcast %broadcast_in_dim3A_3455 : vector<64x1xi32> to vector<64x16xi32>
    %select_n3A_3457 = arith.select %eq3A_3454, %broadcast_in_dim3A_3456, %select_n3A_3436 : vector<64x16xi1>, vector<64x16xi32>
    %eq3A_3458 = vector.broadcast %broadcast_in_dim3A_3447 : vector<64x1xf32> to vector<64x128xf32>
    %eq3A_3459 = arith.cmpf oeq, %select_n3A_3439, %eq3A_3458 : vector<64x128xf32>
    %select_n3A_3460 = arith.select %eq3A_3459, %select_n3A_3440, %select_n3A_3439 : vector<64x128xi1>, vector<64x128xf32>
    %select_n3A_3461 = arith.select %eq3A_3459, %select_n3A_3441, %select_n3A_3440 : vector<64x128xi1>, vector<64x128xf32>
    %select_n3A_3462 = arith.select %eq3A_3459, %select_n3A_3444, %select_n3A_3441 : vector<64x128xi1>, vector<64x128xf32>
    %jit3A_3463 = arith.constant 3.000000e+38 : f32
    %broadcast_in_dim3A_3464 = vector.broadcast %jit3A_3463 : f32 to vector<64x128xf32>
    %select_n3A_3465 = arith.select %eq3A_3459, %broadcast_in_dim3A_3464, %select_n3A_3444 : vector<64x128xi1>, vector<64x128xf32>
    %reduce_min3A_3466 = arith.constant dense<0x7F800000> : vector<64xf32>
    %reduce_min3A_3467 = vector.multi_reduction <minimumf>, %select_n3A_3460, %reduce_min3A_3466 [1] : vector<64x128xf32> to vector<64xf32>
    %broadcast_in_dim3A_3468 = vector.shape_cast %reduce_min3A_3467 : vector<64xf32> to vector<64x1xf32>
    %bitcast_convert_type3A_3469 = tpu.bitcast %broadcast_in_dim3A_3468 : vector<64x1xf32> -> vector<64x1xi32>
    %and3A_3470 = arith.constant 4095 : i32
    %and3A_3471 = vector.broadcast %and3A_3470 : i32 to vector<64x1xi32>
    %and3A_3472 = arith.andi %bitcast_convert_type3A_3469, %and3A_3471 : vector<64x1xi32>
    %eq3A_3473 = arith.constant 8 : i32
    %eq3A_3474 = vector.broadcast %eq3A_3473 : i32 to vector<64x16xi32>
    %eq3A_3475 = arith.cmpi eq, %iota3A_3284, %eq3A_3474 : vector<64x16xi32>
    %broadcast_in_dim3A_3476 = vector.shape_cast %and3A_3472 : vector<64x1xi32> to vector<64x1xi32>
    %broadcast_in_dim3A_3477 = vector.broadcast %broadcast_in_dim3A_3476 : vector<64x1xi32> to vector<64x16xi32>
    %select_n3A_3478 = arith.select %eq3A_3475, %broadcast_in_dim3A_3477, %select_n3A_3457 : vector<64x16xi1>, vector<64x16xi32>
    %eq3A_3479 = vector.broadcast %broadcast_in_dim3A_3468 : vector<64x1xf32> to vector<64x128xf32>
    %eq3A_3480 = arith.cmpf oeq, %select_n3A_3460, %eq3A_3479 : vector<64x128xf32>
    %select_n3A_3481 = arith.select %eq3A_3480, %select_n3A_3461, %select_n3A_3460 : vector<64x128xi1>, vector<64x128xf32>
    %select_n3A_3482 = arith.select %eq3A_3480, %select_n3A_3462, %select_n3A_3461 : vector<64x128xi1>, vector<64x128xf32>
    %select_n3A_3483 = arith.select %eq3A_3480, %select_n3A_3465, %select_n3A_3462 : vector<64x128xi1>, vector<64x128xf32>
    %jit3A_3484 = arith.constant 3.000000e+38 : f32
    %broadcast_in_dim3A_3485 = vector.broadcast %jit3A_3484 : f32 to vector<64x128xf32>
    %select_n3A_3486 = arith.select %eq3A_3480, %broadcast_in_dim3A_3485, %select_n3A_3465 : vector<64x128xi1>, vector<64x128xf32>
    %reduce_min3A_3487 = arith.constant dense<0x7F800000> : vector<64xf32>
    %reduce_min3A_3488 = vector.multi_reduction <minimumf>, %select_n3A_3481, %reduce_min3A_3487 [1] : vector<64x128xf32> to vector<64xf32>
    %broadcast_in_dim3A_3489 = vector.shape_cast %reduce_min3A_3488 : vector<64xf32> to vector<64x1xf32>
    %bitcast_convert_type3A_3490 = tpu.bitcast %broadcast_in_dim3A_3489 : vector<64x1xf32> -> vector<64x1xi32>
    %and3A_3491 = arith.constant 4095 : i32
    %and3A_3492 = vector.broadcast %and3A_3491 : i32 to vector<64x1xi32>
    %and3A_3493 = arith.andi %bitcast_convert_type3A_3490, %and3A_3492 : vector<64x1xi32>
    %eq3A_3494 = arith.constant 9 : i32
    %eq3A_3495 = vector.broadcast %eq3A_3494 : i32 to vector<64x16xi32>
    %eq3A_3496 = arith.cmpi eq, %iota3A_3284, %eq3A_3495 : vector<64x16xi32>
    %broadcast_in_dim3A_3497 = vector.shape_cast %and3A_3493 : vector<64x1xi32> to vector<64x1xi32>
    %broadcast_in_dim3A_3498 = vector.broadcast %broadcast_in_dim3A_3497 : vector<64x1xi32> to vector<64x16xi32>
    %select_n3A_3499 = arith.select %eq3A_3496, %broadcast_in_dim3A_3498, %select_n3A_3478 : vector<64x16xi1>, vector<64x16xi32>
    %eq3A_3500 = vector.broadcast %broadcast_in_dim3A_3489 : vector<64x1xf32> to vector<64x128xf32>
    %eq3A_3501 = arith.cmpf oeq, %select_n3A_3481, %eq3A_3500 : vector<64x128xf32>
    %select_n3A_3502 = arith.select %eq3A_3501, %select_n3A_3482, %select_n3A_3481 : vector<64x128xi1>, vector<64x128xf32>
    %select_n3A_3503 = arith.select %eq3A_3501, %select_n3A_3483, %select_n3A_3482 : vector<64x128xi1>, vector<64x128xf32>
    %select_n3A_3504 = arith.select %eq3A_3501, %select_n3A_3486, %select_n3A_3483 : vector<64x128xi1>, vector<64x128xf32>
    %jit3A_3505 = arith.constant 3.000000e+38 : f32
    %broadcast_in_dim3A_3506 = vector.broadcast %jit3A_3505 : f32 to vector<64x128xf32>
    %select_n3A_3507 = arith.select %eq3A_3501, %broadcast_in_dim3A_3506, %select_n3A_3486 : vector<64x128xi1>, vector<64x128xf32>
    %reduce_min3A_3508 = arith.constant dense<0x7F800000> : vector<64xf32>
    %reduce_min3A_3509 = vector.multi_reduction <minimumf>, %select_n3A_3502, %reduce_min3A_3508 [1] : vector<64x128xf32> to vector<64xf32>
    %broadcast_in_dim3A_3510 = vector.shape_cast %reduce_min3A_3509 : vector<64xf32> to vector<64x1xf32>
    %bitcast_convert_type3A_3511 = tpu.bitcast %broadcast_in_dim3A_3510 : vector<64x1xf32> -> vector<64x1xi32>
    %and3A_3512 = arith.constant 4095 : i32
    %and3A_3513 = vector.broadcast %and3A_3512 : i32 to vector<64x1xi32>
    %and3A_3514 = arith.andi %bitcast_convert_type3A_3511, %and3A_3513 : vector<64x1xi32>
    %eq3A_3515 = arith.constant 10 : i32
    %eq3A_3516 = vector.broadcast %eq3A_3515 : i32 to vector<64x16xi32>
    %eq3A_3517 = arith.cmpi eq, %iota3A_3284, %eq3A_3516 : vector<64x16xi32>
    %broadcast_in_dim3A_3518 = vector.shape_cast %and3A_3514 : vector<64x1xi32> to vector<64x1xi32>
    %broadcast_in_dim3A_3519 = vector.broadcast %broadcast_in_dim3A_3518 : vector<64x1xi32> to vector<64x16xi32>
    %select_n3A_3520 = arith.select %eq3A_3517, %broadcast_in_dim3A_3519, %select_n3A_3499 : vector<64x16xi1>, vector<64x16xi32>
    %eq3A_3521 = vector.broadcast %broadcast_in_dim3A_3510 : vector<64x1xf32> to vector<64x128xf32>
    %eq3A_3522 = arith.cmpf oeq, %select_n3A_3502, %eq3A_3521 : vector<64x128xf32>
    %select_n3A_3523 = arith.select %eq3A_3522, %select_n3A_3503, %select_n3A_3502 : vector<64x128xi1>, vector<64x128xf32>
    %select_n3A_3524 = arith.select %eq3A_3522, %select_n3A_3504, %select_n3A_3503 : vector<64x128xi1>, vector<64x128xf32>
    %select_n3A_3525 = arith.select %eq3A_3522, %select_n3A_3507, %select_n3A_3504 : vector<64x128xi1>, vector<64x128xf32>
    %jit3A_3526 = arith.constant 3.000000e+38 : f32
    %broadcast_in_dim3A_3527 = vector.broadcast %jit3A_3526 : f32 to vector<64x128xf32>
    %select_n3A_3528 = arith.select %eq3A_3522, %broadcast_in_dim3A_3527, %select_n3A_3507 : vector<64x128xi1>, vector<64x128xf32>
    %reduce_min3A_3529 = arith.constant dense<0x7F800000> : vector<64xf32>
    %reduce_min3A_3530 = vector.multi_reduction <minimumf>, %select_n3A_3523, %reduce_min3A_3529 [1] : vector<64x128xf32> to vector<64xf32>
    %broadcast_in_dim3A_3531 = vector.shape_cast %reduce_min3A_3530 : vector<64xf32> to vector<64x1xf32>
    %bitcast_convert_type3A_3532 = tpu.bitcast %broadcast_in_dim3A_3531 : vector<64x1xf32> -> vector<64x1xi32>
    %and3A_3533 = arith.constant 4095 : i32
    %and3A_3534 = vector.broadcast %and3A_3533 : i32 to vector<64x1xi32>
    %and3A_3535 = arith.andi %bitcast_convert_type3A_3532, %and3A_3534 : vector<64x1xi32>
    %eq3A_3536 = arith.constant 11 : i32
    %eq3A_3537 = vector.broadcast %eq3A_3536 : i32 to vector<64x16xi32>
    %eq3A_3538 = arith.cmpi eq, %iota3A_3284, %eq3A_3537 : vector<64x16xi32>
    %broadcast_in_dim3A_3539 = vector.shape_cast %and3A_3535 : vector<64x1xi32> to vector<64x1xi32>
    %broadcast_in_dim3A_3540 = vector.broadcast %broadcast_in_dim3A_3539 : vector<64x1xi32> to vector<64x16xi32>
    %select_n3A_3541 = arith.select %eq3A_3538, %broadcast_in_dim3A_3540, %select_n3A_3520 : vector<64x16xi1>, vector<64x16xi32>
    %eq3A_3542 = vector.broadcast %broadcast_in_dim3A_3531 : vector<64x1xf32> to vector<64x128xf32>
    %eq3A_3543 = arith.cmpf oeq, %select_n3A_3523, %eq3A_3542 : vector<64x128xf32>
    %select_n3A_3544 = arith.select %eq3A_3543, %select_n3A_3524, %select_n3A_3523 : vector<64x128xi1>, vector<64x128xf32>
    %select_n3A_3545 = arith.select %eq3A_3543, %select_n3A_3525, %select_n3A_3524 : vector<64x128xi1>, vector<64x128xf32>
    %select_n3A_3546 = arith.select %eq3A_3543, %select_n3A_3528, %select_n3A_3525 : vector<64x128xi1>, vector<64x128xf32>
    %jit3A_3547 = arith.constant 3.000000e+38 : f32
    %broadcast_in_dim3A_3548 = vector.broadcast %jit3A_3547 : f32 to vector<64x128xf32>
    %select_n3A_3549 = arith.select %eq3A_3543, %broadcast_in_dim3A_3548, %select_n3A_3528 : vector<64x128xi1>, vector<64x128xf32>
    %reduce_min3A_3550 = arith.constant dense<0x7F800000> : vector<64xf32>
    %reduce_min3A_3551 = vector.multi_reduction <minimumf>, %select_n3A_3544, %reduce_min3A_3550 [1] : vector<64x128xf32> to vector<64xf32>
    %broadcast_in_dim3A_3552 = vector.shape_cast %reduce_min3A_3551 : vector<64xf32> to vector<64x1xf32>
    %bitcast_convert_type3A_3553 = tpu.bitcast %broadcast_in_dim3A_3552 : vector<64x1xf32> -> vector<64x1xi32>
    %and3A_3554 = arith.constant 4095 : i32
    %and3A_3555 = vector.broadcast %and3A_3554 : i32 to vector<64x1xi32>
    %and3A_3556 = arith.andi %bitcast_convert_type3A_3553, %and3A_3555 : vector<64x1xi32>
    %eq3A_3557 = arith.constant 12 : i32
    %eq3A_3558 = vector.broadcast %eq3A_3557 : i32 to vector<64x16xi32>
    %eq3A_3559 = arith.cmpi eq, %iota3A_3284, %eq3A_3558 : vector<64x16xi32>
    %broadcast_in_dim3A_3560 = vector.shape_cast %and3A_3556 : vector<64x1xi32> to vector<64x1xi32>
    %broadcast_in_dim3A_3561 = vector.broadcast %broadcast_in_dim3A_3560 : vector<64x1xi32> to vector<64x16xi32>
    %select_n3A_3562 = arith.select %eq3A_3559, %broadcast_in_dim3A_3561, %select_n3A_3541 : vector<64x16xi1>, vector<64x16xi32>
    %eq3A_3563 = vector.broadcast %broadcast_in_dim3A_3552 : vector<64x1xf32> to vector<64x128xf32>
    %eq3A_3564 = arith.cmpf oeq, %select_n3A_3544, %eq3A_3563 : vector<64x128xf32>
    %select_n3A_3565 = arith.select %eq3A_3564, %select_n3A_3545, %select_n3A_3544 : vector<64x128xi1>, vector<64x128xf32>
    %select_n3A_3566 = arith.select %eq3A_3564, %select_n3A_3546, %select_n3A_3545 : vector<64x128xi1>, vector<64x128xf32>
    %select_n3A_3567 = arith.select %eq3A_3564, %select_n3A_3549, %select_n3A_3546 : vector<64x128xi1>, vector<64x128xf32>
    %reduce_min3A_3568 = arith.constant dense<0x7F800000> : vector<64xf32>
    %reduce_min3A_3569 = vector.multi_reduction <minimumf>, %select_n3A_3565, %reduce_min3A_3568 [1] : vector<64x128xf32> to vector<64xf32>
    %broadcast_in_dim3A_3570 = vector.shape_cast %reduce_min3A_3569 : vector<64xf32> to vector<64x1xf32>
    %bitcast_convert_type3A_3571 = tpu.bitcast %broadcast_in_dim3A_3570 : vector<64x1xf32> -> vector<64x1xi32>
    %and3A_3572 = arith.constant 4095 : i32
    %and3A_3573 = vector.broadcast %and3A_3572 : i32 to vector<64x1xi32>
    %and3A_3574 = arith.andi %bitcast_convert_type3A_3571, %and3A_3573 : vector<64x1xi32>
    %eq3A_3575 = arith.constant 13 : i32
    %eq3A_3576 = vector.broadcast %eq3A_3575 : i32 to vector<64x16xi32>
    %eq3A_3577 = arith.cmpi eq, %iota3A_3284, %eq3A_3576 : vector<64x16xi32>
    %broadcast_in_dim3A_3578 = vector.shape_cast %and3A_3574 : vector<64x1xi32> to vector<64x1xi32>
    %broadcast_in_dim3A_3579 = vector.broadcast %broadcast_in_dim3A_3578 : vector<64x1xi32> to vector<64x16xi32>
    %select_n3A_3580 = arith.select %eq3A_3577, %broadcast_in_dim3A_3579, %select_n3A_3562 : vector<64x16xi1>, vector<64x16xi32>
    %eq3A_3581 = vector.broadcast %broadcast_in_dim3A_3570 : vector<64x1xf32> to vector<64x128xf32>
    %eq3A_3582 = arith.cmpf oeq, %select_n3A_3565, %eq3A_3581 : vector<64x128xf32>
    %select_n3A_3583 = arith.select %eq3A_3582, %select_n3A_3566, %select_n3A_3565 : vector<64x128xi1>, vector<64x128xf32>
    %select_n3A_3584 = arith.select %eq3A_3582, %select_n3A_3567, %select_n3A_3566 : vector<64x128xi1>, vector<64x128xf32>
    %reduce_min3A_3585 = arith.constant dense<0x7F800000> : vector<64xf32>
    %reduce_min3A_3586 = vector.multi_reduction <minimumf>, %select_n3A_3583, %reduce_min3A_3585 [1] : vector<64x128xf32> to vector<64xf32>
    %broadcast_in_dim3A_3587 = vector.shape_cast %reduce_min3A_3586 : vector<64xf32> to vector<64x1xf32>
    %bitcast_convert_type3A_3588 = tpu.bitcast %broadcast_in_dim3A_3587 : vector<64x1xf32> -> vector<64x1xi32>
    %and3A_3589 = arith.constant 4095 : i32
    %and3A_3590 = vector.broadcast %and3A_3589 : i32 to vector<64x1xi32>
    %and3A_3591 = arith.andi %bitcast_convert_type3A_3588, %and3A_3590 : vector<64x1xi32>
    %eq3A_3592 = arith.constant 14 : i32
    %eq3A_3593 = vector.broadcast %eq3A_3592 : i32 to vector<64x16xi32>
    %eq3A_3594 = arith.cmpi eq, %iota3A_3284, %eq3A_3593 : vector<64x16xi32>
    %broadcast_in_dim3A_3595 = vector.shape_cast %and3A_3591 : vector<64x1xi32> to vector<64x1xi32>
    %broadcast_in_dim3A_3596 = vector.broadcast %broadcast_in_dim3A_3595 : vector<64x1xi32> to vector<64x16xi32>
    %select_n3A_3597 = arith.select %eq3A_3594, %broadcast_in_dim3A_3596, %select_n3A_3580 : vector<64x16xi1>, vector<64x16xi32>
    %eq3A_3598 = vector.broadcast %broadcast_in_dim3A_3587 : vector<64x1xf32> to vector<64x128xf32>
    %eq3A_3599 = arith.cmpf oeq, %select_n3A_3583, %eq3A_3598 : vector<64x128xf32>
    %select_n3A_3600 = arith.select %eq3A_3599, %select_n3A_3584, %select_n3A_3583 : vector<64x128xi1>, vector<64x128xf32>
    %reduce_min3A_3601 = arith.constant dense<0x7F800000> : vector<64xf32>
    %reduce_min3A_3602 = vector.multi_reduction <minimumf>, %select_n3A_3600, %reduce_min3A_3601 [1] : vector<64x128xf32> to vector<64xf32>
    %broadcast_in_dim3A_3603 = vector.shape_cast %reduce_min3A_3602 : vector<64xf32> to vector<64x1xf32>
    %bitcast_convert_type3A_3604 = tpu.bitcast %broadcast_in_dim3A_3603 : vector<64x1xf32> -> vector<64x1xi32>
    %and3A_3605 = arith.constant 4095 : i32
    %and3A_3606 = vector.broadcast %and3A_3605 : i32 to vector<64x1xi32>
    %and3A_3607 = arith.andi %bitcast_convert_type3A_3604, %and3A_3606 : vector<64x1xi32>
    %eq3A_3608 = arith.constant 15 : i32
    %eq3A_3609 = vector.broadcast %eq3A_3608 : i32 to vector<64x16xi32>
    %eq3A_3610 = arith.cmpi eq, %iota3A_3284, %eq3A_3609 : vector<64x16xi32>
    %broadcast_in_dim3A_3611 = vector.shape_cast %and3A_3607 : vector<64x1xi32> to vector<64x1xi32>
    %broadcast_in_dim3A_3612 = vector.broadcast %broadcast_in_dim3A_3611 : vector<64x1xi32> to vector<64x16xi32>
    %select_n3A_3613 = arith.select %eq3A_3610, %broadcast_in_dim3A_3612, %select_n3A_3597 : vector<64x16xi1>, vector<64x16xi32>
    %swap3A_3614 = arith.constant 128 : index
    %swap3A_3615 = arith.constant 0 : index
    %swap3A_3616 = vector.load %arg6[%swap3A_3614, %swap3A_3615] : memref<256x16xi32, #tpu.memory_space<vmem>>, vector<64x16xi32>
    tpu.vector_store %arg6[%swap3A_3614, %swap3A_3615], %select_n3A_3613 {strides = array<i32>} : memref<256x16xi32, #tpu.memory_space<vmem>>, vector<64x16xi32>,
    %slice3A_3617 = vector.extract_strided_slice %add3A_29 {offsets = [192, 0], sizes = [64, 4096], strides = [1, 1]} : vector<256x4096xf32> to vector<64x4096xf32>
    %broadcast_in_dim3A_3618 = arith.constant 3.000000e+38 : f32
    %broadcast_in_dim3A_3619 = vector.broadcast %broadcast_in_dim3A_3618 : f32 to vector<64x128xf32>
    %slice3A_3620 = vector.extract_strided_slice %slice3A_3617 {offsets = [0, 0], sizes = [64, 128], strides = [1, 1]} : vector<64x4096xf32> to vector<64x128xf32>
    %min3A_3621 = arith.constant 1.240000e+02 : f32
    %min3A_3622 = vector.broadcast %min3A_3621 : f32 to vector<64x128xf32>
    %min3A_3623 = arith.minimumf %slice3A_3620, %min3A_3622 : vector<64x128xf32>
    %bitcast_convert_type3A_3624 = tpu.bitcast %min3A_3623 : vector<64x128xf32> -> vector<64x128xi32>
    %sub3A_3625 = arith.constant 1056964608 : i32
    %sub3A_3626 = vector.broadcast %sub3A_3625 : i32 to vector<64x128xi32>
    %sub3A_3627 = arith.subi %bitcast_convert_type3A_3624, %sub3A_3626 : vector<64x128xi32>
    %shift_left3A_3628 = arith.constant 5 : i32
    %shift_left3A_3629 = vector.broadcast %shift_left3A_3628 : i32 to vector<64x128xi32>
    %shift_left3A_3630 = arith.shli %sub3A_3627, %shift_left3A_3629 : vector<64x128xi32>
    %and3A_3631 = arith.constant -4096 : i32
    %and3A_3632 = vector.broadcast %and3A_3631 : i32 to vector<64x128xi32>
    %and3A_3633 = arith.andi %shift_left3A_3630, %and3A_3632 : vector<64x128xi32>
    %get3A_3634 = arith.constant 0 : index
    %get3A_3635 = arith.constant 0 : index
    %get3A_3636 = vector.load %arg3[%get3A_3634, %get3A_3635] : memref<32x128xi32, #tpu.memory_space<vmem>>, vector<1x128xi32>
    %or3A_3637 = vector.broadcast %get3A_3636 : vector<1x128xi32> to vector<64x128xi32>
    %or3A_3638 = arith.ori %and3A_3633, %or3A_3637 : vector<64x128xi32>
    %bitcast_convert_type3A_3639 = tpu.bitcast %or3A_3638 : vector<64x128xi32> -> vector<64x128xf32>
    %min3A_3640 = arith.minimumf %broadcast_in_dim3A_3619, %bitcast_convert_type3A_3639 : vector<64x128xf32>
    %max3A_3641 = arith.maximumf %broadcast_in_dim3A_3619, %bitcast_convert_type3A_3639 : vector<64x128xf32>
    %min3A_3642 = arith.minimumf %broadcast_in_dim3A_3619, %max3A_3641 : vector<64x128xf32>
    %max3A_3643 = arith.maximumf %broadcast_in_dim3A_3619, %max3A_3641 : vector<64x128xf32>
    %min3A_3644 = arith.minimumf %broadcast_in_dim3A_3619, %max3A_3643 : vector<64x128xf32>
    %max3A_3645 = arith.maximumf %broadcast_in_dim3A_3619, %max3A_3643 : vector<64x128xf32>
    %min3A_3646 = arith.minimumf %broadcast_in_dim3A_3619, %max3A_3645 : vector<64x128xf32>
    %slice3A_3647 = vector.extract_strided_slice %slice3A_3617 {offsets = [0, 128], sizes = [64, 128], strides = [1, 1]} : vector<64x4096xf32> to vector<64x128xf32>
    %min3A_3648 = arith.constant 1.240000e+02 : f32
    %min3A_3649 = vector.broadcast %min3A_3648 : f32 to vector<64x128xf32>
    %min3A_3650 = arith.minimumf %slice3A_3647, %min3A_3649 : vector<64x128xf32>
    %bitcast_convert_type3A_3651 = tpu.bitcast %min3A_3650 : vector<64x128xf32> -> vector<64x128xi32>
    %sub3A_3652 = arith.constant 1056964608 : i32
    %sub3A_3653 = vector.broadcast %sub3A_3652 : i32 to vector<64x128xi32>
    %sub3A_3654 = arith.subi %bitcast_convert_type3A_3651, %sub3A_3653 : vector<64x128xi32>
    %shift_left3A_3655 = arith.constant 5 : i32
    %shift_left3A_3656 = vector.broadcast %shift_left3A_3655 : i32 to vector<64x128xi32>
    %shift_left3A_3657 = arith.shli %sub3A_3654, %shift_left3A_3656 : vector<64x128xi32>
    %and3A_3658 = arith.constant -4096 : i32
    %and3A_3659 = vector.broadcast %and3A_3658 : i32 to vector<64x128xi32>
    %and3A_3660 = arith.andi %shift_left3A_3657, %and3A_3659 : vector<64x128xi32>
    %get3A_3661 = arith.constant 1 : index
    %get3A_3662 = arith.constant 0 : index
    %get3A_3663 = vector.load %arg3[%get3A_3661, %get3A_3662] : memref<32x128xi32, #tpu.memory_space<vmem>>, vector<1x128xi32>
    %or3A_3664 = vector.broadcast %get3A_3663 : vector<1x128xi32> to vector<64x128xi32>
    %or3A_3665 = arith.ori %and3A_3660, %or3A_3664 : vector<64x128xi32>
    %bitcast_convert_type3A_3666 = tpu.bitcast %or3A_3665 : vector<64x128xi32> -> vector<64x128xf32>
    %min3A_3667 = arith.minimumf %min3A_3640, %bitcast_convert_type3A_3666 : vector<64x128xf32>
    %max3A_3668 = arith.maximumf %min3A_3640, %bitcast_convert_type3A_3666 : vector<64x128xf32>
    %min3A_3669 = arith.minimumf %min3A_3642, %max3A_3668 : vector<64x128xf32>
    %max3A_3670 = arith.maximumf %min3A_3642, %max3A_3668 : vector<64x128xf32>
    %min3A_3671 = arith.minimumf %min3A_3644, %max3A_3670 : vector<64x128xf32>
    %max3A_3672 = arith.maximumf %min3A_3644, %max3A_3670 : vector<64x128xf32>
    %min3A_3673 = arith.minimumf %min3A_3646, %max3A_3672 : vector<64x128xf32>
    %slice3A_3674 = vector.extract_strided_slice %slice3A_3617 {offsets = [0, 256], sizes = [64, 128], strides = [1, 1]} : vector<64x4096xf32> to vector<64x128xf32>
    %min3A_3675 = arith.constant 1.240000e+02 : f32
    %min3A_3676 = vector.broadcast %min3A_3675 : f32 to vector<64x128xf32>
    %min3A_3677 = arith.minimumf %slice3A_3674, %min3A_3676 : vector<64x128xf32>
    %bitcast_convert_type3A_3678 = tpu.bitcast %min3A_3677 : vector<64x128xf32> -> vector<64x128xi32>
    %sub3A_3679 = arith.constant 1056964608 : i32
    %sub3A_3680 = vector.broadcast %sub3A_3679 : i32 to vector<64x128xi32>
    %sub3A_3681 = arith.subi %bitcast_convert_type3A_3678, %sub3A_3680 : vector<64x128xi32>
    %shift_left3A_3682 = arith.constant 5 : i32
    %shift_left3A_3683 = vector.broadcast %shift_left3A_3682 : i32 to vector<64x128xi32>
    %shift_left3A_3684 = arith.shli %sub3A_3681, %shift_left3A_3683 : vector<64x128xi32>
    %and3A_3685 = arith.constant -4096 : i32
    %and3A_3686 = vector.broadcast %and3A_3685 : i32 to vector<64x128xi32>
    %and3A_3687 = arith.andi %shift_left3A_3684, %and3A_3686 : vector<64x128xi32>
    %get3A_3688 = arith.constant 2 : index
    %get3A_3689 = arith.constant 0 : index
    %get3A_3690 = vector.load %arg3[%get3A_3688, %get3A_3689] : memref<32x128xi32, #tpu.memory_space<vmem>>, vector<1x128xi32>
    %or3A_3691 = vector.broadcast %get3A_3690 : vector<1x128xi32> to vector<64x128xi32>
    %or3A_3692 = arith.ori %and3A_3687, %or3A_3691 : vector<64x128xi32>
    %bitcast_convert_type3A_3693 = tpu.bitcast %or3A_3692 : vector<64x128xi32> -> vector<64x128xf32>
    %min3A_3694 = arith.minimumf %min3A_3667, %bitcast_convert_type3A_3693 : vector<64x128xf32>
    %max3A_3695 = arith.maximumf %min3A_3667, %bitcast_convert_type3A_3693 : vector<64x128xf32>
    %min3A_3696 = arith.minimumf %min3A_3669, %max3A_3695 : vector<64x128xf32>
    %max3A_3697 = arith.maximumf %min3A_3669, %max3A_3695 : vector<64x128xf32>
    %min3A_3698 = arith.minimumf %min3A_3671, %max3A_3697 : vector<64x128xf32>
    %max3A_3699 = arith.maximumf %min3A_3671, %max3A_3697 : vector<64x128xf32>
    %min3A_3700 = arith.minimumf %min3A_3673, %max3A_3699 : vector<64x128xf32>
    %slice3A_3701 = vector.extract_strided_slice %slice3A_3617 {offsets = [0, 384], sizes = [64, 128], strides = [1, 1]} : vector<64x4096xf32> to vector<64x128xf32>
    %min3A_3702 = arith.constant 1.240000e+02 : f32
    %min3A_3703 = vector.broadcast %min3A_3702 : f32 to vector<64x128xf32>
    %min3A_3704 = arith.minimumf %slice3A_3701, %min3A_3703 : vector<64x128xf32>
    %bitcast_convert_type3A_3705 = tpu.bitcast %min3A_3704 : vector<64x128xf32> -> vector<64x128xi32>
    %sub3A_3706 = arith.constant 1056964608 : i32
    %sub3A_3707 = vector.broadcast %sub3A_3706 : i32 to vector<64x128xi32>
    %sub3A_3708 = arith.subi %bitcast_convert_type3A_3705, %sub3A_3707 : vector<64x128xi32>
    %shift_left3A_3709 = arith.constant 5 : i32
    %shift_left3A_3710 = vector.broadcast %shift_left3A_3709 : i32 to vector<64x128xi32>
    %shift_left3A_3711 = arith.shli %sub3A_3708, %shift_left3A_3710 : vector<64x128xi32>
    %and3A_3712 = arith.constant -4096 : i32
    %and3A_3713 = vector.broadcast %and3A_3712 : i32 to vector<64x128xi32>
    %and3A_3714 = arith.andi %shift_left3A_3711, %and3A_3713 : vector<64x128xi32>
    %get3A_3715 = arith.constant 3 : index
    %get3A_3716 = arith.constant 0 : index
    %get3A_3717 = vector.load %arg3[%get3A_3715, %get3A_3716] : memref<32x128xi32, #tpu.memory_space<vmem>>, vector<1x128xi32>
    %or3A_3718 = vector.broadcast %get3A_3717 : vector<1x128xi32> to vector<64x128xi32>
    %or3A_3719 = arith.ori %and3A_3714, %or3A_3718 : vector<64x128xi32>
    %bitcast_convert_type3A_3720 = tpu.bitcast %or3A_3719 : vector<64x128xi32> -> vector<64x128xf32>
    %min3A_3721 = arith.minimumf %min3A_3694, %bitcast_convert_type3A_3720 : vector<64x128xf32>
    %max3A_3722 = arith.maximumf %min3A_3694, %bitcast_convert_type3A_3720 : vector<64x128xf32>
    %min3A_3723 = arith.minimumf %min3A_3696, %max3A_3722 : vector<64x128xf32>
    %max3A_3724 = arith.maximumf %min3A_3696, %max3A_3722 : vector<64x128xf32>
    %min3A_3725 = arith.minimumf %min3A_3698, %max3A_3724 : vector<64x128xf32>
    %max3A_3726 = arith.maximumf %min3A_3698, %max3A_3724 : vector<64x128xf32>
    %min3A_3727 = arith.minimumf %min3A_3700, %max3A_3726 : vector<64x128xf32>
    %slice3A_3728 = vector.extract_strided_slice %slice3A_3617 {offsets = [0, 512], sizes = [64, 128], strides = [1, 1]} : vector<64x4096xf32> to vector<64x128xf32>
    %min3A_3729 = arith.constant 1.240000e+02 : f32
    %min3A_3730 = vector.broadcast %min3A_3729 : f32 to vector<64x128xf32>
    %min3A_3731 = arith.minimumf %slice3A_3728, %min3A_3730 : vector<64x128xf32>
    %bitcast_convert_type3A_3732 = tpu.bitcast %min3A_3731 : vector<64x128xf32> -> vector<64x128xi32>
    %sub3A_3733 = arith.constant 1056964608 : i32
    %sub3A_3734 = vector.broadcast %sub3A_3733 : i32 to vector<64x128xi32>
    %sub3A_3735 = arith.subi %bitcast_convert_type3A_3732, %sub3A_3734 : vector<64x128xi32>
    %shift_left3A_3736 = arith.constant 5 : i32
    %shift_left3A_3737 = vector.broadcast %shift_left3A_3736 : i32 to vector<64x128xi32>
    %shift_left3A_3738 = arith.shli %sub3A_3735, %shift_left3A_3737 : vector<64x128xi32>
    %and3A_3739 = arith.constant -4096 : i32
    %and3A_3740 = vector.broadcast %and3A_3739 : i32 to vector<64x128xi32>
    %and3A_3741 = arith.andi %shift_left3A_3738, %and3A_3740 : vector<64x128xi32>
    %get3A_3742 = arith.constant 4 : index
    %get3A_3743 = arith.constant 0 : index
    %get3A_3744 = vector.load %arg3[%get3A_3742, %get3A_3743] : memref<32x128xi32, #tpu.memory_space<vmem>>, vector<1x128xi32>
    %or3A_3745 = vector.broadcast %get3A_3744 : vector<1x128xi32> to vector<64x128xi32>
    %or3A_3746 = arith.ori %and3A_3741, %or3A_3745 : vector<64x128xi32>
    %bitcast_convert_type3A_3747 = tpu.bitcast %or3A_3746 : vector<64x128xi32> -> vector<64x128xf32>
    %min3A_3748 = arith.minimumf %min3A_3721, %bitcast_convert_type3A_3747 : vector<64x128xf32>
    %max3A_3749 = arith.maximumf %min3A_3721, %bitcast_convert_type3A_3747 : vector<64x128xf32>
    %min3A_3750 = arith.minimumf %min3A_3723, %max3A_3749 : vector<64x128xf32>
    %max3A_3751 = arith.maximumf %min3A_3723, %max3A_3749 : vector<64x128xf32>
    %min3A_3752 = arith.minimumf %min3A_3725, %max3A_3751 : vector<64x128xf32>
    %max3A_3753 = arith.maximumf %min3A_3725, %max3A_3751 : vector<64x128xf32>
    %min3A_3754 = arith.minimumf %min3A_3727, %max3A_3753 : vector<64x128xf32>
    %slice3A_3755 = vector.extract_strided_slice %slice3A_3617 {offsets = [0, 640], sizes = [64, 128], strides = [1, 1]} : vector<64x4096xf32> to vector<64x128xf32>
    %min3A_3756 = arith.constant 1.240000e+02 : f32
    %min3A_3757 = vector.broadcast %min3A_3756 : f32 to vector<64x128xf32>
    %min3A_3758 = arith.minimumf %slice3A_3755, %min3A_3757 : vector<64x128xf32>
    %bitcast_convert_type3A_3759 = tpu.bitcast %min3A_3758 : vector<64x128xf32> -> vector<64x128xi32>
    %sub3A_3760 = arith.constant 1056964608 : i32
    %sub3A_3761 = vector.broadcast %sub3A_3760 : i32 to vector<64x128xi32>
    %sub3A_3762 = arith.subi %bitcast_convert_type3A_3759, %sub3A_3761 : vector<64x128xi32>
    %shift_left3A_3763 = arith.constant 5 : i32
    %shift_left3A_3764 = vector.broadcast %shift_left3A_3763 : i32 to vector<64x128xi32>
    %shift_left3A_3765 = arith.shli %sub3A_3762, %shift_left3A_3764 : vector<64x128xi32>
    %and3A_3766 = arith.constant -4096 : i32
    %and3A_3767 = vector.broadcast %and3A_3766 : i32 to vector<64x128xi32>
    %and3A_3768 = arith.andi %shift_left3A_3765, %and3A_3767 : vector<64x128xi32>
    %get3A_3769 = arith.constant 5 : index
    %get3A_3770 = arith.constant 0 : index
    %get3A_3771 = vector.load %arg3[%get3A_3769, %get3A_3770] : memref<32x128xi32, #tpu.memory_space<vmem>>, vector<1x128xi32>
    %or3A_3772 = vector.broadcast %get3A_3771 : vector<1x128xi32> to vector<64x128xi32>
    %or3A_3773 = arith.ori %and3A_3768, %or3A_3772 : vector<64x128xi32>
    %bitcast_convert_type3A_3774 = tpu.bitcast %or3A_3773 : vector<64x128xi32> -> vector<64x128xf32>
    %min3A_3775 = arith.minimumf %min3A_3748, %bitcast_convert_type3A_3774 : vector<64x128xf32>
    %max3A_3776 = arith.maximumf %min3A_3748, %bitcast_convert_type3A_3774 : vector<64x128xf32>
    %min3A_3777 = arith.minimumf %min3A_3750, %max3A_3776 : vector<64x128xf32>
    %max3A_3778 = arith.maximumf %min3A_3750, %max3A_3776 : vector<64x128xf32>
    %min3A_3779 = arith.minimumf %min3A_3752, %max3A_3778 : vector<64x128xf32>
    %max3A_3780 = arith.maximumf %min3A_3752, %max3A_3778 : vector<64x128xf32>
    %min3A_3781 = arith.minimumf %min3A_3754, %max3A_3780 : vector<64x128xf32>
    %slice3A_3782 = vector.extract_strided_slice %slice3A_3617 {offsets = [0, 768], sizes = [64, 128], strides = [1, 1]} : vector<64x4096xf32> to vector<64x128xf32>
    %min3A_3783 = arith.constant 1.240000e+02 : f32
    %min3A_3784 = vector.broadcast %min3A_3783 : f32 to vector<64x128xf32>
    %min3A_3785 = arith.minimumf %slice3A_3782, %min3A_3784 : vector<64x128xf32>
    %bitcast_convert_type3A_3786 = tpu.bitcast %min3A_3785 : vector<64x128xf32> -> vector<64x128xi32>
    %sub3A_3787 = arith.constant 1056964608 : i32
    %sub3A_3788 = vector.broadcast %sub3A_3787 : i32 to vector<64x128xi32>
    %sub3A_3789 = arith.subi %bitcast_convert_type3A_3786, %sub3A_3788 : vector<64x128xi32>
    %shift_left3A_3790 = arith.constant 5 : i32
    %shift_left3A_3791 = vector.broadcast %shift_left3A_3790 : i32 to vector<64x128xi32>
    %shift_left3A_3792 = arith.shli %sub3A_3789, %shift_left3A_3791 : vector<64x128xi32>
    %and3A_3793 = arith.constant -4096 : i32
    %and3A_3794 = vector.broadcast %and3A_3793 : i32 to vector<64x128xi32>
    %and3A_3795 = arith.andi %shift_left3A_3792, %and3A_3794 : vector<64x128xi32>
    %get3A_3796 = arith.constant 6 : index
    %get3A_3797 = arith.constant 0 : index
    %get3A_3798 = vector.load %arg3[%get3A_3796, %get3A_3797] : memref<32x128xi32, #tpu.memory_space<vmem>>, vector<1x128xi32>
    %or3A_3799 = vector.broadcast %get3A_3798 : vector<1x128xi32> to vector<64x128xi32>
    %or3A_3800 = arith.ori %and3A_3795, %or3A_3799 : vector<64x128xi32>
    %bitcast_convert_type3A_3801 = tpu.bitcast %or3A_3800 : vector<64x128xi32> -> vector<64x128xf32>
    %min3A_3802 = arith.minimumf %min3A_3775, %bitcast_convert_type3A_3801 : vector<64x128xf32>
    %max3A_3803 = arith.maximumf %min3A_3775, %bitcast_convert_type3A_3801 : vector<64x128xf32>
    %min3A_3804 = arith.minimumf %min3A_3777, %max3A_3803 : vector<64x128xf32>
    %max3A_3805 = arith.maximumf %min3A_3777, %max3A_3803 : vector<64x128xf32>
    %min3A_3806 = arith.minimumf %min3A_3779, %max3A_3805 : vector<64x128xf32>
    %max3A_3807 = arith.maximumf %min3A_3779, %max3A_3805 : vector<64x128xf32>
    %min3A_3808 = arith.minimumf %min3A_3781, %max3A_3807 : vector<64x128xf32>
    %slice3A_3809 = vector.extract_strided_slice %slice3A_3617 {offsets = [0, 896], sizes = [64, 128], strides = [1, 1]} : vector<64x4096xf32> to vector<64x128xf32>
    %min3A_3810 = arith.constant 1.240000e+02 : f32
    %min3A_3811 = vector.broadcast %min3A_3810 : f32 to vector<64x128xf32>
    %min3A_3812 = arith.minimumf %slice3A_3809, %min3A_3811 : vector<64x128xf32>
    %bitcast_convert_type3A_3813 = tpu.bitcast %min3A_3812 : vector<64x128xf32> -> vector<64x128xi32>
    %sub3A_3814 = arith.constant 1056964608 : i32
    %sub3A_3815 = vector.broadcast %sub3A_3814 : i32 to vector<64x128xi32>
    %sub3A_3816 = arith.subi %bitcast_convert_type3A_3813, %sub3A_3815 : vector<64x128xi32>
    %shift_left3A_3817 = arith.constant 5 : i32
    %shift_left3A_3818 = vector.broadcast %shift_left3A_3817 : i32 to vector<64x128xi32>
    %shift_left3A_3819 = arith.shli %sub3A_3816, %shift_left3A_3818 : vector<64x128xi32>
    %and3A_3820 = arith.constant -4096 : i32
    %and3A_3821 = vector.broadcast %and3A_3820 : i32 to vector<64x128xi32>
    %and3A_3822 = arith.andi %shift_left3A_3819, %and3A_3821 : vector<64x128xi32>
    %get3A_3823 = arith.constant 7 : index
    %get3A_3824 = arith.constant 0 : index
    %get3A_3825 = vector.load %arg3[%get3A_3823, %get3A_3824] : memref<32x128xi32, #tpu.memory_space<vmem>>, vector<1x128xi32>
    %or3A_3826 = vector.broadcast %get3A_3825 : vector<1x128xi32> to vector<64x128xi32>
    %or3A_3827 = arith.ori %and3A_3822, %or3A_3826 : vector<64x128xi32>
    %bitcast_convert_type3A_3828 = tpu.bitcast %or3A_3827 : vector<64x128xi32> -> vector<64x128xf32>
    %min3A_3829 = arith.minimumf %min3A_3802, %bitcast_convert_type3A_3828 : vector<64x128xf32>
    %max3A_3830 = arith.maximumf %min3A_3802, %bitcast_convert_type3A_3828 : vector<64x128xf32>
    %min3A_3831 = arith.minimumf %min3A_3804, %max3A_3830 : vector<64x128xf32>
    %max3A_3832 = arith.maximumf %min3A_3804, %max3A_3830 : vector<64x128xf32>
    %min3A_3833 = arith.minimumf %min3A_3806, %max3A_3832 : vector<64x128xf32>
    %max3A_3834 = arith.maximumf %min3A_3806, %max3A_3832 : vector<64x128xf32>
    %min3A_3835 = arith.minimumf %min3A_3808, %max3A_3834 : vector<64x128xf32>
    %slice3A_3836 = vector.extract_strided_slice %slice3A_3617 {offsets = [0, 1024], sizes = [64, 128], strides = [1, 1]} : vector<64x4096xf32> to vector<64x128xf32>
    %min3A_3837 = arith.constant 1.240000e+02 : f32
    %min3A_3838 = vector.broadcast %min3A_3837 : f32 to vector<64x128xf32>
    %min3A_3839 = arith.minimumf %slice3A_3836, %min3A_3838 : vector<64x128xf32>
    %bitcast_convert_type3A_3840 = tpu.bitcast %min3A_3839 : vector<64x128xf32> -> vector<64x128xi32>
    %sub3A_3841 = arith.constant 1056964608 : i32
    %sub3A_3842 = vector.broadcast %sub3A_3841 : i32 to vector<64x128xi32>
    %sub3A_3843 = arith.subi %bitcast_convert_type3A_3840, %sub3A_3842 : vector<64x128xi32>
    %shift_left3A_3844 = arith.constant 5 : i32
    %shift_left3A_3845 = vector.broadcast %shift_left3A_3844 : i32 to vector<64x128xi32>
    %shift_left3A_3846 = arith.shli %sub3A_3843, %shift_left3A_3845 : vector<64x128xi32>
    %and3A_3847 = arith.constant -4096 : i32
    %and3A_3848 = vector.broadcast %and3A_3847 : i32 to vector<64x128xi32>
    %and3A_3849 = arith.andi %shift_left3A_3846, %and3A_3848 : vector<64x128xi32>
    %get3A_3850 = arith.constant 8 : index
    %get3A_3851 = arith.constant 0 : index
    %get3A_3852 = vector.load %arg3[%get3A_3850, %get3A_3851] : memref<32x128xi32, #tpu.memory_space<vmem>>, vector<1x128xi32>
    %or3A_3853 = vector.broadcast %get3A_3852 : vector<1x128xi32> to vector<64x128xi32>
    %or3A_3854 = arith.ori %and3A_3849, %or3A_3853 : vector<64x128xi32>
    %bitcast_convert_type3A_3855 = tpu.bitcast %or3A_3854 : vector<64x128xi32> -> vector<64x128xf32>
    %min3A_3856 = arith.minimumf %min3A_3829, %bitcast_convert_type3A_3855 : vector<64x128xf32>
    %max3A_3857 = arith.maximumf %min3A_3829, %bitcast_convert_type3A_3855 : vector<64x128xf32>
    %min3A_3858 = arith.minimumf %min3A_3831, %max3A_3857 : vector<64x128xf32>
    %max3A_3859 = arith.maximumf %min3A_3831, %max3A_3857 : vector<64x128xf32>
    %min3A_3860 = arith.minimumf %min3A_3833, %max3A_3859 : vector<64x128xf32>
    %max3A_3861 = arith.maximumf %min3A_3833, %max3A_3859 : vector<64x128xf32>
    %min3A_3862 = arith.minimumf %min3A_3835, %max3A_3861 : vector<64x128xf32>
    %slice3A_3863 = vector.extract_strided_slice %slice3A_3617 {offsets = [0, 1152], sizes = [64, 128], strides = [1, 1]} : vector<64x4096xf32> to vector<64x128xf32>
    %min3A_3864 = arith.constant 1.240000e+02 : f32
    %min3A_3865 = vector.broadcast %min3A_3864 : f32 to vector<64x128xf32>
    %min3A_3866 = arith.minimumf %slice3A_3863, %min3A_3865 : vector<64x128xf32>
    %bitcast_convert_type3A_3867 = tpu.bitcast %min3A_3866 : vector<64x128xf32> -> vector<64x128xi32>
    %sub3A_3868 = arith.constant 1056964608 : i32
    %sub3A_3869 = vector.broadcast %sub3A_3868 : i32 to vector<64x128xi32>
    %sub3A_3870 = arith.subi %bitcast_convert_type3A_3867, %sub3A_3869 : vector<64x128xi32>
    %shift_left3A_3871 = arith.constant 5 : i32
    %shift_left3A_3872 = vector.broadcast %shift_left3A_3871 : i32 to vector<64x128xi32>
    %shift_left3A_3873 = arith.shli %sub3A_3870, %shift_left3A_3872 : vector<64x128xi32>
    %and3A_3874 = arith.constant -4096 : i32
    %and3A_3875 = vector.broadcast %and3A_3874 : i32 to vector<64x128xi32>
    %and3A_3876 = arith.andi %shift_left3A_3873, %and3A_3875 : vector<64x128xi32>
    %get3A_3877 = arith.constant 9 : index
    %get3A_3878 = arith.constant 0 : index
    %get3A_3879 = vector.load %arg3[%get3A_3877, %get3A_3878] : memref<32x128xi32, #tpu.memory_space<vmem>>, vector<1x128xi32>
    %or3A_3880 = vector.broadcast %get3A_3879 : vector<1x128xi32> to vector<64x128xi32>
    %or3A_3881 = arith.ori %and3A_3876, %or3A_3880 : vector<64x128xi32>
    %bitcast_convert_type3A_3882 = tpu.bitcast %or3A_3881 : vector<64x128xi32> -> vector<64x128xf32>
    %min3A_3883 = arith.minimumf %min3A_3856, %bitcast_convert_type3A_3882 : vector<64x128xf32>
    %max3A_3884 = arith.maximumf %min3A_3856, %bitcast_convert_type3A_3882 : vector<64x128xf32>
    %min3A_3885 = arith.minimumf %min3A_3858, %max3A_3884 : vector<64x128xf32>
    %max3A_3886 = arith.maximumf %min3A_3858, %max3A_3884 : vector<64x128xf32>
    %min3A_3887 = arith.minimumf %min3A_3860, %max3A_3886 : vector<64x128xf32>
    %max3A_3888 = arith.maximumf %min3A_3860, %max3A_3886 : vector<64x128xf32>
    %min3A_3889 = arith.minimumf %min3A_3862, %max3A_3888 : vector<64x128xf32>
    %slice3A_3890 = vector.extract_strided_slice %slice3A_3617 {offsets = [0, 1280], sizes = [64, 128], strides = [1, 1]} : vector<64x4096xf32> to vector<64x128xf32>
    %min3A_3891 = arith.constant 1.240000e+02 : f32
    %min3A_3892 = vector.broadcast %min3A_3891 : f32 to vector<64x128xf32>
    %min3A_3893 = arith.minimumf %slice3A_3890, %min3A_3892 : vector<64x128xf32>
    %bitcast_convert_type3A_3894 = tpu.bitcast %min3A_3893 : vector<64x128xf32> -> vector<64x128xi32>
    %sub3A_3895 = arith.constant 1056964608 : i32
    %sub3A_3896 = vector.broadcast %sub3A_3895 : i32 to vector<64x128xi32>
    %sub3A_3897 = arith.subi %bitcast_convert_type3A_3894, %sub3A_3896 : vector<64x128xi32>
    %shift_left3A_3898 = arith.constant 5 : i32
    %shift_left3A_3899 = vector.broadcast %shift_left3A_3898 : i32 to vector<64x128xi32>
    %shift_left3A_3900 = arith.shli %sub3A_3897, %shift_left3A_3899 : vector<64x128xi32>
    %and3A_3901 = arith.constant -4096 : i32
    %and3A_3902 = vector.broadcast %and3A_3901 : i32 to vector<64x128xi32>
    %and3A_3903 = arith.andi %shift_left3A_3900, %and3A_3902 : vector<64x128xi32>
    %get3A_3904 = arith.constant 10 : index
    %get3A_3905 = arith.constant 0 : index
    %get3A_3906 = vector.load %arg3[%get3A_3904, %get3A_3905] : memref<32x128xi32, #tpu.memory_space<vmem>>, vector<1x128xi32>
    %or3A_3907 = vector.broadcast %get3A_3906 : vector<1x128xi32> to vector<64x128xi32>
    %or3A_3908 = arith.ori %and3A_3903, %or3A_3907 : vector<64x128xi32>
    %bitcast_convert_type3A_3909 = tpu.bitcast %or3A_3908 : vector<64x128xi32> -> vector<64x128xf32>
    %min3A_3910 = arith.minimumf %min3A_3883, %bitcast_convert_type3A_3909 : vector<64x128xf32>
    %max3A_3911 = arith.maximumf %min3A_3883, %bitcast_convert_type3A_3909 : vector<64x128xf32>
    %min3A_3912 = arith.minimumf %min3A_3885, %max3A_3911 : vector<64x128xf32>
    %max3A_3913 = arith.maximumf %min3A_3885, %max3A_3911 : vector<64x128xf32>
    %min3A_3914 = arith.minimumf %min3A_3887, %max3A_3913 : vector<64x128xf32>
    %max3A_3915 = arith.maximumf %min3A_3887, %max3A_3913 : vector<64x128xf32>
    %min3A_3916 = arith.minimumf %min3A_3889, %max3A_3915 : vector<64x128xf32>
    %slice3A_3917 = vector.extract_strided_slice %slice3A_3617 {offsets = [0, 1408], sizes = [64, 128], strides = [1, 1]} : vector<64x4096xf32> to vector<64x128xf32>
    %min3A_3918 = arith.constant 1.240000e+02 : f32
    %min3A_3919 = vector.broadcast %min3A_3918 : f32 to vector<64x128xf32>
    %min3A_3920 = arith.minimumf %slice3A_3917, %min3A_3919 : vector<64x128xf32>
    %bitcast_convert_type3A_3921 = tpu.bitcast %min3A_3920 : vector<64x128xf32> -> vector<64x128xi32>
    %sub3A_3922 = arith.constant 1056964608 : i32
    %sub3A_3923 = vector.broadcast %sub3A_3922 : i32 to vector<64x128xi32>
    %sub3A_3924 = arith.subi %bitcast_convert_type3A_3921, %sub3A_3923 : vector<64x128xi32>
    %shift_left3A_3925 = arith.constant 5 : i32
    %shift_left3A_3926 = vector.broadcast %shift_left3A_3925 : i32 to vector<64x128xi32>
    %shift_left3A_3927 = arith.shli %sub3A_3924, %shift_left3A_3926 : vector<64x128xi32>
    %and3A_3928 = arith.constant -4096 : i32
    %and3A_3929 = vector.broadcast %and3A_3928 : i32 to vector<64x128xi32>
    %and3A_3930 = arith.andi %shift_left3A_3927, %and3A_3929 : vector<64x128xi32>
    %get3A_3931 = arith.constant 11 : index
    %get3A_3932 = arith.constant 0 : index
    %get3A_3933 = vector.load %arg3[%get3A_3931, %get3A_3932] : memref<32x128xi32, #tpu.memory_space<vmem>>, vector<1x128xi32>
    %or3A_3934 = vector.broadcast %get3A_3933 : vector<1x128xi32> to vector<64x128xi32>
    %or3A_3935 = arith.ori %and3A_3930, %or3A_3934 : vector<64x128xi32>
    %bitcast_convert_type3A_3936 = tpu.bitcast %or3A_3935 : vector<64x128xi32> -> vector<64x128xf32>
    %min3A_3937 = arith.minimumf %min3A_3910, %bitcast_convert_type3A_3936 : vector<64x128xf32>
    %max3A_3938 = arith.maximumf %min3A_3910, %bitcast_convert_type3A_3936 : vector<64x128xf32>
    %min3A_3939 = arith.minimumf %min3A_3912, %max3A_3938 : vector<64x128xf32>
    %max3A_3940 = arith.maximumf %min3A_3912, %max3A_3938 : vector<64x128xf32>
    %min3A_3941 = arith.minimumf %min3A_3914, %max3A_3940 : vector<64x128xf32>
    %max3A_3942 = arith.maximumf %min3A_3914, %max3A_3940 : vector<64x128xf32>
    %min3A_3943 = arith.minimumf %min3A_3916, %max3A_3942 : vector<64x128xf32>
    %slice3A_3944 = vector.extract_strided_slice %slice3A_3617 {offsets = [0, 1536], sizes = [64, 128], strides = [1, 1]} : vector<64x4096xf32> to vector<64x128xf32>
    %min3A_3945 = arith.constant 1.240000e+02 : f32
    %min3A_3946 = vector.broadcast %min3A_3945 : f32 to vector<64x128xf32>
    %min3A_3947 = arith.minimumf %slice3A_3944, %min3A_3946 : vector<64x128xf32>
    %bitcast_convert_type3A_3948 = tpu.bitcast %min3A_3947 : vector<64x128xf32> -> vector<64x128xi32>
    %sub3A_3949 = arith.constant 1056964608 : i32
    %sub3A_3950 = vector.broadcast %sub3A_3949 : i32 to vector<64x128xi32>
    %sub3A_3951 = arith.subi %bitcast_convert_type3A_3948, %sub3A_3950 : vector<64x128xi32>
    %shift_left3A_3952 = arith.constant 5 : i32
    %shift_left3A_3953 = vector.broadcast %shift_left3A_3952 : i32 to vector<64x128xi32>
    %shift_left3A_3954 = arith.shli %sub3A_3951, %shift_left3A_3953 : vector<64x128xi32>
    %and3A_3955 = arith.constant -4096 : i32
    %and3A_3956 = vector.broadcast %and3A_3955 : i32 to vector<64x128xi32>
    %and3A_3957 = arith.andi %shift_left3A_3954, %and3A_3956 : vector<64x128xi32>
    %get3A_3958 = arith.constant 12 : index
    %get3A_3959 = arith.constant 0 : index
    %get3A_3960 = vector.load %arg3[%get3A_3958, %get3A_3959] : memref<32x128xi32, #tpu.memory_space<vmem>>, vector<1x128xi32>
    %or3A_3961 = vector.broadcast %get3A_3960 : vector<1x128xi32> to vector<64x128xi32>
    %or3A_3962 = arith.ori %and3A_3957, %or3A_3961 : vector<64x128xi32>
    %bitcast_convert_type3A_3963 = tpu.bitcast %or3A_3962 : vector<64x128xi32> -> vector<64x128xf32>
    %min3A_3964 = arith.minimumf %min3A_3937, %bitcast_convert_type3A_3963 : vector<64x128xf32>
    %max3A_3965 = arith.maximumf %min3A_3937, %bitcast_convert_type3A_3963 : vector<64x128xf32>
    %min3A_3966 = arith.minimumf %min3A_3939, %max3A_3965 : vector<64x128xf32>
    %max3A_3967 = arith.maximumf %min3A_3939, %max3A_3965 : vector<64x128xf32>
    %min3A_3968 = arith.minimumf %min3A_3941, %max3A_3967 : vector<64x128xf32>
    %max3A_3969 = arith.maximumf %min3A_3941, %max3A_3967 : vector<64x128xf32>
    %min3A_3970 = arith.minimumf %min3A_3943, %max3A_3969 : vector<64x128xf32>
    %slice3A_3971 = vector.extract_strided_slice %slice3A_3617 {offsets = [0, 1664], sizes = [64, 128], strides = [1, 1]} : vector<64x4096xf32> to vector<64x128xf32>
    %min3A_3972 = arith.constant 1.240000e+02 : f32
    %min3A_3973 = vector.broadcast %min3A_3972 : f32 to vector<64x128xf32>
    %min3A_3974 = arith.minimumf %slice3A_3971, %min3A_3973 : vector<64x128xf32>
    %bitcast_convert_type3A_3975 = tpu.bitcast %min3A_3974 : vector<64x128xf32> -> vector<64x128xi32>
    %sub3A_3976 = arith.constant 1056964608 : i32
    %sub3A_3977 = vector.broadcast %sub3A_3976 : i32 to vector<64x128xi32>
    %sub3A_3978 = arith.subi %bitcast_convert_type3A_3975, %sub3A_3977 : vector<64x128xi32>
    %shift_left3A_3979 = arith.constant 5 : i32
    %shift_left3A_3980 = vector.broadcast %shift_left3A_3979 : i32 to vector<64x128xi32>
    %shift_left3A_3981 = arith.shli %sub3A_3978, %shift_left3A_3980 : vector<64x128xi32>
    %and3A_3982 = arith.constant -4096 : i32
    %and3A_3983 = vector.broadcast %and3A_3982 : i32 to vector<64x128xi32>
    %and3A_3984 = arith.andi %shift_left3A_3981, %and3A_3983 : vector<64x128xi32>
    %get3A_3985 = arith.constant 13 : index
    %get3A_3986 = arith.constant 0 : index
    %get3A_3987 = vector.load %arg3[%get3A_3985, %get3A_3986] : memref<32x128xi32, #tpu.memory_space<vmem>>, vector<1x128xi32>
    %or3A_3988 = vector.broadcast %get3A_3987 : vector<1x128xi32> to vector<64x128xi32>
    %or3A_3989 = arith.ori %and3A_3984, %or3A_3988 : vector<64x128xi32>
    %bitcast_convert_type3A_3990 = tpu.bitcast %or3A_3989 : vector<64x128xi32> -> vector<64x128xf32>
    %min3A_3991 = arith.minimumf %min3A_3964, %bitcast_convert_type3A_3990 : vector<64x128xf32>
    %max3A_3992 = arith.maximumf %min3A_3964, %bitcast_convert_type3A_3990 : vector<64x128xf32>
    %min3A_3993 = arith.minimumf %min3A_3966, %max3A_3992 : vector<64x128xf32>
    %max3A_3994 = arith.maximumf %min3A_3966, %max3A_3992 : vector<64x128xf32>
    %min3A_3995 = arith.minimumf %min3A_3968, %max3A_3994 : vector<64x128xf32>
    %max3A_3996 = arith.maximumf %min3A_3968, %max3A_3994 : vector<64x128xf32>
    %min3A_3997 = arith.minimumf %min3A_3970, %max3A_3996 : vector<64x128xf32>
    %slice3A_3998 = vector.extract_strided_slice %slice3A_3617 {offsets = [0, 1792], sizes = [64, 128], strides = [1, 1]} : vector<64x4096xf32> to vector<64x128xf32>
    %min3A_3999 = arith.constant 1.240000e+02 : f32
    %min3A_4000 = vector.broadcast %min3A_3999 : f32 to vector<64x128xf32>
    %min3A_4001 = arith.minimumf %slice3A_3998, %min3A_4000 : vector<64x128xf32>
    %bitcast_convert_type3A_4002 = tpu.bitcast %min3A_4001 : vector<64x128xf32> -> vector<64x128xi32>
    %sub3A_4003 = arith.constant 1056964608 : i32
    %sub3A_4004 = vector.broadcast %sub3A_4003 : i32 to vector<64x128xi32>
    %sub3A_4005 = arith.subi %bitcast_convert_type3A_4002, %sub3A_4004 : vector<64x128xi32>
    %shift_left3A_4006 = arith.constant 5 : i32
    %shift_left3A_4007 = vector.broadcast %shift_left3A_4006 : i32 to vector<64x128xi32>
    %shift_left3A_4008 = arith.shli %sub3A_4005, %shift_left3A_4007 : vector<64x128xi32>
    %and3A_4009 = arith.constant -4096 : i32
    %and3A_4010 = vector.broadcast %and3A_4009 : i32 to vector<64x128xi32>
    %and3A_4011 = arith.andi %shift_left3A_4008, %and3A_4010 : vector<64x128xi32>
    %get3A_4012 = arith.constant 14 : index
    %get3A_4013 = arith.constant 0 : index
    %get3A_4014 = vector.load %arg3[%get3A_4012, %get3A_4013] : memref<32x128xi32, #tpu.memory_space<vmem>>, vector<1x128xi32>
    %or3A_4015 = vector.broadcast %get3A_4014 : vector<1x128xi32> to vector<64x128xi32>
    %or3A_4016 = arith.ori %and3A_4011, %or3A_4015 : vector<64x128xi32>
    %bitcast_convert_type3A_4017 = tpu.bitcast %or3A_4016 : vector<64x128xi32> -> vector<64x128xf32>
    %min3A_4018 = arith.minimumf %min3A_3991, %bitcast_convert_type3A_4017 : vector<64x128xf32>
    %max3A_4019 = arith.maximumf %min3A_3991, %bitcast_convert_type3A_4017 : vector<64x128xf32>
    %min3A_4020 = arith.minimumf %min3A_3993, %max3A_4019 : vector<64x128xf32>
    %max3A_4021 = arith.maximumf %min3A_3993, %max3A_4019 : vector<64x128xf32>
    %min3A_4022 = arith.minimumf %min3A_3995, %max3A_4021 : vector<64x128xf32>
    %max3A_4023 = arith.maximumf %min3A_3995, %max3A_4021 : vector<64x128xf32>
    %min3A_4024 = arith.minimumf %min3A_3997, %max3A_4023 : vector<64x128xf32>
    %slice3A_4025 = vector.extract_strided_slice %slice3A_3617 {offsets = [0, 1920], sizes = [64, 128], strides = [1, 1]} : vector<64x4096xf32> to vector<64x128xf32>
    %min3A_4026 = arith.constant 1.240000e+02 : f32
    %min3A_4027 = vector.broadcast %min3A_4026 : f32 to vector<64x128xf32>
    %min3A_4028 = arith.minimumf %slice3A_4025, %min3A_4027 : vector<64x128xf32>
    %bitcast_convert_type3A_4029 = tpu.bitcast %min3A_4028 : vector<64x128xf32> -> vector<64x128xi32>
    %sub3A_4030 = arith.constant 1056964608 : i32
    %sub3A_4031 = vector.broadcast %sub3A_4030 : i32 to vector<64x128xi32>
    %sub3A_4032 = arith.subi %bitcast_convert_type3A_4029, %sub3A_4031 : vector<64x128xi32>
    %shift_left3A_4033 = arith.constant 5 : i32
    %shift_left3A_4034 = vector.broadcast %shift_left3A_4033 : i32 to vector<64x128xi32>
    %shift_left3A_4035 = arith.shli %sub3A_4032, %shift_left3A_4034 : vector<64x128xi32>
    %and3A_4036 = arith.constant -4096 : i32
    %and3A_4037 = vector.broadcast %and3A_4036 : i32 to vector<64x128xi32>
    %and3A_4038 = arith.andi %shift_left3A_4035, %and3A_4037 : vector<64x128xi32>
    %get3A_4039 = arith.constant 15 : index
    %get3A_4040 = arith.constant 0 : index
    %get3A_4041 = vector.load %arg3[%get3A_4039, %get3A_4040] : memref<32x128xi32, #tpu.memory_space<vmem>>, vector<1x128xi32>
    %or3A_4042 = vector.broadcast %get3A_4041 : vector<1x128xi32> to vector<64x128xi32>
    %or3A_4043 = arith.ori %and3A_4038, %or3A_4042 : vector<64x128xi32>
    %bitcast_convert_type3A_4044 = tpu.bitcast %or3A_4043 : vector<64x128xi32> -> vector<64x128xf32>
    %min3A_4045 = arith.minimumf %min3A_4018, %bitcast_convert_type3A_4044 : vector<64x128xf32>
    %max3A_4046 = arith.maximumf %min3A_4018, %bitcast_convert_type3A_4044 : vector<64x128xf32>
    %min3A_4047 = arith.minimumf %min3A_4020, %max3A_4046 : vector<64x128xf32>
    %max3A_4048 = arith.maximumf %min3A_4020, %max3A_4046 : vector<64x128xf32>
    %min3A_4049 = arith.minimumf %min3A_4022, %max3A_4048 : vector<64x128xf32>
    %max3A_4050 = arith.maximumf %min3A_4022, %max3A_4048 : vector<64x128xf32>
    %min3A_4051 = arith.minimumf %min3A_4024, %max3A_4050 : vector<64x128xf32>
    %slice3A_4052 = vector.extract_strided_slice %slice3A_3617 {offsets = [0, 2048], sizes = [64, 128], strides = [1, 1]} : vector<64x4096xf32> to vector<64x128xf32>
    %min3A_4053 = arith.constant 1.240000e+02 : f32
    %min3A_4054 = vector.broadcast %min3A_4053 : f32 to vector<64x128xf32>
    %min3A_4055 = arith.minimumf %slice3A_4052, %min3A_4054 : vector<64x128xf32>
    %bitcast_convert_type3A_4056 = tpu.bitcast %min3A_4055 : vector<64x128xf32> -> vector<64x128xi32>
    %sub3A_4057 = arith.constant 1056964608 : i32
    %sub3A_4058 = vector.broadcast %sub3A_4057 : i32 to vector<64x128xi32>
    %sub3A_4059 = arith.subi %bitcast_convert_type3A_4056, %sub3A_4058 : vector<64x128xi32>
    %shift_left3A_4060 = arith.constant 5 : i32
    %shift_left3A_4061 = vector.broadcast %shift_left3A_4060 : i32 to vector<64x128xi32>
    %shift_left3A_4062 = arith.shli %sub3A_4059, %shift_left3A_4061 : vector<64x128xi32>
    %and3A_4063 = arith.constant -4096 : i32
    %and3A_4064 = vector.broadcast %and3A_4063 : i32 to vector<64x128xi32>
    %and3A_4065 = arith.andi %shift_left3A_4062, %and3A_4064 : vector<64x128xi32>
    %get3A_4066 = arith.constant 16 : index
    %get3A_4067 = arith.constant 0 : index
    %get3A_4068 = vector.load %arg3[%get3A_4066, %get3A_4067] : memref<32x128xi32, #tpu.memory_space<vmem>>, vector<1x128xi32>
    %or3A_4069 = vector.broadcast %get3A_4068 : vector<1x128xi32> to vector<64x128xi32>
    %or3A_4070 = arith.ori %and3A_4065, %or3A_4069 : vector<64x128xi32>
    %bitcast_convert_type3A_4071 = tpu.bitcast %or3A_4070 : vector<64x128xi32> -> vector<64x128xf32>
    %min3A_4072 = arith.minimumf %min3A_4045, %bitcast_convert_type3A_4071 : vector<64x128xf32>
    %max3A_4073 = arith.maximumf %min3A_4045, %bitcast_convert_type3A_4071 : vector<64x128xf32>
    %min3A_4074 = arith.minimumf %min3A_4047, %max3A_4073 : vector<64x128xf32>
    %max3A_4075 = arith.maximumf %min3A_4047, %max3A_4073 : vector<64x128xf32>
    %min3A_4076 = arith.minimumf %min3A_4049, %max3A_4075 : vector<64x128xf32>
    %max3A_4077 = arith.maximumf %min3A_4049, %max3A_4075 : vector<64x128xf32>
    %min3A_4078 = arith.minimumf %min3A_4051, %max3A_4077 : vector<64x128xf32>
    %slice3A_4079 = vector.extract_strided_slice %slice3A_3617 {offsets = [0, 2176], sizes = [64, 128], strides = [1, 1]} : vector<64x4096xf32> to vector<64x128xf32>
    %min3A_4080 = arith.constant 1.240000e+02 : f32
    %min3A_4081 = vector.broadcast %min3A_4080 : f32 to vector<64x128xf32>
    %min3A_4082 = arith.minimumf %slice3A_4079, %min3A_4081 : vector<64x128xf32>
    %bitcast_convert_type3A_4083 = tpu.bitcast %min3A_4082 : vector<64x128xf32> -> vector<64x128xi32>
    %sub3A_4084 = arith.constant 1056964608 : i32
    %sub3A_4085 = vector.broadcast %sub3A_4084 : i32 to vector<64x128xi32>
    %sub3A_4086 = arith.subi %bitcast_convert_type3A_4083, %sub3A_4085 : vector<64x128xi32>
    %shift_left3A_4087 = arith.constant 5 : i32
    %shift_left3A_4088 = vector.broadcast %shift_left3A_4087 : i32 to vector<64x128xi32>
    %shift_left3A_4089 = arith.shli %sub3A_4086, %shift_left3A_4088 : vector<64x128xi32>
    %and3A_4090 = arith.constant -4096 : i32
    %and3A_4091 = vector.broadcast %and3A_4090 : i32 to vector<64x128xi32>
    %and3A_4092 = arith.andi %shift_left3A_4089, %and3A_4091 : vector<64x128xi32>
    %get3A_4093 = arith.constant 17 : index
    %get3A_4094 = arith.constant 0 : index
    %get3A_4095 = vector.load %arg3[%get3A_4093, %get3A_4094] : memref<32x128xi32, #tpu.memory_space<vmem>>, vector<1x128xi32>
    %or3A_4096 = vector.broadcast %get3A_4095 : vector<1x128xi32> to vector<64x128xi32>
    %or3A_4097 = arith.ori %and3A_4092, %or3A_4096 : vector<64x128xi32>
    %bitcast_convert_type3A_4098 = tpu.bitcast %or3A_4097 : vector<64x128xi32> -> vector<64x128xf32>
    %min3A_4099 = arith.minimumf %min3A_4072, %bitcast_convert_type3A_4098 : vector<64x128xf32>
    %max3A_4100 = arith.maximumf %min3A_4072, %bitcast_convert_type3A_4098 : vector<64x128xf32>
    %min3A_4101 = arith.minimumf %min3A_4074, %max3A_4100 : vector<64x128xf32>
    %max3A_4102 = arith.maximumf %min3A_4074, %max3A_4100 : vector<64x128xf32>
    %min3A_4103 = arith.minimumf %min3A_4076, %max3A_4102 : vector<64x128xf32>
    %max3A_4104 = arith.maximumf %min3A_4076, %max3A_4102 : vector<64x128xf32>
    %min3A_4105 = arith.minimumf %min3A_4078, %max3A_4104 : vector<64x128xf32>
    %slice3A_4106 = vector.extract_strided_slice %slice3A_3617 {offsets = [0, 2304], sizes = [64, 128], strides = [1, 1]} : vector<64x4096xf32> to vector<64x128xf32>
    %min3A_4107 = arith.constant 1.240000e+02 : f32
    %min3A_4108 = vector.broadcast %min3A_4107 : f32 to vector<64x128xf32>
    %min3A_4109 = arith.minimumf %slice3A_4106, %min3A_4108 : vector<64x128xf32>
    %bitcast_convert_type3A_4110 = tpu.bitcast %min3A_4109 : vector<64x128xf32> -> vector<64x128xi32>
    %sub3A_4111 = arith.constant 1056964608 : i32
    %sub3A_4112 = vector.broadcast %sub3A_4111 : i32 to vector<64x128xi32>
    %sub3A_4113 = arith.subi %bitcast_convert_type3A_4110, %sub3A_4112 : vector<64x128xi32>
    %shift_left3A_4114 = arith.constant 5 : i32
    %shift_left3A_4115 = vector.broadcast %shift_left3A_4114 : i32 to vector<64x128xi32>
    %shift_left3A_4116 = arith.shli %sub3A_4113, %shift_left3A_4115 : vector<64x128xi32>
    %and3A_4117 = arith.constant -4096 : i32
    %and3A_4118 = vector.broadcast %and3A_4117 : i32 to vector<64x128xi32>
    %and3A_4119 = arith.andi %shift_left3A_4116, %and3A_4118 : vector<64x128xi32>
    %get3A_4120 = arith.constant 18 : index
    %get3A_4121 = arith.constant 0 : index
    %get3A_4122 = vector.load %arg3[%get3A_4120, %get3A_4121] : memref<32x128xi32, #tpu.memory_space<vmem>>, vector<1x128xi32>
    %or3A_4123 = vector.broadcast %get3A_4122 : vector<1x128xi32> to vector<64x128xi32>
    %or3A_4124 = arith.ori %and3A_4119, %or3A_4123 : vector<64x128xi32>
    %bitcast_convert_type3A_4125 = tpu.bitcast %or3A_4124 : vector<64x128xi32> -> vector<64x128xf32>
    %min3A_4126 = arith.minimumf %min3A_4099, %bitcast_convert_type3A_4125 : vector<64x128xf32>
    %max3A_4127 = arith.maximumf %min3A_4099, %bitcast_convert_type3A_4125 : vector<64x128xf32>
    %min3A_4128 = arith.minimumf %min3A_4101, %max3A_4127 : vector<64x128xf32>
    %max3A_4129 = arith.maximumf %min3A_4101, %max3A_4127 : vector<64x128xf32>
    %min3A_4130 = arith.minimumf %min3A_4103, %max3A_4129 : vector<64x128xf32>
    %max3A_4131 = arith.maximumf %min3A_4103, %max3A_4129 : vector<64x128xf32>
    %min3A_4132 = arith.minimumf %min3A_4105, %max3A_4131 : vector<64x128xf32>
    %slice3A_4133 = vector.extract_strided_slice %slice3A_3617 {offsets = [0, 2432], sizes = [64, 128], strides = [1, 1]} : vector<64x4096xf32> to vector<64x128xf32>
    %min3A_4134 = arith.constant 1.240000e+02 : f32
    %min3A_4135 = vector.broadcast %min3A_4134 : f32 to vector<64x128xf32>
    %min3A_4136 = arith.minimumf %slice3A_4133, %min3A_4135 : vector<64x128xf32>
    %bitcast_convert_type3A_4137 = tpu.bitcast %min3A_4136 : vector<64x128xf32> -> vector<64x128xi32>
    %sub3A_4138 = arith.constant 1056964608 : i32
    %sub3A_4139 = vector.broadcast %sub3A_4138 : i32 to vector<64x128xi32>
    %sub3A_4140 = arith.subi %bitcast_convert_type3A_4137, %sub3A_4139 : vector<64x128xi32>
    %shift_left3A_4141 = arith.constant 5 : i32
    %shift_left3A_4142 = vector.broadcast %shift_left3A_4141 : i32 to vector<64x128xi32>
    %shift_left3A_4143 = arith.shli %sub3A_4140, %shift_left3A_4142 : vector<64x128xi32>
    %and3A_4144 = arith.constant -4096 : i32
    %and3A_4145 = vector.broadcast %and3A_4144 : i32 to vector<64x128xi32>
    %and3A_4146 = arith.andi %shift_left3A_4143, %and3A_4145 : vector<64x128xi32>
    %get3A_4147 = arith.constant 19 : index
    %get3A_4148 = arith.constant 0 : index
    %get3A_4149 = vector.load %arg3[%get3A_4147, %get3A_4148] : memref<32x128xi32, #tpu.memory_space<vmem>>, vector<1x128xi32>
    %or3A_4150 = vector.broadcast %get3A_4149 : vector<1x128xi32> to vector<64x128xi32>
    %or3A_4151 = arith.ori %and3A_4146, %or3A_4150 : vector<64x128xi32>
    %bitcast_convert_type3A_4152 = tpu.bitcast %or3A_4151 : vector<64x128xi32> -> vector<64x128xf32>
    %min3A_4153 = arith.minimumf %min3A_4126, %bitcast_convert_type3A_4152 : vector<64x128xf32>
    %max3A_4154 = arith.maximumf %min3A_4126, %bitcast_convert_type3A_4152 : vector<64x128xf32>
    %min3A_4155 = arith.minimumf %min3A_4128, %max3A_4154 : vector<64x128xf32>
    %max3A_4156 = arith.maximumf %min3A_4128, %max3A_4154 : vector<64x128xf32>
    %min3A_4157 = arith.minimumf %min3A_4130, %max3A_4156 : vector<64x128xf32>
    %max3A_4158 = arith.maximumf %min3A_4130, %max3A_4156 : vector<64x128xf32>
    %min3A_4159 = arith.minimumf %min3A_4132, %max3A_4158 : vector<64x128xf32>
    %slice3A_4160 = vector.extract_strided_slice %slice3A_3617 {offsets = [0, 2560], sizes = [64, 128], strides = [1, 1]} : vector<64x4096xf32> to vector<64x128xf32>
    %min3A_4161 = arith.constant 1.240000e+02 : f32
    %min3A_4162 = vector.broadcast %min3A_4161 : f32 to vector<64x128xf32>
    %min3A_4163 = arith.minimumf %slice3A_4160, %min3A_4162 : vector<64x128xf32>
    %bitcast_convert_type3A_4164 = tpu.bitcast %min3A_4163 : vector<64x128xf32> -> vector<64x128xi32>
    %sub3A_4165 = arith.constant 1056964608 : i32
    %sub3A_4166 = vector.broadcast %sub3A_4165 : i32 to vector<64x128xi32>
    %sub3A_4167 = arith.subi %bitcast_convert_type3A_4164, %sub3A_4166 : vector<64x128xi32>
    %shift_left3A_4168 = arith.constant 5 : i32
    %shift_left3A_4169 = vector.broadcast %shift_left3A_4168 : i32 to vector<64x128xi32>
    %shift_left3A_4170 = arith.shli %sub3A_4167, %shift_left3A_4169 : vector<64x128xi32>
    %and3A_4171 = arith.constant -4096 : i32
    %and3A_4172 = vector.broadcast %and3A_4171 : i32 to vector<64x128xi32>
    %and3A_4173 = arith.andi %shift_left3A_4170, %and3A_4172 : vector<64x128xi32>
    %get3A_4174 = arith.constant 20 : index
    %get3A_4175 = arith.constant 0 : index
    %get3A_4176 = vector.load %arg3[%get3A_4174, %get3A_4175] : memref<32x128xi32, #tpu.memory_space<vmem>>, vector<1x128xi32>
    %or3A_4177 = vector.broadcast %get3A_4176 : vector<1x128xi32> to vector<64x128xi32>
    %or3A_4178 = arith.ori %and3A_4173, %or3A_4177 : vector<64x128xi32>
    %bitcast_convert_type3A_4179 = tpu.bitcast %or3A_4178 : vector<64x128xi32> -> vector<64x128xf32>
    %min3A_4180 = arith.minimumf %min3A_4153, %bitcast_convert_type3A_4179 : vector<64x128xf32>
    %max3A_4181 = arith.maximumf %min3A_4153, %bitcast_convert_type3A_4179 : vector<64x128xf32>
    %min3A_4182 = arith.minimumf %min3A_4155, %max3A_4181 : vector<64x128xf32>
    %max3A_4183 = arith.maximumf %min3A_4155, %max3A_4181 : vector<64x128xf32>
    %min3A_4184 = arith.minimumf %min3A_4157, %max3A_4183 : vector<64x128xf32>
    %max3A_4185 = arith.maximumf %min3A_4157, %max3A_4183 : vector<64x128xf32>
    %min3A_4186 = arith.minimumf %min3A_4159, %max3A_4185 : vector<64x128xf32>
    %slice3A_4187 = vector.extract_strided_slice %slice3A_3617 {offsets = [0, 2688], sizes = [64, 128], strides = [1, 1]} : vector<64x4096xf32> to vector<64x128xf32>
    %min3A_4188 = arith.constant 1.240000e+02 : f32
    %min3A_4189 = vector.broadcast %min3A_4188 : f32 to vector<64x128xf32>
    %min3A_4190 = arith.minimumf %slice3A_4187, %min3A_4189 : vector<64x128xf32>
    %bitcast_convert_type3A_4191 = tpu.bitcast %min3A_4190 : vector<64x128xf32> -> vector<64x128xi32>
    %sub3A_4192 = arith.constant 1056964608 : i32
    %sub3A_4193 = vector.broadcast %sub3A_4192 : i32 to vector<64x128xi32>
    %sub3A_4194 = arith.subi %bitcast_convert_type3A_4191, %sub3A_4193 : vector<64x128xi32>
    %shift_left3A_4195 = arith.constant 5 : i32
    %shift_left3A_4196 = vector.broadcast %shift_left3A_4195 : i32 to vector<64x128xi32>
    %shift_left3A_4197 = arith.shli %sub3A_4194, %shift_left3A_4196 : vector<64x128xi32>
    %and3A_4198 = arith.constant -4096 : i32
    %and3A_4199 = vector.broadcast %and3A_4198 : i32 to vector<64x128xi32>
    %and3A_4200 = arith.andi %shift_left3A_4197, %and3A_4199 : vector<64x128xi32>
    %get3A_4201 = arith.constant 21 : index
    %get3A_4202 = arith.constant 0 : index
    %get3A_4203 = vector.load %arg3[%get3A_4201, %get3A_4202] : memref<32x128xi32, #tpu.memory_space<vmem>>, vector<1x128xi32>
    %or3A_4204 = vector.broadcast %get3A_4203 : vector<1x128xi32> to vector<64x128xi32>
    %or3A_4205 = arith.ori %and3A_4200, %or3A_4204 : vector<64x128xi32>
    %bitcast_convert_type3A_4206 = tpu.bitcast %or3A_4205 : vector<64x128xi32> -> vector<64x128xf32>
    %min3A_4207 = arith.minimumf %min3A_4180, %bitcast_convert_type3A_4206 : vector<64x128xf32>
    %max3A_4208 = arith.maximumf %min3A_4180, %bitcast_convert_type3A_4206 : vector<64x128xf32>
    %min3A_4209 = arith.minimumf %min3A_4182, %max3A_4208 : vector<64x128xf32>
    %max3A_4210 = arith.maximumf %min3A_4182, %max3A_4208 : vector<64x128xf32>
    %min3A_4211 = arith.minimumf %min3A_4184, %max3A_4210 : vector<64x128xf32>
    %max3A_4212 = arith.maximumf %min3A_4184, %max3A_4210 : vector<64x128xf32>
    %min3A_4213 = arith.minimumf %min3A_4186, %max3A_4212 : vector<64x128xf32>
    %slice3A_4214 = vector.extract_strided_slice %slice3A_3617 {offsets = [0, 2816], sizes = [64, 128], strides = [1, 1]} : vector<64x4096xf32> to vector<64x128xf32>
    %min3A_4215 = arith.constant 1.240000e+02 : f32
    %min3A_4216 = vector.broadcast %min3A_4215 : f32 to vector<64x128xf32>
    %min3A_4217 = arith.minimumf %slice3A_4214, %min3A_4216 : vector<64x128xf32>
    %bitcast_convert_type3A_4218 = tpu.bitcast %min3A_4217 : vector<64x128xf32> -> vector<64x128xi32>
    %sub3A_4219 = arith.constant 1056964608 : i32
    %sub3A_4220 = vector.broadcast %sub3A_4219 : i32 to vector<64x128xi32>
    %sub3A_4221 = arith.subi %bitcast_convert_type3A_4218, %sub3A_4220 : vector<64x128xi32>
    %shift_left3A_4222 = arith.constant 5 : i32
    %shift_left3A_4223 = vector.broadcast %shift_left3A_4222 : i32 to vector<64x128xi32>
    %shift_left3A_4224 = arith.shli %sub3A_4221, %shift_left3A_4223 : vector<64x128xi32>
    %and3A_4225 = arith.constant -4096 : i32
    %and3A_4226 = vector.broadcast %and3A_4225 : i32 to vector<64x128xi32>
    %and3A_4227 = arith.andi %shift_left3A_4224, %and3A_4226 : vector<64x128xi32>
    %get3A_4228 = arith.constant 22 : index
    %get3A_4229 = arith.constant 0 : index
    %get3A_4230 = vector.load %arg3[%get3A_4228, %get3A_4229] : memref<32x128xi32, #tpu.memory_space<vmem>>, vector<1x128xi32>
    %or3A_4231 = vector.broadcast %get3A_4230 : vector<1x128xi32> to vector<64x128xi32>
    %or3A_4232 = arith.ori %and3A_4227, %or3A_4231 : vector<64x128xi32>
    %bitcast_convert_type3A_4233 = tpu.bitcast %or3A_4232 : vector<64x128xi32> -> vector<64x128xf32>
    %min3A_4234 = arith.minimumf %min3A_4207, %bitcast_convert_type3A_4233 : vector<64x128xf32>
    %max3A_4235 = arith.maximumf %min3A_4207, %bitcast_convert_type3A_4233 : vector<64x128xf32>
    %min3A_4236 = arith.minimumf %min3A_4209, %max3A_4235 : vector<64x128xf32>
    %max3A_4237 = arith.maximumf %min3A_4209, %max3A_4235 : vector<64x128xf32>
    %min3A_4238 = arith.minimumf %min3A_4211, %max3A_4237 : vector<64x128xf32>
    %max3A_4239 = arith.maximumf %min3A_4211, %max3A_4237 : vector<64x128xf32>
    %min3A_4240 = arith.minimumf %min3A_4213, %max3A_4239 : vector<64x128xf32>
    %slice3A_4241 = vector.extract_strided_slice %slice3A_3617 {offsets = [0, 2944], sizes = [64, 128], strides = [1, 1]} : vector<64x4096xf32> to vector<64x128xf32>
    %min3A_4242 = arith.constant 1.240000e+02 : f32
    %min3A_4243 = vector.broadcast %min3A_4242 : f32 to vector<64x128xf32>
    %min3A_4244 = arith.minimumf %slice3A_4241, %min3A_4243 : vector<64x128xf32>
    %bitcast_convert_type3A_4245 = tpu.bitcast %min3A_4244 : vector<64x128xf32> -> vector<64x128xi32>
    %sub3A_4246 = arith.constant 1056964608 : i32
    %sub3A_4247 = vector.broadcast %sub3A_4246 : i32 to vector<64x128xi32>
    %sub3A_4248 = arith.subi %bitcast_convert_type3A_4245, %sub3A_4247 : vector<64x128xi32>
    %shift_left3A_4249 = arith.constant 5 : i32
    %shift_left3A_4250 = vector.broadcast %shift_left3A_4249 : i32 to vector<64x128xi32>
    %shift_left3A_4251 = arith.shli %sub3A_4248, %shift_left3A_4250 : vector<64x128xi32>
    %and3A_4252 = arith.constant -4096 : i32
    %and3A_4253 = vector.broadcast %and3A_4252 : i32 to vector<64x128xi32>
    %and3A_4254 = arith.andi %shift_left3A_4251, %and3A_4253 : vector<64x128xi32>
    %get3A_4255 = arith.constant 23 : index
    %get3A_4256 = arith.constant 0 : index
    %get3A_4257 = vector.load %arg3[%get3A_4255, %get3A_4256] : memref<32x128xi32, #tpu.memory_space<vmem>>, vector<1x128xi32>
    %or3A_4258 = vector.broadcast %get3A_4257 : vector<1x128xi32> to vector<64x128xi32>
    %or3A_4259 = arith.ori %and3A_4254, %or3A_4258 : vector<64x128xi32>
    %bitcast_convert_type3A_4260 = tpu.bitcast %or3A_4259 : vector<64x128xi32> -> vector<64x128xf32>
    %min3A_4261 = arith.minimumf %min3A_4234, %bitcast_convert_type3A_4260 : vector<64x128xf32>
    %max3A_4262 = arith.maximumf %min3A_4234, %bitcast_convert_type3A_4260 : vector<64x128xf32>
    %min3A_4263 = arith.minimumf %min3A_4236, %max3A_4262 : vector<64x128xf32>
    %max3A_4264 = arith.maximumf %min3A_4236, %max3A_4262 : vector<64x128xf32>
    %min3A_4265 = arith.minimumf %min3A_4238, %max3A_4264 : vector<64x128xf32>
    %max3A_4266 = arith.maximumf %min3A_4238, %max3A_4264 : vector<64x128xf32>
    %min3A_4267 = arith.minimumf %min3A_4240, %max3A_4266 : vector<64x128xf32>
    %slice3A_4268 = vector.extract_strided_slice %slice3A_3617 {offsets = [0, 3072], sizes = [64, 128], strides = [1, 1]} : vector<64x4096xf32> to vector<64x128xf32>
    %min3A_4269 = arith.constant 1.240000e+02 : f32
    %min3A_4270 = vector.broadcast %min3A_4269 : f32 to vector<64x128xf32>
    %min3A_4271 = arith.minimumf %slice3A_4268, %min3A_4270 : vector<64x128xf32>
    %bitcast_convert_type3A_4272 = tpu.bitcast %min3A_4271 : vector<64x128xf32> -> vector<64x128xi32>
    %sub3A_4273 = arith.constant 1056964608 : i32
    %sub3A_4274 = vector.broadcast %sub3A_4273 : i32 to vector<64x128xi32>
    %sub3A_4275 = arith.subi %bitcast_convert_type3A_4272, %sub3A_4274 : vector<64x128xi32>
    %shift_left3A_4276 = arith.constant 5 : i32
    %shift_left3A_4277 = vector.broadcast %shift_left3A_4276 : i32 to vector<64x128xi32>
    %shift_left3A_4278 = arith.shli %sub3A_4275, %shift_left3A_4277 : vector<64x128xi32>
    %and3A_4279 = arith.constant -4096 : i32
    %and3A_4280 = vector.broadcast %and3A_4279 : i32 to vector<64x128xi32>
    %and3A_4281 = arith.andi %shift_left3A_4278, %and3A_4280 : vector<64x128xi32>
    %get3A_4282 = arith.constant 24 : index
    %get3A_4283 = arith.constant 0 : index
    %get3A_4284 = vector.load %arg3[%get3A_4282, %get3A_4283] : memref<32x128xi32, #tpu.memory_space<vmem>>, vector<1x128xi32>
    %or3A_4285 = vector.broadcast %get3A_4284 : vector<1x128xi32> to vector<64x128xi32>
    %or3A_4286 = arith.ori %and3A_4281, %or3A_4285 : vector<64x128xi32>
    %bitcast_convert_type3A_4287 = tpu.bitcast %or3A_4286 : vector<64x128xi32> -> vector<64x128xf32>
    %min3A_4288 = arith.minimumf %min3A_4261, %bitcast_convert_type3A_4287 : vector<64x128xf32>
    %max3A_4289 = arith.maximumf %min3A_4261, %bitcast_convert_type3A_4287 : vector<64x128xf32>
    %min3A_4290 = arith.minimumf %min3A_4263, %max3A_4289 : vector<64x128xf32>
    %max3A_4291 = arith.maximumf %min3A_4263, %max3A_4289 : vector<64x128xf32>
    %min3A_4292 = arith.minimumf %min3A_4265, %max3A_4291 : vector<64x128xf32>
    %max3A_4293 = arith.maximumf %min3A_4265, %max3A_4291 : vector<64x128xf32>
    %min3A_4294 = arith.minimumf %min3A_4267, %max3A_4293 : vector<64x128xf32>
    %slice3A_4295 = vector.extract_strided_slice %slice3A_3617 {offsets = [0, 3200], sizes = [64, 128], strides = [1, 1]} : vector<64x4096xf32> to vector<64x128xf32>
    %min3A_4296 = arith.constant 1.240000e+02 : f32
    %min3A_4297 = vector.broadcast %min3A_4296 : f32 to vector<64x128xf32>
    %min3A_4298 = arith.minimumf %slice3A_4295, %min3A_4297 : vector<64x128xf32>
    %bitcast_convert_type3A_4299 = tpu.bitcast %min3A_4298 : vector<64x128xf32> -> vector<64x128xi32>
    %sub3A_4300 = arith.constant 1056964608 : i32
    %sub3A_4301 = vector.broadcast %sub3A_4300 : i32 to vector<64x128xi32>
    %sub3A_4302 = arith.subi %bitcast_convert_type3A_4299, %sub3A_4301 : vector<64x128xi32>
    %shift_left3A_4303 = arith.constant 5 : i32
    %shift_left3A_4304 = vector.broadcast %shift_left3A_4303 : i32 to vector<64x128xi32>
    %shift_left3A_4305 = arith.shli %sub3A_4302, %shift_left3A_4304 : vector<64x128xi32>
    %and3A_4306 = arith.constant -4096 : i32
    %and3A_4307 = vector.broadcast %and3A_4306 : i32 to vector<64x128xi32>
    %and3A_4308 = arith.andi %shift_left3A_4305, %and3A_4307 : vector<64x128xi32>
    %get3A_4309 = arith.constant 25 : index
    %get3A_4310 = arith.constant 0 : index
    %get3A_4311 = vector.load %arg3[%get3A_4309, %get3A_4310] : memref<32x128xi32, #tpu.memory_space<vmem>>, vector<1x128xi32>
    %or3A_4312 = vector.broadcast %get3A_4311 : vector<1x128xi32> to vector<64x128xi32>
    %or3A_4313 = arith.ori %and3A_4308, %or3A_4312 : vector<64x128xi32>
    %bitcast_convert_type3A_4314 = tpu.bitcast %or3A_4313 : vector<64x128xi32> -> vector<64x128xf32>
    %min3A_4315 = arith.minimumf %min3A_4288, %bitcast_convert_type3A_4314 : vector<64x128xf32>
    %max3A_4316 = arith.maximumf %min3A_4288, %bitcast_convert_type3A_4314 : vector<64x128xf32>
    %min3A_4317 = arith.minimumf %min3A_4290, %max3A_4316 : vector<64x128xf32>
    %max3A_4318 = arith.maximumf %min3A_4290, %max3A_4316 : vector<64x128xf32>
    %min3A_4319 = arith.minimumf %min3A_4292, %max3A_4318 : vector<64x128xf32>
    %max3A_4320 = arith.maximumf %min3A_4292, %max3A_4318 : vector<64x128xf32>
    %min3A_4321 = arith.minimumf %min3A_4294, %max3A_4320 : vector<64x128xf32>
    %slice3A_4322 = vector.extract_strided_slice %slice3A_3617 {offsets = [0, 3328], sizes = [64, 128], strides = [1, 1]} : vector<64x4096xf32> to vector<64x128xf32>
    %min3A_4323 = arith.constant 1.240000e+02 : f32
    %min3A_4324 = vector.broadcast %min3A_4323 : f32 to vector<64x128xf32>
    %min3A_4325 = arith.minimumf %slice3A_4322, %min3A_4324 : vector<64x128xf32>
    %bitcast_convert_type3A_4326 = tpu.bitcast %min3A_4325 : vector<64x128xf32> -> vector<64x128xi32>
    %sub3A_4327 = arith.constant 1056964608 : i32
    %sub3A_4328 = vector.broadcast %sub3A_4327 : i32 to vector<64x128xi32>
    %sub3A_4329 = arith.subi %bitcast_convert_type3A_4326, %sub3A_4328 : vector<64x128xi32>
    %shift_left3A_4330 = arith.constant 5 : i32
    %shift_left3A_4331 = vector.broadcast %shift_left3A_4330 : i32 to vector<64x128xi32>
    %shift_left3A_4332 = arith.shli %sub3A_4329, %shift_left3A_4331 : vector<64x128xi32>
    %and3A_4333 = arith.constant -4096 : i32
    %and3A_4334 = vector.broadcast %and3A_4333 : i32 to vector<64x128xi32>
    %and3A_4335 = arith.andi %shift_left3A_4332, %and3A_4334 : vector<64x128xi32>
    %get3A_4336 = arith.constant 26 : index
    %get3A_4337 = arith.constant 0 : index
    %get3A_4338 = vector.load %arg3[%get3A_4336, %get3A_4337] : memref<32x128xi32, #tpu.memory_space<vmem>>, vector<1x128xi32>
    %or3A_4339 = vector.broadcast %get3A_4338 : vector<1x128xi32> to vector<64x128xi32>
    %or3A_4340 = arith.ori %and3A_4335, %or3A_4339 : vector<64x128xi32>
    %bitcast_convert_type3A_4341 = tpu.bitcast %or3A_4340 : vector<64x128xi32> -> vector<64x128xf32>
    %min3A_4342 = arith.minimumf %min3A_4315, %bitcast_convert_type3A_4341 : vector<64x128xf32>
    %max3A_4343 = arith.maximumf %min3A_4315, %bitcast_convert_type3A_4341 : vector<64x128xf32>
    %min3A_4344 = arith.minimumf %min3A_4317, %max3A_4343 : vector<64x128xf32>
    %max3A_4345 = arith.maximumf %min3A_4317, %max3A_4343 : vector<64x128xf32>
    %min3A_4346 = arith.minimumf %min3A_4319, %max3A_4345 : vector<64x128xf32>
    %max3A_4347 = arith.maximumf %min3A_4319, %max3A_4345 : vector<64x128xf32>
    %min3A_4348 = arith.minimumf %min3A_4321, %max3A_4347 : vector<64x128xf32>
    %slice3A_4349 = vector.extract_strided_slice %slice3A_3617 {offsets = [0, 3456], sizes = [64, 128], strides = [1, 1]} : vector<64x4096xf32> to vector<64x128xf32>
    %min3A_4350 = arith.constant 1.240000e+02 : f32
    %min3A_4351 = vector.broadcast %min3A_4350 : f32 to vector<64x128xf32>
    %min3A_4352 = arith.minimumf %slice3A_4349, %min3A_4351 : vector<64x128xf32>
    %bitcast_convert_type3A_4353 = tpu.bitcast %min3A_4352 : vector<64x128xf32> -> vector<64x128xi32>
    %sub3A_4354 = arith.constant 1056964608 : i32
    %sub3A_4355 = vector.broadcast %sub3A_4354 : i32 to vector<64x128xi32>
    %sub3A_4356 = arith.subi %bitcast_convert_type3A_4353, %sub3A_4355 : vector<64x128xi32>
    %shift_left3A_4357 = arith.constant 5 : i32
    %shift_left3A_4358 = vector.broadcast %shift_left3A_4357 : i32 to vector<64x128xi32>
    %shift_left3A_4359 = arith.shli %sub3A_4356, %shift_left3A_4358 : vector<64x128xi32>
    %and3A_4360 = arith.constant -4096 : i32
    %and3A_4361 = vector.broadcast %and3A_4360 : i32 to vector<64x128xi32>
    %and3A_4362 = arith.andi %shift_left3A_4359, %and3A_4361 : vector<64x128xi32>
    %get3A_4363 = arith.constant 27 : index
    %get3A_4364 = arith.constant 0 : index
    %get3A_4365 = vector.load %arg3[%get3A_4363, %get3A_4364] : memref<32x128xi32, #tpu.memory_space<vmem>>, vector<1x128xi32>
    %or3A_4366 = vector.broadcast %get3A_4365 : vector<1x128xi32> to vector<64x128xi32>
    %or3A_4367 = arith.ori %and3A_4362, %or3A_4366 : vector<64x128xi32>
    %bitcast_convert_type3A_4368 = tpu.bitcast %or3A_4367 : vector<64x128xi32> -> vector<64x128xf32>
    %min3A_4369 = arith.minimumf %min3A_4342, %bitcast_convert_type3A_4368 : vector<64x128xf32>
    %max3A_4370 = arith.maximumf %min3A_4342, %bitcast_convert_type3A_4368 : vector<64x128xf32>
    %min3A_4371 = arith.minimumf %min3A_4344, %max3A_4370 : vector<64x128xf32>
    %max3A_4372 = arith.maximumf %min3A_4344, %max3A_4370 : vector<64x128xf32>
    %min3A_4373 = arith.minimumf %min3A_4346, %max3A_4372 : vector<64x128xf32>
    %max3A_4374 = arith.maximumf %min3A_4346, %max3A_4372 : vector<64x128xf32>
    %min3A_4375 = arith.minimumf %min3A_4348, %max3A_4374 : vector<64x128xf32>
    %slice3A_4376 = vector.extract_strided_slice %slice3A_3617 {offsets = [0, 3584], sizes = [64, 128], strides = [1, 1]} : vector<64x4096xf32> to vector<64x128xf32>
    %min3A_4377 = arith.constant 1.240000e+02 : f32
    %min3A_4378 = vector.broadcast %min3A_4377 : f32 to vector<64x128xf32>
    %min3A_4379 = arith.minimumf %slice3A_4376, %min3A_4378 : vector<64x128xf32>
    %bitcast_convert_type3A_4380 = tpu.bitcast %min3A_4379 : vector<64x128xf32> -> vector<64x128xi32>
    %sub3A_4381 = arith.constant 1056964608 : i32
    %sub3A_4382 = vector.broadcast %sub3A_4381 : i32 to vector<64x128xi32>
    %sub3A_4383 = arith.subi %bitcast_convert_type3A_4380, %sub3A_4382 : vector<64x128xi32>
    %shift_left3A_4384 = arith.constant 5 : i32
    %shift_left3A_4385 = vector.broadcast %shift_left3A_4384 : i32 to vector<64x128xi32>
    %shift_left3A_4386 = arith.shli %sub3A_4383, %shift_left3A_4385 : vector<64x128xi32>
    %and3A_4387 = arith.constant -4096 : i32
    %and3A_4388 = vector.broadcast %and3A_4387 : i32 to vector<64x128xi32>
    %and3A_4389 = arith.andi %shift_left3A_4386, %and3A_4388 : vector<64x128xi32>
    %get3A_4390 = arith.constant 28 : index
    %get3A_4391 = arith.constant 0 : index
    %get3A_4392 = vector.load %arg3[%get3A_4390, %get3A_4391] : memref<32x128xi32, #tpu.memory_space<vmem>>, vector<1x128xi32>
    %or3A_4393 = vector.broadcast %get3A_4392 : vector<1x128xi32> to vector<64x128xi32>
    %or3A_4394 = arith.ori %and3A_4389, %or3A_4393 : vector<64x128xi32>
    %bitcast_convert_type3A_4395 = tpu.bitcast %or3A_4394 : vector<64x128xi32> -> vector<64x128xf32>
    %min3A_4396 = arith.minimumf %min3A_4369, %bitcast_convert_type3A_4395 : vector<64x128xf32>
    %max3A_4397 = arith.maximumf %min3A_4369, %bitcast_convert_type3A_4395 : vector<64x128xf32>
    %min3A_4398 = arith.minimumf %min3A_4371, %max3A_4397 : vector<64x128xf32>
    %max3A_4399 = arith.maximumf %min3A_4371, %max3A_4397 : vector<64x128xf32>
    %min3A_4400 = arith.minimumf %min3A_4373, %max3A_4399 : vector<64x128xf32>
    %max3A_4401 = arith.maximumf %min3A_4373, %max3A_4399 : vector<64x128xf32>
    %min3A_4402 = arith.minimumf %min3A_4375, %max3A_4401 : vector<64x128xf32>
    %slice3A_4403 = vector.extract_strided_slice %slice3A_3617 {offsets = [0, 3712], sizes = [64, 128], strides = [1, 1]} : vector<64x4096xf32> to vector<64x128xf32>
    %min3A_4404 = arith.constant 1.240000e+02 : f32
    %min3A_4405 = vector.broadcast %min3A_4404 : f32 to vector<64x128xf32>
    %min3A_4406 = arith.minimumf %slice3A_4403, %min3A_4405 : vector<64x128xf32>
    %bitcast_convert_type3A_4407 = tpu.bitcast %min3A_4406 : vector<64x128xf32> -> vector<64x128xi32>
    %sub3A_4408 = arith.constant 1056964608 : i32
    %sub3A_4409 = vector.broadcast %sub3A_4408 : i32 to vector<64x128xi32>
    %sub3A_4410 = arith.subi %bitcast_convert_type3A_4407, %sub3A_4409 : vector<64x128xi32>
    %shift_left3A_4411 = arith.constant 5 : i32
    %shift_left3A_4412 = vector.broadcast %shift_left3A_4411 : i32 to vector<64x128xi32>
    %shift_left3A_4413 = arith.shli %sub3A_4410, %shift_left3A_4412 : vector<64x128xi32>
    %and3A_4414 = arith.constant -4096 : i32
    %and3A_4415 = vector.broadcast %and3A_4414 : i32 to vector<64x128xi32>
    %and3A_4416 = arith.andi %shift_left3A_4413, %and3A_4415 : vector<64x128xi32>
    %get3A_4417 = arith.constant 29 : index
    %get3A_4418 = arith.constant 0 : index
    %get3A_4419 = vector.load %arg3[%get3A_4417, %get3A_4418] : memref<32x128xi32, #tpu.memory_space<vmem>>, vector<1x128xi32>
    %or3A_4420 = vector.broadcast %get3A_4419 : vector<1x128xi32> to vector<64x128xi32>
    %or3A_4421 = arith.ori %and3A_4416, %or3A_4420 : vector<64x128xi32>
    %bitcast_convert_type3A_4422 = tpu.bitcast %or3A_4421 : vector<64x128xi32> -> vector<64x128xf32>
    %min3A_4423 = arith.minimumf %min3A_4396, %bitcast_convert_type3A_4422 : vector<64x128xf32>
    %max3A_4424 = arith.maximumf %min3A_4396, %bitcast_convert_type3A_4422 : vector<64x128xf32>
    %min3A_4425 = arith.minimumf %min3A_4398, %max3A_4424 : vector<64x128xf32>
    %max3A_4426 = arith.maximumf %min3A_4398, %max3A_4424 : vector<64x128xf32>
    %min3A_4427 = arith.minimumf %min3A_4400, %max3A_4426 : vector<64x128xf32>
    %max3A_4428 = arith.maximumf %min3A_4400, %max3A_4426 : vector<64x128xf32>
    %min3A_4429 = arith.minimumf %min3A_4402, %max3A_4428 : vector<64x128xf32>
    %slice3A_4430 = vector.extract_strided_slice %slice3A_3617 {offsets = [0, 3840], sizes = [64, 128], strides = [1, 1]} : vector<64x4096xf32> to vector<64x128xf32>
    %min3A_4431 = arith.constant 1.240000e+02 : f32
    %min3A_4432 = vector.broadcast %min3A_4431 : f32 to vector<64x128xf32>
    %min3A_4433 = arith.minimumf %slice3A_4430, %min3A_4432 : vector<64x128xf32>
    %bitcast_convert_type3A_4434 = tpu.bitcast %min3A_4433 : vector<64x128xf32> -> vector<64x128xi32>
    %sub3A_4435 = arith.constant 1056964608 : i32
    %sub3A_4436 = vector.broadcast %sub3A_4435 : i32 to vector<64x128xi32>
    %sub3A_4437 = arith.subi %bitcast_convert_type3A_4434, %sub3A_4436 : vector<64x128xi32>
    %shift_left3A_4438 = arith.constant 5 : i32
    %shift_left3A_4439 = vector.broadcast %shift_left3A_4438 : i32 to vector<64x128xi32>
    %shift_left3A_4440 = arith.shli %sub3A_4437, %shift_left3A_4439 : vector<64x128xi32>
    %and3A_4441 = arith.constant -4096 : i32
    %and3A_4442 = vector.broadcast %and3A_4441 : i32 to vector<64x128xi32>
    %and3A_4443 = arith.andi %shift_left3A_4440, %and3A_4442 : vector<64x128xi32>
    %get3A_4444 = arith.constant 30 : index
    %get3A_4445 = arith.constant 0 : index
    %get3A_4446 = vector.load %arg3[%get3A_4444, %get3A_4445] : memref<32x128xi32, #tpu.memory_space<vmem>>, vector<1x128xi32>
    %or3A_4447 = vector.broadcast %get3A_4446 : vector<1x128xi32> to vector<64x128xi32>
    %or3A_4448 = arith.ori %and3A_4443, %or3A_4447 : vector<64x128xi32>
    %bitcast_convert_type3A_4449 = tpu.bitcast %or3A_4448 : vector<64x128xi32> -> vector<64x128xf32>
    %min3A_4450 = arith.minimumf %min3A_4423, %bitcast_convert_type3A_4449 : vector<64x128xf32>
    %max3A_4451 = arith.maximumf %min3A_4423, %bitcast_convert_type3A_4449 : vector<64x128xf32>
    %min3A_4452 = arith.minimumf %min3A_4425, %max3A_4451 : vector<64x128xf32>
    %max3A_4453 = arith.maximumf %min3A_4425, %max3A_4451 : vector<64x128xf32>
    %min3A_4454 = arith.minimumf %min3A_4427, %max3A_4453 : vector<64x128xf32>
    %max3A_4455 = arith.maximumf %min3A_4427, %max3A_4453 : vector<64x128xf32>
    %min3A_4456 = arith.minimumf %min3A_4429, %max3A_4455 : vector<64x128xf32>
    %slice3A_4457 = vector.extract_strided_slice %slice3A_3617 {offsets = [0, 3968], sizes = [64, 128], strides = [1, 1]} : vector<64x4096xf32> to vector<64x128xf32>
    %min3A_4458 = arith.constant 1.240000e+02 : f32
    %min3A_4459 = vector.broadcast %min3A_4458 : f32 to vector<64x128xf32>
    %min3A_4460 = arith.minimumf %slice3A_4457, %min3A_4459 : vector<64x128xf32>
    %bitcast_convert_type3A_4461 = tpu.bitcast %min3A_4460 : vector<64x128xf32> -> vector<64x128xi32>
    %sub3A_4462 = arith.constant 1056964608 : i32
    %sub3A_4463 = vector.broadcast %sub3A_4462 : i32 to vector<64x128xi32>
    %sub3A_4464 = arith.subi %bitcast_convert_type3A_4461, %sub3A_4463 : vector<64x128xi32>
    %shift_left3A_4465 = arith.constant 5 : i32
    %shift_left3A_4466 = vector.broadcast %shift_left3A_4465 : i32 to vector<64x128xi32>
    %shift_left3A_4467 = arith.shli %sub3A_4464, %shift_left3A_4466 : vector<64x128xi32>
    %and3A_4468 = arith.constant -4096 : i32
    %and3A_4469 = vector.broadcast %and3A_4468 : i32 to vector<64x128xi32>
    %and3A_4470 = arith.andi %shift_left3A_4467, %and3A_4469 : vector<64x128xi32>
    %get3A_4471 = arith.constant 31 : index
    %get3A_4472 = arith.constant 0 : index
    %get3A_4473 = vector.load %arg3[%get3A_4471, %get3A_4472] : memref<32x128xi32, #tpu.memory_space<vmem>>, vector<1x128xi32>
    %or3A_4474 = vector.broadcast %get3A_4473 : vector<1x128xi32> to vector<64x128xi32>
    %or3A_4475 = arith.ori %and3A_4470, %or3A_4474 : vector<64x128xi32>
    %bitcast_convert_type3A_4476 = tpu.bitcast %or3A_4475 : vector<64x128xi32> -> vector<64x128xf32>
    %min3A_4477 = arith.minimumf %min3A_4450, %bitcast_convert_type3A_4476 : vector<64x128xf32>
    %max3A_4478 = arith.maximumf %min3A_4450, %bitcast_convert_type3A_4476 : vector<64x128xf32>
    %min3A_4479 = arith.minimumf %min3A_4452, %max3A_4478 : vector<64x128xf32>
    %max3A_4480 = arith.maximumf %min3A_4452, %max3A_4478 : vector<64x128xf32>
    %min3A_4481 = arith.minimumf %min3A_4454, %max3A_4480 : vector<64x128xf32>
    %max3A_4482 = arith.maximumf %min3A_4454, %max3A_4480 : vector<64x128xf32>
    %min3A_4483 = arith.minimumf %min3A_4456, %max3A_4482 : vector<64x128xf32>
    %iota3A_4484 = tpu.iota {dimensions = array<i32: 1>} : vector<64x16xi32>
    %broadcast_in_dim3A_4485 = arith.constant 0 : i32
    %broadcast_in_dim3A_4486 = vector.broadcast %broadcast_in_dim3A_4485 : i32 to vector<64x16xi32>
    %reduce_min3A_4487 = arith.constant dense<0x7F800000> : vector<64xf32>
    %reduce_min3A_4488 = vector.multi_reduction <minimumf>, %min3A_4477, %reduce_min3A_4487 [1] : vector<64x128xf32> to vector<64xf32>
    %broadcast_in_dim3A_4489 = vector.shape_cast %reduce_min3A_4488 : vector<64xf32> to vector<64x1xf32>
    %eq3A_4490 = vector.broadcast %broadcast_in_dim3A_4489 : vector<64x1xf32> to vector<64x128xf32>
    %eq3A_4491 = arith.cmpf oeq, %min3A_4477, %eq3A_4490 : vector<64x128xf32>
    %select_n3A_4492 = arith.select %eq3A_4491, %min3A_4479, %min3A_4477 : vector<64x128xi1>, vector<64x128xf32>
    %select_n3A_4493 = arith.select %eq3A_4491, %min3A_4481, %min3A_4479 : vector<64x128xi1>, vector<64x128xf32>
    %select_n3A_4494 = arith.select %eq3A_4491, %min3A_4483, %min3A_4481 : vector<64x128xi1>, vector<64x128xf32>
    %jit3A_4495 = arith.constant 3.000000e+38 : f32
    %broadcast_in_dim3A_4496 = vector.broadcast %jit3A_4495 : f32 to vector<64x128xf32>
    %select_n3A_4497 = arith.select %eq3A_4491, %broadcast_in_dim3A_4496, %min3A_4483 : vector<64x128xi1>, vector<64x128xf32>
    %reduce_min3A_4498 = arith.constant dense<0x7F800000> : vector<64xf32>
    %reduce_min3A_4499 = vector.multi_reduction <minimumf>, %select_n3A_4492, %reduce_min3A_4498 [1] : vector<64x128xf32> to vector<64xf32>
    %broadcast_in_dim3A_4500 = vector.shape_cast %reduce_min3A_4499 : vector<64xf32> to vector<64x1xf32>
    %bitcast_convert_type3A_4501 = tpu.bitcast %broadcast_in_dim3A_4500 : vector<64x1xf32> -> vector<64x1xi32>
    %and3A_4502 = arith.constant 4095 : i32
    %and3A_4503 = vector.broadcast %and3A_4502 : i32 to vector<64x1xi32>
    %and3A_4504 = arith.andi %bitcast_convert_type3A_4501, %and3A_4503 : vector<64x1xi32>
    %eq3A_4505 = arith.constant 0 : i32
    %eq3A_4506 = vector.broadcast %eq3A_4505 : i32 to vector<64x16xi32>
    %eq3A_4507 = arith.cmpi eq, %iota3A_4484, %eq3A_4506 : vector<64x16xi32>
    %broadcast_in_dim3A_4508 = vector.shape_cast %and3A_4504 : vector<64x1xi32> to vector<64x1xi32>
    %broadcast_in_dim3A_4509 = vector.broadcast %broadcast_in_dim3A_4508 : vector<64x1xi32> to vector<64x16xi32>
    %select_n3A_4510 = arith.select %eq3A_4507, %broadcast_in_dim3A_4509, %broadcast_in_dim3A_4486 : vector<64x16xi1>, vector<64x16xi32>
    %eq3A_4511 = vector.broadcast %broadcast_in_dim3A_4500 : vector<64x1xf32> to vector<64x128xf32>
    %eq3A_4512 = arith.cmpf oeq, %select_n3A_4492, %eq3A_4511 : vector<64x128xf32>
    %select_n3A_4513 = arith.select %eq3A_4512, %select_n3A_4493, %select_n3A_4492 : vector<64x128xi1>, vector<64x128xf32>
    %select_n3A_4514 = arith.select %eq3A_4512, %select_n3A_4494, %select_n3A_4493 : vector<64x128xi1>, vector<64x128xf32>
    %select_n3A_4515 = arith.select %eq3A_4512, %select_n3A_4497, %select_n3A_4494 : vector<64x128xi1>, vector<64x128xf32>
    %jit3A_4516 = arith.constant 3.000000e+38 : f32
    %broadcast_in_dim3A_4517 = vector.broadcast %jit3A_4516 : f32 to vector<64x128xf32>
    %select_n3A_4518 = arith.select %eq3A_4512, %broadcast_in_dim3A_4517, %select_n3A_4497 : vector<64x128xi1>, vector<64x128xf32>
    %reduce_min3A_4519 = arith.constant dense<0x7F800000> : vector<64xf32>
    %reduce_min3A_4520 = vector.multi_reduction <minimumf>, %select_n3A_4513, %reduce_min3A_4519 [1] : vector<64x128xf32> to vector<64xf32>
    %broadcast_in_dim3A_4521 = vector.shape_cast %reduce_min3A_4520 : vector<64xf32> to vector<64x1xf32>
    %bitcast_convert_type3A_4522 = tpu.bitcast %broadcast_in_dim3A_4521 : vector<64x1xf32> -> vector<64x1xi32>
    %and3A_4523 = arith.constant 4095 : i32
    %and3A_4524 = vector.broadcast %and3A_4523 : i32 to vector<64x1xi32>
    %and3A_4525 = arith.andi %bitcast_convert_type3A_4522, %and3A_4524 : vector<64x1xi32>
    %eq3A_4526 = arith.constant 1 : i32
    %eq3A_4527 = vector.broadcast %eq3A_4526 : i32 to vector<64x16xi32>
    %eq3A_4528 = arith.cmpi eq, %iota3A_4484, %eq3A_4527 : vector<64x16xi32>
    %broadcast_in_dim3A_4529 = vector.shape_cast %and3A_4525 : vector<64x1xi32> to vector<64x1xi32>
    %broadcast_in_dim3A_4530 = vector.broadcast %broadcast_in_dim3A_4529 : vector<64x1xi32> to vector<64x16xi32>
    %select_n3A_4531 = arith.select %eq3A_4528, %broadcast_in_dim3A_4530, %select_n3A_4510 : vector<64x16xi1>, vector<64x16xi32>
    %eq3A_4532 = vector.broadcast %broadcast_in_dim3A_4521 : vector<64x1xf32> to vector<64x128xf32>
    %eq3A_4533 = arith.cmpf oeq, %select_n3A_4513, %eq3A_4532 : vector<64x128xf32>
    %select_n3A_4534 = arith.select %eq3A_4533, %select_n3A_4514, %select_n3A_4513 : vector<64x128xi1>, vector<64x128xf32>
    %select_n3A_4535 = arith.select %eq3A_4533, %select_n3A_4515, %select_n3A_4514 : vector<64x128xi1>, vector<64x128xf32>
    %select_n3A_4536 = arith.select %eq3A_4533, %select_n3A_4518, %select_n3A_4515 : vector<64x128xi1>, vector<64x128xf32>
    %jit3A_4537 = arith.constant 3.000000e+38 : f32
    %broadcast_in_dim3A_4538 = vector.broadcast %jit3A_4537 : f32 to vector<64x128xf32>
    %select_n3A_4539 = arith.select %eq3A_4533, %broadcast_in_dim3A_4538, %select_n3A_4518 : vector<64x128xi1>, vector<64x128xf32>
    %reduce_min3A_4540 = arith.constant dense<0x7F800000> : vector<64xf32>
    %reduce_min3A_4541 = vector.multi_reduction <minimumf>, %select_n3A_4534, %reduce_min3A_4540 [1] : vector<64x128xf32> to vector<64xf32>
    %broadcast_in_dim3A_4542 = vector.shape_cast %reduce_min3A_4541 : vector<64xf32> to vector<64x1xf32>
    %bitcast_convert_type3A_4543 = tpu.bitcast %broadcast_in_dim3A_4542 : vector<64x1xf32> -> vector<64x1xi32>
    %and3A_4544 = arith.constant 4095 : i32
    %and3A_4545 = vector.broadcast %and3A_4544 : i32 to vector<64x1xi32>
    %and3A_4546 = arith.andi %bitcast_convert_type3A_4543, %and3A_4545 : vector<64x1xi32>
    %eq3A_4547 = arith.constant 2 : i32
    %eq3A_4548 = vector.broadcast %eq3A_4547 : i32 to vector<64x16xi32>
    %eq3A_4549 = arith.cmpi eq, %iota3A_4484, %eq3A_4548 : vector<64x16xi32>
    %broadcast_in_dim3A_4550 = vector.shape_cast %and3A_4546 : vector<64x1xi32> to vector<64x1xi32>
    %broadcast_in_dim3A_4551 = vector.broadcast %broadcast_in_dim3A_4550 : vector<64x1xi32> to vector<64x16xi32>
    %select_n3A_4552 = arith.select %eq3A_4549, %broadcast_in_dim3A_4551, %select_n3A_4531 : vector<64x16xi1>, vector<64x16xi32>
    %eq3A_4553 = vector.broadcast %broadcast_in_dim3A_4542 : vector<64x1xf32> to vector<64x128xf32>
    %eq3A_4554 = arith.cmpf oeq, %select_n3A_4534, %eq3A_4553 : vector<64x128xf32>
    %select_n3A_4555 = arith.select %eq3A_4554, %select_n3A_4535, %select_n3A_4534 : vector<64x128xi1>, vector<64x128xf32>
    %select_n3A_4556 = arith.select %eq3A_4554, %select_n3A_4536, %select_n3A_4535 : vector<64x128xi1>, vector<64x128xf32>
    %select_n3A_4557 = arith.select %eq3A_4554, %select_n3A_4539, %select_n3A_4536 : vector<64x128xi1>, vector<64x128xf32>
    %jit3A_4558 = arith.constant 3.000000e+38 : f32
    %broadcast_in_dim3A_4559 = vector.broadcast %jit3A_4558 : f32 to vector<64x128xf32>
    %select_n3A_4560 = arith.select %eq3A_4554, %broadcast_in_dim3A_4559, %select_n3A_4539 : vector<64x128xi1>, vector<64x128xf32>
    %reduce_min3A_4561 = arith.constant dense<0x7F800000> : vector<64xf32>
    %reduce_min3A_4562 = vector.multi_reduction <minimumf>, %select_n3A_4555, %reduce_min3A_4561 [1] : vector<64x128xf32> to vector<64xf32>
    %broadcast_in_dim3A_4563 = vector.shape_cast %reduce_min3A_4562 : vector<64xf32> to vector<64x1xf32>
    %bitcast_convert_type3A_4564 = tpu.bitcast %broadcast_in_dim3A_4563 : vector<64x1xf32> -> vector<64x1xi32>
    %and3A_4565 = arith.constant 4095 : i32
    %and3A_4566 = vector.broadcast %and3A_4565 : i32 to vector<64x1xi32>
    %and3A_4567 = arith.andi %bitcast_convert_type3A_4564, %and3A_4566 : vector<64x1xi32>
    %eq3A_4568 = arith.constant 3 : i32
    %eq3A_4569 = vector.broadcast %eq3A_4568 : i32 to vector<64x16xi32>
    %eq3A_4570 = arith.cmpi eq, %iota3A_4484, %eq3A_4569 : vector<64x16xi32>
    %broadcast_in_dim3A_4571 = vector.shape_cast %and3A_4567 : vector<64x1xi32> to vector<64x1xi32>
    %broadcast_in_dim3A_4572 = vector.broadcast %broadcast_in_dim3A_4571 : vector<64x1xi32> to vector<64x16xi32>
    %select_n3A_4573 = arith.select %eq3A_4570, %broadcast_in_dim3A_4572, %select_n3A_4552 : vector<64x16xi1>, vector<64x16xi32>
    %eq3A_4574 = vector.broadcast %broadcast_in_dim3A_4563 : vector<64x1xf32> to vector<64x128xf32>
    %eq3A_4575 = arith.cmpf oeq, %select_n3A_4555, %eq3A_4574 : vector<64x128xf32>
    %select_n3A_4576 = arith.select %eq3A_4575, %select_n3A_4556, %select_n3A_4555 : vector<64x128xi1>, vector<64x128xf32>
    %select_n3A_4577 = arith.select %eq3A_4575, %select_n3A_4557, %select_n3A_4556 : vector<64x128xi1>, vector<64x128xf32>
    %select_n3A_4578 = arith.select %eq3A_4575, %select_n3A_4560, %select_n3A_4557 : vector<64x128xi1>, vector<64x128xf32>
    %jit3A_4579 = arith.constant 3.000000e+38 : f32
    %broadcast_in_dim3A_4580 = vector.broadcast %jit3A_4579 : f32 to vector<64x128xf32>
    %select_n3A_4581 = arith.select %eq3A_4575, %broadcast_in_dim3A_4580, %select_n3A_4560 : vector<64x128xi1>, vector<64x128xf32>
    %reduce_min3A_4582 = arith.constant dense<0x7F800000> : vector<64xf32>
    %reduce_min3A_4583 = vector.multi_reduction <minimumf>, %select_n3A_4576, %reduce_min3A_4582 [1] : vector<64x128xf32> to vector<64xf32>
    %broadcast_in_dim3A_4584 = vector.shape_cast %reduce_min3A_4583 : vector<64xf32> to vector<64x1xf32>
    %bitcast_convert_type3A_4585 = tpu.bitcast %broadcast_in_dim3A_4584 : vector<64x1xf32> -> vector<64x1xi32>
    %and3A_4586 = arith.constant 4095 : i32
    %and3A_4587 = vector.broadcast %and3A_4586 : i32 to vector<64x1xi32>
    %and3A_4588 = arith.andi %bitcast_convert_type3A_4585, %and3A_4587 : vector<64x1xi32>
    %eq3A_4589 = arith.constant 4 : i32
    %eq3A_4590 = vector.broadcast %eq3A_4589 : i32 to vector<64x16xi32>
    %eq3A_4591 = arith.cmpi eq, %iota3A_4484, %eq3A_4590 : vector<64x16xi32>
    %broadcast_in_dim3A_4592 = vector.shape_cast %and3A_4588 : vector<64x1xi32> to vector<64x1xi32>
    %broadcast_in_dim3A_4593 = vector.broadcast %broadcast_in_dim3A_4592 : vector<64x1xi32> to vector<64x16xi32>
    %select_n3A_4594 = arith.select %eq3A_4591, %broadcast_in_dim3A_4593, %select_n3A_4573 : vector<64x16xi1>, vector<64x16xi32>
    %eq3A_4595 = vector.broadcast %broadcast_in_dim3A_4584 : vector<64x1xf32> to vector<64x128xf32>
    %eq3A_4596 = arith.cmpf oeq, %select_n3A_4576, %eq3A_4595 : vector<64x128xf32>
    %select_n3A_4597 = arith.select %eq3A_4596, %select_n3A_4577, %select_n3A_4576 : vector<64x128xi1>, vector<64x128xf32>
    %select_n3A_4598 = arith.select %eq3A_4596, %select_n3A_4578, %select_n3A_4577 : vector<64x128xi1>, vector<64x128xf32>
    %select_n3A_4599 = arith.select %eq3A_4596, %select_n3A_4581, %select_n3A_4578 : vector<64x128xi1>, vector<64x128xf32>
    %jit3A_4600 = arith.constant 3.000000e+38 : f32
    %broadcast_in_dim3A_4601 = vector.broadcast %jit3A_4600 : f32 to vector<64x128xf32>
    %select_n3A_4602 = arith.select %eq3A_4596, %broadcast_in_dim3A_4601, %select_n3A_4581 : vector<64x128xi1>, vector<64x128xf32>
    %reduce_min3A_4603 = arith.constant dense<0x7F800000> : vector<64xf32>
    %reduce_min3A_4604 = vector.multi_reduction <minimumf>, %select_n3A_4597, %reduce_min3A_4603 [1] : vector<64x128xf32> to vector<64xf32>
    %broadcast_in_dim3A_4605 = vector.shape_cast %reduce_min3A_4604 : vector<64xf32> to vector<64x1xf32>
    %bitcast_convert_type3A_4606 = tpu.bitcast %broadcast_in_dim3A_4605 : vector<64x1xf32> -> vector<64x1xi32>
    %and3A_4607 = arith.constant 4095 : i32
    %and3A_4608 = vector.broadcast %and3A_4607 : i32 to vector<64x1xi32>
    %and3A_4609 = arith.andi %bitcast_convert_type3A_4606, %and3A_4608 : vector<64x1xi32>
    %eq3A_4610 = arith.constant 5 : i32
    %eq3A_4611 = vector.broadcast %eq3A_4610 : i32 to vector<64x16xi32>
    %eq3A_4612 = arith.cmpi eq, %iota3A_4484, %eq3A_4611 : vector<64x16xi32>
    %broadcast_in_dim3A_4613 = vector.shape_cast %and3A_4609 : vector<64x1xi32> to vector<64x1xi32>
    %broadcast_in_dim3A_4614 = vector.broadcast %broadcast_in_dim3A_4613 : vector<64x1xi32> to vector<64x16xi32>
    %select_n3A_4615 = arith.select %eq3A_4612, %broadcast_in_dim3A_4614, %select_n3A_4594 : vector<64x16xi1>, vector<64x16xi32>
    %eq3A_4616 = vector.broadcast %broadcast_in_dim3A_4605 : vector<64x1xf32> to vector<64x128xf32>
    %eq3A_4617 = arith.cmpf oeq, %select_n3A_4597, %eq3A_4616 : vector<64x128xf32>
    %select_n3A_4618 = arith.select %eq3A_4617, %select_n3A_4598, %select_n3A_4597 : vector<64x128xi1>, vector<64x128xf32>
    %select_n3A_4619 = arith.select %eq3A_4617, %select_n3A_4599, %select_n3A_4598 : vector<64x128xi1>, vector<64x128xf32>
    %select_n3A_4620 = arith.select %eq3A_4617, %select_n3A_4602, %select_n3A_4599 : vector<64x128xi1>, vector<64x128xf32>
    %jit3A_4621 = arith.constant 3.000000e+38 : f32
    %broadcast_in_dim3A_4622 = vector.broadcast %jit3A_4621 : f32 to vector<64x128xf32>
    %select_n3A_4623 = arith.select %eq3A_4617, %broadcast_in_dim3A_4622, %select_n3A_4602 : vector<64x128xi1>, vector<64x128xf32>
    %reduce_min3A_4624 = arith.constant dense<0x7F800000> : vector<64xf32>
    %reduce_min3A_4625 = vector.multi_reduction <minimumf>, %select_n3A_4618, %reduce_min3A_4624 [1] : vector<64x128xf32> to vector<64xf32>
    %broadcast_in_dim3A_4626 = vector.shape_cast %reduce_min3A_4625 : vector<64xf32> to vector<64x1xf32>
    %bitcast_convert_type3A_4627 = tpu.bitcast %broadcast_in_dim3A_4626 : vector<64x1xf32> -> vector<64x1xi32>
    %and3A_4628 = arith.constant 4095 : i32
    %and3A_4629 = vector.broadcast %and3A_4628 : i32 to vector<64x1xi32>
    %and3A_4630 = arith.andi %bitcast_convert_type3A_4627, %and3A_4629 : vector<64x1xi32>
    %eq3A_4631 = arith.constant 6 : i32
    %eq3A_4632 = vector.broadcast %eq3A_4631 : i32 to vector<64x16xi32>
    %eq3A_4633 = arith.cmpi eq, %iota3A_4484, %eq3A_4632 : vector<64x16xi32>
    %broadcast_in_dim3A_4634 = vector.shape_cast %and3A_4630 : vector<64x1xi32> to vector<64x1xi32>
    %broadcast_in_dim3A_4635 = vector.broadcast %broadcast_in_dim3A_4634 : vector<64x1xi32> to vector<64x16xi32>
    %select_n3A_4636 = arith.select %eq3A_4633, %broadcast_in_dim3A_4635, %select_n3A_4615 : vector<64x16xi1>, vector<64x16xi32>
    %eq3A_4637 = vector.broadcast %broadcast_in_dim3A_4626 : vector<64x1xf32> to vector<64x128xf32>
    %eq3A_4638 = arith.cmpf oeq, %select_n3A_4618, %eq3A_4637 : vector<64x128xf32>
    %select_n3A_4639 = arith.select %eq3A_4638, %select_n3A_4619, %select_n3A_4618 : vector<64x128xi1>, vector<64x128xf32>
    %select_n3A_4640 = arith.select %eq3A_4638, %select_n3A_4620, %select_n3A_4619 : vector<64x128xi1>, vector<64x128xf32>
    %select_n3A_4641 = arith.select %eq3A_4638, %select_n3A_4623, %select_n3A_4620 : vector<64x128xi1>, vector<64x128xf32>
    %jit3A_4642 = arith.constant 3.000000e+38 : f32
    %broadcast_in_dim3A_4643 = vector.broadcast %jit3A_4642 : f32 to vector<64x128xf32>
    %select_n3A_4644 = arith.select %eq3A_4638, %broadcast_in_dim3A_4643, %select_n3A_4623 : vector<64x128xi1>, vector<64x128xf32>
    %reduce_min3A_4645 = arith.constant dense<0x7F800000> : vector<64xf32>
    %reduce_min3A_4646 = vector.multi_reduction <minimumf>, %select_n3A_4639, %reduce_min3A_4645 [1] : vector<64x128xf32> to vector<64xf32>
    %broadcast_in_dim3A_4647 = vector.shape_cast %reduce_min3A_4646 : vector<64xf32> to vector<64x1xf32>
    %bitcast_convert_type3A_4648 = tpu.bitcast %broadcast_in_dim3A_4647 : vector<64x1xf32> -> vector<64x1xi32>
    %and3A_4649 = arith.constant 4095 : i32
    %and3A_4650 = vector.broadcast %and3A_4649 : i32 to vector<64x1xi32>
    %and3A_4651 = arith.andi %bitcast_convert_type3A_4648, %and3A_4650 : vector<64x1xi32>
    %eq3A_4652 = arith.constant 7 : i32
    %eq3A_4653 = vector.broadcast %eq3A_4652 : i32 to vector<64x16xi32>
    %eq3A_4654 = arith.cmpi eq, %iota3A_4484, %eq3A_4653 : vector<64x16xi32>
    %broadcast_in_dim3A_4655 = vector.shape_cast %and3A_4651 : vector<64x1xi32> to vector<64x1xi32>
    %broadcast_in_dim3A_4656 = vector.broadcast %broadcast_in_dim3A_4655 : vector<64x1xi32> to vector<64x16xi32>
    %select_n3A_4657 = arith.select %eq3A_4654, %broadcast_in_dim3A_4656, %select_n3A_4636 : vector<64x16xi1>, vector<64x16xi32>
    %eq3A_4658 = vector.broadcast %broadcast_in_dim3A_4647 : vector<64x1xf32> to vector<64x128xf32>
    %eq3A_4659 = arith.cmpf oeq, %select_n3A_4639, %eq3A_4658 : vector<64x128xf32>
    %select_n3A_4660 = arith.select %eq3A_4659, %select_n3A_4640, %select_n3A_4639 : vector<64x128xi1>, vector<64x128xf32>
    %select_n3A_4661 = arith.select %eq3A_4659, %select_n3A_4641, %select_n3A_4640 : vector<64x128xi1>, vector<64x128xf32>
    %select_n3A_4662 = arith.select %eq3A_4659, %select_n3A_4644, %select_n3A_4641 : vector<64x128xi1>, vector<64x128xf32>
    %jit3A_4663 = arith.constant 3.000000e+38 : f32
    %broadcast_in_dim3A_4664 = vector.broadcast %jit3A_4663 : f32 to vector<64x128xf32>
    %select_n3A_4665 = arith.select %eq3A_4659, %broadcast_in_dim3A_4664, %select_n3A_4644 : vector<64x128xi1>, vector<64x128xf32>
    %reduce_min3A_4666 = arith.constant dense<0x7F800000> : vector<64xf32>
    %reduce_min3A_4667 = vector.multi_reduction <minimumf>, %select_n3A_4660, %reduce_min3A_4666 [1] : vector<64x128xf32> to vector<64xf32>
    %broadcast_in_dim3A_4668 = vector.shape_cast %reduce_min3A_4667 : vector<64xf32> to vector<64x1xf32>
    %bitcast_convert_type3A_4669 = tpu.bitcast %broadcast_in_dim3A_4668 : vector<64x1xf32> -> vector<64x1xi32>
    %and3A_4670 = arith.constant 4095 : i32
    %and3A_4671 = vector.broadcast %and3A_4670 : i32 to vector<64x1xi32>
    %and3A_4672 = arith.andi %bitcast_convert_type3A_4669, %and3A_4671 : vector<64x1xi32>
    %eq3A_4673 = arith.constant 8 : i32
    %eq3A_4674 = vector.broadcast %eq3A_4673 : i32 to vector<64x16xi32>
    %eq3A_4675 = arith.cmpi eq, %iota3A_4484, %eq3A_4674 : vector<64x16xi32>
    %broadcast_in_dim3A_4676 = vector.shape_cast %and3A_4672 : vector<64x1xi32> to vector<64x1xi32>
    %broadcast_in_dim3A_4677 = vector.broadcast %broadcast_in_dim3A_4676 : vector<64x1xi32> to vector<64x16xi32>
    %select_n3A_4678 = arith.select %eq3A_4675, %broadcast_in_dim3A_4677, %select_n3A_4657 : vector<64x16xi1>, vector<64x16xi32>
    %eq3A_4679 = vector.broadcast %broadcast_in_dim3A_4668 : vector<64x1xf32> to vector<64x128xf32>
    %eq3A_4680 = arith.cmpf oeq, %select_n3A_4660, %eq3A_4679 : vector<64x128xf32>
    %select_n3A_4681 = arith.select %eq3A_4680, %select_n3A_4661, %select_n3A_4660 : vector<64x128xi1>, vector<64x128xf32>
    %select_n3A_4682 = arith.select %eq3A_4680, %select_n3A_4662, %select_n3A_4661 : vector<64x128xi1>, vector<64x128xf32>
    %select_n3A_4683 = arith.select %eq3A_4680, %select_n3A_4665, %select_n3A_4662 : vector<64x128xi1>, vector<64x128xf32>
    %jit3A_4684 = arith.constant 3.000000e+38 : f32
    %broadcast_in_dim3A_4685 = vector.broadcast %jit3A_4684 : f32 to vector<64x128xf32>
    %select_n3A_4686 = arith.select %eq3A_4680, %broadcast_in_dim3A_4685, %select_n3A_4665 : vector<64x128xi1>, vector<64x128xf32>
    %reduce_min3A_4687 = arith.constant dense<0x7F800000> : vector<64xf32>
    %reduce_min3A_4688 = vector.multi_reduction <minimumf>, %select_n3A_4681, %reduce_min3A_4687 [1] : vector<64x128xf32> to vector<64xf32>
    %broadcast_in_dim3A_4689 = vector.shape_cast %reduce_min3A_4688 : vector<64xf32> to vector<64x1xf32>
    %bitcast_convert_type3A_4690 = tpu.bitcast %broadcast_in_dim3A_4689 : vector<64x1xf32> -> vector<64x1xi32>
    %and3A_4691 = arith.constant 4095 : i32
    %and3A_4692 = vector.broadcast %and3A_4691 : i32 to vector<64x1xi32>
    %and3A_4693 = arith.andi %bitcast_convert_type3A_4690, %and3A_4692 : vector<64x1xi32>
    %eq3A_4694 = arith.constant 9 : i32
    %eq3A_4695 = vector.broadcast %eq3A_4694 : i32 to vector<64x16xi32>
    %eq3A_4696 = arith.cmpi eq, %iota3A_4484, %eq3A_4695 : vector<64x16xi32>
    %broadcast_in_dim3A_4697 = vector.shape_cast %and3A_4693 : vector<64x1xi32> to vector<64x1xi32>
    %broadcast_in_dim3A_4698 = vector.broadcast %broadcast_in_dim3A_4697 : vector<64x1xi32> to vector<64x16xi32>
    %select_n3A_4699 = arith.select %eq3A_4696, %broadcast_in_dim3A_4698, %select_n3A_4678 : vector<64x16xi1>, vector<64x16xi32>
    %eq3A_4700 = vector.broadcast %broadcast_in_dim3A_4689 : vector<64x1xf32> to vector<64x128xf32>
    %eq3A_4701 = arith.cmpf oeq, %select_n3A_4681, %eq3A_4700 : vector<64x128xf32>
    %select_n3A_4702 = arith.select %eq3A_4701, %select_n3A_4682, %select_n3A_4681 : vector<64x128xi1>, vector<64x128xf32>
    %select_n3A_4703 = arith.select %eq3A_4701, %select_n3A_4683, %select_n3A_4682 : vector<64x128xi1>, vector<64x128xf32>
    %select_n3A_4704 = arith.select %eq3A_4701, %select_n3A_4686, %select_n3A_4683 : vector<64x128xi1>, vector<64x128xf32>
    %jit3A_4705 = arith.constant 3.000000e+38 : f32
    %broadcast_in_dim3A_4706 = vector.broadcast %jit3A_4705 : f32 to vector<64x128xf32>
    %select_n3A_4707 = arith.select %eq3A_4701, %broadcast_in_dim3A_4706, %select_n3A_4686 : vector<64x128xi1>, vector<64x128xf32>
    %reduce_min3A_4708 = arith.constant dense<0x7F800000> : vector<64xf32>
    %reduce_min3A_4709 = vector.multi_reduction <minimumf>, %select_n3A_4702, %reduce_min3A_4708 [1] : vector<64x128xf32> to vector<64xf32>
    %broadcast_in_dim3A_4710 = vector.shape_cast %reduce_min3A_4709 : vector<64xf32> to vector<64x1xf32>
    %bitcast_convert_type3A_4711 = tpu.bitcast %broadcast_in_dim3A_4710 : vector<64x1xf32> -> vector<64x1xi32>
    %and3A_4712 = arith.constant 4095 : i32
    %and3A_4713 = vector.broadcast %and3A_4712 : i32 to vector<64x1xi32>
    %and3A_4714 = arith.andi %bitcast_convert_type3A_4711, %and3A_4713 : vector<64x1xi32>
    %eq3A_4715 = arith.constant 10 : i32
    %eq3A_4716 = vector.broadcast %eq3A_4715 : i32 to vector<64x16xi32>
    %eq3A_4717 = arith.cmpi eq, %iota3A_4484, %eq3A_4716 : vector<64x16xi32>
    %broadcast_in_dim3A_4718 = vector.shape_cast %and3A_4714 : vector<64x1xi32> to vector<64x1xi32>
    %broadcast_in_dim3A_4719 = vector.broadcast %broadcast_in_dim3A_4718 : vector<64x1xi32> to vector<64x16xi32>
    %select_n3A_4720 = arith.select %eq3A_4717, %broadcast_in_dim3A_4719, %select_n3A_4699 : vector<64x16xi1>, vector<64x16xi32>
    %eq3A_4721 = vector.broadcast %broadcast_in_dim3A_4710 : vector<64x1xf32> to vector<64x128xf32>
    %eq3A_4722 = arith.cmpf oeq, %select_n3A_4702, %eq3A_4721 : vector<64x128xf32>
    %select_n3A_4723 = arith.select %eq3A_4722, %select_n3A_4703, %select_n3A_4702 : vector<64x128xi1>, vector<64x128xf32>
    %select_n3A_4724 = arith.select %eq3A_4722, %select_n3A_4704, %select_n3A_4703 : vector<64x128xi1>, vector<64x128xf32>
    %select_n3A_4725 = arith.select %eq3A_4722, %select_n3A_4707, %select_n3A_4704 : vector<64x128xi1>, vector<64x128xf32>
    %jit3A_4726 = arith.constant 3.000000e+38 : f32
    %broadcast_in_dim3A_4727 = vector.broadcast %jit3A_4726 : f32 to vector<64x128xf32>
    %select_n3A_4728 = arith.select %eq3A_4722, %broadcast_in_dim3A_4727, %select_n3A_4707 : vector<64x128xi1>, vector<64x128xf32>
    %reduce_min3A_4729 = arith.constant dense<0x7F800000> : vector<64xf32>
    %reduce_min3A_4730 = vector.multi_reduction <minimumf>, %select_n3A_4723, %reduce_min3A_4729 [1] : vector<64x128xf32> to vector<64xf32>
    %broadcast_in_dim3A_4731 = vector.shape_cast %reduce_min3A_4730 : vector<64xf32> to vector<64x1xf32>
    %bitcast_convert_type3A_4732 = tpu.bitcast %broadcast_in_dim3A_4731 : vector<64x1xf32> -> vector<64x1xi32>
    %and3A_4733 = arith.constant 4095 : i32
    %and3A_4734 = vector.broadcast %and3A_4733 : i32 to vector<64x1xi32>
    %and3A_4735 = arith.andi %bitcast_convert_type3A_4732, %and3A_4734 : vector<64x1xi32>
    %eq3A_4736 = arith.constant 11 : i32
    %eq3A_4737 = vector.broadcast %eq3A_4736 : i32 to vector<64x16xi32>
    %eq3A_4738 = arith.cmpi eq, %iota3A_4484, %eq3A_4737 : vector<64x16xi32>
    %broadcast_in_dim3A_4739 = vector.shape_cast %and3A_4735 : vector<64x1xi32> to vector<64x1xi32>
    %broadcast_in_dim3A_4740 = vector.broadcast %broadcast_in_dim3A_4739 : vector<64x1xi32> to vector<64x16xi32>
    %select_n3A_4741 = arith.select %eq3A_4738, %broadcast_in_dim3A_4740, %select_n3A_4720 : vector<64x16xi1>, vector<64x16xi32>
    %eq3A_4742 = vector.broadcast %broadcast_in_dim3A_4731 : vector<64x1xf32> to vector<64x128xf32>
    %eq3A_4743 = arith.cmpf oeq, %select_n3A_4723, %eq3A_4742 : vector<64x128xf32>
    %select_n3A_4744 = arith.select %eq3A_4743, %select_n3A_4724, %select_n3A_4723 : vector<64x128xi1>, vector<64x128xf32>
    %select_n3A_4745 = arith.select %eq3A_4743, %select_n3A_4725, %select_n3A_4724 : vector<64x128xi1>, vector<64x128xf32>
    %select_n3A_4746 = arith.select %eq3A_4743, %select_n3A_4728, %select_n3A_4725 : vector<64x128xi1>, vector<64x128xf32>
    %jit3A_4747 = arith.constant 3.000000e+38 : f32
    %broadcast_in_dim3A_4748 = vector.broadcast %jit3A_4747 : f32 to vector<64x128xf32>
    %select_n3A_4749 = arith.select %eq3A_4743, %broadcast_in_dim3A_4748, %select_n3A_4728 : vector<64x128xi1>, vector<64x128xf32>
    %reduce_min3A_4750 = arith.constant dense<0x7F800000> : vector<64xf32>
    %reduce_min3A_4751 = vector.multi_reduction <minimumf>, %select_n3A_4744, %reduce_min3A_4750 [1] : vector<64x128xf32> to vector<64xf32>
    %broadcast_in_dim3A_4752 = vector.shape_cast %reduce_min3A_4751 : vector<64xf32> to vector<64x1xf32>
    %bitcast_convert_type3A_4753 = tpu.bitcast %broadcast_in_dim3A_4752 : vector<64x1xf32> -> vector<64x1xi32>
    %and3A_4754 = arith.constant 4095 : i32
    %and3A_4755 = vector.broadcast %and3A_4754 : i32 to vector<64x1xi32>
    %and3A_4756 = arith.andi %bitcast_convert_type3A_4753, %and3A_4755 : vector<64x1xi32>
    %eq3A_4757 = arith.constant 12 : i32
    %eq3A_4758 = vector.broadcast %eq3A_4757 : i32 to vector<64x16xi32>
    %eq3A_4759 = arith.cmpi eq, %iota3A_4484, %eq3A_4758 : vector<64x16xi32>
    %broadcast_in_dim3A_4760 = vector.shape_cast %and3A_4756 : vector<64x1xi32> to vector<64x1xi32>
    %broadcast_in_dim3A_4761 = vector.broadcast %broadcast_in_dim3A_4760 : vector<64x1xi32> to vector<64x16xi32>
    %select_n3A_4762 = arith.select %eq3A_4759, %broadcast_in_dim3A_4761, %select_n3A_4741 : vector<64x16xi1>, vector<64x16xi32>
    %eq3A_4763 = vector.broadcast %broadcast_in_dim3A_4752 : vector<64x1xf32> to vector<64x128xf32>
    %eq3A_4764 = arith.cmpf oeq, %select_n3A_4744, %eq3A_4763 : vector<64x128xf32>
    %select_n3A_4765 = arith.select %eq3A_4764, %select_n3A_4745, %select_n3A_4744 : vector<64x128xi1>, vector<64x128xf32>
    %select_n3A_4766 = arith.select %eq3A_4764, %select_n3A_4746, %select_n3A_4745 : vector<64x128xi1>, vector<64x128xf32>
    %select_n3A_4767 = arith.select %eq3A_4764, %select_n3A_4749, %select_n3A_4746 : vector<64x128xi1>, vector<64x128xf32>
    %reduce_min3A_4768 = arith.constant dense<0x7F800000> : vector<64xf32>
    %reduce_min3A_4769 = vector.multi_reduction <minimumf>, %select_n3A_4765, %reduce_min3A_4768 [1] : vector<64x128xf32> to vector<64xf32>
    %broadcast_in_dim3A_4770 = vector.shape_cast %reduce_min3A_4769 : vector<64xf32> to vector<64x1xf32>
    %bitcast_convert_type3A_4771 = tpu.bitcast %broadcast_in_dim3A_4770 : vector<64x1xf32> -> vector<64x1xi32>
    %and3A_4772 = arith.constant 4095 : i32
    %and3A_4773 = vector.broadcast %and3A_4772 : i32 to vector<64x1xi32>
    %and3A_4774 = arith.andi %bitcast_convert_type3A_4771, %and3A_4773 : vector<64x1xi32>
    %eq3A_4775 = arith.constant 13 : i32
    %eq3A_4776 = vector.broadcast %eq3A_4775 : i32 to vector<64x16xi32>
    %eq3A_4777 = arith.cmpi eq, %iota3A_4484, %eq3A_4776 : vector<64x16xi32>
    %broadcast_in_dim3A_4778 = vector.shape_cast %and3A_4774 : vector<64x1xi32> to vector<64x1xi32>
    %broadcast_in_dim3A_4779 = vector.broadcast %broadcast_in_dim3A_4778 : vector<64x1xi32> to vector<64x16xi32>
    %select_n3A_4780 = arith.select %eq3A_4777, %broadcast_in_dim3A_4779, %select_n3A_4762 : vector<64x16xi1>, vector<64x16xi32>
    %eq3A_4781 = vector.broadcast %broadcast_in_dim3A_4770 : vector<64x1xf32> to vector<64x128xf32>
    %eq3A_4782 = arith.cmpf oeq, %select_n3A_4765, %eq3A_4781 : vector<64x128xf32>
    %select_n3A_4783 = arith.select %eq3A_4782, %select_n3A_4766, %select_n3A_4765 : vector<64x128xi1>, vector<64x128xf32>
    %select_n3A_4784 = arith.select %eq3A_4782, %select_n3A_4767, %select_n3A_4766 : vector<64x128xi1>, vector<64x128xf32>
    %reduce_min3A_4785 = arith.constant dense<0x7F800000> : vector<64xf32>
    %reduce_min3A_4786 = vector.multi_reduction <minimumf>, %select_n3A_4783, %reduce_min3A_4785 [1] : vector<64x128xf32> to vector<64xf32>
    %broadcast_in_dim3A_4787 = vector.shape_cast %reduce_min3A_4786 : vector<64xf32> to vector<64x1xf32>
    %bitcast_convert_type3A_4788 = tpu.bitcast %broadcast_in_dim3A_4787 : vector<64x1xf32> -> vector<64x1xi32>
    %and3A_4789 = arith.constant 4095 : i32
    %and3A_4790 = vector.broadcast %and3A_4789 : i32 to vector<64x1xi32>
    %and3A_4791 = arith.andi %bitcast_convert_type3A_4788, %and3A_4790 : vector<64x1xi32>
    %eq3A_4792 = arith.constant 14 : i32
    %eq3A_4793 = vector.broadcast %eq3A_4792 : i32 to vector<64x16xi32>
    %eq3A_4794 = arith.cmpi eq, %iota3A_4484, %eq3A_4793 : vector<64x16xi32>
    %broadcast_in_dim3A_4795 = vector.shape_cast %and3A_4791 : vector<64x1xi32> to vector<64x1xi32>
    %broadcast_in_dim3A_4796 = vector.broadcast %broadcast_in_dim3A_4795 : vector<64x1xi32> to vector<64x16xi32>
    %select_n3A_4797 = arith.select %eq3A_4794, %broadcast_in_dim3A_4796, %select_n3A_4780 : vector<64x16xi1>, vector<64x16xi32>
    %eq3A_4798 = vector.broadcast %broadcast_in_dim3A_4787 : vector<64x1xf32> to vector<64x128xf32>
    %eq3A_4799 = arith.cmpf oeq, %select_n3A_4783, %eq3A_4798 : vector<64x128xf32>
    %select_n3A_4800 = arith.select %eq3A_4799, %select_n3A_4784, %select_n3A_4783 : vector<64x128xi1>, vector<64x128xf32>
    %reduce_min3A_4801 = arith.constant dense<0x7F800000> : vector<64xf32>
    %reduce_min3A_4802 = vector.multi_reduction <minimumf>, %select_n3A_4800, %reduce_min3A_4801 [1] : vector<64x128xf32> to vector<64xf32>
    %broadcast_in_dim3A_4803 = vector.shape_cast %reduce_min3A_4802 : vector<64xf32> to vector<64x1xf32>
    %bitcast_convert_type3A_4804 = tpu.bitcast %broadcast_in_dim3A_4803 : vector<64x1xf32> -> vector<64x1xi32>
    %and3A_4805 = arith.constant 4095 : i32
    %and3A_4806 = vector.broadcast %and3A_4805 : i32 to vector<64x1xi32>
    %and3A_4807 = arith.andi %bitcast_convert_type3A_4804, %and3A_4806 : vector<64x1xi32>
    %eq3A_4808 = arith.constant 15 : i32
    %eq3A_4809 = vector.broadcast %eq3A_4808 : i32 to vector<64x16xi32>
    %eq3A_4810 = arith.cmpi eq, %iota3A_4484, %eq3A_4809 : vector<64x16xi32>
    %broadcast_in_dim3A_4811 = vector.shape_cast %and3A_4807 : vector<64x1xi32> to vector<64x1xi32>
    %broadcast_in_dim3A_4812 = vector.broadcast %broadcast_in_dim3A_4811 : vector<64x1xi32> to vector<64x16xi32>
    %select_n3A_4813 = arith.select %eq3A_4810, %broadcast_in_dim3A_4812, %select_n3A_4797 : vector<64x16xi1>, vector<64x16xi32>
    %swap3A_4814 = arith.constant 192 : index
    %swap3A_4815 = arith.constant 0 : index
    %swap3A_4816 = vector.load %arg6[%swap3A_4814, %swap3A_4815] : memref<256x16xi32, #tpu.memory_space<vmem>>, vector<64x16xi32>
    tpu.vector_store %arg6[%swap3A_4814, %swap3A_4815], %select_n3A_4813 {strides = array<i32>} : memref<256x16xi32, #tpu.memory_space<vmem>>, vector<64x16xi32>,
    return
  }
  func.func @transform_0(%arg0: i32) -> (i32, i32) {
    %c0_i32 = arith.constant 0 : i32
    %c0_i32_0 = arith.constant 0 : i32
    return %arg0, %c0_i32 : i32, i32
  }
  func.func @transform_1(%arg0: i32) -> (i32, i32) {
    %c0_i32 = arith.constant 0 : i32
    %c0_i32_0 = arith.constant 0 : i32
    %c0_i32_1 = arith.constant 0 : i32
    return %c0_i32, %c0_i32_0 : i32, i32
  }
  func.func @transform_2(%arg0: i32) -> (i32, i32) {
    %c0_i32 = arith.constant 0 : i32
    %c0_i32_0 = arith.constant 0 : i32
    %c0_i32_1 = arith.constant 0 : i32
    return %c0_i32, %c0_i32_0 : i32, i32
  }
  func.func @transform_3(%arg0: i32) -> (i32, i32) {
    %c0_i32 = arith.constant 0 : i32
    %c0_i32_0 = arith.constant 0 : i32
    return %arg0, %c0_i32 : i32, i32
  }
  func.func @transform_4(%arg0: i32) -> (i32, i32) {
    %c0_i32 = arith.constant 0 : i32
    %c0_i32_0 = arith.constant 0 : i32
    %c0_i32_1 = arith.constant 0 : i32
    return %c0_i32, %c0_i32_0 : i32, i32
  }
  func.func @transform_5(%arg0: i32) -> (i32, i32) {
    %c0_i32 = arith.constant 0 : i32
    %c0_i32_0 = arith.constant 0 : i32
    return %arg0, %c0_i32 : i32, i32
  }
  func.func @transform_6(%arg0: i32) -> (i32, i32) {
    %c0_i32 = arith.constant 0 : i32
    %c0_i32_0 = arith.constant 0 : i32
    return %arg0, %c0_i32 : i32, i32
  }
}

module attributes {stable_mosaic.version = 14 : i64} {
  func.func @_edge_body(%arg0: i32, %arg1: i32, %arg2: memref<1x1024x16x128xf32, #tpu.memory_space<vmem>>, %arg3: memref<1x1024x64xf32, #tpu.memory_space<vmem>>, %arg4: memref<64x128xf32, #tpu.memory_space<vmem>>, %arg5: memref<1x128xf32, #tpu.memory_space<vmem>>, %arg6: memref<1x32xf32, #tpu.memory_space<vmem>>, %arg7: memref<64x64xf32, #tpu.memory_space<vmem>>, %arg8: memref<1x64xf32, #tpu.memory_space<vmem>>, %arg9: memref<1x1024x64xf32, #tpu.memory_space<vmem>>, %arg10: memref<1x1x64xf32, #tpu.memory_space<vmem>>) attributes {dimension_semantics = [#tpu.dimension_semantics<arbitrary>, #tpu.dimension_semantics<arbitrary>], iteration_bounds = array<i64: 1, 4>, scalar_prefetch = 0 : i64, scratch_operands = 0 : i64, tpu.core_type = #tpu.core_type<tc>, window_params = [{transform_indices = @transform_0, window_bounds = array<i64: 1, 1024, 16, 128>}, {transform_indices = @transform_1, window_bounds = array<i64: 1, 1024, 64>}, {pipeline_mode = #tpu.pipeline_mode<synchronous>, transform_indices = @transform_2, window_bounds = array<i64: 64, 128>}, {pipeline_mode = #tpu.pipeline_mode<synchronous>, transform_indices = @transform_3, window_bounds = array<i64: 1, 128>}, {pipeline_mode = #tpu.pipeline_mode<synchronous>, transform_indices = @transform_4, window_bounds = array<i64: 1, 32>}, {pipeline_mode = #tpu.pipeline_mode<synchronous>, transform_indices = @transform_5, window_bounds = array<i64: 64, 64>}, {pipeline_mode = #tpu.pipeline_mode<synchronous>, transform_indices = @transform_6, window_bounds = array<i64: 1, 64>}, {transform_indices = @transform_7, window_bounds = array<i64: 1, 1024, 64>}, {transform_indices = @transform_8, window_bounds = array<i64: 1, 1, 64>}]} {
    %get3A = arith.constant 0 : index
    %get3A_0 = arith.constant 0 : index
    %get3A_1 = arith.constant 0 : index
    %get3A_2 = vector.load %arg3[%get3A, %get3A_0, %get3A_1] : memref<1x1024x64xf32, #tpu.memory_space<vmem>>, vector<1x1024x64xf32>
    %get3A_3 = vector.shape_cast %get3A_2 : vector<1x1024x64xf32> to vector<1024x64xf32>
    %get3A_4 = arith.constant 0 : index
    %get3A_5 = arith.constant 0 : index
    %get3A_6 = vector.load %arg4[%get3A_4, %get3A_5] : memref<64x128xf32, #tpu.memory_space<vmem>>, vector<64x128xf32>
    %dot_general3A = arith.constant dense<0.000000e+00> : vector<1024x128xf32>
    %dot_general3A_7 = tpu.matmul %get3A_3, %get3A_6, %dot_general3A {dimension_numbers = #tpu.dot_dimension_numbers<[1], [0], [0], [1], [0, 0, 1, 1], [], []>, transpose_lhs_hint = false} : vector<1024x64xf32>, vector<64x128xf32>, vector<1024x128xf32> -> vector<1024x128xf32>
    %get3A_8 = arith.constant 0 : index
    %get3A_9 = arith.constant 0 : index
    %get3A_10 = vector.load %arg5[%get3A_8, %get3A_9] : memref<1x128xf32, #tpu.memory_space<vmem>>, vector<1x128xf32>
    %add3A = vector.broadcast %get3A_10 : vector<1x128xf32> to vector<1024x128xf32>
    %add3A_11 = arith.addf %dot_general3A_7, %add3A : vector<1024x128xf32>
    %get3A_12 = arith.constant 0 : index
    %get3A_13 = arith.constant 0 : index
    %get3A_14 = arith.constant 0 : index
    %get3A_15 = arith.constant 0 : index
    %get3A_16 = vector.load %arg2[%get3A_12, %get3A_13, %get3A_14, %get3A_15] : memref<1x1024x16x128xf32, #tpu.memory_space<vmem>>, vector<1x1024x16x128xf32>
    %get3A_17 = vector.shape_cast %get3A_16 : vector<1x1024x16x128xf32> to vector<1024x16x128xf32>
    %broadcast_in_dim3A = vector.shape_cast %add3A_11 : vector<1024x128xf32> to vector<1024x1x128xf32>
    %add3A_18 = vector.broadcast %broadcast_in_dim3A : vector<1024x1x128xf32> to vector<1024x16x128xf32>
    %add3A_19 = arith.addf %get3A_17, %add3A_18 : vector<1024x16x128xf32>
    %slice3A = vector.extract_strided_slice %add3A_19 {offsets = [0, 0, 0], sizes = [1024, 16, 64], strides = [1, 1, 1]} : vector<1024x16x128xf32> to vector<1024x16x64xf32>
    %max3A = arith.constant 0.000000e+00 : f32
    %max3A_20 = vector.broadcast %max3A : f32 to vector<1024x16x64xf32>
    %max3A_21 = arith.maximumf %slice3A, %max3A_20 : vector<1024x16x64xf32>
    %slice3A_22 = vector.extract_strided_slice %add3A_19 {offsets = [0, 0, 64], sizes = [1024, 16, 32], strides = [1, 1, 1]} : vector<1024x16x128xf32> to vector<1024x16x32xf32>
    %gt3A = arith.constant 0.000000e+00 : f32
    %gt3A_23 = vector.broadcast %gt3A : f32 to vector<1024x16x32xf32>
    %gt3A_24 = arith.cmpf ogt, %slice3A_22, %gt3A_23 : vector<1024x16x32xf32>
    %mul3A = arith.constant 2.000000e-01 : f32
    %mul3A_25 = vector.broadcast %mul3A : f32 to vector<1024x16x32xf32>
    %mul3A_26 = arith.mulf %mul3A_25, %slice3A_22 : vector<1024x16x32xf32>
    %select_n3A = arith.select %gt3A_24, %slice3A_22, %mul3A_26 : vector<1024x16x32xi1>, vector<1024x16x32xf32>
    %get3A_27 = arith.constant 0 : index
    %get3A_28 = arith.constant 0 : index
    %get3A_29 = vector.load %arg6[%get3A_27, %get3A_28] : memref<1x32xf32, #tpu.memory_space<vmem>>, vector<1x32xf32>
    %broadcast_in_dim3A_30 = vector.shape_cast %get3A_29 : vector<1x32xf32> to vector<1x1x32xf32>
    %mul3A_31 = vector.broadcast %broadcast_in_dim3A_30 : vector<1x1x32xf32> to vector<1024x16x32xf32>
    %mul3A_32 = arith.mulf %select_n3A, %mul3A_31 : vector<1024x16x32xf32>
    %reduce_sum3A = arith.constant dense<0.000000e+00> : vector<1024x16xf32>
    %reduce_sum3A_33 = vector.multi_reduction <add>, %mul3A_32, %reduce_sum3A [2] : vector<1024x16x32xf32> to vector<1024x16xf32>
    %exp3A = math.exp %reduce_sum3A_33 : vector<1024x16xf32>
    %reshape3A = vector.shape_cast %max3A_21 : vector<1024x16x64xf32> to vector<16384x64xf32>
    %get3A_34 = arith.constant 0 : index
    %get3A_35 = arith.constant 0 : index
    %get3A_36 = vector.load %arg7[%get3A_34, %get3A_35] : memref<64x64xf32, #tpu.memory_space<vmem>>, vector<64x64xf32>
    %dot_general3A_37 = arith.constant dense<0.000000e+00> : vector<16384x64xf32>
    %dot_general3A_38 = tpu.matmul %reshape3A, %get3A_36, %dot_general3A_37 {dimension_numbers = #tpu.dot_dimension_numbers<[1], [0], [0], [1], [0, 0, 1, 1], [], []>, transpose_lhs_hint = false} : vector<16384x64xf32>, vector<64x64xf32>, vector<16384x64xf32> -> vector<16384x64xf32>
    %get3A_39 = arith.constant 0 : index
    %get3A_40 = arith.constant 0 : index
    %get3A_41 = vector.load %arg8[%get3A_39, %get3A_40] : memref<1x64xf32, #tpu.memory_space<vmem>>, vector<1x64xf32>
    %add3A_42 = vector.broadcast %get3A_41 : vector<1x64xf32> to vector<16384x64xf32>
    %add3A_43 = arith.addf %dot_general3A_38, %add3A_42 : vector<16384x64xf32>
    %max3A_44 = arith.constant 0.000000e+00 : f32
    %max3A_45 = vector.broadcast %max3A_44 : f32 to vector<16384x64xf32>
    %max3A_46 = arith.maximumf %add3A_43, %max3A_45 : vector<16384x64xf32>
    %reshape3A_47 = vector.shape_cast %max3A_46 : vector<16384x64xf32> to vector<1024x16x64xf32>
    %broadcast_in_dim3A_48 = vector.shape_cast %exp3A : vector<1024x16xf32> to vector<1024x16x1xf32>
    %mul3A_49 = vector.broadcast %broadcast_in_dim3A_48 : vector<1024x16x1xf32> to vector<1024x16x64xf32>
    %mul3A_50 = arith.mulf %reshape3A_47, %mul3A_49 : vector<1024x16x64xf32>
    %reduce_sum3A_51 = arith.constant dense<0.000000e+00> : vector<1024x64xf32>
    %reduce_sum3A_52 = vector.multi_reduction <add>, %mul3A_50, %reduce_sum3A_51 [1] : vector<1024x16x64xf32> to vector<1024x64xf32>
    %reduce_sum3A_53 = arith.constant dense<0.000000e+00> : vector<1024xf32>
    %reduce_sum3A_54 = vector.multi_reduction <add>, %exp3A, %reduce_sum3A_53 [1] : vector<1024x16xf32> to vector<1024xf32>
    %div3A = arith.constant 1.000000e+00 : f32
    %div3A_55 = vector.broadcast %div3A : f32 to vector<1024xf32>
    %div3A_56 = arith.divf %div3A_55, %reduce_sum3A_54 : vector<1024xf32>
    %broadcast_in_dim3A_57 = vector.shape_cast %div3A_56 : vector<1024xf32> to vector<1024x1xf32>
    %mul3A_58 = vector.broadcast %broadcast_in_dim3A_57 : vector<1024x1xf32> to vector<1024x64xf32>
    %mul3A_59 = arith.mulf %reduce_sum3A_52, %mul3A_58 : vector<1024x64xf32>
    %swap3A = arith.constant 0 : index
    %swap3A_60 = arith.constant 0 : index
    %swap3A_61 = arith.constant 0 : index
    %swap3A_62 = vector.load %arg9[%swap3A, %swap3A_60, %swap3A_61] : memref<1x1024x64xf32, #tpu.memory_space<vmem>>, vector<1x1024x64xf32>
    %swap3A_63 = vector.shape_cast %swap3A_62 : vector<1x1024x64xf32> to vector<1024x64xf32>
    %swap3A_64 = vector.shape_cast %mul3A_59 : vector<1024x64xf32> to vector<1x1024x64xf32>
    tpu.vector_store %arg9[%swap3A, %swap3A_60, %swap3A_61], %swap3A_64 {strides = array<i32>} : memref<1x1024x64xf32, #tpu.memory_space<vmem>>, vector<1x1024x64xf32>,
    %reduce_sum3A_65 = arith.constant dense<0.000000e+00> : vector<64xf32>
    %reduce_sum3A_66 = vector.multi_reduction <add>, %mul3A_59, %reduce_sum3A_65 [0] : vector<1024x64xf32> to vector<64xf32>
    %broadcast_in_dim3A_67 = vector.shape_cast %reduce_sum3A_66 : vector<64xf32> to vector<1x64xf32>
    %eq3A = arith.constant 0 : i32
    %eq3A_68 = arith.cmpi eq, %arg1, %eq3A : i32
    %convert_element_type3A = arith.extui %eq3A_68 : i1 to i32
    %cond3A = arith.constant 0 : i32
    %cond3A_69 = arith.cmpi ne, %convert_element_type3A, %cond3A : i32
    scf.if %cond3A_69 {
      %swap3A_75 = arith.constant 0 : index
      %swap3A_76 = arith.constant 0 : index
      %swap3A_77 = arith.constant 0 : index
      %swap3A_78 = vector.load %arg10[%swap3A_75, %swap3A_76, %swap3A_77] : memref<1x1x64xf32, #tpu.memory_space<vmem>>, vector<1x1x64xf32>
      %swap3A_79 = vector.shape_cast %swap3A_78 : vector<1x1x64xf32> to vector<1x64xf32>
      %swap3A_80 = vector.shape_cast %broadcast_in_dim3A_67 : vector<1x64xf32> to vector<1x1x64xf32>
      tpu.vector_store %arg10[%swap3A_75, %swap3A_76, %swap3A_77], %swap3A_80 {strides = array<i32>} : memref<1x1x64xf32, #tpu.memory_space<vmem>>, vector<1x1x64xf32>,
    } else {
    }
    %gt3A_70 = arith.constant 0 : i32
    %gt3A_71 = arith.cmpi sgt, %arg1, %gt3A_70 : i32
    %convert_element_type3A_72 = arith.extui %gt3A_71 : i1 to i32
    %cond3A_73 = arith.constant 0 : i32
    %cond3A_74 = arith.cmpi ne, %convert_element_type3A_72, %cond3A_73 : i32
    scf.if %cond3A_74 {
      %get3A_75 = arith.constant 0 : index
      %get3A_76 = arith.constant 0 : index
      %get3A_77 = arith.constant 0 : index
      %get3A_78 = vector.load %arg10[%get3A_75, %get3A_76, %get3A_77] : memref<1x1x64xf32, #tpu.memory_space<vmem>>, vector<1x1x64xf32>
      %get3A_79 = vector.shape_cast %get3A_78 : vector<1x1x64xf32> to vector<1x64xf32>
      %add3A_80 = arith.addf %get3A_79, %broadcast_in_dim3A_67 : vector<1x64xf32>
      %swap3A_81 = arith.constant 0 : index
      %swap3A_82 = arith.constant 0 : index
      %swap3A_83 = arith.constant 0 : index
      %swap3A_84 = vector.load %arg10[%swap3A_81, %swap3A_82, %swap3A_83] : memref<1x1x64xf32, #tpu.memory_space<vmem>>, vector<1x1x64xf32>
      %swap3A_85 = vector.shape_cast %swap3A_84 : vector<1x1x64xf32> to vector<1x64xf32>
      %swap3A_86 = vector.shape_cast %add3A_80 : vector<1x64xf32> to vector<1x1x64xf32>
      tpu.vector_store %arg10[%swap3A_81, %swap3A_82, %swap3A_83], %swap3A_86 {strides = array<i32>} : memref<1x1x64xf32, #tpu.memory_space<vmem>>, vector<1x1x64xf32>,
    } else {
    }
    return
  }
  func.func @transform_0(%arg0: i32, %arg1: i32) -> (i32, i32, i32, i32) {
    %c0_i32 = arith.constant 0 : i32
    %c0_i32_0 = arith.constant 0 : i32
    %c0_i32_1 = arith.constant 0 : i32
    return %arg0, %arg1, %c0_i32, %c0_i32_0 : i32, i32, i32, i32
  }
  func.func @transform_1(%arg0: i32, %arg1: i32) -> (i32, i32, i32) {
    %c0_i32 = arith.constant 0 : i32
    %c0_i32_0 = arith.constant 0 : i32
    return %arg0, %arg1, %c0_i32 : i32, i32, i32
  }
  func.func @transform_2(%arg0: i32, %arg1: i32) -> (i32, i32) {
    %c0_i32 = arith.constant 0 : i32
    %c0_i32_0 = arith.constant 0 : i32
    %c0_i32_1 = arith.constant 0 : i32
    return %c0_i32, %c0_i32_0 : i32, i32
  }
  func.func @transform_3(%arg0: i32, %arg1: i32) -> (i32, i32) {
    %c0_i32 = arith.constant 0 : i32
    %c0_i32_0 = arith.constant 0 : i32
    %c0_i32_1 = arith.constant 0 : i32
    return %c0_i32, %c0_i32_0 : i32, i32
  }
  func.func @transform_4(%arg0: i32, %arg1: i32) -> (i32, i32) {
    %c0_i32 = arith.constant 0 : i32
    %c0_i32_0 = arith.constant 0 : i32
    %c0_i32_1 = arith.constant 0 : i32
    return %c0_i32, %c0_i32_0 : i32, i32
  }
  func.func @transform_5(%arg0: i32, %arg1: i32) -> (i32, i32) {
    %c0_i32 = arith.constant 0 : i32
    %c0_i32_0 = arith.constant 0 : i32
    %c0_i32_1 = arith.constant 0 : i32
    return %c0_i32, %c0_i32_0 : i32, i32
  }
  func.func @transform_6(%arg0: i32, %arg1: i32) -> (i32, i32) {
    %c0_i32 = arith.constant 0 : i32
    %c0_i32_0 = arith.constant 0 : i32
    %c0_i32_1 = arith.constant 0 : i32
    return %c0_i32, %c0_i32_0 : i32, i32
  }
  func.func @transform_7(%arg0: i32, %arg1: i32) -> (i32, i32, i32) {
    %c0_i32 = arith.constant 0 : i32
    %c0_i32_0 = arith.constant 0 : i32
    return %arg0, %arg1, %c0_i32 : i32, i32, i32
  }
  func.func @transform_8(%arg0: i32, %arg1: i32) -> (i32, i32, i32) {
    %c0_i32 = arith.constant 0 : i32
    %c0_i32_0 = arith.constant 0 : i32
    %c0_i32_1 = arith.constant 0 : i32
    return %arg0, %c0_i32, %c0_i32_0 : i32, i32, i32
  }
}

module attributes {stable_mosaic.version = 14 : i64} {
  func.func @_final_body(%arg0: i32, %arg1: i32, %arg2: memref<1x1024x64xf32, #tpu.memory_space<vmem>>, %arg3: memref<1x1x64xf32, #tpu.memory_space<vmem>>, %arg4: memref<1x1024x64xf32, #tpu.memory_space<vmem>>, %arg5: memref<64x64xf32, #tpu.memory_space<vmem>>, %arg6: memref<1x64xf32, #tpu.memory_space<vmem>>, %arg7: memref<64x16xf32, #tpu.memory_space<vmem>>, %arg8: memref<16x64xf32, #tpu.memory_space<vmem>>, %arg9: memref<1x1024x64xf32, #tpu.memory_space<vmem>>) attributes {dimension_semantics = [#tpu.dimension_semantics<arbitrary>, #tpu.dimension_semantics<arbitrary>], iteration_bounds = array<i64: 1, 4>, scalar_prefetch = 0 : i64, scratch_operands = 0 : i64, tpu.core_type = #tpu.core_type<tc>, window_params = [{transform_indices = @transform_0, window_bounds = array<i64: 1, 1024, 64>}, {transform_indices = @transform_1, window_bounds = array<i64: 1, 1, 64>}, {transform_indices = @transform_2, window_bounds = array<i64: 1, 1024, 64>}, {pipeline_mode = #tpu.pipeline_mode<synchronous>, transform_indices = @transform_3, window_bounds = array<i64: 64, 64>}, {pipeline_mode = #tpu.pipeline_mode<synchronous>, transform_indices = @transform_4, window_bounds = array<i64: 1, 64>}, {pipeline_mode = #tpu.pipeline_mode<synchronous>, transform_indices = @transform_5, window_bounds = array<i64: 64, 16>}, {pipeline_mode = #tpu.pipeline_mode<synchronous>, transform_indices = @transform_6, window_bounds = array<i64: 16, 64>}, {transform_indices = @transform_7, window_bounds = array<i64: 1, 1024, 64>}]} {
    %get3A = arith.constant 0 : index
    %get3A_0 = arith.constant 0 : index
    %get3A_1 = arith.constant 0 : index
    %get3A_2 = vector.load %arg3[%get3A, %get3A_0, %get3A_1] : memref<1x1x64xf32, #tpu.memory_space<vmem>>, vector<1x1x64xf32>
    %get3A_3 = vector.shape_cast %get3A_2 : vector<1x1x64xf32> to vector<1x64xf32>
    %mul3A = arith.constant 2.44140625E-4 : f32
    %mul3A_4 = vector.broadcast %mul3A : f32 to vector<1x64xf32>
    %mul3A_5 = arith.mulf %get3A_3, %mul3A_4 : vector<1x64xf32>
    %get3A_6 = arith.constant 0 : index
    %get3A_7 = arith.constant 0 : index
    %get3A_8 = vector.load %arg7[%get3A_6, %get3A_7] : memref<64x16xf32, #tpu.memory_space<vmem>>, vector<64x16xf32>
    %dot_general3A = arith.constant dense<0.000000e+00> : vector<1x16xf32>
    %dot_general3A_9 = tpu.matmul %mul3A_5, %get3A_8, %dot_general3A {dimension_numbers = #tpu.dot_dimension_numbers<[1], [0], [0], [1], [0, 0, 1, 1], [], []>, transpose_lhs_hint = false} : vector<1x64xf32>, vector<64x16xf32>, vector<1x16xf32> -> vector<1x16xf32>
    %max3A = arith.constant 0.000000e+00 : f32
    %max3A_10 = vector.broadcast %max3A : f32 to vector<1x16xf32>
    %max3A_11 = arith.maximumf %dot_general3A_9, %max3A_10 : vector<1x16xf32>
    %get3A_12 = arith.constant 0 : index
    %get3A_13 = arith.constant 0 : index
    %get3A_14 = vector.load %arg8[%get3A_12, %get3A_13] : memref<16x64xf32, #tpu.memory_space<vmem>>, vector<16x64xf32>
    %dot_general3A_15 = arith.constant dense<0.000000e+00> : vector<1x64xf32>
    %dot_general3A_16 = tpu.matmul %max3A_11, %get3A_14, %dot_general3A_15 {dimension_numbers = #tpu.dot_dimension_numbers<[1], [0], [0], [1], [0, 0, 1, 1], [], []>, transpose_lhs_hint = false} : vector<1x16xf32>, vector<16x64xf32>, vector<1x64xf32> -> vector<1x64xf32>
    %neg3A = arith.constant 0.000000e+00 : f32
    %neg3A_17 = vector.broadcast %neg3A : f32 to vector<1x64xf32>
    %neg3A_18 = arith.subf %neg3A_17, %dot_general3A_16 : vector<1x64xf32>
    %exp3A = math.exp %neg3A_18 : vector<1x64xf32>
    %add3A = arith.constant 1.000000e+00 : f32
    %add3A_19 = vector.broadcast %add3A : f32 to vector<1x64xf32>
    %add3A_20 = arith.addf %add3A_19, %exp3A : vector<1x64xf32>
    %div3A = arith.constant 1.000000e+00 : f32
    %div3A_21 = vector.broadcast %div3A : f32 to vector<1x64xf32>
    %div3A_22 = arith.divf %div3A_21, %add3A_20 : vector<1x64xf32>
    %get3A_23 = arith.constant 0 : index
    %get3A_24 = arith.constant 0 : index
    %get3A_25 = arith.constant 0 : index
    %get3A_26 = vector.load %arg4[%get3A_23, %get3A_24, %get3A_25] : memref<1x1024x64xf32, #tpu.memory_space<vmem>>, vector<1x1024x64xf32>
    %get3A_27 = vector.shape_cast %get3A_26 : vector<1x1024x64xf32> to vector<1024x64xf32>
    %get3A_28 = arith.constant 0 : index
    %get3A_29 = arith.constant 0 : index
    %get3A_30 = vector.load %arg5[%get3A_28, %get3A_29] : memref<64x64xf32, #tpu.memory_space<vmem>>, vector<64x64xf32>
    %dot_general3A_31 = arith.constant dense<0.000000e+00> : vector<1024x64xf32>
    %dot_general3A_32 = tpu.matmul %get3A_27, %get3A_30, %dot_general3A_31 {dimension_numbers = #tpu.dot_dimension_numbers<[1], [0], [0], [1], [0, 0, 1, 1], [], []>, transpose_lhs_hint = false} : vector<1024x64xf32>, vector<64x64xf32>, vector<1024x64xf32> -> vector<1024x64xf32>
    %get3A_33 = arith.constant 0 : index
    %get3A_34 = arith.constant 0 : index
    %get3A_35 = vector.load %arg6[%get3A_33, %get3A_34] : memref<1x64xf32, #tpu.memory_space<vmem>>, vector<1x64xf32>
    %add3A_36 = vector.broadcast %get3A_35 : vector<1x64xf32> to vector<1024x64xf32>
    %add3A_37 = arith.addf %dot_general3A_32, %add3A_36 : vector<1024x64xf32>
    %max3A_38 = arith.constant 0.000000e+00 : f32
    %max3A_39 = vector.broadcast %max3A_38 : f32 to vector<1024x64xf32>
    %max3A_40 = arith.maximumf %add3A_37, %max3A_39 : vector<1024x64xf32>
    %get3A_41 = arith.constant 0 : index
    %get3A_42 = arith.constant 0 : index
    %get3A_43 = arith.constant 0 : index
    %get3A_44 = vector.load %arg2[%get3A_41, %get3A_42, %get3A_43] : memref<1x1024x64xf32, #tpu.memory_space<vmem>>, vector<1x1024x64xf32>
    %get3A_45 = vector.shape_cast %get3A_44 : vector<1x1024x64xf32> to vector<1024x64xf32>
    %mul3A_46 = vector.broadcast %div3A_22 : vector<1x64xf32> to vector<1024x64xf32>
    %mul3A_47 = arith.mulf %get3A_45, %mul3A_46 : vector<1024x64xf32>
    %add3A_48 = arith.addf %mul3A_47, %max3A_40 : vector<1024x64xf32>
    %swap3A = arith.constant 0 : index
    %swap3A_49 = arith.constant 0 : index
    %swap3A_50 = arith.constant 0 : index
    %swap3A_51 = vector.load %arg9[%swap3A, %swap3A_49, %swap3A_50] : memref<1x1024x64xf32, #tpu.memory_space<vmem>>, vector<1x1024x64xf32>
    %swap3A_52 = vector.shape_cast %swap3A_51 : vector<1x1024x64xf32> to vector<1024x64xf32>
    %swap3A_53 = vector.shape_cast %add3A_48 : vector<1024x64xf32> to vector<1x1024x64xf32>
    tpu.vector_store %arg9[%swap3A, %swap3A_49, %swap3A_50], %swap3A_53 {strides = array<i32>} : memref<1x1024x64xf32, #tpu.memory_space<vmem>>, vector<1x1024x64xf32>,
    return
  }
  func.func @transform_0(%arg0: i32, %arg1: i32) -> (i32, i32, i32) {
    %c0_i32 = arith.constant 0 : i32
    %c0_i32_0 = arith.constant 0 : i32
    return %arg0, %arg1, %c0_i32 : i32, i32, i32
  }
  func.func @transform_1(%arg0: i32, %arg1: i32) -> (i32, i32, i32) {
    %c0_i32 = arith.constant 0 : i32
    %c0_i32_0 = arith.constant 0 : i32
    %c0_i32_1 = arith.constant 0 : i32
    return %arg0, %c0_i32, %c0_i32_0 : i32, i32, i32
  }
  func.func @transform_2(%arg0: i32, %arg1: i32) -> (i32, i32, i32) {
    %c0_i32 = arith.constant 0 : i32
    %c0_i32_0 = arith.constant 0 : i32
    return %arg0, %arg1, %c0_i32 : i32, i32, i32
  }
  func.func @transform_3(%arg0: i32, %arg1: i32) -> (i32, i32) {
    %c0_i32 = arith.constant 0 : i32
    %c0_i32_0 = arith.constant 0 : i32
    %c0_i32_1 = arith.constant 0 : i32
    return %c0_i32, %c0_i32_0 : i32, i32
  }
  func.func @transform_4(%arg0: i32, %arg1: i32) -> (i32, i32) {
    %c0_i32 = arith.constant 0 : i32
    %c0_i32_0 = arith.constant 0 : i32
    %c0_i32_1 = arith.constant 0 : i32
    return %c0_i32, %c0_i32_0 : i32, i32
  }
  func.func @transform_5(%arg0: i32, %arg1: i32) -> (i32, i32) {
    %c0_i32 = arith.constant 0 : i32
    %c0_i32_0 = arith.constant 0 : i32
    %c0_i32_1 = arith.constant 0 : i32
    return %c0_i32, %c0_i32_0 : i32, i32
  }
  func.func @transform_6(%arg0: i32, %arg1: i32) -> (i32, i32) {
    %c0_i32 = arith.constant 0 : i32
    %c0_i32_0 = arith.constant 0 : i32
    %c0_i32_1 = arith.constant 0 : i32
    return %c0_i32, %c0_i32_0 : i32, i32
  }
  func.func @transform_7(%arg0: i32, %arg1: i32) -> (i32, i32, i32) {
    %c0_i32 = arith.constant 0 : i32
    %c0_i32_0 = arith.constant 0 : i32
    return %arg0, %arg1, %c0_i32 : i32, i32, i32
  }
}

</mosaic_0001>

<sc_bundles>
// kernel: kernel.18.cloned.1.call-start
scs
__scs_entry_jumppad:
0x0: {  	(pc) =	sbr.rel $0x88, $3  }
0x1: {  	(tag) =	ssettag $0x0;
	lr =	simm.s32 $0x1  }
0x2: {  	[smem:$0x3F93] =	sst lr;
	_ =	strace $0xD0000000  }
0x3: {  	_ = 	snop  }
0x4: {  	_ = 	snop  }
0x5: {  	_ = 	snop  }
0x6: {  	_ = 	snop  }
0x7: {  	_ = 	snop  }
__scs_overlays_trampoline_lowered:
0x8: {  	[smem:$0x3FA2] =	sst s0  }
0x9: {  	[smem:$0x3FA3] =	sst s1  }
0xa: {  	[smem:$0x3FA4] =	sst s2  }
0xb: {  	[smem:$0x3FA5] =	sst s3  }
0xc: {  	[smem:$0x3FA6] =	sst s4  }
0xd: {  	[smem:$0x3FA7] =	sst s5  }
0xe: {  	[smem:$0x3FA8] =	sst s6  }
0xf: {  	[smem:$0x3FA9] =	sst s7  }
0x10: {  	[smem:$0x3FAA] =	sst s8  }
0x11: {  	[smem:$0x3FAB] =	sst s9;
	s0 =	simm.s32 @!p0 $0x0  }
0x12: {  	s1 =	sld [smem:$0x3F91];
	s0 =	simm.s32 @p0 $0x1  }
0x13: {  	[smem:$0x3FAC] =	sst s0;
	s0 =	simm.s32 @!p1 $0x0  }
0x14: {  	s2 =	sld [smem:$0x3F90];
	s0 =	simm.s32 @p1 $0x1  }
0x15: {  	[smem:$0x3FAD] =	sst s0;
	s0 =	simm.s32 @!p2 $0x0  }
0x16: {  	s3 =	sld [smem:$0x3FDB];
	s0 =	simm.s32 @p2 $0x1  }
0x17: {  	s4 =	simm.s32 $0x1BF5;
	[smem:$0x3FAF] =	sst s0  }
0x18: {  	s0 =	sld [smem:$0x3F92];
	_ =	swait.ge [sflag:s4], $0x0  }
0x19: {  	s7 =	sld [smem:$0x3F93]  }
0x1a: {  	s8 =	sadd.s32 $0xFFFFE003, lr  }
0x1b: {  	s9 =	sadd.s32 $0xFFFFFEF7, lr;
	s5 =	simm.s32 $0xFFFFFFFF;
	p2 =	slt.u32 s8, $0xFFFFF086  }
0x1c: {  	p1 =	slt.u32 s9, $0xF7A;
	s5 =	simm.s32 @!p2 $0x0  }
0x1d: {  	s5 =	simm.s32 @p1 $0x1;
	p0 =	seq.s32 s7, s2  }
0x1e: {  	s7 =	smul.u32 @!p0 $0xF7A, s2;
	p2 =	seq.s32 @!p0 s5, $0x0  }
0x1f: {  	s9 =	smul.u32 $0xF7A, s1;
	s8 =	simm.s32 @!p0 $0x1BF5;
	p2 =	por !p2, p0  }
0x20: {  	[sflag:s8] =	ssyncset.s32 @!p0 $0xFFFFF086;
	s6 =	sadd.s32 @!p0 s3, s7;
	s7 =	simm.s32 @!p0 $0x108  }
0x21: {  	s3 =	sadd.s32 s3, s9;
	s6 =	sadd.s32 @!p0 $0x88, s6;
	s7 =	simm.s32 @p2 $0x1082  }
0x22: {  	[simem:s7], [sflag:s8] =	dma.local @!p0 [hbm:s6], $0xF7A  }
0x23: {  	s9 =	sor.u32 $0xD0000000, s2;
	s6 =	simm.s32 $0x108;
	_ =	swait.ge @!p0 [sflag:s8], $0x0  }
0x24: {  	s3 =	sadd.s32 $0x88, s3;
	s6 =	simm.s32 @!p1 $0x1082;
	[sflag:s4] =	ssyncset.s32 $0xFFFFF086  }
0x25: {  	[simem:s6], [sflag:s4] =	dma.local [hbm:s3], $0xF7A  }
0x26: {  	[smem:$0x3F93] =	sst s1;
	(tag) =	ssettag s2;
	_ =	strace s9  }
0x27: {  	s1 =	sld [smem:$0x3FA3]  }
0x28: {  	s2 =	sld [smem:$0x3FA4]  }
0x29: {  	s4 =	sld [smem:$0x3FA6]  }
0x2a: {  	p0 =	seq.s32 s5, $0x0;
	s5 =	sld [smem:$0x3FA7]  }
0x2b: {  	s6 =	sld [smem:$0x3FA8]  }
0x2c: {  	s7 =	sld [smem:$0x3FA9]  }
0x2d: {  	s3 =	simm.s32 $0x108;
	s8 =	sld [smem:$0x3FAA]  }
0x2e: {  	s3 =	simm.s32 @!p0 $0x1082;
	s9 =	sld [smem:$0x3FAB]  }
0x2f: {  	lr =	sadd.s32 s0, s3;
	s0 =	sld [smem:$0x3FA2]  }
0x30: {  	s3 =	sld [smem:$0x3FA5]  }
0x31: {  	[smem:$0x3FAE] =	sst s10  }
0x32: {  	s10 =	sld [smem:$0x3FAC];
	_ =	sdelay $0x3  }
0x33: {  	p0 =	seq.s32 s10, $0x1;
	s10 =	sld [smem:$0x3FAE];
	_ =	sdelay $0x3  }
0x34: {  	[smem:$0x3FAE] =	sst s10  }
0x35: {  	s10 =	sld [smem:$0x3FAD];
	_ =	sdelay $0x3  }
0x36: {  	p1 =	seq.s32 s10, $0x1;
	s10 =	sld [smem:$0x3FAE];
	_ =	sdelay $0x3  }
0x37: {  	[smem:$0x3FAE] =	sst s10  }
0x38: {  	s10 =	sld [smem:$0x3FAF]  }
0x39: {  	_ = 	snop;
	(pc) =	sbr.ind lr, $3  }
0x3a: {  	_ = 	snop  }
0x3b: {  	_ = 	snop  }
0x3c: {  	p2 =	seq.s32 s10, $0x1;
	s10 =	sld [smem:$0x3FAE]  }
0x3d: {  	_ =	shalt  }
0x3e: {  	_ =	shalt  }
0x3f: {  	_ =	shalt  }
0x40: {  	_ =	shalt  }
0x41: {  	_ =	shalt  }
0x42: {  	_ =	shalt  }
0x43: {  	_ =	shalt  }
0x44: {  	_ =	shalt  }
0x45: {  	_ =	shalt  }
0x46: {  	_ =	shalt  }
0x47: {  	_ =	shalt  }
0x48: {  	_ =	shalt  }
0x49: {  	_ =	shalt  }
0x4a: {  	_ =	shalt  }
0x4b: {  	_ =	shalt  }
0x4c: {  	_ =	shalt  }
0x4d: {  	_ =	shalt  }
0x4e: {  	_ =	shalt  }
0x4f: {  	_ =	shalt  }
0x50: {  	_ =	shalt  }
0x51: {  	_ =	shalt  }
0x52: {  	_ =	shalt  }
0x53: {  	_ =	shalt  }
0x54: {  	_ =	shalt  }
0x55: {  	_ =	shalt  }
0x56: {  	_ =	shalt  }
0x57: {  	_ =	shalt  }
0x58: {  	_ =	shalt  }
0x59: {  	_ =	shalt  }
0x5a: {  	_ =	shalt  }
0x5b: {  	_ =	shalt  }
0x5c: {  	_ =	shalt  }
0x5d: {  	_ =	shalt  }
0x5e: {  	_ =	shalt  }
0x5f: {  	_ =	shalt  }
0x60: {  	_ =	shalt  }
0x61: {  	_ =	shalt  }
0x62: {  	_ =	shalt  }
0x63: {  	_ =	shalt  }
0x64: {  	_ =	shalt  }
0x65: {  	_ =	shalt  }
0x66: {  	_ =	shalt  }
0x67: {  	_ =	shalt  }
0x68: {  	_ =	shalt  }
0x69: {  	_ =	shalt  }
0x6a: {  	_ =	shalt  }
0x6b: {  	_ =	shalt  }
0x6c: {  	_ =	shalt  }
0x6d: {  	_ =	shalt  }
0x6e: {  	_ =	shalt  }
0x6f: {  	_ =	shalt  }
0x70: {  	_ =	shalt  }
0x71: {  	_ =	shalt  }
0x72: {  	_ =	shalt  }
0x73: {  	_ =	shalt  }
0x74: {  	_ =	shalt  }
0x75: {  	_ =	shalt  }
0x76: {  	_ =	shalt  }
0x77: {  	_ =	shalt  }
0x78: {  	_ =	shalt  }
0x79: {  	_ =	shalt  }
0x7a: {  	_ =	shalt  }
0x7b: {  	_ =	shalt  }
0x7c: {  	_ =	shalt  }
0x7d: {  	_ =	shalt  }
0x7e: {  	_ =	shalt  }
0x7f: {  	_ =	shalt  }
0x80: {  	_ =	shalt  }
0x81: {  	_ =	shalt  }
0x82: {  	_ =	shalt  }
0x83: {  	_ =	shalt  }
0x84: {  	_ =	shalt  }
0x85: {  	_ =	shalt  }
0x86: {  	_ =	shalt  }
0x87: {  	_ =	shalt  }
.Lfunc_end0:
.L_simem_size_0:
called_computation_lowered:
.L_overlay_start_0:
0x88: {  	s2 =	sld [smem:$0x3FD9]  }
0x89: {  	s3 =	sld [smem:$0x3FFE];
	_ =	sdelay $0x1  }
0x8a: {  	s1 =	srdreg.scid  }
0x8b: {  	s0 =	sand.u32 $0x1, s1  }
0x8c: {  	s16 =	sshll.u32 s0, $0xA;
	s2 =	sadd.s32 s3, s2  }
0x8d: {  	s2 =	sadd.s32 s2, s16  }
0x8e: {  	[smem:$0x3FBA] =	sst s2  }
0x8f: {  	_ = 	snop  }
0x90: {  	(tm) =	ssettm $0x1  }
0x91: {  	s17 =	sld [smem:$0x3FFB];
	_ =	sdelay $0x3  }
0x92: {  	_ =	strace s17  }
0x93: {  	s2 =	sld [smem:$0x3FFC];
	_ =	sdelay $0x3  }
0x94: {  	_ =	strace s2  }
0x95: {  	s2 =	sld [smem:$0x3FFD];
	_ =	sdelay $0x3  }
0x96: {  	_ =	strace s2  }
0x97: {  	_ =	strace $0x8FFFFFFF  }
0x98: {  	s18 =	sld [smem:$0x3FDB];
	_ =	sdelay $0x1  }
0x99: {  	s19 =	simm.s32 $_scs_section_size  }
0x9a: {  	s4 =	simm.s32 $_size__tile_overlayer_lowered;
	s5 =	simm.s32 $_tile_overlayer_lowered  }
0x9b: {  	s22 =	simm.s32 $0x1BFF;
	s21 =	sshll.u32 s5, $0x1;
	s2 =	sadd.s32 s19, s18  }
0x9c: {  	s6 =	simm.s32 $0x0;
	s20 =	sshll.u32 s4, $0x1;
	s4 =	sadd.s32 s21, s2  }
0x9d: {  	[timem:s6], [sflag:s22] =	dma.local [hbm:s4], s20  }
0x9e: {  	_ =	swait.ge [sflag:s22], s20  }
0x9f: {  	s3 =	ssub.s32 $0x0, s20;
	[sflag:s22] =	ssyncset.done $0x0  }
0xa0: {  	[sflag:s22] =	ssyncadd.s32 s3;
	_ =	sdelay $0x1  }
0xa1: {  	s23 =	simm.s32 $0x1B8B  }
0xa2: {  	_ =	swait.ge [sflag:s23], $0x1  }
0xa3: {  	[sflag:s23] =	ssyncset.done $0x0  }
0xa4: {  	s25 =	simm.s32 $0x1B8E;
	s24 =	sld [smem:$0x3FFE];
	[sflag:s23] =	ssyncadd.s32 $0xFFFFFFFF  }
0xa5: {  	s26 =	simm.s32 $execute0_lowered;
	[smem:$0x3FD2] =	sst s25  }
0xa6: {  	s4 =	sshll.u32 s26, $0x1;
	_ =	strace $0x80000046;
	[dreg:$0x1] =	wrdreg $0xFFFFFFFF  }
0xa7: {  	s28 =	simm.s32 $_size_execute0_lowered;
	s2 =	sadd.s32 s2, s4;
	[dreg:$0x0] =	wrdreg $0x0  }
0xa8: {  	s4 =	sshll.u32 s28, $0x1;
	[dreg:$0x2] =	wrdreg s2  }
0xa9: {  	[dreg:$0x3] =	wrdreg s4  }
0xaa: {  	[dreg:$0x4] =	wrdreg $0xC0  }
0xab: {  	_ =	task [dreg:s6], $0x5FFFF  }
0xac: {  	[dreg:$0x1] =	wrdreg $0xFFFFFFFF  }
0xad: {  	[dreg:$0x0] =	wrdreg $0x60  }
0xae: {  	[dreg:$0x2] =	wrdreg s24  }
0xaf: {  	[dreg:$0x3] =	wrdreg $0x9  }
0xb0: {  	_ =	task.clear_ibuf [dreg:s6], $0x4FFFF;
	_ =	strace $0x90000046  }
0xb1: {  	s29 =	simm.s32 $0x9;
	_ =	strace $0x80000048  }
0xb2: {  	_ =	swait.ge [sflag:s29], $0x1  }
0xb3: {  	[sflag:s29] =	ssyncadd.s32 $0xFFFFFFFF  }
0xb4: {  	_ =	strace $0x90000048  }
0xb5: {  	_ =	sfence  }
0xb6: {  	s30 =	sld [smem:$0x0];
	_ =	sdelay $0x2  }
0xb7: {  	s31 =	sshll.u32 s1, $0xD;
	s1 =	sshrl.u32 s1, $0x2  }
0xb8: {  	s3 =	sand.u32 $0x4000, s31;
	s1 =	sadd.s32 s1, s30  }
0xb9: {  	s0 =	sor.u32 s3, s0;
	s1 =	sshll.u32 s1, $0x11  }
0xba: {  	s0 =	sor.u32 s1, s0  }
0xbb: {  	s0 =	sadd.s32 $0x8F2B, s0  }
0xbc: {  	[sflag:s0] =	ssyncadd.remote.s32 $0x1  }
0xbd: {  	_ =	sfence.sel $0xFFFF  }
0xbe: {  	[dreg:$0x0] =	wrdreg $0xFFFFFFFF;
	(pc) =	sbr.abs _section_cstart, $3  }
0xbf: {  	[dreg:$0x1] =	wrdreg $0xFFFFFFFF  }
0xc0: {  	_ =	task.clear_ibuf [dreg:s6], $0x2FFFF;
	_ =	strace $0x9FFFFFFF  }
0xc1: {  	(tm) =	ssettm $0x7FFFFFFF  }
tec
execute0_lowered:
.L_overlay_start_1:
0x0: {  	(tag) =	ssettag $0x1  }
0x1: {  	s4 =	rddreg [dreg:$0x0]  }
0x2: {  	s0 =	rddreg [dreg:$0x1];
	s2 =	simm.s32 $0x0;
	s3 =	srdreg.scid  }
0x3: {  	s1 =	stileid.u32;
	s10 =	simm.s32 $0x0;
	[smem:$0x7FF] =	sst s2  }
0x4: {  	s5 =	sand.u32 $0x1, s3;
	s6 =	sshll.u32 s1, $0xC;
	s3 =	sadd.s32 $0x15E00, s4  }
0x5: {  	s8 =	sshll.u32 s1, $0x10;
	_ =	strace $0x80000047;
	s7 =	sshll.u32 s5, $0xB  }
0x6: {  	s31 =	ssub.s32 $0x2, s5;
	s8 =	sadd.s32 s8, s4;
	s5 =	sshll.u32 s5, $0xF  }
0x7: {  	s6 =	sor.u32 s7, s6;
	s9 =	sshrl.u32 s31, $0x1;
	s5 =	sadd.s32 s5, s8  }
0x8: {  	s8 =	simm.s32 $0x80;
	s6 =	sshrl.u32 s6, $0x3;
	s7 =	ssub.s32 s31, s9  }
0x9: {  	s5 =	sadd.s32 $0x27E00, s5;
	s9 =	simm.s32 $0x1;
	s6 =	sadd.s32 s6, s4  }
0xa: {  	s4 =	smax.u32 s7, $0x1;
	s7 =	simm.s32 $0x2;
	s6 =	sadd.s32 $0x25E00, s6  }
.LBB2_1:
0xb: {  	s11 =	sadd.s32 $0x0, s6  }
0xc: {  	[tilespmem:s2], [sflag:$0x2] =	stream.linear.gather [hbm4b:s11+s2], $0x80, $0x38;
	[tilespmem:$0x4080] =	vst v63  }
0xd: {  	_ =	swait.ge [sflag:s7], $0x80  }
0xe: {  	[sflag:s7] =	ssyncset.done $0x0  }
0xf: {  	[sflag:s7] =	ssyncadd.s32 $0xFFFFFF80  }
0x10: {  	[tilespmem:s8], [sflag:$0x1] =	stream.indirect.gather [hbm4b:s3+s8], $0x80, s2, s8, $0xb8;
	[tilespmem:$0x4080] =	vst v63  }
0x11: {  	_ =	swait.ge [sflag:s9], $0x4000  }
0x12: {  	[sflag:s9] =	ssyncset.done $0x0  }
0x13: {  	[sflag:s9] =	ssyncadd.s32 $0xFFFFC000  }
0x14: {  	[hbm4b:s5+s2] =	stream.linear.scatter [tilespmem:s8], [sflag:$0x2], $0x4000, $0x38;
	[tilespmem:$0x4080] =	vst v63  }
0x15: {  	s12 =	simm.s32 $0x10;
	_ =	swait.ge [sflag:s7], $0x4000  }
0x16: {  	s13 =	simm.s32 $0x20;
	s11 =	sadd.s32 $0x800, s5;
	[sflag:s7] =	ssyncset.done $0x0  }
.LBB2_2:
0x17: {  	s14 =	sadd.s32 s12, s6  }
0x18: {  	[sflag:s7] =	ssyncadd.s32 $0xFFFFC000;
	s12 =	smov.u32 s13;
	s15 =	sadd.s32 $0x10, s13  }
0x19: {  	[tilespmem:s2], [sflag:$0x2] =	stream.linear.gather [hbm4b:s14+s2], $0x80, $0x38;
	[tilespmem:$0x4080] =	vst v63  }
0x1a: {  	p0 =	sne.s32 s13, $0xF0;
	_ =	swait.ge [sflag:s7], $0x80  }
0x1b: {  	[sflag:s7] =	ssyncset.done $0x0  }
0x1c: {  	[sflag:s7] =	ssyncadd.s32 $0xFFFFFF80  }
0x1d: {  	[tilespmem:s8], [sflag:$0x1] =	stream.indirect.gather [hbm4b:s3+s8], $0x80, s2, s8, $0xb8;
	[tilespmem:$0x4080] =	vst v63  }
0x1e: {  	_ =	swait.ge [sflag:s9], $0x4000  }
.Ltmp0:
0x1f: {  	[sflag:s9] =	ssyncset.done $0x0;
	(pc) =	sbr.rel @p0 .LBB2_2-.Ltmp0, $4  }
0x20: {  	[sflag:s9] =	ssyncadd.s32 $0xFFFFC000  }
0x21: {  	[hbm4b:s11+s2] =	stream.linear.scatter [tilespmem:s8], [sflag:$0x2], $0x4000, $0x38;
	[tilespmem:$0x4080] =	vst v63  }
0x22: {  	_ =	swait.ge [sflag:s7], $0x4000  }
0x23: {  	s13 =	smov.u32 s15;
	s11 =	sadd.s32 $0x800, s11;
	[sflag:s7] =	ssyncset.done $0x0  }
0x24: {  	s12 =	sadd.s32 s12, s6;
	[sflag:s7] =	ssyncadd.s32 $0xFFFFC000  }
0x25: {  	[tilespmem:s2], [sflag:$0x2] =	stream.linear.gather [hbm4b:s12+s2], $0x80, $0x38;
	[tilespmem:$0x4080] =	vst v63  }
0x26: {  	_ =	swait.ge [sflag:s7], $0x80  }
0x27: {  	[sflag:s7] =	ssyncset.done $0x0  }
0x28: {  	[sflag:s7] =	ssyncadd.s32 $0xFFFFFF80  }
0x29: {  	[tilespmem:s8], [sflag:$0x1] =	stream.indirect.gather [hbm4b:s3+s8], $0x80, s2, s8, $0xb8;
	[tilespmem:$0x4080] =	vst v63  }
0x2a: {  	s10 =	sadd.s32 $0x1, s10;
	_ =	swait.ge [sflag:s9], $0x4000  }
0x2b: {  	p0 =	sne.s32 s10, s4;
	[sflag:s9] =	ssyncset.done $0x0  }
.Ltmp1:
0x2c: {  	[sflag:s9] =	ssyncadd.s32 $0xFFFFC000;
	(pc) =	sbr.rel @p0 .LBB2_1-.Ltmp1, $4  }
0x2d: {  	[hbm4b:s11+s2] =	stream.linear.scatter [tilespmem:s8], [sflag:$0x2], $0x4000, $0x38;
	[tilespmem:$0x4080] =	vst v63  }
0x2e: {  	_ =	swait.ge [sflag:s7], $0x4000  }
0x2f: {  	[sflag:s7] =	ssyncset.done $0x0  }
0x30: {  	[sflag:s7] =	ssyncadd.s32 $0xFFFFC000  }
0x31: {  	_ =	sfence.sel $0x180000  }
0x32: {  	[bflag:$0x0] =	sbarrier.arrive $0xFFFF  }
0x33: {  	p0 =	sne.s32 s1, $0x0;
	_ =	strace $0x90000047  }
0x34: {  	s0 =	sadd.s32 @!p0 $0x100000, s0;
	[bflag:$0x2] =	sbarrier.arrive $0xFFFF  }
0x35: {  	[sflag:s0] =	ssyncadd.tile.s32 @!p0 $0x1;
	_ =	shalt  }
.Lfunc_end2:
_tile_overlayer_lowered:
.L_overlay_start_2:
0x36: {  	(tag) =	ssettag $0x2  }
0x37: {  	s0 =	rddreg [dreg:$0x0];
	s2 =	stileid.u32  }
0x38: {  	s1 =	rddreg [dreg:$0x1];
	p0 =	sne.s32 s2, $0x0  }
0x39: {  	s3 =	rddreg [dreg:$0x2];
	[bflag:$0x3] =	sbarrier.arrive $0xFFFF;
	s2 =	simm.s32 @!p0 $0x1C02  }
0x3a: {  	[timem:s3], [sflag:s2] =	dma.local @!p0 [hbm:s0], s1  }
0x3b: {  	s0 =	simm.s32 @!p0 $0x2  }
0x3c: {  	_ =	swait.ge @!p0 [sflag:s0], s1  }
0x3d: {  	s1 =	ssub.s32 @!p0 $0x0, s1;
	[sflag:s0] =	ssyncset.done @!p0 $0x0  }
0x3e: {  	[sflag:s0] =	ssyncadd.s32 @!p0 s1  }
0x3f: {  	[bflag:$0x3] =	sbarrier.arrive $0xFFFF  }
0x40: {  	_ =	shalt  }

// kernel: kernel.21.cloned.1.call-start
scs
__scs_entry_jumppad:
0x0: {  	(pc) =	sbr.rel $0x88, $3  }
0x1: {  	(tag) =	ssettag $0x0;
	lr =	simm.s32 $0x1  }
0x2: {  	[smem:$0x3F93] =	sst lr;
	_ =	strace $0xD0000000  }
0x3: {  	_ = 	snop  }
0x4: {  	_ = 	snop  }
0x5: {  	_ = 	snop  }
0x6: {  	_ = 	snop  }
0x7: {  	_ = 	snop  }
__scs_overlays_trampoline_lowered:
0x8: {  	[smem:$0x3FA2] =	sst s0  }
0x9: {  	[smem:$0x3FA3] =	sst s1  }
0xa: {  	[smem:$0x3FA4] =	sst s2  }
0xb: {  	[smem:$0x3FA5] =	sst s3  }
0xc: {  	[smem:$0x3FA6] =	sst s4  }
0xd: {  	[smem:$0x3FA7] =	sst s5  }
0xe: {  	[smem:$0x3FA8] =	sst s6  }
0xf: {  	[smem:$0x3FA9] =	sst s7  }
0x10: {  	[smem:$0x3FAA] =	sst s8  }
0x11: {  	[smem:$0x3FAB] =	sst s9;
	s0 =	simm.s32 @!p0 $0x0  }
0x12: {  	s1 =	sld [smem:$0x3F91];
	s0 =	simm.s32 @p0 $0x1  }
0x13: {  	[smem:$0x3FAC] =	sst s0;
	s0 =	simm.s32 @!p1 $0x0  }
0x14: {  	s2 =	sld [smem:$0x3F90];
	s0 =	simm.s32 @p1 $0x1  }
0x15: {  	[smem:$0x3FAD] =	sst s0;
	s0 =	simm.s32 @!p2 $0x0  }
0x16: {  	s3 =	sld [smem:$0x3FDB];
	s0 =	simm.s32 @p2 $0x1  }
0x17: {  	s4 =	simm.s32 $0x1BF5;
	[smem:$0x3FAF] =	sst s0  }
0x18: {  	s0 =	sld [smem:$0x3F92];
	_ =	swait.ge [sflag:s4], $0x0  }
0x19: {  	s7 =	sld [smem:$0x3F93]  }
0x1a: {  	s8 =	sadd.s32 $0xFFFFE003, lr  }
0x1b: {  	s9 =	sadd.s32 $0xFFFFFEF7, lr;
	s5 =	simm.s32 $0xFFFFFFFF;
	p2 =	slt.u32 s8, $0xFFFFF086  }
0x1c: {  	p1 =	slt.u32 s9, $0xF7A;
	s5 =	simm.s32 @!p2 $0x0  }
0x1d: {  	s5 =	simm.s32 @p1 $0x1;
	p0 =	seq.s32 s7, s2  }
0x1e: {  	s7 =	smul.u32 @!p0 $0xF7A, s2;
	p2 =	seq.s32 @!p0 s5, $0x0  }
0x1f: {  	s9 =	smul.u32 $0xF7A, s1;
	s8 =	simm.s32 @!p0 $0x1BF5;
	p2 =	por !p2, p0  }
0x20: {  	[sflag:s8] =	ssyncset.s32 @!p0 $0xFFFFF086;
	s6 =	sadd.s32 @!p0 s3, s7;
	s7 =	simm.s32 @!p0 $0x108  }
0x21: {  	s3 =	sadd.s32 s3, s9;
	s6 =	sadd.s32 @!p0 $0x88, s6;
	s7 =	simm.s32 @p2 $0x1082  }
0x22: {  	[simem:s7], [sflag:s8] =	dma.local @!p0 [hbm:s6], $0xF7A  }
0x23: {  	s9 =	sor.u32 $0xD0000000, s2;
	s6 =	simm.s32 $0x108;
	_ =	swait.ge @!p0 [sflag:s8], $0x0  }
0x24: {  	s3 =	sadd.s32 $0x88, s3;
	s6 =	simm.s32 @!p1 $0x1082;
	[sflag:s4] =	ssyncset.s32 $0xFFFFF086  }
0x25: {  	[simem:s6], [sflag:s4] =	dma.local [hbm:s3], $0xF7A  }
0x26: {  	[smem:$0x3F93] =	sst s1;
	(tag) =	ssettag s2;
	_ =	strace s9  }
0x27: {  	s1 =	sld [smem:$0x3FA3]  }
0x28: {  	s2 =	sld [smem:$0x3FA4]  }
0x29: {  	s4 =	sld [smem:$0x3FA6]  }
0x2a: {  	p0 =	seq.s32 s5, $0x0;
	s5 =	sld [smem:$0x3FA7]  }
0x2b: {  	s6 =	sld [smem:$0x3FA8]  }
0x2c: {  	s7 =	sld [smem:$0x3FA9]  }
0x2d: {  	s3 =	simm.s32 $0x108;
	s8 =	sld [smem:$0x3FAA]  }
0x2e: {  	s3 =	simm.s32 @!p0 $0x1082;
	s9 =	sld [smem:$0x3FAB]  }
0x2f: {  	lr =	sadd.s32 s0, s3;
	s0 =	sld [smem:$0x3FA2]  }
0x30: {  	s3 =	sld [smem:$0x3FA5]  }
0x31: {  	[smem:$0x3FAE] =	sst s10  }
0x32: {  	s10 =	sld [smem:$0x3FAC];
	_ =	sdelay $0x3  }
0x33: {  	p0 =	seq.s32 s10, $0x1;
	s10 =	sld [smem:$0x3FAE];
	_ =	sdelay $0x3  }
0x34: {  	[smem:$0x3FAE] =	sst s10  }
0x35: {  	s10 =	sld [smem:$0x3FAD];
	_ =	sdelay $0x3  }
0x36: {  	p1 =	seq.s32 s10, $0x1;
	s10 =	sld [smem:$0x3FAE];
	_ =	sdelay $0x3  }
0x37: {  	[smem:$0x3FAE] =	sst s10  }
0x38: {  	s10 =	sld [smem:$0x3FAF]  }
0x39: {  	_ = 	snop;
	(pc) =	sbr.ind lr, $3  }
0x3a: {  	_ = 	snop  }
0x3b: {  	_ = 	snop  }
0x3c: {  	p2 =	seq.s32 s10, $0x1;
	s10 =	sld [smem:$0x3FAE]  }
0x3d: {  	_ =	shalt  }
0x3e: {  	_ =	shalt  }
0x3f: {  	_ =	shalt  }
0x40: {  	_ =	shalt  }
0x41: {  	_ =	shalt  }
0x42: {  	_ =	shalt  }
0x43: {  	_ =	shalt  }
0x44: {  	_ =	shalt  }
0x45: {  	_ =	shalt  }
0x46: {  	_ =	shalt  }
0x47: {  	_ =	shalt  }
0x48: {  	_ =	shalt  }
0x49: {  	_ =	shalt  }
0x4a: {  	_ =	shalt  }
0x4b: {  	_ =	shalt  }
0x4c: {  	_ =	shalt  }
0x4d: {  	_ =	shalt  }
0x4e: {  	_ =	shalt  }
0x4f: {  	_ =	shalt  }
0x50: {  	_ =	shalt  }
0x51: {  	_ =	shalt  }
0x52: {  	_ =	shalt  }
0x53: {  	_ =	shalt  }
0x54: {  	_ =	shalt  }
0x55: {  	_ =	shalt  }
0x56: {  	_ =	shalt  }
0x57: {  	_ =	shalt  }
0x58: {  	_ =	shalt  }
0x59: {  	_ =	shalt  }
0x5a: {  	_ =	shalt  }
0x5b: {  	_ =	shalt  }
0x5c: {  	_ =	shalt  }
0x5d: {  	_ =	shalt  }
0x5e: {  	_ =	shalt  }
0x5f: {  	_ =	shalt  }
0x60: {  	_ =	shalt  }
0x61: {  	_ =	shalt  }
0x62: {  	_ =	shalt  }
0x63: {  	_ =	shalt  }
0x64: {  	_ =	shalt  }
0x65: {  	_ =	shalt  }
0x66: {  	_ =	shalt  }
0x67: {  	_ =	shalt  }
0x68: {  	_ =	shalt  }
0x69: {  	_ =	shalt  }
0x6a: {  	_ =	shalt  }
0x6b: {  	_ =	shalt  }
0x6c: {  	_ =	shalt  }
0x6d: {  	_ =	shalt  }
0x6e: {  	_ =	shalt  }
0x6f: {  	_ =	shalt  }
0x70: {  	_ =	shalt  }
0x71: {  	_ =	shalt  }
0x72: {  	_ =	shalt  }
0x73: {  	_ =	shalt  }
0x74: {  	_ =	shalt  }
0x75: {  	_ =	shalt  }
0x76: {  	_ =	shalt  }
0x77: {  	_ =	shalt  }
0x78: {  	_ =	shalt  }
0x79: {  	_ =	shalt  }
0x7a: {  	_ =	shalt  }
0x7b: {  	_ =	shalt  }
0x7c: {  	_ =	shalt  }
0x7d: {  	_ =	shalt  }
0x7e: {  	_ =	shalt  }
0x7f: {  	_ =	shalt  }
0x80: {  	_ =	shalt  }
0x81: {  	_ =	shalt  }
0x82: {  	_ =	shalt  }
0x83: {  	_ =	shalt  }
0x84: {  	_ =	shalt  }
0x85: {  	_ =	shalt  }
0x86: {  	_ =	shalt  }
0x87: {  	_ =	shalt  }
.Lfunc_end0:
.L_simem_size_0:
called_computation.1_lowered:
.L_overlay_start_0:
0x88: {  	s2 =	sld [smem:$0x3FD9]  }
0x89: {  	s3 =	sld [smem:$0x3FFE];
	_ =	sdelay $0x1  }
0x8a: {  	s1 =	srdreg.scid  }
0x8b: {  	s0 =	sand.u32 $0x1, s1  }
0x8c: {  	s17 =	sshll.u32 s0, $0xA;
	s2 =	sadd.s32 s3, s2  }
0x8d: {  	s2 =	sadd.s32 s2, s17  }
0x8e: {  	[smem:$0x3FBA] =	sst s2  }
0x8f: {  	_ = 	snop  }
0x90: {  	(tm) =	ssettm $0x1  }
0x91: {  	s18 =	sld [smem:$0x3FFB];
	_ =	sdelay $0x3  }
0x92: {  	_ =	strace s18  }
0x93: {  	s2 =	sld [smem:$0x3FFC];
	_ =	sdelay $0x3  }
0x94: {  	_ =	strace s2  }
0x95: {  	s2 =	sld [smem:$0x3FFD];
	_ =	sdelay $0x3  }
0x96: {  	_ =	strace s2  }
0x97: {  	_ =	strace $0x8FFFFFFF  }
0x98: {  	s19 =	sld [smem:$0x3FDB];
	_ =	sdelay $0x1  }
0x99: {  	s20 =	simm.s32 $_scs_section_size  }
0x9a: {  	s4 =	simm.s32 $_size__tile_overlayer_lowered;
	s5 =	simm.s32 $_tile_overlayer_lowered  }
0x9b: {  	s6 =	simm.s32 $0x1BFF;
	s21 =	sshll.u32 s5, $0x1;
	s3 =	sadd.s32 s20, s19  }
0x9c: {  	s22 =	simm.s32 $0x0;
	s4 =	sshll.u32 s4, $0x1;
	s5 =	sadd.s32 s21, s3  }
0x9d: {  	[timem:s22], [sflag:s6] =	dma.local [hbm:s5], s4  }
0x9e: {  	_ =	swait.ge [sflag:s6], s4  }
0x9f: {  	s4 =	ssub.s32 $0x0, s4;
	[sflag:s6] =	ssyncset.done $0x0  }
0xa0: {  	[sflag:s6] =	ssyncadd.s32 s4;
	_ =	sdelay $0x1  }
0xa1: {  	s23 =	simm.s32 $0x1B8B  }
0xa2: {  	_ =	swait.ge [sflag:s23], $0x1  }
0xa3: {  	[sflag:s23] =	ssyncset.done $0x0  }
0xa4: {  	[sflag:s23] =	ssyncadd.s32 $0xFFFFFFFF  }
0xa5: {  	s4 =	sld [smem:$0x0]  }
0xa6: {  	s5 =	sand.u32 $0xFFFFFFFE, s1  }
0xa7: {  	p0 =	sne.s32 s1, s5  }
0xa8: {  	s5 =	sshll.u32 @p0 s5, $0xE  }
0xa9: {  	s5 =	sadd.s32 @p0 $0x11B8D, s5;
	s6 =	sshll.u32 @p0 s4, $0x11  }
0xaa: {  	s5 =	sor.u32 @p0 s6, s5  }
0xab: {  	[sflag:s5] =	ssyncadd.remote.s32 @p0 $0x1;
	_ =	sdelay $0x1  }
0xac: {  	s5 =	simm.s32 @p0 $0x1B8D  }
0xad: {  	_ =	swait.eq @p0 [sflag:s5], $0x1  }
0xae: {  	[sflag:s5] =	ssyncadd.s32 @p0 $0xFFFFFFFF  }
0xaf: {  	s6 =	sshll.u32 @!p0 s1, $0xE  }
0xb0: {  	s6 =	sor.u32 @!p0 $0x4000, s6;
	s5 =	simm.s32 @!p0 $0x1B8D  }
0xb1: {  	s4 =	sshll.u32 @!p0 s4, $0x11;
	s6 =	sadd.s32 @!p0 $0x11B8D, s6;
	_ =	swait.eq @!p0 [sflag:s5], $0x1  }
0xb2: {  	s4 =	sor.u32 @!p0 s4, s6;
	[sflag:s5] =	ssyncadd.s32 @!p0 $0xFFFFFFFF  }
0xb3: {  	s25 =	simm.s32 $0x1B8E;
	s24 =	sld [smem:$0x3FFE];
	[sflag:s4] =	ssyncadd.remote.s32 @!p0 $0x1  }
0xb4: {  	s26 =	simm.s32 $execute0_lowered;
	[smem:$0x3FD2] =	sst s25  }
0xb5: {  	s5 =	sshll.u32 s26, $0x1;
	_ =	strace $0x80000049;
	[dreg:$0x1] =	wrdreg $0xFFFFFFFF  }
0xb6: {  	s28 =	simm.s32 $_size_execute0_lowered;
	s3 =	sadd.s32 s3, s5;
	[dreg:$0x0] =	wrdreg $0x0  }
0xb7: {  	s5 =	sshll.u32 s28, $0x1;
	[dreg:$0x2] =	wrdreg s3  }
0xb8: {  	[dreg:$0x3] =	wrdreg s5  }
0xb9: {  	[dreg:$0x4] =	wrdreg $0xC0  }
0xba: {  	_ =	task [dreg:s22], $0x5FFFF  }
0xbb: {  	[dreg:$0x1] =	wrdreg $0xFFFFFFFF  }
0xbc: {  	[dreg:$0x0] =	wrdreg $0x60  }
0xbd: {  	[dreg:$0x2] =	wrdreg s24  }
0xbe: {  	[dreg:$0x3] =	wrdreg $0xA  }
0xbf: {  	_ =	task.clear_ibuf [dreg:s22], $0x4FFFF;
	_ =	strace $0x90000049  }
0xc0: {  	s29 =	simm.s32 $0xA;
	_ =	strace $0x8000004B  }
0xc1: {  	_ =	swait.ge [sflag:s29], $0x1  }
0xc2: {  	[sflag:s29] =	ssyncadd.s32 $0xFFFFFFFF  }
0xc3: {  	_ =	strace $0x9000004B  }
0xc4: {  	_ =	sfence  }
0xc5: {  	s30 =	sld [smem:$0x0];
	_ =	sdelay $0x2  }
0xc6: {  	s31 =	sshll.u32 s1, $0xD;
	s1 =	sshrl.u32 s1, $0x2  }
0xc7: {  	s4 =	sand.u32 $0x4000, s31;
	s1 =	sadd.s32 s1, s30  }
0xc8: {  	s0 =	sor.u32 s4, s0;
	s1 =	sshll.u32 s1, $0x11  }
0xc9: {  	s0 =	sor.u32 s1, s0  }
0xca: {  	s0 =	sadd.s32 $0x8F2B, s0  }
0xcb: {  	[sflag:s0] =	ssyncadd.remote.s32 $0x1  }
0xcc: {  	_ =	sfence.sel $0xFFFF  }
0xcd: {  	[dreg:$0x0] =	wrdreg $0xFFFFFFFF;
	(pc) =	sbr.abs _section_cstart, $3  }
0xce: {  	[dreg:$0x1] =	wrdreg $0xFFFFFFFF  }
0xcf: {  	_ =	task.clear_ibuf [dreg:s22], $0x2FFFF;
	_ =	strace $0x9FFFFFFF  }
0xd0: {  	(tm) =	ssettm $0x7FFFFFFF  }
0xd1: {  	_ =	shalt  }
tec
execute0_lowered:
.L_overlay_start_1:
0x0: {  	(tag) =	ssettag $0x1  }
0x1: {  	s4 =	rddreg [dreg:$0x0]  }
0x2: {  	s0 =	rddreg [dreg:$0x1];
	s2 =	simm.s32 $0x0;
	s3 =	srdreg.scid  }
0x3: {  	s1 =	stileid.u32;
	s10 =	simm.s32 $0x0;
	[smem:$0x7FF] =	sst s2  }
0x4: {  	s5 =	sand.u32 $0x1, s3;
	s6 =	sshll.u32 s1, $0xC;
	s3 =	sadd.s32 $0x127E00, s4  }
0x5: {  	s8 =	sshll.u32 s1, $0x10;
	_ =	strace $0x8000004A;
	s7 =	sshll.u32 s5, $0xB  }
0x6: {  	s31 =	ssub.s32 $0x2, s5;
	s8 =	sadd.s32 s8, s4;
	s5 =	sshll.u32 s5, $0xF  }
0x7: {  	s6 =	sor.u32 s7, s6;
	s9 =	sshrl.u32 s31, $0x1;
	s5 =	sadd.s32 s5, s8  }
0x8: {  	s8 =	simm.s32 $0x80;
	s6 =	sshrl.u32 s6, $0x3;
	s7 =	ssub.s32 s31, s9  }
0x9: {  	s5 =	sadd.s32 $0x139E00, s5;
	s9 =	simm.s32 $0x1;
	s6 =	sadd.s32 s6, s4  }
0xa: {  	s4 =	smax.u32 s7, $0x1;
	s7 =	simm.s32 $0x2;
	s6 =	sadd.s32 $0x137E00, s6  }
.LBB2_1:
0xb: {  	s11 =	sadd.s32 $0x0, s6  }
0xc: {  	[tilespmem:s2], [sflag:$0x2] =	stream.linear.gather [hbm4b:s11+s2], $0x80, $0x38;
	[tilespmem:$0x4080] =	vst v63  }
0xd: {  	_ =	swait.ge [sflag:s7], $0x80  }
0xe: {  	[sflag:s7] =	ssyncset.done $0x0  }
0xf: {  	[sflag:s7] =	ssyncadd.s32 $0xFFFFFF80  }
0x10: {  	[tilespmem:s8], [sflag:$0x1] =	stream.indirect.gather [hbm4b:s3+s8], $0x80, s2, s8, $0xb8;
	[tilespmem:$0x4080] =	vst v63  }
0x11: {  	_ =	swait.ge [sflag:s9], $0x4000  }
0x12: {  	[sflag:s9] =	ssyncset.done $0x0  }
0x13: {  	[sflag:s9] =	ssyncadd.s32 $0xFFFFC000  }
0x14: {  	[hbm4b:s5+s2] =	stream.linear.scatter [tilespmem:s8], [sflag:$0x2], $0x4000, $0x38;
	[tilespmem:$0x4080] =	vst v63  }
0x15: {  	s12 =	simm.s32 $0x10;
	_ =	swait.ge [sflag:s7], $0x4000  }
0x16: {  	s13 =	simm.s32 $0x20;
	s11 =	sadd.s32 $0x800, s5;
	[sflag:s7] =	ssyncset.done $0x0  }
.LBB2_2:
0x17: {  	s14 =	sadd.s32 s12, s6  }
0x18: {  	[sflag:s7] =	ssyncadd.s32 $0xFFFFC000;
	s12 =	smov.u32 s13;
	s15 =	sadd.s32 $0x10, s13  }
0x19: {  	[tilespmem:s2], [sflag:$0x2] =	stream.linear.gather [hbm4b:s14+s2], $0x80, $0x38;
	[tilespmem:$0x4080] =	vst v63  }
0x1a: {  	p0 =	sne.s32 s13, $0xF0;
	_ =	swait.ge [sflag:s7], $0x80  }
0x1b: {  	[sflag:s7] =	ssyncset.done $0x0  }
0x1c: {  	[sflag:s7] =	ssyncadd.s32 $0xFFFFFF80  }
0x1d: {  	[tilespmem:s8], [sflag:$0x1] =	stream.indirect.gather [hbm4b:s3+s8], $0x80, s2, s8, $0xb8;
	[tilespmem:$0x4080] =	vst v63  }
0x1e: {  	_ =	swait.ge [sflag:s9], $0x4000  }
.Ltmp0:
0x1f: {  	[sflag:s9] =	ssyncset.done $0x0;
	(pc) =	sbr.rel @p0 .LBB2_2-.Ltmp0, $4  }
0x20: {  	[sflag:s9] =	ssyncadd.s32 $0xFFFFC000  }
0x21: {  	[hbm4b:s11+s2] =	stream.linear.scatter [tilespmem:s8], [sflag:$0x2], $0x4000, $0x38;
	[tilespmem:$0x4080] =	vst v63  }
0x22: {  	_ =	swait.ge [sflag:s7], $0x4000  }
0x23: {  	s13 =	smov.u32 s15;
	s11 =	sadd.s32 $0x800, s11;
	[sflag:s7] =	ssyncset.done $0x0  }
0x24: {  	s12 =	sadd.s32 s12, s6;
	[sflag:s7] =	ssyncadd.s32 $0xFFFFC000  }
0x25: {  	[tilespmem:s2], [sflag:$0x2] =	stream.linear.gather [hbm4b:s12+s2], $0x80, $0x38;
	[tilespmem:$0x4080] =	vst v63  }
0x26: {  	_ =	swait.ge [sflag:s7], $0x80  }
0x27: {  	[sflag:s7] =	ssyncset.done $0x0  }
0x28: {  	[sflag:s7] =	ssyncadd.s32 $0xFFFFFF80  }
0x29: {  	[tilespmem:s8], [sflag:$0x1] =	stream.indirect.gather [hbm4b:s3+s8], $0x80, s2, s8, $0xb8;
	[tilespmem:$0x4080] =	vst v63  }
0x2a: {  	s10 =	sadd.s32 $0x1, s10;
	_ =	swait.ge [sflag:s9], $0x4000  }
0x2b: {  	p0 =	sne.s32 s10, s4;
	[sflag:s9] =	ssyncset.done $0x0  }
.Ltmp1:
0x2c: {  	[sflag:s9] =	ssyncadd.s32 $0xFFFFC000;
	(pc) =	sbr.rel @p0 .LBB2_1-.Ltmp1, $4  }
0x2d: {  	[hbm4b:s11+s2] =	stream.linear.scatter [tilespmem:s8], [sflag:$0x2], $0x4000, $0x38;
	[tilespmem:$0x4080] =	vst v63  }
0x2e: {  	_ =	swait.ge [sflag:s7], $0x4000  }
0x2f: {  	[sflag:s7] =	ssyncset.done $0x0  }
0x30: {  	[sflag:s7] =	ssyncadd.s32 $0xFFFFC000  }
0x31: {  	_ =	sfence.sel $0x180000  }
0x32: {  	[bflag:$0x0] =	sbarrier.arrive $0xFFFF  }
0x33: {  	p0 =	sne.s32 s1, $0x0;
	_ =	strace $0x9000004A  }
0x34: {  	s0 =	sadd.s32 @!p0 $0x100000, s0;
	[bflag:$0x2] =	sbarrier.arrive $0xFFFF  }
0x35: {  	[sflag:s0] =	ssyncadd.tile.s32 @!p0 $0x1;
	_ =	shalt  }
.Lfunc_end2:
_tile_overlayer_lowered:
.L_overlay_start_2:
0x36: {  	(tag) =	ssettag $0x2  }
0x37: {  	s0 =	rddreg [dreg:$0x0];
	s2 =	stileid.u32  }
0x38: {  	s1 =	rddreg [dreg:$0x1];
	p0 =	sne.s32 s2, $0x0  }
0x39: {  	s3 =	rddreg [dreg:$0x2];
	[bflag:$0x3] =	sbarrier.arrive $0xFFFF;
	s2 =	simm.s32 @!p0 $0x1C02  }
0x3a: {  	[timem:s3], [sflag:s2] =	dma.local @!p0 [hbm:s0], s1  }
0x3b: {  	s0 =	simm.s32 @!p0 $0x2  }
0x3c: {  	_ =	swait.ge @!p0 [sflag:s0], s1  }
0x3d: {  	s1 =	ssub.s32 @!p0 $0x0, s1;
	[sflag:s0] =	ssyncset.done @!p0 $0x0  }
0x3e: {  	[sflag:s0] =	ssyncadd.s32 @!p0 s1  }
0x3f: {  	[bflag:$0x3] =	sbarrier.arrive $0xFFFF  }
0x40: {  	_ =	shalt  }

// kernel: kernel.24.cloned.1.call-start
scs
__scs_entry_jumppad:
0x0: {  	(pc) =	sbr.rel $0x88, $3  }
0x1: {  	(tag) =	ssettag $0x0;
	lr =	simm.s32 $0x1  }
0x2: {  	[smem:$0x3F93] =	sst lr;
	_ =	strace $0xD0000000  }
0x3: {  	_ = 	snop  }
0x4: {  	_ = 	snop  }
0x5: {  	_ = 	snop  }
0x6: {  	_ = 	snop  }
0x7: {  	_ = 	snop  }
__scs_overlays_trampoline_lowered:
0x8: {  	[smem:$0x3FA2] =	sst s0  }
0x9: {  	[smem:$0x3FA3] =	sst s1  }
0xa: {  	[smem:$0x3FA4] =	sst s2  }
0xb: {  	[smem:$0x3FA5] =	sst s3  }
0xc: {  	[smem:$0x3FA6] =	sst s4  }
0xd: {  	[smem:$0x3FA7] =	sst s5  }
0xe: {  	[smem:$0x3FA8] =	sst s6  }
0xf: {  	[smem:$0x3FA9] =	sst s7  }
0x10: {  	[smem:$0x3FAA] =	sst s8  }
0x11: {  	[smem:$0x3FAB] =	sst s9;
	s0 =	simm.s32 @!p0 $0x0  }
0x12: {  	s1 =	sld [smem:$0x3F91];
	s0 =	simm.s32 @p0 $0x1  }
0x13: {  	[smem:$0x3FAC] =	sst s0;
	s0 =	simm.s32 @!p1 $0x0  }
0x14: {  	s2 =	sld [smem:$0x3F90];
	s0 =	simm.s32 @p1 $0x1  }
0x15: {  	[smem:$0x3FAD] =	sst s0;
	s0 =	simm.s32 @!p2 $0x0  }
0x16: {  	s3 =	sld [smem:$0x3FDB];
	s0 =	simm.s32 @p2 $0x1  }
0x17: {  	s4 =	simm.s32 $0x1BF5;
	[smem:$0x3FAF] =	sst s0  }
0x18: {  	s0 =	sld [smem:$0x3F92];
	_ =	swait.ge [sflag:s4], $0x0  }
0x19: {  	s7 =	sld [smem:$0x3F93]  }
0x1a: {  	s8 =	sadd.s32 $0xFFFFE003, lr  }
0x1b: {  	s9 =	sadd.s32 $0xFFFFFEF7, lr;
	s5 =	simm.s32 $0xFFFFFFFF;
	p2 =	slt.u32 s8, $0xFFFFF086  }
0x1c: {  	p1 =	slt.u32 s9, $0xF7A;
	s5 =	simm.s32 @!p2 $0x0  }
0x1d: {  	s5 =	simm.s32 @p1 $0x1;
	p0 =	seq.s32 s7, s2  }
0x1e: {  	s7 =	smul.u32 @!p0 $0xF7A, s2;
	p2 =	seq.s32 @!p0 s5, $0x0  }
0x1f: {  	s9 =	smul.u32 $0xF7A, s1;
	s8 =	simm.s32 @!p0 $0x1BF5;
	p2 =	por !p2, p0  }
0x20: {  	[sflag:s8] =	ssyncset.s32 @!p0 $0xFFFFF086;
	s6 =	sadd.s32 @!p0 s3, s7;
	s7 =	simm.s32 @!p0 $0x108  }
0x21: {  	s3 =	sadd.s32 s3, s9;
	s6 =	sadd.s32 @!p0 $0x88, s6;
	s7 =	simm.s32 @p2 $0x1082  }
0x22: {  	[simem:s7], [sflag:s8] =	dma.local @!p0 [hbm:s6], $0xF7A  }
0x23: {  	s9 =	sor.u32 $0xD0000000, s2;
	s6 =	simm.s32 $0x108;
	_ =	swait.ge @!p0 [sflag:s8], $0x0  }
0x24: {  	s3 =	sadd.s32 $0x88, s3;
	s6 =	simm.s32 @!p1 $0x1082;
	[sflag:s4] =	ssyncset.s32 $0xFFFFF086  }
0x25: {  	[simem:s6], [sflag:s4] =	dma.local [hbm:s3], $0xF7A  }
0x26: {  	[smem:$0x3F93] =	sst s1;
	(tag) =	ssettag s2;
	_ =	strace s9  }
0x27: {  	s1 =	sld [smem:$0x3FA3]  }
0x28: {  	s2 =	sld [smem:$0x3FA4]  }
0x29: {  	s4 =	sld [smem:$0x3FA6]  }
0x2a: {  	p0 =	seq.s32 s5, $0x0;
	s5 =	sld [smem:$0x3FA7]  }
0x2b: {  	s6 =	sld [smem:$0x3FA8]  }
0x2c: {  	s7 =	sld [smem:$0x3FA9]  }
0x2d: {  	s3 =	simm.s32 $0x108;
	s8 =	sld [smem:$0x3FAA]  }
0x2e: {  	s3 =	simm.s32 @!p0 $0x1082;
	s9 =	sld [smem:$0x3FAB]  }
0x2f: {  	lr =	sadd.s32 s0, s3;
	s0 =	sld [smem:$0x3FA2]  }
0x30: {  	s3 =	sld [smem:$0x3FA5]  }
0x31: {  	[smem:$0x3FAE] =	sst s10  }
0x32: {  	s10 =	sld [smem:$0x3FAC];
	_ =	sdelay $0x3  }
0x33: {  	p0 =	seq.s32 s10, $0x1;
	s10 =	sld [smem:$0x3FAE];
	_ =	sdelay $0x3  }
0x34: {  	[smem:$0x3FAE] =	sst s10  }
0x35: {  	s10 =	sld [smem:$0x3FAD];
	_ =	sdelay $0x3  }
0x36: {  	p1 =	seq.s32 s10, $0x1;
	s10 =	sld [smem:$0x3FAE];
	_ =	sdelay $0x3  }
0x37: {  	[smem:$0x3FAE] =	sst s10  }
0x38: {  	s10 =	sld [smem:$0x3FAF]  }
0x39: {  	_ = 	snop;
	(pc) =	sbr.ind lr, $3  }
0x3a: {  	_ = 	snop  }
0x3b: {  	_ = 	snop  }
0x3c: {  	p2 =	seq.s32 s10, $0x1;
	s10 =	sld [smem:$0x3FAE]  }
0x3d: {  	_ =	shalt  }
0x3e: {  	_ =	shalt  }
0x3f: {  	_ =	shalt  }
0x40: {  	_ =	shalt  }
0x41: {  	_ =	shalt  }
0x42: {  	_ =	shalt  }
0x43: {  	_ =	shalt  }
0x44: {  	_ =	shalt  }
0x45: {  	_ =	shalt  }
0x46: {  	_ =	shalt  }
0x47: {  	_ =	shalt  }
0x48: {  	_ =	shalt  }
0x49: {  	_ =	shalt  }
0x4a: {  	_ =	shalt  }
0x4b: {  	_ =	shalt  }
0x4c: {  	_ =	shalt  }
0x4d: {  	_ =	shalt  }
0x4e: {  	_ =	shalt  }
0x4f: {  	_ =	shalt  }
0x50: {  	_ =	shalt  }
0x51: {  	_ =	shalt  }
0x52: {  	_ =	shalt  }
0x53: {  	_ =	shalt  }
0x54: {  	_ =	shalt  }
0x55: {  	_ =	shalt  }
0x56: {  	_ =	shalt  }
0x57: {  	_ =	shalt  }
0x58: {  	_ =	shalt  }
0x59: {  	_ =	shalt  }
0x5a: {  	_ =	shalt  }
0x5b: {  	_ =	shalt  }
0x5c: {  	_ =	shalt  }
0x5d: {  	_ =	shalt  }
0x5e: {  	_ =	shalt  }
0x5f: {  	_ =	shalt  }
0x60: {  	_ =	shalt  }
0x61: {  	_ =	shalt  }
0x62: {  	_ =	shalt  }
0x63: {  	_ =	shalt  }
0x64: {  	_ =	shalt  }
0x65: {  	_ =	shalt  }
0x66: {  	_ =	shalt  }
0x67: {  	_ =	shalt  }
0x68: {  	_ =	shalt  }
0x69: {  	_ =	shalt  }
0x6a: {  	_ =	shalt  }
0x6b: {  	_ =	shalt  }
0x6c: {  	_ =	shalt  }
0x6d: {  	_ =	shalt  }
0x6e: {  	_ =	shalt  }
0x6f: {  	_ =	shalt  }
0x70: {  	_ =	shalt  }
0x71: {  	_ =	shalt  }
0x72: {  	_ =	shalt  }
0x73: {  	_ =	shalt  }
0x74: {  	_ =	shalt  }
0x75: {  	_ =	shalt  }
0x76: {  	_ =	shalt  }
0x77: {  	_ =	shalt  }
0x78: {  	_ =	shalt  }
0x79: {  	_ =	shalt  }
0x7a: {  	_ =	shalt  }
0x7b: {  	_ =	shalt  }
0x7c: {  	_ =	shalt  }
0x7d: {  	_ =	shalt  }
0x7e: {  	_ =	shalt  }
0x7f: {  	_ =	shalt  }
0x80: {  	_ =	shalt  }
0x81: {  	_ =	shalt  }
0x82: {  	_ =	shalt  }
0x83: {  	_ =	shalt  }
0x84: {  	_ =	shalt  }
0x85: {  	_ =	shalt  }
0x86: {  	_ =	shalt  }
0x87: {  	_ =	shalt  }
.Lfunc_end0:
.L_simem_size_0:
called_computation.2_lowered:
.L_overlay_start_0:
0x88: {  	s2 =	sld [smem:$0x3FD9]  }
0x89: {  	s3 =	sld [smem:$0x3FFE];
	_ =	sdelay $0x1  }
0x8a: {  	s1 =	srdreg.scid  }
0x8b: {  	s0 =	sand.u32 $0x1, s1  }
0x8c: {  	s17 =	sshll.u32 s0, $0xA;
	s2 =	sadd.s32 s3, s2  }
0x8d: {  	s2 =	sadd.s32 s2, s17  }
0x8e: {  	[smem:$0x3FBA] =	sst s2  }
0x8f: {  	_ = 	snop  }
0x90: {  	(tm) =	ssettm $0x1  }
0x91: {  	s18 =	sld [smem:$0x3FFB];
	_ =	sdelay $0x3  }
0x92: {  	_ =	strace s18  }
0x93: {  	s2 =	sld [smem:$0x3FFC];
	_ =	sdelay $0x3  }
0x94: {  	_ =	strace s2  }
0x95: {  	s2 =	sld [smem:$0x3FFD];
	_ =	sdelay $0x3  }
0x96: {  	_ =	strace s2  }
0x97: {  	_ =	strace $0x8FFFFFFF  }
0x98: {  	s19 =	sld [smem:$0x3FDB];
	_ =	sdelay $0x1  }
0x99: {  	s20 =	simm.s32 $_scs_section_size  }
0x9a: {  	s4 =	simm.s32 $_size__tile_overlayer_lowered;
	s5 =	simm.s32 $_tile_overlayer_lowered  }
0x9b: {  	s6 =	simm.s32 $0x1BFF;
	s21 =	sshll.u32 s5, $0x1;
	s3 =	sadd.s32 s20, s19  }
0x9c: {  	s22 =	simm.s32 $0x0;
	s4 =	sshll.u32 s4, $0x1;
	s5 =	sadd.s32 s21, s3  }
0x9d: {  	[timem:s22], [sflag:s6] =	dma.local [hbm:s5], s4  }
0x9e: {  	_ =	swait.ge [sflag:s6], s4  }
0x9f: {  	s4 =	ssub.s32 $0x0, s4;
	[sflag:s6] =	ssyncset.done $0x0  }
0xa0: {  	[sflag:s6] =	ssyncadd.s32 s4;
	_ =	sdelay $0x1  }
0xa1: {  	s23 =	simm.s32 $0x1B8B  }
0xa2: {  	_ =	swait.ge [sflag:s23], $0x1  }
0xa3: {  	[sflag:s23] =	ssyncset.done $0x0  }
0xa4: {  	[sflag:s23] =	ssyncadd.s32 $0xFFFFFFFF  }
0xa5: {  	s4 =	sld [smem:$0x0]  }
0xa6: {  	s5 =	sand.u32 $0xFFFFFFFE, s1  }
0xa7: {  	p0 =	sne.s32 s1, s5  }
0xa8: {  	s5 =	sshll.u32 @p0 s5, $0xE  }
0xa9: {  	s5 =	sadd.s32 @p0 $0x11B8D, s5;
	s6 =	sshll.u32 @p0 s4, $0x11  }
0xaa: {  	s5 =	sor.u32 @p0 s6, s5  }
0xab: {  	[sflag:s5] =	ssyncadd.remote.s32 @p0 $0x1;
	_ =	sdelay $0x1  }
0xac: {  	s5 =	simm.s32 @p0 $0x1B8D  }
0xad: {  	_ =	swait.eq @p0 [sflag:s5], $0x1  }
0xae: {  	[sflag:s5] =	ssyncadd.s32 @p0 $0xFFFFFFFF  }
0xaf: {  	s6 =	sshll.u32 @!p0 s1, $0xE  }
0xb0: {  	s6 =	sor.u32 @!p0 $0x4000, s6;
	s5 =	simm.s32 @!p0 $0x1B8D  }
0xb1: {  	s4 =	sshll.u32 @!p0 s4, $0x11;
	s6 =	sadd.s32 @!p0 $0x11B8D, s6;
	_ =	swait.eq @!p0 [sflag:s5], $0x1  }
0xb2: {  	s4 =	sor.u32 @!p0 s4, s6;
	[sflag:s5] =	ssyncadd.s32 @!p0 $0xFFFFFFFF  }
0xb3: {  	s25 =	simm.s32 $0x1B8E;
	s24 =	sld [smem:$0x3FFE];
	[sflag:s4] =	ssyncadd.remote.s32 @!p0 $0x1  }
0xb4: {  	s26 =	simm.s32 $execute0_lowered;
	[smem:$0x3FD2] =	sst s25  }
0xb5: {  	s5 =	sshll.u32 s26, $0x1;
	_ =	strace $0x8000004C;
	[dreg:$0x1] =	wrdreg $0xFFFFFFFF  }
0xb6: {  	s28 =	simm.s32 $_size_execute0_lowered;
	s3 =	sadd.s32 s3, s5;
	[dreg:$0x0] =	wrdreg $0x0  }
0xb7: {  	s5 =	sshll.u32 s28, $0x1;
	[dreg:$0x2] =	wrdreg s3  }
0xb8: {  	[dreg:$0x3] =	wrdreg s5  }
0xb9: {  	[dreg:$0x4] =	wrdreg $0xC0  }
0xba: {  	_ =	task [dreg:s22], $0x5FFFF  }
0xbb: {  	[dreg:$0x1] =	wrdreg $0xFFFFFFFF  }
0xbc: {  	[dreg:$0x0] =	wrdreg $0x60  }
0xbd: {  	[dreg:$0x2] =	wrdreg s24  }
0xbe: {  	[dreg:$0x3] =	wrdreg $0xB  }
0xbf: {  	_ =	task.clear_ibuf [dreg:s22], $0x4FFFF;
	_ =	strace $0x9000004C  }
0xc0: {  	s29 =	simm.s32 $0xB;
	_ =	strace $0x8000004E  }
0xc1: {  	_ =	swait.ge [sflag:s29], $0x1  }
0xc2: {  	[sflag:s29] =	ssyncadd.s32 $0xFFFFFFFF  }
0xc3: {  	_ =	strace $0x9000004E  }
0xc4: {  	_ =	sfence  }
0xc5: {  	s30 =	sld [smem:$0x0];
	_ =	sdelay $0x2  }
0xc6: {  	s31 =	sshll.u32 s1, $0xD;
	s1 =	sshrl.u32 s1, $0x2  }
0xc7: {  	s4 =	sand.u32 $0x4000, s31;
	s1 =	sadd.s32 s1, s30  }
0xc8: {  	s0 =	sor.u32 s4, s0;
	s1 =	sshll.u32 s1, $0x11  }
0xc9: {  	s0 =	sor.u32 s1, s0  }
0xca: {  	s0 =	sadd.s32 $0x8F2B, s0  }
0xcb: {  	[sflag:s0] =	ssyncadd.remote.s32 $0x1  }
0xcc: {  	_ =	sfence.sel $0xFFFF  }
0xcd: {  	[dreg:$0x0] =	wrdreg $0xFFFFFFFF;
	(pc) =	sbr.abs _section_cstart, $3  }
0xce: {  	[dreg:$0x1] =	wrdreg $0xFFFFFFFF  }
0xcf: {  	_ =	task.clear_ibuf [dreg:s22], $0x2FFFF;
	_ =	strace $0x9FFFFFFF  }
0xd0: {  	(tm) =	ssettm $0x7FFFFFFF  }
0xd1: {  	_ =	shalt  }
tec
execute0_lowered:
.L_overlay_start_1:
0x0: {  	(tag) =	ssettag $0x1  }
0x1: {  	s4 =	rddreg [dreg:$0x0]  }
0x2: {  	s0 =	rddreg [dreg:$0x1];
	s2 =	simm.s32 $0x0;
	s3 =	srdreg.scid  }
0x3: {  	s1 =	stileid.u32;
	s10 =	simm.s32 $0x0;
	[smem:$0x7FF] =	sst s2  }
0x4: {  	s5 =	sand.u32 $0x1, s3;
	s6 =	sshll.u32 s1, $0xC;
	s3 =	sadd.s32 $0x239E00, s4  }
0x5: {  	s8 =	sshll.u32 s1, $0x10;
	_ =	strace $0x8000004D;
	s7 =	sshll.u32 s5, $0xB  }
0x6: {  	s31 =	ssub.s32 $0x2, s5;
	s8 =	sadd.s32 s8, s4;
	s5 =	sshll.u32 s5, $0xF  }
0x7: {  	s6 =	sor.u32 s7, s6;
	s9 =	sshrl.u32 s31, $0x1;
	s5 =	sadd.s32 s5, s8  }
0x8: {  	s8 =	simm.s32 $0x80;
	s6 =	sshrl.u32 s6, $0x3;
	s7 =	ssub.s32 s31, s9  }
0x9: {  	s5 =	sadd.s32 $0x24BE00, s5;
	s9 =	simm.s32 $0x1;
	s6 =	sadd.s32 s6, s4  }
0xa: {  	s4 =	smax.u32 s7, $0x1;
	s7 =	simm.s32 $0x2;
	s6 =	sadd.s32 $0x249E00, s6  }
.LBB2_1:
0xb: {  	s11 =	sadd.s32 $0x0, s6  }
0xc: {  	[tilespmem:s2], [sflag:$0x2] =	stream.linear.gather [hbm4b:s11+s2], $0x80, $0x38;
	[tilespmem:$0x4080] =	vst v63  }
0xd: {  	_ =	swait.ge [sflag:s7], $0x80  }
0xe: {  	[sflag:s7] =	ssyncset.done $0x0  }
0xf: {  	[sflag:s7] =	ssyncadd.s32 $0xFFFFFF80  }
0x10: {  	[tilespmem:s8], [sflag:$0x1] =	stream.indirect.gather [hbm4b:s3+s8], $0x80, s2, s8, $0xb8;
	[tilespmem:$0x4080] =	vst v63  }
0x11: {  	_ =	swait.ge [sflag:s9], $0x4000  }
0x12: {  	[sflag:s9] =	ssyncset.done $0x0  }
0x13: {  	[sflag:s9] =	ssyncadd.s32 $0xFFFFC000  }
0x14: {  	[hbm4b:s5+s2] =	stream.linear.scatter [tilespmem:s8], [sflag:$0x2], $0x4000, $0x38;
	[tilespmem:$0x4080] =	vst v63  }
0x15: {  	s12 =	simm.s32 $0x10;
	_ =	swait.ge [sflag:s7], $0x4000  }
0x16: {  	s13 =	simm.s32 $0x20;
	s11 =	sadd.s32 $0x800, s5;
	[sflag:s7] =	ssyncset.done $0x0  }
.LBB2_2:
0x17: {  	s14 =	sadd.s32 s12, s6  }
0x18: {  	[sflag:s7] =	ssyncadd.s32 $0xFFFFC000;
	s12 =	smov.u32 s13;
	s15 =	sadd.s32 $0x10, s13  }
0x19: {  	[tilespmem:s2], [sflag:$0x2] =	stream.linear.gather [hbm4b:s14+s2], $0x80, $0x38;
	[tilespmem:$0x4080] =	vst v63  }
0x1a: {  	p0 =	sne.s32 s13, $0xF0;
	_ =	swait.ge [sflag:s7], $0x80  }
0x1b: {  	[sflag:s7] =	ssyncset.done $0x0  }
0x1c: {  	[sflag:s7] =	ssyncadd.s32 $0xFFFFFF80  }
0x1d: {  	[tilespmem:s8], [sflag:$0x1] =	stream.indirect.gather [hbm4b:s3+s8], $0x80, s2, s8, $0xb8;
	[tilespmem:$0x4080] =	vst v63  }
0x1e: {  	_ =	swait.ge [sflag:s9], $0x4000  }
.Ltmp0:
0x1f: {  	[sflag:s9] =	ssyncset.done $0x0;
	(pc) =	sbr.rel @p0 .LBB2_2-.Ltmp0, $4  }
0x20: {  	[sflag:s9] =	ssyncadd.s32 $0xFFFFC000  }
0x21: {  	[hbm4b:s11+s2] =	stream.linear.scatter [tilespmem:s8], [sflag:$0x2], $0x4000, $0x38;
	[tilespmem:$0x4080] =	vst v63  }
0x22: {  	_ =	swait.ge [sflag:s7], $0x4000  }
0x23: {  	s13 =	smov.u32 s15;
	s11 =	sadd.s32 $0x800, s11;
	[sflag:s7] =	ssyncset.done $0x0  }
0x24: {  	s12 =	sadd.s32 s12, s6;
	[sflag:s7] =	ssyncadd.s32 $0xFFFFC000  }
0x25: {  	[tilespmem:s2], [sflag:$0x2] =	stream.linear.gather [hbm4b:s12+s2], $0x80, $0x38;
	[tilespmem:$0x4080] =	vst v63  }
0x26: {  	_ =	swait.ge [sflag:s7], $0x80  }
0x27: {  	[sflag:s7] =	ssyncset.done $0x0  }
0x28: {  	[sflag:s7] =	ssyncadd.s32 $0xFFFFFF80  }
0x29: {  	[tilespmem:s8], [sflag:$0x1] =	stream.indirect.gather [hbm4b:s3+s8], $0x80, s2, s8, $0xb8;
	[tilespmem:$0x4080] =	vst v63  }
0x2a: {  	s10 =	sadd.s32 $0x1, s10;
	_ =	swait.ge [sflag:s9], $0x4000  }
0x2b: {  	p0 =	sne.s32 s10, s4;
	[sflag:s9] =	ssyncset.done $0x0  }
.Ltmp1:
0x2c: {  	[sflag:s9] =	ssyncadd.s32 $0xFFFFC000;
	(pc) =	sbr.rel @p0 .LBB2_1-.Ltmp1, $4  }
0x2d: {  	[hbm4b:s11+s2] =	stream.linear.scatter [tilespmem:s8], [sflag:$0x2], $0x4000, $0x38;
	[tilespmem:$0x4080] =	vst v63  }
0x2e: {  	_ =	swait.ge [sflag:s7], $0x4000  }
0x2f: {  	[sflag:s7] =	ssyncset.done $0x0  }
0x30: {  	[sflag:s7] =	ssyncadd.s32 $0xFFFFC000  }
0x31: {  	_ =	sfence.sel $0x180000  }
0x32: {  	[bflag:$0x0] =	sbarrier.arrive $0xFFFF  }
0x33: {  	p0 =	sne.s32 s1, $0x0;
	_ =	strace $0x9000004D  }
0x34: {  	s0 =	sadd.s32 @!p0 $0x100000, s0;
	[bflag:$0x2] =	sbarrier.arrive $0xFFFF  }
0x35: {  	[sflag:s0] =	ssyncadd.tile.s32 @!p0 $0x1;
	_ =	shalt  }
.Lfunc_end2:
_tile_overlayer_lowered:
.L_overlay_start_2:
0x36: {  	(tag) =	ssettag $0x2  }
0x37: {  	s0 =	rddreg [dreg:$0x0];
	s2 =	stileid.u32  }
0x38: {  	s1 =	rddreg [dreg:$0x1];
	p0 =	sne.s32 s2, $0x0  }
0x39: {  	s3 =	rddreg [dreg:$0x2];
	[bflag:$0x3] =	sbarrier.arrive $0xFFFF;
	s2 =	simm.s32 @!p0 $0x1C02  }
0x3a: {  	[timem:s3], [sflag:s2] =	dma.local @!p0 [hbm:s0], s1  }
0x3b: {  	s0 =	simm.s32 @!p0 $0x2  }
0x3c: {  	_ =	swait.ge @!p0 [sflag:s0], s1  }
0x3d: {  	s1 =	ssub.s32 @!p0 $0x0, s1;
	[sflag:s0] =	ssyncset.done @!p0 $0x0  }
0x3e: {  	[sflag:s0] =	ssyncadd.s32 @!p0 s1  }
0x3f: {  	[bflag:$0x3] =	sbarrier.arrive $0xFFFF  }
0x40: {  	_ =	shalt  }

// kernel: kernel.27.cloned.1.call-start
scs
__scs_entry_jumppad:
0x0: {  	(pc) =	sbr.rel $0x88, $3  }
0x1: {  	(tag) =	ssettag $0x0;
	lr =	simm.s32 $0x1  }
0x2: {  	[smem:$0x3F93] =	sst lr;
	_ =	strace $0xD0000000  }
0x3: {  	_ = 	snop  }
0x4: {  	_ = 	snop  }
0x5: {  	_ = 	snop  }
0x6: {  	_ = 	snop  }
0x7: {  	_ = 	snop  }
__scs_overlays_trampoline_lowered:
0x8: {  	[smem:$0x3FA2] =	sst s0  }
0x9: {  	[smem:$0x3FA3] =	sst s1  }
0xa: {  	[smem:$0x3FA4] =	sst s2  }
0xb: {  	[smem:$0x3FA5] =	sst s3  }
0xc: {  	[smem:$0x3FA6] =	sst s4  }
0xd: {  	[smem:$0x3FA7] =	sst s5  }
0xe: {  	[smem:$0x3FA8] =	sst s6  }
0xf: {  	[smem:$0x3FA9] =	sst s7  }
0x10: {  	[smem:$0x3FAA] =	sst s8  }
0x11: {  	[smem:$0x3FAB] =	sst s9;
	s0 =	simm.s32 @!p0 $0x0  }
0x12: {  	s1 =	sld [smem:$0x3F91];
	s0 =	simm.s32 @p0 $0x1  }
0x13: {  	[smem:$0x3FAC] =	sst s0;
	s0 =	simm.s32 @!p1 $0x0  }
0x14: {  	s2 =	sld [smem:$0x3F90];
	s0 =	simm.s32 @p1 $0x1  }
0x15: {  	[smem:$0x3FAD] =	sst s0;
	s0 =	simm.s32 @!p2 $0x0  }
0x16: {  	s3 =	sld [smem:$0x3FDB];
	s0 =	simm.s32 @p2 $0x1  }
0x17: {  	s4 =	simm.s32 $0x1BF5;
	[smem:$0x3FAF] =	sst s0  }
0x18: {  	s0 =	sld [smem:$0x3F92];
	_ =	swait.ge [sflag:s4], $0x0  }
0x19: {  	s7 =	sld [smem:$0x3F93]  }
0x1a: {  	s8 =	sadd.s32 $0xFFFFE003, lr  }
0x1b: {  	s9 =	sadd.s32 $0xFFFFFEF7, lr;
	s5 =	simm.s32 $0xFFFFFFFF;
	p2 =	slt.u32 s8, $0xFFFFF086  }
0x1c: {  	p1 =	slt.u32 s9, $0xF7A;
	s5 =	simm.s32 @!p2 $0x0  }
0x1d: {  	s5 =	simm.s32 @p1 $0x1;
	p0 =	seq.s32 s7, s2  }
0x1e: {  	s7 =	smul.u32 @!p0 $0xF7A, s2;
	p2 =	seq.s32 @!p0 s5, $0x0  }
0x1f: {  	s9 =	smul.u32 $0xF7A, s1;
	s8 =	simm.s32 @!p0 $0x1BF5;
	p2 =	por !p2, p0  }
0x20: {  	[sflag:s8] =	ssyncset.s32 @!p0 $0xFFFFF086;
	s6 =	sadd.s32 @!p0 s3, s7;
	s7 =	simm.s32 @!p0 $0x108  }
0x21: {  	s3 =	sadd.s32 s3, s9;
	s6 =	sadd.s32 @!p0 $0x88, s6;
	s7 =	simm.s32 @p2 $0x1082  }
0x22: {  	[simem:s7], [sflag:s8] =	dma.local @!p0 [hbm:s6], $0xF7A  }
0x23: {  	s9 =	sor.u32 $0xD0000000, s2;
	s6 =	simm.s32 $0x108;
	_ =	swait.ge @!p0 [sflag:s8], $0x0  }
0x24: {  	s3 =	sadd.s32 $0x88, s3;
	s6 =	simm.s32 @!p1 $0x1082;
	[sflag:s4] =	ssyncset.s32 $0xFFFFF086  }
0x25: {  	[simem:s6], [sflag:s4] =	dma.local [hbm:s3], $0xF7A  }
0x26: {  	[smem:$0x3F93] =	sst s1;
	(tag) =	ssettag s2;
	_ =	strace s9  }
0x27: {  	s1 =	sld [smem:$0x3FA3]  }
0x28: {  	s2 =	sld [smem:$0x3FA4]  }
0x29: {  	s4 =	sld [smem:$0x3FA6]  }
0x2a: {  	p0 =	seq.s32 s5, $0x0;
	s5 =	sld [smem:$0x3FA7]  }
0x2b: {  	s6 =	sld [smem:$0x3FA8]  }
0x2c: {  	s7 =	sld [smem:$0x3FA9]  }
0x2d: {  	s3 =	simm.s32 $0x108;
	s8 =	sld [smem:$0x3FAA]  }
0x2e: {  	s3 =	simm.s32 @!p0 $0x1082;
	s9 =	sld [smem:$0x3FAB]  }
0x2f: {  	lr =	sadd.s32 s0, s3;
	s0 =	sld [smem:$0x3FA2]  }
0x30: {  	s3 =	sld [smem:$0x3FA5]  }
0x31: {  	[smem:$0x3FAE] =	sst s10  }
0x32: {  	s10 =	sld [smem:$0x3FAC];
	_ =	sdelay $0x3  }
0x33: {  	p0 =	seq.s32 s10, $0x1;
	s10 =	sld [smem:$0x3FAE];
	_ =	sdelay $0x3  }
0x34: {  	[smem:$0x3FAE] =	sst s10  }
0x35: {  	s10 =	sld [smem:$0x3FAD];
	_ =	sdelay $0x3  }
0x36: {  	p1 =	seq.s32 s10, $0x1;
	s10 =	sld [smem:$0x3FAE];
	_ =	sdelay $0x3  }
0x37: {  	[smem:$0x3FAE] =	sst s10  }
0x38: {  	s10 =	sld [smem:$0x3FAF]  }
0x39: {  	_ = 	snop;
	(pc) =	sbr.ind lr, $3  }
0x3a: {  	_ = 	snop  }
0x3b: {  	_ = 	snop  }
0x3c: {  	p2 =	seq.s32 s10, $0x1;
	s10 =	sld [smem:$0x3FAE]  }
0x3d: {  	_ =	shalt  }
0x3e: {  	_ =	shalt  }
0x3f: {  	_ =	shalt  }
0x40: {  	_ =	shalt  }
0x41: {  	_ =	shalt  }
0x42: {  	_ =	shalt  }
0x43: {  	_ =	shalt  }
0x44: {  	_ =	shalt  }
0x45: {  	_ =	shalt  }
0x46: {  	_ =	shalt  }
0x47: {  	_ =	shalt  }
0x48: {  	_ =	shalt  }
0x49: {  	_ =	shalt  }
0x4a: {  	_ =	shalt  }
0x4b: {  	_ =	shalt  }
0x4c: {  	_ =	shalt  }
0x4d: {  	_ =	shalt  }
0x4e: {  	_ =	shalt  }
0x4f: {  	_ =	shalt  }
0x50: {  	_ =	shalt  }
0x51: {  	_ =	shalt  }
0x52: {  	_ =	shalt  }
0x53: {  	_ =	shalt  }
0x54: {  	_ =	shalt  }
0x55: {  	_ =	shalt  }
0x56: {  	_ =	shalt  }
0x57: {  	_ =	shalt  }
0x58: {  	_ =	shalt  }
0x59: {  	_ =	shalt  }
0x5a: {  	_ =	shalt  }
0x5b: {  	_ =	shalt  }
0x5c: {  	_ =	shalt  }
0x5d: {  	_ =	shalt  }
0x5e: {  	_ =	shalt  }
0x5f: {  	_ =	shalt  }
0x60: {  	_ =	shalt  }
0x61: {  	_ =	shalt  }
0x62: {  	_ =	shalt  }
0x63: {  	_ =	shalt  }
0x64: {  	_ =	shalt  }
0x65: {  	_ =	shalt  }
0x66: {  	_ =	shalt  }
0x67: {  	_ =	shalt  }
0x68: {  	_ =	shalt  }
0x69: {  	_ =	shalt  }
0x6a: {  	_ =	shalt  }
0x6b: {  	_ =	shalt  }
0x6c: {  	_ =	shalt  }
0x6d: {  	_ =	shalt  }
0x6e: {  	_ =	shalt  }
0x6f: {  	_ =	shalt  }
0x70: {  	_ =	shalt  }
0x71: {  	_ =	shalt  }
0x72: {  	_ =	shalt  }
0x73: {  	_ =	shalt  }
0x74: {  	_ =	shalt  }
0x75: {  	_ =	shalt  }
0x76: {  	_ =	shalt  }
0x77: {  	_ =	shalt  }
0x78: {  	_ =	shalt  }
0x79: {  	_ =	shalt  }
0x7a: {  	_ =	shalt  }
0x7b: {  	_ =	shalt  }
0x7c: {  	_ =	shalt  }
0x7d: {  	_ =	shalt  }
0x7e: {  	_ =	shalt  }
0x7f: {  	_ =	shalt  }
0x80: {  	_ =	shalt  }
0x81: {  	_ =	shalt  }
0x82: {  	_ =	shalt  }
0x83: {  	_ =	shalt  }
0x84: {  	_ =	shalt  }
0x85: {  	_ =	shalt  }
0x86: {  	_ =	shalt  }
0x87: {  	_ =	shalt  }
.Lfunc_end0:
.L_simem_size_0:
called_computation.3_lowered:
.L_overlay_start_0:
0x88: {  	s2 =	sld [smem:$0x3FD9]  }
0x89: {  	s3 =	sld [smem:$0x3FFE];
	_ =	sdelay $0x1  }
0x8a: {  	s1 =	srdreg.scid  }
0x8b: {  	s0 =	sand.u32 $0x1, s1  }
0x8c: {  	s17 =	sshll.u32 s0, $0xA;
	s2 =	sadd.s32 s3, s2  }
0x8d: {  	s2 =	sadd.s32 s2, s17  }
0x8e: {  	[smem:$0x3FBA] =	sst s2  }
0x8f: {  	_ = 	snop  }
0x90: {  	s18 =	sld [smem:$0x3FD0];
	(tm) =	ssettm $0x1  }
0x91: {  	s19 =	sld [smem:$0x3FFB];
	_ =	sdelay $0x3  }
0x92: {  	_ =	strace s19  }
0x93: {  	s2 =	sld [smem:$0x3FFC];
	_ =	sdelay $0x3  }
0x94: {  	_ =	strace s2  }
0x95: {  	s2 =	sld [smem:$0x3FFD];
	_ =	sdelay $0x3  }
0x96: {  	_ =	strace s2  }
0x97: {  	_ =	strace $0x8FFFFFFF  }
0x98: {  	s20 =	sld [smem:$0x3FDB];
	_ =	sdelay $0x1  }
0x99: {  	s4 =	simm.s32 $_scs_section_size  }
0x9a: {  	s5 =	simm.s32 $_size__tile_overlayer_lowered;
	s6 =	simm.s32 $_tile_overlayer_lowered  }
0x9b: {  	s7 =	simm.s32 $0x1BFF;
	s21 =	sshll.u32 s6, $0x1;
	s4 =	sadd.s32 s4, s20  }
0x9c: {  	s22 =	simm.s32 $0x0;
	s5 =	sshll.u32 s5, $0x1;
	s6 =	sadd.s32 s21, s4  }
0x9d: {  	[timem:s22], [sflag:s7] =	dma.local [hbm:s6], s5  }
0x9e: {  	_ =	swait.ge [sflag:s7], s5  }
0x9f: {  	s5 =	ssub.s32 $0x0, s5;
	[sflag:s7] =	ssyncset.done $0x0  }
0xa0: {  	[sflag:s7] =	ssyncadd.s32 s5;
	_ =	sdelay $0x1  }
0xa1: {  	s23 =	simm.s32 $0x1B8B  }
0xa2: {  	_ =	swait.ge [sflag:s23], $0x1  }
0xa3: {  	[sflag:s23] =	ssyncset.done $0x0  }
0xa4: {  	[sflag:s23] =	ssyncadd.s32 $0xFFFFFFFF  }
0xa5: {  	s5 =	sld [smem:$0x0]  }
0xa6: {  	s6 =	sand.u32 $0xFFFFFFFE, s1  }
0xa7: {  	p0 =	sne.s32 s1, s6  }
0xa8: {  	s6 =	sshll.u32 @p0 s6, $0xE  }
0xa9: {  	s6 =	sadd.s32 @p0 $0x11B8D, s6;
	s7 =	sshll.u32 @p0 s5, $0x11  }
0xaa: {  	s6 =	sor.u32 @p0 s7, s6  }
0xab: {  	[sflag:s6] =	ssyncadd.remote.s32 @p0 $0x1;
	_ =	sdelay $0x1  }
0xac: {  	s6 =	simm.s32 @p0 $0x1B8D  }
0xad: {  	_ =	swait.eq @p0 [sflag:s6], $0x1  }
0xae: {  	[sflag:s6] =	ssyncadd.s32 @p0 $0xFFFFFFFF  }
0xaf: {  	s7 =	sshll.u32 @!p0 s1, $0xE  }
0xb0: {  	s7 =	sor.u32 @!p0 $0x4000, s7;
	s6 =	simm.s32 @!p0 $0x1B8D  }
0xb1: {  	s5 =	sshll.u32 @!p0 s5, $0x11;
	s7 =	sadd.s32 @!p0 $0x11B8D, s7;
	_ =	swait.eq @!p0 [sflag:s6], $0x1  }
0xb2: {  	s5 =	sor.u32 @!p0 s5, s7;
	[sflag:s6] =	ssyncadd.s32 @!p0 $0xFFFFFFFF  }
0xb3: {  	s25 =	simm.s32 $0x1B8E;
	s24 =	sld [smem:$0x3FFE];
	[sflag:s5] =	ssyncadd.remote.s32 @!p0 $0x1  }
0xb4: {  	s26 =	simm.s32 $execute0_lowered;
	[smem:$0x3FD2] =	sst s25  }
0xb5: {  	s6 =	sshll.u32 s26, $0x1;
	_ =	strace $0x8000004F;
	[dreg:$0x1] =	wrdreg $0xFFFFFFFF  }
0xb6: {  	s28 =	simm.s32 $_size_execute0_lowered;
	s4 =	sadd.s32 s4, s6;
	[dreg:$0x0] =	wrdreg $0x0  }
0xb7: {  	s6 =	sshll.u32 s28, $0x1;
	[dreg:$0x2] =	wrdreg s4  }
0xb8: {  	[dreg:$0x3] =	wrdreg s6  }
0xb9: {  	[dreg:$0x4] =	wrdreg $0xC0  }
0xba: {  	_ =	task [dreg:s22], $0x5FFFF  }
0xbb: {  	[dreg:$0x1] =	wrdreg $0xFFFFFFFF  }
0xbc: {  	[dreg:$0x0] =	wrdreg $0x60  }
0xbd: {  	[dreg:$0x2] =	wrdreg s18  }
0xbe: {  	[dreg:$0x3] =	wrdreg s24  }
0xbf: {  	[dreg:$0x4] =	wrdreg $0xC  }
0xc0: {  	_ =	task.clear_ibuf [dreg:s22], $0x5FFFF;
	_ =	strace $0x9000004F  }
0xc1: {  	s29 =	simm.s32 $0xC;
	_ =	strace $0x80000051  }
0xc2: {  	_ =	swait.ge [sflag:s29], $0x1  }
0xc3: {  	[sflag:s29] =	ssyncadd.s32 $0xFFFFFFFF  }
0xc4: {  	_ =	strace $0x90000051  }
0xc5: {  	_ =	sfence  }
0xc6: {  	s30 =	sld [smem:$0x0];
	_ =	sdelay $0x2  }
0xc7: {  	s31 =	sshll.u32 s1, $0xD;
	s1 =	sshrl.u32 s1, $0x2  }
0xc8: {  	s4 =	sand.u32 $0x4000, s31;
	s1 =	sadd.s32 s1, s30  }
0xc9: {  	s0 =	sor.u32 s4, s0;
	s1 =	sshll.u32 s1, $0x11  }
0xca: {  	s0 =	sor.u32 s1, s0  }
0xcb: {  	s0 =	sadd.s32 $0x8F2B, s0  }
0xcc: {  	[sflag:s0] =	ssyncadd.remote.s32 $0x1  }
0xcd: {  	_ =	sfence.sel $0xFFFF  }
0xce: {  	[dreg:$0x0] =	wrdreg $0xFFFFFFFF;
	(pc) =	sbr.abs _section_cstart, $3  }
0xcf: {  	[dreg:$0x1] =	wrdreg $0xFFFFFFFF  }
0xd0: {  	_ =	task.clear_ibuf [dreg:s22], $0x2FFFF;
	_ =	strace $0x9FFFFFFF  }
0xd1: {  	(tm) =	ssettm $0x7FFFFFFF  }
tec
execute0_lowered:
.L_overlay_start_1:
0x0: {  	(tag) =	ssettag $0x1  }
0x1: {  	s1 =	rddreg [dreg:$0x0]  }
0x2: {  	s4 =	rddreg [dreg:$0x1]  }
0x3: {  	s0 =	rddreg [dreg:$0x2];
	s5 =	srdreg.scid  }
0x4: {  	s3 =	simm.s32 $0x0;
	s2 =	stileid.u32;
	s10 =	simm.s32 $0x0  }
0x5: {  	s5 =	sand.u32 $0x1, s5;
	[smem:$0x7FF] =	sst s3;
	s6 =	sshll.u32 s2, $0xC  }
0x6: {  	s8 =	sshll.u32 s2, $0x10;
	s7 =	sshll.u32 s5, $0xB;
	_ =	strace $0x80000050  }
0x7: {  	s31 =	ssub.s32 $0x2, s5;
	s8 =	sadd.s32 s8, s4;
	s5 =	sshll.u32 s5, $0xF  }
0x8: {  	s6 =	sor.u32 s7, s6;
	s9 =	sshrl.u32 s31, $0x1;
	s5 =	sadd.s32 s5, s8  }
0x9: {  	s8 =	simm.s32 $0x80;
	s6 =	sshrl.u32 s6, $0x3;
	s7 =	ssub.s32 s31, s9  }
0xa: {  	s5 =	sadd.s32 $0x34DE00, s5;
	s9 =	simm.s32 $0x1;
	s6 =	sadd.s32 s6, s4  }
0xb: {  	s4 =	smax.u32 s7, $0x1;
	s7 =	simm.s32 $0x2;
	s6 =	sadd.s32 $0x34BE00, s6  }
.LBB2_1:
0xc: {  	s11 =	sadd.s32 $0x0, s6  }
0xd: {  	[tilespmem:s3], [sflag:$0x2] =	stream.linear.gather [hbm4b:s11+s3], $0x80, $0x38;
	[tilespmem:$0x4080] =	vst v63  }
0xe: {  	_ =	swait.ge [sflag:s7], $0x80  }
0xf: {  	[sflag:s7] =	ssyncset.done $0x0  }
0x10: {  	[sflag:s7] =	ssyncadd.s32 $0xFFFFFF80  }
0x11: {  	[tilespmem:s8], [sflag:$0x1] =	stream.indirect.gather [hbm4b:s1+s8], $0x80, s3, s8, $0xb8;
	[tilespmem:$0x4080] =	vst v63  }
0x12: {  	_ =	swait.ge [sflag:s9], $0x4000  }
0x13: {  	[sflag:s9] =	ssyncset.done $0x0  }
0x14: {  	[sflag:s9] =	ssyncadd.s32 $0xFFFFC000  }
0x15: {  	[hbm4b:s5+s3] =	stream.linear.scatter [tilespmem:s8], [sflag:$0x2], $0x4000, $0x38;
	[tilespmem:$0x4080] =	vst v63  }
0x16: {  	s12 =	simm.s32 $0x10;
	_ =	swait.ge [sflag:s7], $0x4000  }
0x17: {  	s13 =	simm.s32 $0x20;
	s11 =	sadd.s32 $0x800, s5;
	[sflag:s7] =	ssyncset.done $0x0  }
.LBB2_2:
0x18: {  	s14 =	sadd.s32 s12, s6  }
0x19: {  	[sflag:s7] =	ssyncadd.s32 $0xFFFFC000;
	s12 =	smov.u32 s13;
	s15 =	sadd.s32 $0x10, s13  }
0x1a: {  	[tilespmem:s3], [sflag:$0x2] =	stream.linear.gather [hbm4b:s14+s3], $0x80, $0x38;
	[tilespmem:$0x4080] =	vst v63  }
0x1b: {  	p0 =	sne.s32 s13, $0xF0;
	_ =	swait.ge [sflag:s7], $0x80  }
0x1c: {  	[sflag:s7] =	ssyncset.done $0x0  }
0x1d: {  	[sflag:s7] =	ssyncadd.s32 $0xFFFFFF80  }
0x1e: {  	[tilespmem:s8], [sflag:$0x1] =	stream.indirect.gather [hbm4b:s1+s8], $0x80, s3, s8, $0xb8;
	[tilespmem:$0x4080] =	vst v63  }
0x1f: {  	_ =	swait.ge [sflag:s9], $0x4000  }
.Ltmp0:
0x20: {  	[sflag:s9] =	ssyncset.done $0x0;
	(pc) =	sbr.rel @p0 .LBB2_2-.Ltmp0, $4  }
0x21: {  	[sflag:s9] =	ssyncadd.s32 $0xFFFFC000  }
0x22: {  	[hbm4b:s11+s3] =	stream.linear.scatter [tilespmem:s8], [sflag:$0x2], $0x4000, $0x38;
	[tilespmem:$0x4080] =	vst v63  }
0x23: {  	_ =	swait.ge [sflag:s7], $0x4000  }
0x24: {  	s13 =	smov.u32 s15;
	s11 =	sadd.s32 $0x800, s11;
	[sflag:s7] =	ssyncset.done $0x0  }
0x25: {  	s12 =	sadd.s32 s12, s6;
	[sflag:s7] =	ssyncadd.s32 $0xFFFFC000  }
0x26: {  	[tilespmem:s3], [sflag:$0x2] =	stream.linear.gather [hbm4b:s12+s3], $0x80, $0x38;
	[tilespmem:$0x4080] =	vst v63  }
0x27: {  	_ =	swait.ge [sflag:s7], $0x80  }
0x28: {  	[sflag:s7] =	ssyncset.done $0x0  }
0x29: {  	[sflag:s7] =	ssyncadd.s32 $0xFFFFFF80  }
0x2a: {  	[tilespmem:s8], [sflag:$0x1] =	stream.indirect.gather [hbm4b:s1+s8], $0x80, s3, s8, $0xb8;
	[tilespmem:$0x4080] =	vst v63  }
0x2b: {  	s10 =	sadd.s32 $0x1, s10;
	_ =	swait.ge [sflag:s9], $0x4000  }
0x2c: {  	p0 =	sne.s32 s10, s4;
	[sflag:s9] =	ssyncset.done $0x0  }
.Ltmp1:
0x2d: {  	[sflag:s9] =	ssyncadd.s32 $0xFFFFC000;
	(pc) =	sbr.rel @p0 .LBB2_1-.Ltmp1, $4  }
0x2e: {  	[hbm4b:s11+s3] =	stream.linear.scatter [tilespmem:s8], [sflag:$0x2], $0x4000, $0x38;
	[tilespmem:$0x4080] =	vst v63  }
0x2f: {  	_ =	swait.ge [sflag:s7], $0x4000  }
0x30: {  	[sflag:s7] =	ssyncset.done $0x0  }
0x31: {  	[sflag:s7] =	ssyncadd.s32 $0xFFFFC000  }
0x32: {  	_ =	sfence.sel $0x180000  }
0x33: {  	[bflag:$0x0] =	sbarrier.arrive $0xFFFF  }
0x34: {  	p0 =	sne.s32 s2, $0x0;
	_ =	strace $0x90000050  }
0x35: {  	s0 =	sadd.s32 @!p0 $0x100000, s0;
	[bflag:$0x2] =	sbarrier.arrive $0xFFFF  }
0x36: {  	[sflag:s0] =	ssyncadd.tile.s32 @!p0 $0x1;
	_ =	shalt  }
.Lfunc_end2:
_tile_overlayer_lowered:
.L_overlay_start_2:
0x37: {  	(tag) =	ssettag $0x2  }
0x38: {  	s0 =	rddreg [dreg:$0x0];
	s2 =	stileid.u32  }
0x39: {  	s1 =	rddreg [dreg:$0x1];
	p0 =	sne.s32 s2, $0x0  }
0x3a: {  	s3 =	rddreg [dreg:$0x2];
	[bflag:$0x3] =	sbarrier.arrive $0xFFFF;
	s2 =	simm.s32 @!p0 $0x1C02  }
0x3b: {  	[timem:s3], [sflag:s2] =	dma.local @!p0 [hbm:s0], s1  }
0x3c: {  	s0 =	simm.s32 @!p0 $0x2  }
0x3d: {  	_ =	swait.ge @!p0 [sflag:s0], s1  }
0x3e: {  	s1 =	ssub.s32 @!p0 $0x0, s1;
	[sflag:s0] =	ssyncset.done @!p0 $0x0  }
0x3f: {  	[sflag:s0] =	ssyncadd.s32 @!p0 s1  }
0x40: {  	[bflag:$0x3] =	sbarrier.arrive $0xFFFF  }
0x41: {  	_ =	shalt  }

</sc_bundles>
